<compile_context>
chip_gen: v7x
topology: tpu7x:2x2x1
jax: 0.10.2.dev20260603
libtpu: 0.0.44.dev20260713+nightly
codegen_flags: <defaults>
</compile_context>

<pallas_src>
import functools

import jax
import jax.numpy as jnp
from jax import lax
from jax.experimental import pallas as pl
from jax.experimental.pallas import tpu as pltpu
from jax.experimental.pallas import tpu_sc as plsc

B = 8
S = 20
T = B * S
NDET = 1024
NANCH = 16
NOUT = 64
NLOOKUP = NDET * NANCH

NC = 2
NS = 16
L = 16

BPC = B // NC
TPC = T // NC
DPS = NDET // NS
TG = TPC // L
NOP = NOUT + 1
DPP = DPS + 1


def _body_a(x_hbm, anch_hbm, ids_hbm,
            lut_hbm, mind_hbm, amin_hbm,
            x_v, anch_v, ids_v, lut_v, mind_v, amin_v):
    cid = lax.axis_index("c")
    sid = lax.axis_index("s")
    b0 = cid * BPC
    d0 = sid * DPS

    ns = jax.named_scope
    with ns("a_in"):
        pltpu.sync_copy(x_hbm.at[pl.ds(b0, BPC)],
                        x_v.at[:, :, pl.ds(0, NOUT)])
        pltpu.sync_copy(anch_hbm.at[pl.ds(d0, DPS), :], anch_v)
        pltpu.sync_copy(ids_hbm.at[pl.ds(d0, DPS)], ids_v)

    iota = lax.iota(jnp.int32, L)

    def d_body(d, carry):
        di = jnp.full((L,), d, jnp.int32)
        fi = plsc.load_gather(ids_v, [di])
        gd16 = (d0 + d) * NANCH
        arow = anch_v[d, :]
        anchs = [jnp.full((L,), arow[a]) for a in range(NANCH)]
        for tg in range(TG):
            ti = iota + tg * L
            bi = ti // S
            si = ti - bi * S
            xi = plsc.load_gather(x_v, [bi, si, fi])
            pairs = [(jnp.abs(xi - anchs[a]), jnp.full((L,), a, jnp.int32))
                     for a in range(NANCH)]
            while len(pairs) > 1:
                nxt = []
                for k in range(0, len(pairs), 2):
                    (va, ia), (vb, ib) = pairs[k], pairs[k + 1]
                    m = vb < va
                    nxt.append((jnp.where(m, vb, va), jnp.where(m, ib, ia)))
                pairs = nxt
            best, besta = pairs[0]
            plsc.store_scatter(mind_v, [bi, si, di], best)
            plsc.store_scatter(amin_v, [bi, si, di], besta)
            plsc.store_scatter(lut_v, [bi, si, di], gd16 + besta)
        return carry

    with ns("phase1"):
        lax.fori_loop(0, DPS, d_body, 0)

    with ns("a_out"):
        pltpu.sync_copy(lut_v.at[:, :, pl.ds(0, DPS)],
                        lut_hbm.at[pl.ds(b0, BPC), :, pl.ds(d0, DPS)])
        pltpu.sync_copy(mind_v.at[:, :, pl.ds(0, DPS)],
                        mind_hbm.at[pl.ds(b0, BPC), :, pl.ds(d0, DPS)])
        pltpu.sync_copy(amin_v.at[:, :, pl.ds(0, DPS)],
                        amin_hbm.at[pl.ds(b0, BPC), :, pl.ds(d0, DPS)])


def _body_b(w_hbm, mind_hbm, amin_hbm,
            out_hbm,
            w_v, mind_v, amin_v, acc_v, tidx_v, acc_sh, sem):
    cid = lax.axis_index("c")
    sid = lax.axis_index("s")
    b0 = cid * BPC
    d0 = sid * DPS

    ns = jax.named_scope
    with ns("b_in"):
        descs = [
            pltpu.async_copy(w_hbm.at[pl.ds(d0 * NANCH, DPS * NANCH), :],
                             w_v, sem),
            pltpu.async_copy(mind_hbm.at[pl.ds(b0, BPC), :, pl.ds(d0, DPS)],
                             mind_v, sem),
            pltpu.async_copy(amin_hbm.at[pl.ds(b0, BPC), :, pl.ds(d0, DPS)],
                             amin_v, sem),
        ]
        for dsc in descs:
            dsc.wait()

    iota = lax.iota(jnp.int32, L)
    for g in range(TPC // L):
        tidx_v[pl.ds(g * L, L)] = iota + g * L

    zero = jnp.zeros((L,), jnp.float32)

    def t_body(t, carry):
        tb = t // S
        ts_ = t - tb * S
        a0, a1, a2, a3 = zero, zero, zero, zero
        for dg in range(DPS // L):
            amv = amin_v[tb, ts_, pl.ds(dg * L, L)]
            cv = 1.0 - mind_v[tb, ts_, pl.ds(dg * L, L)]
            for u in range(L):
                r = (dg * L + u) * NANCH + amv[u]
                c = cv[u]
                a0 = a0 + c * w_v[r, pl.ds(0, L)]
                a1 = a1 + c * w_v[r, pl.ds(L, L)]
                a2 = a2 + c * w_v[r, pl.ds(2 * L, L)]
                a3 = a3 + c * w_v[r, pl.ds(3 * L, L)]
        acc_v[t, pl.ds(0, L)] = a0
        acc_v[t, pl.ds(L, L)] = a1
        acc_v[t, pl.ds(2 * L, L)] = a2
        acc_v[t, pl.ds(3 * L, L)] = a3
        return carry

    with ns("phase2"):
        lax.fori_loop(0, TPC, t_body, 0)

    with ns("reduce"):
        plsc.subcore_barrier()

        @pl.when(sid == 0)
        def _():
            pltpu.sync_copy(acc_v, acc_sh)

        plsc.subcore_barrier()

        @pl.when(sid != 0)
        def _():
            pltpu.sync_copy(acc_v, acc_sh.at[tidx_v], add=True)

        plsc.subcore_barrier()

        @pl.when(sid == 0)
        def _():
            for i in range(BPC):
                pltpu.sync_copy(acc_sh.at[pl.ds(i * S, S), :],
                                out_hbm.at[b0 + i])


_mesh = plsc.VectorSubcoreMesh(core_axis_name="c", subcore_axis_name="s",
                               num_cores=NC, num_subcores=NS)
_params = pltpu.CompilerParams(use_tc_tiling_on_sc=False,
                               needs_layout_passes=False)

_route_sc = functools.partial(
    pl.kernel,
    out_type=(
        jax.ShapeDtypeStruct((B, S, NDET), jnp.int32),
        jax.ShapeDtypeStruct((B, S, NDET), jnp.float32),
        jax.ShapeDtypeStruct((B, S, NDET), jnp.int32),
    ),
    mesh=_mesh,
    compiler_params=_params,
    scratch_types=[
        pltpu.VMEM((BPC, S, NOP), jnp.float32),
        pltpu.VMEM((DPS, NANCH), jnp.float32),
        pltpu.VMEM((DPS,), jnp.int32),
        pltpu.VMEM((BPC, S, DPP), jnp.int32),
        pltpu.VMEM((BPC, S, DPP), jnp.float32),
        pltpu.VMEM((BPC, S, DPP), jnp.int32),
    ],
)(_body_a)

_accum_sc = functools.partial(
    pl.kernel,
    out_type=jax.ShapeDtypeStruct((B, S, NOUT), jnp.float32),
    mesh=_mesh,
    compiler_params=_params,
    scratch_types=[
        pltpu.VMEM((DPS * NANCH, NOUT), jnp.float32),
        pltpu.VMEM((BPC, S, DPS), jnp.float32),
        pltpu.VMEM((BPC, S, DPS), jnp.int32),
        pltpu.VMEM((TPC, NOUT), jnp.float32),
        pltpu.VMEM((TPC,), jnp.int32),
        pltpu.VMEM_SHARED((TPC, NOUT), jnp.float32),
        pltpu.SemaphoreType.DMA,
    ],
)(_body_b)


@jax.jit
def kernel(x, weights, anchors, detector_input_ids):
    lut, mind, amin = _route_sc(x, anchors, detector_input_ids)
    out = _accum_sc(weights, mind, amin)
    return (out, lut, mind, amin)

# --- scband reference (transcript-rebuilt; emitter-appended) ---
"""Pipeline reference for scband-lutlayer-73349451481618 (READ-ONLY COPY).

The authoritative reference and input builder live on the scoring server;
editing this copy changes nothing except your own understanding.
"""

import jax, jax.numpy as jnp
import numpy as np

B = 8
S = 20
N_DETECTORS = 1024
N_ANCHORS = 16
N_INPUTS = 64
N_OUTPUTS = 64
N_LOOKUP = N_DETECTORS * N_ANCHORS  # 16384 lookup neurons


def setup_inputs(seed: int = 0) -> dict:
    key = jax.random.key(seed)
    k1, k2, k3, k4 = jax.random.split(key, 4)
    # forward input: x in [0,1], shape (batch, seq, n_outputs) per input_shape()
    x = jax.random.uniform(k1, (B, S, N_OUTPUTS), dtype=jnp.float32)
    # learned params sized per init_kwargs
    # weights: one row per lookup neuron, projecting to n_outputs (compile_lut weights)
    weights = jax.random.normal(k2, (N_LOOKUP, N_OUTPUTS), dtype=jnp.float32) * 0.02
    # detector anchors: each detector has n_anchors_per_detector scalar anchor points in [0,1]
    anchors = jax.random.uniform(k3, (N_DETECTORS, N_ANCHORS), dtype=jnp.float32)
    # detector connections: which input feature each detector reads (add_detector_connections)
    detector_input_ids = jax.random.randint(k4, (N_DETECTORS,), 0, N_INPUTS, dtype=jnp.int32)
    return {"x": x, "weights": weights, "anchors": anchors,
            "detector_input_ids": detector_input_ids}


def reference(x, weights, anchors, detector_input_ids):
    # LUTLayer.forward_step: for each token, each detector measures the input
    # feature it is connected to, finds its nearest anchor (min anchor delta),
    # which selects one lookup neuron; the lookup neuron's weight row is
    # gathered and accumulated (scatter/gather memory op) into the output.
    batch, seq, _ = x.shape
    # gather detector inputs: [B, S, D]
    xi = jnp.take(x, detector_input_ids, axis=-1)
    # anchor deltas: [B, S, D, A]
    deltas = jnp.abs(xi[..., None] - anchors[None, None, :, :])
    min_anchor_deltas_indices = jnp.argmin(deltas, axis=-1).astype(jnp.int32)  # [B,S,D]
    min_anchor_deltas = jnp.min(deltas, axis=-1)  # [B,S,D]
    det_ids = jnp.arange(N_DETECTORS, dtype=jnp.int32)
    lookup_indices = det_ids[None, None, :] * N_ANCHORS + min_anchor_deltas_indices  # [B,S,D]
    # memory-bound gather of weight rows per (token, detector): [B,S,D,n_out]
    gathered = jnp.take(weights, lookup_indices, axis=0)
    # accumulate across detectors, modulated by anchor proximity
    output = jnp.sum(gathered * (1.0 - min_anchor_deltas)[..., None], axis=2)  # [B,S,n_out]
    return (output,
            lookup_indices.reshape(batch, seq, N_DETECTORS),
            min_anchor_deltas.reshape(batch, seq, N_DETECTORS),
            min_anchor_deltas_indices.reshape(batch, seq, N_DETECTORS))

if __name__ == "__main__":
    import jax
    _d = setup_inputs()
    print(jax.jit(kernel)(*tuple(_d.values())))

</pallas_src>

<mosaic_0001>
#map = affine_map<(d0, d1) -> (0, 0, 0)>
#map1 = affine_map<(d0, d1) -> (0, 0)>
#map2 = affine_map<(d0, d1) -> (0)>
module attributes {stable_mosaic.version = 14 : i64} {
  func.func @_body_a(%arg0: i32, %arg1: i32, %arg2: memref<8x20x64xf32, #tpu.memory_space<hbm>>, %arg3: memref<1024x16xf32, #tpu.memory_space<hbm>>, %arg4: memref<1024xi32, #tpu.memory_space<hbm>>, %arg5: memref<8x20x1024xi32, #tpu.memory_space<hbm>>, %arg6: memref<8x20x1024xf32, #tpu.memory_space<hbm>>, %arg7: memref<8x20x1024xi32, #tpu.memory_space<hbm>>, %arg8: memref<4x20x65xf32, #tpu.memory_space<vmem>>, %arg9: memref<64x16xf32, #tpu.memory_space<vmem>>, %arg10: memref<64xi32, #tpu.memory_space<vmem>>, %arg11: memref<4x20x65xi32, #tpu.memory_space<vmem>>, %arg12: memref<4x20x65xf32, #tpu.memory_space<vmem>>, %arg13: memref<4x20x65xi32, #tpu.memory_space<vmem>>) attributes {dimension_semantics = [#tpu.dimension_semantics<core_parallel>, #tpu.dimension_semantics<subcore_parallel>], iteration_bounds = array<i64: 2, 16>, scalar_prefetch = 0 : i64, scratch_operands = 6 : i64, tpu.core_type = #tpu.core_type<sc_vector_subcore>, window_params = [{transform_indices = #map}, {transform_indices = #map1}, {transform_indices = #map2}, {transform_indices = #map}, {transform_indices = #map}, {transform_indices = #map}]} {
    %mul3A = arith.constant 4 : i32
    %mul3A_0 = arith.muli %arg0, %mul3A : i32
    %mul3A_1 = arith.constant 64 : i32
    %mul3A_2 = arith.muli %arg1, %mul3A_1 : i32
    "tpu.trace_start"() <{level = 10 : i32, message = "a_in"}> : () -> ()
    "tpu.region"() ({
      %run_scoped3A = tpu.sem_alloc : memref<!tpu.dma_semaphore, #tpu.memory_space<semaphore_mem>>
      %dma_start3A = arith.constant 0 : i32
      %dma_start3A_8 = arith.constant 0 : i32
      %dma_start3A_9 = arith.constant 0 : i32
      %dma_start3A_10 = tpu.memref_slice %arg8[%dma_start3A, %dma_start3A_8, %dma_start3A_9] : memref<4x20x65xf32, #tpu.memory_space<vmem>> -> memref<4x20x64xf32, #tpu.memory_space<vmem>>
      %dma_start3A_11 = arith.constant 0 : i32
      %dma_start3A_12 = arith.constant 0 : i32
      %dma_start3A_13 = tpu.memref_slice %arg2[%mul3A_0, %dma_start3A_11, %dma_start3A_12] : memref<8x20x64xf32, #tpu.memory_space<hbm>> -> memref<4x20x64xf32, #tpu.memory_space<hbm>>
      %dma_start3A_14 = arith.constant 0 : i32
      %dma_start3A_15 = arith.constant 0 : i32
      %dma_start3A_16 = arith.constant 0 : i32
      %dma_start3A_17 = tpu.memref_slice %arg8[%dma_start3A_14, %dma_start3A_15, %dma_start3A_16] : memref<4x20x65xf32, #tpu.memory_space<vmem>> -> memref<4x20x64xf32, #tpu.memory_space<vmem>>
      %dma_start3A_18 = arith.constant 0 : i32
      %dma_start3A_19 = arith.constant 0 : i32
      %dma_start3A_20 = tpu.memref_slice %arg2[%mul3A_0, %dma_start3A_18, %dma_start3A_19] : memref<8x20x64xf32, #tpu.memory_space<hbm>> -> memref<4x20x64xf32, #tpu.memory_space<hbm>>
      tpu.enqueue_dma source(%dma_start3A_20 : memref<4x20x64xf32, #tpu.memory_space<hbm>>) target(%dma_start3A_17 : memref<4x20x64xf32, #tpu.memory_space<vmem>>) target_semaphore(%run_scoped3A : memref<!tpu.dma_semaphore, #tpu.memory_space<semaphore_mem>>)
      %dma_wait3A = arith.constant 0 : i32
      %dma_wait3A_21 = arith.constant 0 : i32
      %dma_wait3A_22 = arith.constant 0 : i32
      %dma_wait3A_23 = tpu.memref_slice %arg8[%dma_wait3A, %dma_wait3A_21, %dma_wait3A_22] : memref<4x20x65xf32, #tpu.memory_space<vmem>> -> memref<4x20x64xf32, #tpu.memory_space<vmem>>
      %dma_wait3A_24 = arith.constant 0 : i32
      %dma_wait3A_25 = arith.constant 0 : i32
      %dma_wait3A_26 = tpu.memref_slice %arg2[%mul3A_0, %dma_wait3A_24, %dma_wait3A_25] : memref<8x20x64xf32, #tpu.memory_space<hbm>> -> memref<4x20x64xf32, #tpu.memory_space<hbm>>
      %dma_wait3A_27 = arith.constant 0 : i32
      %dma_wait3A_28 = arith.constant 0 : i32
      %dma_wait3A_29 = arith.constant 0 : i32
      %dma_wait3A_30 = tpu.memref_slice %arg8[%dma_wait3A_27, %dma_wait3A_28, %dma_wait3A_29] : memref<4x20x65xf32, #tpu.memory_space<vmem>> -> memref<4x20x64xf32, #tpu.memory_space<vmem>>
      %dma_wait3A_31 = arith.constant 0 : i32
      %dma_wait3A_32 = arith.constant 0 : i32
      %dma_wait3A_33 = tpu.memref_slice %arg2[%mul3A_0, %dma_wait3A_31, %dma_wait3A_32] : memref<8x20x64xf32, #tpu.memory_space<hbm>> -> memref<4x20x64xf32, #tpu.memory_space<hbm>>
      tpu.wait_dma2 semaphore(%run_scoped3A : memref<!tpu.dma_semaphore, #tpu.memory_space<semaphore_mem>>) src(%dma_wait3A_33 : memref<4x20x64xf32, #tpu.memory_space<hbm>>) dst(%dma_wait3A_30 : memref<4x20x64xf32, #tpu.memory_space<vmem>>)
      tpu.yield
    }) : () -> ()
    "tpu.region"() ({
      %run_scoped3A = tpu.sem_alloc : memref<!tpu.dma_semaphore, #tpu.memory_space<semaphore_mem>>
      %dma_start3A = arith.constant 0 : i32
      %dma_start3A_8 = tpu.memref_slice %arg3[%mul3A_2, %dma_start3A] : memref<1024x16xf32, #tpu.memory_space<hbm>> -> memref<64x16xf32, #tpu.memory_space<hbm>>
      %dma_start3A_9 = arith.constant 0 : i32
      %dma_start3A_10 = tpu.memref_slice %arg3[%mul3A_2, %dma_start3A_9] : memref<1024x16xf32, #tpu.memory_space<hbm>> -> memref<64x16xf32, #tpu.memory_space<hbm>>
      tpu.enqueue_dma source(%dma_start3A_10 : memref<64x16xf32, #tpu.memory_space<hbm>>) target(%arg9 : memref<64x16xf32, #tpu.memory_space<vmem>>) target_semaphore(%run_scoped3A : memref<!tpu.dma_semaphore, #tpu.memory_space<semaphore_mem>>)
      %dma_wait3A = arith.constant 0 : i32
      %dma_wait3A_11 = tpu.memref_slice %arg3[%mul3A_2, %dma_wait3A] : memref<1024x16xf32, #tpu.memory_space<hbm>> -> memref<64x16xf32, #tpu.memory_space<hbm>>
      %dma_wait3A_12 = arith.constant 0 : i32
      %dma_wait3A_13 = tpu.memref_slice %arg3[%mul3A_2, %dma_wait3A_12] : memref<1024x16xf32, #tpu.memory_space<hbm>> -> memref<64x16xf32, #tpu.memory_space<hbm>>
      tpu.wait_dma2 semaphore(%run_scoped3A : memref<!tpu.dma_semaphore, #tpu.memory_space<semaphore_mem>>) src(%dma_wait3A_13 : memref<64x16xf32, #tpu.memory_space<hbm>>) dst(%arg9 : memref<64x16xf32, #tpu.memory_space<vmem>>)
      tpu.yield
    }) : () -> ()
    "tpu.region"() ({
      %run_scoped3A = tpu.sem_alloc : memref<!tpu.dma_semaphore, #tpu.memory_space<semaphore_mem>>
      %dma_start3A = tpu.memref_slice %arg4[%mul3A_2] : memref<1024xi32, #tpu.memory_space<hbm>> -> memref<64xi32, #tpu.memory_space<hbm>>
      %dma_start3A_8 = tpu.memref_slice %arg4[%mul3A_2] : memref<1024xi32, #tpu.memory_space<hbm>> -> memref<64xi32, #tpu.memory_space<hbm>>
      tpu.enqueue_dma source(%dma_start3A_8 : memref<64xi32, #tpu.memory_space<hbm>>) target(%arg10 : memref<64xi32, #tpu.memory_space<vmem>>) target_semaphore(%run_scoped3A : memref<!tpu.dma_semaphore, #tpu.memory_space<semaphore_mem>>)
      %dma_wait3A = tpu.memref_slice %arg4[%mul3A_2] : memref<1024xi32, #tpu.memory_space<hbm>> -> memref<64xi32, #tpu.memory_space<hbm>>
      %dma_wait3A_9 = tpu.memref_slice %arg4[%mul3A_2] : memref<1024xi32, #tpu.memory_space<hbm>> -> memref<64xi32, #tpu.memory_space<hbm>>
      tpu.wait_dma2 semaphore(%run_scoped3A : memref<!tpu.dma_semaphore, #tpu.memory_space<semaphore_mem>>) src(%dma_wait3A_9 : memref<64xi32, #tpu.memory_space<hbm>>) dst(%arg10 : memref<64xi32, #tpu.memory_space<vmem>>)
      tpu.yield
    }) : () -> ()
    "tpu.trace_stop"() : () -> ()
    %iota3A = tpu.iota {dimensions = array<i32: 0>} : vector<16xi32>
    "tpu.trace_start"() <{level = 10 : i32, message = "phase1"}> : () -> ()
    %scan3A = arith.constant 0 : i32
    %scan3A_3 = arith.constant 0 : i32
    %scan3A_4 = arith.constant 64 : i32
    %scan3A_5 = arith.addi %scan3A_3, %scan3A_4 : i32
    %scan3A_6 = arith.constant 1 : i32
    scf.for %scan3A_8 = %scan3A_3 to %scan3A_5 step %scan3A_6  : i32 {
      %broadcast_in_dim3A = vector.broadcast %scan3A_8 : i32 to vector<16xi32>
      %gather3A = tpu.vector_load_idx %arg10[%broadcast_in_dim3A] : memref<64xi32, #tpu.memory_space<vmem>>[vector<16xi32>], vector<16xi32>,
      %add3A = arith.addi %mul3A_2, %scan3A_8 : i32
      %mul3A_9 = arith.constant 16 : i32
      %mul3A_10 = arith.muli %add3A, %mul3A_9 : i32
      %get3A = arith.index_cast %scan3A_8 : i32 to index
      %get3A_11 = arith.constant 0 : index
      %get3A_12 = tpu.vector_load %arg9[%get3A, %get3A_11] {strides = array<i32>} : memref<64x16xf32, #tpu.memory_space<vmem>>, vector<16xf32>,
      %slice3A = vector.extract_strided_slice %get3A_12 {offsets = [0], sizes = [1], strides = [1]} : vector<16xf32> to vector<1xf32>
      %squeeze3A = vector.extract %slice3A[0] : f32 from vector<1xf32>
      %broadcast_in_dim3A_13 = vector.broadcast %squeeze3A : f32 to vector<16xf32>
      %slice3A_14 = vector.extract_strided_slice %get3A_12 {offsets = [1], sizes = [1], strides = [1]} : vector<16xf32> to vector<1xf32>
      %squeeze3A_15 = vector.extract %slice3A_14[0] : f32 from vector<1xf32>
      %broadcast_in_dim3A_16 = vector.broadcast %squeeze3A_15 : f32 to vector<16xf32>
      %slice3A_17 = vector.extract_strided_slice %get3A_12 {offsets = [2], sizes = [1], strides = [1]} : vector<16xf32> to vector<1xf32>
      %squeeze3A_18 = vector.extract %slice3A_17[0] : f32 from vector<1xf32>
      %broadcast_in_dim3A_19 = vector.broadcast %squeeze3A_18 : f32 to vector<16xf32>
      %slice3A_20 = vector.extract_strided_slice %get3A_12 {offsets = [3], sizes = [1], strides = [1]} : vector<16xf32> to vector<1xf32>
      %squeeze3A_21 = vector.extract %slice3A_20[0] : f32 from vector<1xf32>
      %broadcast_in_dim3A_22 = vector.broadcast %squeeze3A_21 : f32 to vector<16xf32>
      %slice3A_23 = vector.extract_strided_slice %get3A_12 {offsets = [4], sizes = [1], strides = [1]} : vector<16xf32> to vector<1xf32>
      %squeeze3A_24 = vector.extract %slice3A_23[0] : f32 from vector<1xf32>
      %broadcast_in_dim3A_25 = vector.broadcast %squeeze3A_24 : f32 to vector<16xf32>
      %slice3A_26 = vector.extract_strided_slice %get3A_12 {offsets = [5], sizes = [1], strides = [1]} : vector<16xf32> to vector<1xf32>
      %squeeze3A_27 = vector.extract %slice3A_26[0] : f32 from vector<1xf32>
      %broadcast_in_dim3A_28 = vector.broadcast %squeeze3A_27 : f32 to vector<16xf32>
      %slice3A_29 = vector.extract_strided_slice %get3A_12 {offsets = [6], sizes = [1], strides = [1]} : vector<16xf32> to vector<1xf32>
      %squeeze3A_30 = vector.extract %slice3A_29[0] : f32 from vector<1xf32>
      %broadcast_in_dim3A_31 = vector.broadcast %squeeze3A_30 : f32 to vector<16xf32>
      %slice3A_32 = vector.extract_strided_slice %get3A_12 {offsets = [7], sizes = [1], strides = [1]} : vector<16xf32> to vector<1xf32>
      %squeeze3A_33 = vector.extract %slice3A_32[0] : f32 from vector<1xf32>
      %broadcast_in_dim3A_34 = vector.broadcast %squeeze3A_33 : f32 to vector<16xf32>
      %slice3A_35 = vector.extract_strided_slice %get3A_12 {offsets = [8], sizes = [1], strides = [1]} : vector<16xf32> to vector<1xf32>
      %squeeze3A_36 = vector.extract %slice3A_35[0] : f32 from vector<1xf32>
      %broadcast_in_dim3A_37 = vector.broadcast %squeeze3A_36 : f32 to vector<16xf32>
      %slice3A_38 = vector.extract_strided_slice %get3A_12 {offsets = [9], sizes = [1], strides = [1]} : vector<16xf32> to vector<1xf32>
      %squeeze3A_39 = vector.extract %slice3A_38[0] : f32 from vector<1xf32>
      %broadcast_in_dim3A_40 = vector.broadcast %squeeze3A_39 : f32 to vector<16xf32>
      %slice3A_41 = vector.extract_strided_slice %get3A_12 {offsets = [10], sizes = [1], strides = [1]} : vector<16xf32> to vector<1xf32>
      %squeeze3A_42 = vector.extract %slice3A_41[0] : f32 from vector<1xf32>
      %broadcast_in_dim3A_43 = vector.broadcast %squeeze3A_42 : f32 to vector<16xf32>
      %slice3A_44 = vector.extract_strided_slice %get3A_12 {offsets = [11], sizes = [1], strides = [1]} : vector<16xf32> to vector<1xf32>
      %squeeze3A_45 = vector.extract %slice3A_44[0] : f32 from vector<1xf32>
      %broadcast_in_dim3A_46 = vector.broadcast %squeeze3A_45 : f32 to vector<16xf32>
      %slice3A_47 = vector.extract_strided_slice %get3A_12 {offsets = [12], sizes = [1], strides = [1]} : vector<16xf32> to vector<1xf32>
      %squeeze3A_48 = vector.extract %slice3A_47[0] : f32 from vector<1xf32>
      %broadcast_in_dim3A_49 = vector.broadcast %squeeze3A_48 : f32 to vector<16xf32>
      %slice3A_50 = vector.extract_strided_slice %get3A_12 {offsets = [13], sizes = [1], strides = [1]} : vector<16xf32> to vector<1xf32>
      %squeeze3A_51 = vector.extract %slice3A_50[0] : f32 from vector<1xf32>
      %broadcast_in_dim3A_52 = vector.broadcast %squeeze3A_51 : f32 to vector<16xf32>
      %slice3A_53 = vector.extract_strided_slice %get3A_12 {offsets = [14], sizes = [1], strides = [1]} : vector<16xf32> to vector<1xf32>
      %squeeze3A_54 = vector.extract %slice3A_53[0] : f32 from vector<1xf32>
      %broadcast_in_dim3A_55 = vector.broadcast %squeeze3A_54 : f32 to vector<16xf32>
      %slice3A_56 = vector.extract_strided_slice %get3A_12 {offsets = [15], sizes = [1], strides = [1]} : vector<16xf32> to vector<1xf32>
      %squeeze3A_57 = vector.extract %slice3A_56[0] : f32 from vector<1xf32>
      %broadcast_in_dim3A_58 = vector.broadcast %squeeze3A_57 : f32 to vector<16xf32>
      %add3A_59 = arith.constant 0 : i32
      %add3A_60 = vector.broadcast %add3A_59 : i32 to vector<16xi32>
      %add3A_61 = arith.addi %iota3A, %add3A_60 : vector<16xi32>
      %jit3A = arith.constant 20 : i32
      %div3A = vector.broadcast %jit3A : i32 to vector<16xi32>
      %div3A_62 = arith.divsi %add3A_61, %div3A : vector<16xi32>
      %sign3A = arith.constant 0 : i32
      %sign3A_63 = vector.broadcast %sign3A : i32 to vector<16xi32>
      %sign3A_64 = arith.cmpi sgt, %add3A_61, %sign3A_63 : vector<16xi32>
      %sign3A_65 = arith.extui %sign3A_64 : vector<16xi1> to vector<16xi32>
      %sign3A_66 = arith.constant 0 : i32
      %sign3A_67 = vector.broadcast %sign3A_66 : i32 to vector<16xi32>
      %sign3A_68 = arith.cmpi slt, %add3A_61, %sign3A_67 : vector<16xi32>
      %sign3A_69 = arith.extui %sign3A_68 : vector<16xi1> to vector<16xi32>
      %sign3A_70 = arith.subi %sign3A_65, %sign3A_69 : vector<16xi32>
      %sign3A_71 = arith.constant 0 : i32
      %sign3A_72 = arith.cmpi sgt, %jit3A, %sign3A_71 : i32
      %sign3A_73 = arith.extui %sign3A_72 : i1 to i32
      %sign3A_74 = arith.constant 0 : i32
      %sign3A_75 = arith.cmpi slt, %jit3A, %sign3A_74 : i32
      %sign3A_76 = arith.extui %sign3A_75 : i1 to i32
      %sign3A_77 = arith.subi %sign3A_73, %sign3A_76 : i32
      %ne3A = vector.broadcast %sign3A_77 : i32 to vector<16xi32>
      %ne3A_78 = arith.cmpi ne, %sign3A_70, %ne3A : vector<16xi32>
      %rem3A = vector.broadcast %jit3A : i32 to vector<16xi32>
      %rem3A_79 = arith.remsi %add3A_61, %rem3A : vector<16xi32>
      %ne3A_80 = arith.constant 0 : i32
      %ne3A_81 = vector.broadcast %ne3A_80 : i32 to vector<16xi32>
      %ne3A_82 = arith.cmpi ne, %rem3A_79, %ne3A_81 : vector<16xi32>
      %and3A = arith.andi %ne3A_78, %ne3A_82 : vector<16xi1>
      %sub3A = arith.constant 1 : i32
      %sub3A_83 = vector.broadcast %sub3A : i32 to vector<16xi32>
      %sub3A_84 = arith.subi %div3A_62, %sub3A_83 : vector<16xi32>
      %select_n3A = arith.select %and3A, %sub3A_84, %div3A_62 : vector<16xi1>, vector<16xi32>
      %mul3A_85 = arith.constant 20 : i32
      %mul3A_86 = vector.broadcast %mul3A_85 : i32 to vector<16xi32>
      %mul3A_87 = arith.muli %select_n3A, %mul3A_86 : vector<16xi32>
      %sub3A_88 = arith.subi %add3A_61, %mul3A_87 : vector<16xi32>
      %gather3A_89 = tpu.vector_load_idx %arg8[%select_n3A, %sub3A_88, %gather3A] : memref<4x20x65xf32, #tpu.memory_space<vmem>>[vector<16xi32>, vector<16xi32>, vector<16xi32>], vector<16xf32>,
      %sub3A_90 = arith.subf %gather3A_89, %broadcast_in_dim3A_13 : vector<16xf32>
      %abs3A = math.absf %sub3A_90 : vector<16xf32>
      %broadcast_in_dim3A_91 = arith.constant 0 : i32
      %broadcast_in_dim3A_92 = vector.broadcast %broadcast_in_dim3A_91 : i32 to vector<16xi32>
      %sub3A_93 = arith.subf %gather3A_89, %broadcast_in_dim3A_16 : vector<16xf32>
      %abs3A_94 = math.absf %sub3A_93 : vector<16xf32>
      %broadcast_in_dim3A_95 = arith.constant 1 : i32
      %broadcast_in_dim3A_96 = vector.broadcast %broadcast_in_dim3A_95 : i32 to vector<16xi32>
      %sub3A_97 = arith.subf %gather3A_89, %broadcast_in_dim3A_19 : vector<16xf32>
      %abs3A_98 = math.absf %sub3A_97 : vector<16xf32>
      %broadcast_in_dim3A_99 = arith.constant 2 : i32
      %broadcast_in_dim3A_100 = vector.broadcast %broadcast_in_dim3A_99 : i32 to vector<16xi32>
      %sub3A_101 = arith.subf %gather3A_89, %broadcast_in_dim3A_22 : vector<16xf32>
      %abs3A_102 = math.absf %sub3A_101 : vector<16xf32>
      %broadcast_in_dim3A_103 = arith.constant 3 : i32
      %broadcast_in_dim3A_104 = vector.broadcast %broadcast_in_dim3A_103 : i32 to vector<16xi32>
      %sub3A_105 = arith.subf %gather3A_89, %broadcast_in_dim3A_25 : vector<16xf32>
      %abs3A_106 = math.absf %sub3A_105 : vector<16xf32>
      %broadcast_in_dim3A_107 = arith.constant 4 : i32
      %broadcast_in_dim3A_108 = vector.broadcast %broadcast_in_dim3A_107 : i32 to vector<16xi32>
      %sub3A_109 = arith.subf %gather3A_89, %broadcast_in_dim3A_28 : vector<16xf32>
      %abs3A_110 = math.absf %sub3A_109 : vector<16xf32>
      %broadcast_in_dim3A_111 = arith.constant 5 : i32
      %broadcast_in_dim3A_112 = vector.broadcast %broadcast_in_dim3A_111 : i32 to vector<16xi32>
      %sub3A_113 = arith.subf %gather3A_89, %broadcast_in_dim3A_31 : vector<16xf32>
      %abs3A_114 = math.absf %sub3A_113 : vector<16xf32>
      %broadcast_in_dim3A_115 = arith.constant 6 : i32
      %broadcast_in_dim3A_116 = vector.broadcast %broadcast_in_dim3A_115 : i32 to vector<16xi32>
      %sub3A_117 = arith.subf %gather3A_89, %broadcast_in_dim3A_34 : vector<16xf32>
      %abs3A_118 = math.absf %sub3A_117 : vector<16xf32>
      %broadcast_in_dim3A_119 = arith.constant 7 : i32
      %broadcast_in_dim3A_120 = vector.broadcast %broadcast_in_dim3A_119 : i32 to vector<16xi32>
      %sub3A_121 = arith.subf %gather3A_89, %broadcast_in_dim3A_37 : vector<16xf32>
      %abs3A_122 = math.absf %sub3A_121 : vector<16xf32>
      %broadcast_in_dim3A_123 = arith.constant 8 : i32
      %broadcast_in_dim3A_124 = vector.broadcast %broadcast_in_dim3A_123 : i32 to vector<16xi32>
      %sub3A_125 = arith.subf %gather3A_89, %broadcast_in_dim3A_40 : vector<16xf32>
      %abs3A_126 = math.absf %sub3A_125 : vector<16xf32>
      %broadcast_in_dim3A_127 = arith.constant 9 : i32
      %broadcast_in_dim3A_128 = vector.broadcast %broadcast_in_dim3A_127 : i32 to vector<16xi32>
      %sub3A_129 = arith.subf %gather3A_89, %broadcast_in_dim3A_43 : vector<16xf32>
      %abs3A_130 = math.absf %sub3A_129 : vector<16xf32>
      %broadcast_in_dim3A_131 = arith.constant 10 : i32
      %broadcast_in_dim3A_132 = vector.broadcast %broadcast_in_dim3A_131 : i32 to vector<16xi32>
      %sub3A_133 = arith.subf %gather3A_89, %broadcast_in_dim3A_46 : vector<16xf32>
      %abs3A_134 = math.absf %sub3A_133 : vector<16xf32>
      %broadcast_in_dim3A_135 = arith.constant 11 : i32
      %broadcast_in_dim3A_136 = vector.broadcast %broadcast_in_dim3A_135 : i32 to vector<16xi32>
      %sub3A_137 = arith.subf %gather3A_89, %broadcast_in_dim3A_49 : vector<16xf32>
      %abs3A_138 = math.absf %sub3A_137 : vector<16xf32>
      %broadcast_in_dim3A_139 = arith.constant 12 : i32
      %broadcast_in_dim3A_140 = vector.broadcast %broadcast_in_dim3A_139 : i32 to vector<16xi32>
      %sub3A_141 = arith.subf %gather3A_89, %broadcast_in_dim3A_52 : vector<16xf32>
      %abs3A_142 = math.absf %sub3A_141 : vector<16xf32>
      %broadcast_in_dim3A_143 = arith.constant 13 : i32
      %broadcast_in_dim3A_144 = vector.broadcast %broadcast_in_dim3A_143 : i32 to vector<16xi32>
      %sub3A_145 = arith.subf %gather3A_89, %broadcast_in_dim3A_55 : vector<16xf32>
      %abs3A_146 = math.absf %sub3A_145 : vector<16xf32>
      %broadcast_in_dim3A_147 = arith.constant 14 : i32
      %broadcast_in_dim3A_148 = vector.broadcast %broadcast_in_dim3A_147 : i32 to vector<16xi32>
      %sub3A_149 = arith.subf %gather3A_89, %broadcast_in_dim3A_58 : vector<16xf32>
      %abs3A_150 = math.absf %sub3A_149 : vector<16xf32>
      %broadcast_in_dim3A_151 = arith.constant 15 : i32
      %broadcast_in_dim3A_152 = vector.broadcast %broadcast_in_dim3A_151 : i32 to vector<16xi32>
      %lt3A = arith.cmpf olt, %abs3A_94, %abs3A : vector<16xf32>
      %select_n3A_153 = arith.select %lt3A, %abs3A_94, %abs3A : vector<16xi1>, vector<16xf32>
      %select_n3A_154 = arith.select %lt3A, %broadcast_in_dim3A_96, %broadcast_in_dim3A_92 : vector<16xi1>, vector<16xi32>
      %lt3A_155 = arith.cmpf olt, %abs3A_102, %abs3A_98 : vector<16xf32>
      %select_n3A_156 = arith.select %lt3A_155, %abs3A_102, %abs3A_98 : vector<16xi1>, vector<16xf32>
      %select_n3A_157 = arith.select %lt3A_155, %broadcast_in_dim3A_104, %broadcast_in_dim3A_100 : vector<16xi1>, vector<16xi32>
      %lt3A_158 = arith.cmpf olt, %abs3A_110, %abs3A_106 : vector<16xf32>
      %select_n3A_159 = arith.select %lt3A_158, %abs3A_110, %abs3A_106 : vector<16xi1>, vector<16xf32>
      %select_n3A_160 = arith.select %lt3A_158, %broadcast_in_dim3A_112, %broadcast_in_dim3A_108 : vector<16xi1>, vector<16xi32>
      %lt3A_161 = arith.cmpf olt, %abs3A_118, %abs3A_114 : vector<16xf32>
      %select_n3A_162 = arith.select %lt3A_161, %abs3A_118, %abs3A_114 : vector<16xi1>, vector<16xf32>
      %select_n3A_163 = arith.select %lt3A_161, %broadcast_in_dim3A_120, %broadcast_in_dim3A_116 : vector<16xi1>, vector<16xi32>
      %lt3A_164 = arith.cmpf olt, %abs3A_126, %abs3A_122 : vector<16xf32>
      %select_n3A_165 = arith.select %lt3A_164, %abs3A_126, %abs3A_122 : vector<16xi1>, vector<16xf32>
      %select_n3A_166 = arith.select %lt3A_164, %broadcast_in_dim3A_128, %broadcast_in_dim3A_124 : vector<16xi1>, vector<16xi32>
      %lt3A_167 = arith.cmpf olt, %abs3A_134, %abs3A_130 : vector<16xf32>
      %select_n3A_168 = arith.select %lt3A_167, %abs3A_134, %abs3A_130 : vector<16xi1>, vector<16xf32>
      %select_n3A_169 = arith.select %lt3A_167, %broadcast_in_dim3A_136, %broadcast_in_dim3A_132 : vector<16xi1>, vector<16xi32>
      %lt3A_170 = arith.cmpf olt, %abs3A_142, %abs3A_138 : vector<16xf32>
      %select_n3A_171 = arith.select %lt3A_170, %abs3A_142, %abs3A_138 : vector<16xi1>, vector<16xf32>
      %select_n3A_172 = arith.select %lt3A_170, %broadcast_in_dim3A_144, %broadcast_in_dim3A_140 : vector<16xi1>, vector<16xi32>
      %lt3A_173 = arith.cmpf olt, %abs3A_150, %abs3A_146 : vector<16xf32>
      %select_n3A_174 = arith.select %lt3A_173, %abs3A_150, %abs3A_146 : vector<16xi1>, vector<16xf32>
      %select_n3A_175 = arith.select %lt3A_173, %broadcast_in_dim3A_152, %broadcast_in_dim3A_148 : vector<16xi1>, vector<16xi32>
      %lt3A_176 = arith.cmpf olt, %select_n3A_156, %select_n3A_153 : vector<16xf32>
      %select_n3A_177 = arith.select %lt3A_176, %select_n3A_156, %select_n3A_153 : vector<16xi1>, vector<16xf32>
      %select_n3A_178 = arith.select %lt3A_176, %select_n3A_157, %select_n3A_154 : vector<16xi1>, vector<16xi32>
      %lt3A_179 = arith.cmpf olt, %select_n3A_162, %select_n3A_159 : vector<16xf32>
      %select_n3A_180 = arith.select %lt3A_179, %select_n3A_162, %select_n3A_159 : vector<16xi1>, vector<16xf32>
      %select_n3A_181 = arith.select %lt3A_179, %select_n3A_163, %select_n3A_160 : vector<16xi1>, vector<16xi32>
      %lt3A_182 = arith.cmpf olt, %select_n3A_168, %select_n3A_165 : vector<16xf32>
      %select_n3A_183 = arith.select %lt3A_182, %select_n3A_168, %select_n3A_165 : vector<16xi1>, vector<16xf32>
      %select_n3A_184 = arith.select %lt3A_182, %select_n3A_169, %select_n3A_166 : vector<16xi1>, vector<16xi32>
      %lt3A_185 = arith.cmpf olt, %select_n3A_174, %select_n3A_171 : vector<16xf32>
      %select_n3A_186 = arith.select %lt3A_185, %select_n3A_174, %select_n3A_171 : vector<16xi1>, vector<16xf32>
      %select_n3A_187 = arith.select %lt3A_185, %select_n3A_175, %select_n3A_172 : vector<16xi1>, vector<16xi32>
      %lt3A_188 = arith.cmpf olt, %select_n3A_180, %select_n3A_177 : vector<16xf32>
      %select_n3A_189 = arith.select %lt3A_188, %select_n3A_180, %select_n3A_177 : vector<16xi1>, vector<16xf32>
      %select_n3A_190 = arith.select %lt3A_188, %select_n3A_181, %select_n3A_178 : vector<16xi1>, vector<16xi32>
      %lt3A_191 = arith.cmpf olt, %select_n3A_186, %select_n3A_183 : vector<16xf32>
      %select_n3A_192 = arith.select %lt3A_191, %select_n3A_186, %select_n3A_183 : vector<16xi1>, vector<16xf32>
      %select_n3A_193 = arith.select %lt3A_191, %select_n3A_187, %select_n3A_184 : vector<16xi1>, vector<16xi32>
      %lt3A_194 = arith.cmpf olt, %select_n3A_192, %select_n3A_189 : vector<16xf32>
      %select_n3A_195 = arith.select %lt3A_194, %select_n3A_192, %select_n3A_189 : vector<16xi1>, vector<16xf32>
      %select_n3A_196 = arith.select %lt3A_194, %select_n3A_193, %select_n3A_190 : vector<16xi1>, vector<16xi32>
      tpu.vector_store_idx %arg12[%select_n3A, %sub3A_88, %broadcast_in_dim3A], %select_n3A_195 : memref<4x20x65xf32, #tpu.memory_space<vmem>>[vector<16xi32>, vector<16xi32>, vector<16xi32>], vector<16xf32>,
      tpu.vector_store_idx %arg13[%select_n3A, %sub3A_88, %broadcast_in_dim3A], %select_n3A_196 : memref<4x20x65xi32, #tpu.memory_space<vmem>>[vector<16xi32>, vector<16xi32>, vector<16xi32>], vector<16xi32>,
      %add3A_197 = vector.broadcast %mul3A_10 : i32 to vector<16xi32>
      %add3A_198 = arith.addi %add3A_197, %select_n3A_196 : vector<16xi32>
      tpu.vector_store_idx %arg11[%select_n3A, %sub3A_88, %broadcast_in_dim3A], %add3A_198 : memref<4x20x65xi32, #tpu.memory_space<vmem>>[vector<16xi32>, vector<16xi32>, vector<16xi32>], vector<16xi32>,
      %add3A_199 = arith.constant 16 : i32
      %add3A_200 = vector.broadcast %add3A_199 : i32 to vector<16xi32>
      %add3A_201 = arith.addi %iota3A, %add3A_200 : vector<16xi32>
      %jit3A_202 = arith.constant 20 : i32
      %div3A_203 = vector.broadcast %jit3A_202 : i32 to vector<16xi32>
      %div3A_204 = arith.divsi %add3A_201, %div3A_203 : vector<16xi32>
      %sign3A_205 = arith.constant 0 : i32
      %sign3A_206 = vector.broadcast %sign3A_205 : i32 to vector<16xi32>
      %sign3A_207 = arith.cmpi sgt, %add3A_201, %sign3A_206 : vector<16xi32>
      %sign3A_208 = arith.extui %sign3A_207 : vector<16xi1> to vector<16xi32>
      %sign3A_209 = arith.constant 0 : i32
      %sign3A_210 = vector.broadcast %sign3A_209 : i32 to vector<16xi32>
      %sign3A_211 = arith.cmpi slt, %add3A_201, %sign3A_210 : vector<16xi32>
      %sign3A_212 = arith.extui %sign3A_211 : vector<16xi1> to vector<16xi32>
      %sign3A_213 = arith.subi %sign3A_208, %sign3A_212 : vector<16xi32>
      %sign3A_214 = arith.constant 0 : i32
      %sign3A_215 = arith.cmpi sgt, %jit3A_202, %sign3A_214 : i32
      %sign3A_216 = arith.extui %sign3A_215 : i1 to i32
      %sign3A_217 = arith.constant 0 : i32
      %sign3A_218 = arith.cmpi slt, %jit3A_202, %sign3A_217 : i32
      %sign3A_219 = arith.extui %sign3A_218 : i1 to i32
      %sign3A_220 = arith.subi %sign3A_216, %sign3A_219 : i32
      %ne3A_221 = vector.broadcast %sign3A_220 : i32 to vector<16xi32>
      %ne3A_222 = arith.cmpi ne, %sign3A_213, %ne3A_221 : vector<16xi32>
      %rem3A_223 = vector.broadcast %jit3A_202 : i32 to vector<16xi32>
      %rem3A_224 = arith.remsi %add3A_201, %rem3A_223 : vector<16xi32>
      %ne3A_225 = arith.constant 0 : i32
      %ne3A_226 = vector.broadcast %ne3A_225 : i32 to vector<16xi32>
      %ne3A_227 = arith.cmpi ne, %rem3A_224, %ne3A_226 : vector<16xi32>
      %and3A_228 = arith.andi %ne3A_222, %ne3A_227 : vector<16xi1>
      %sub3A_229 = arith.constant 1 : i32
      %sub3A_230 = vector.broadcast %sub3A_229 : i32 to vector<16xi32>
      %sub3A_231 = arith.subi %div3A_204, %sub3A_230 : vector<16xi32>
      %select_n3A_232 = arith.select %and3A_228, %sub3A_231, %div3A_204 : vector<16xi1>, vector<16xi32>
      %mul3A_233 = arith.constant 20 : i32
      %mul3A_234 = vector.broadcast %mul3A_233 : i32 to vector<16xi32>
      %mul3A_235 = arith.muli %select_n3A_232, %mul3A_234 : vector<16xi32>
      %sub3A_236 = arith.subi %add3A_201, %mul3A_235 : vector<16xi32>
      %gather3A_237 = tpu.vector_load_idx %arg8[%select_n3A_232, %sub3A_236, %gather3A] : memref<4x20x65xf32, #tpu.memory_space<vmem>>[vector<16xi32>, vector<16xi32>, vector<16xi32>], vector<16xf32>,
      %sub3A_238 = arith.subf %gather3A_237, %broadcast_in_dim3A_13 : vector<16xf32>
      %abs3A_239 = math.absf %sub3A_238 : vector<16xf32>
      %broadcast_in_dim3A_240 = arith.constant 0 : i32
      %broadcast_in_dim3A_241 = vector.broadcast %broadcast_in_dim3A_240 : i32 to vector<16xi32>
      %sub3A_242 = arith.subf %gather3A_237, %broadcast_in_dim3A_16 : vector<16xf32>
      %abs3A_243 = math.absf %sub3A_242 : vector<16xf32>
      %broadcast_in_dim3A_244 = arith.constant 1 : i32
      %broadcast_in_dim3A_245 = vector.broadcast %broadcast_in_dim3A_244 : i32 to vector<16xi32>
      %sub3A_246 = arith.subf %gather3A_237, %broadcast_in_dim3A_19 : vector<16xf32>
      %abs3A_247 = math.absf %sub3A_246 : vector<16xf32>
      %broadcast_in_dim3A_248 = arith.constant 2 : i32
      %broadcast_in_dim3A_249 = vector.broadcast %broadcast_in_dim3A_248 : i32 to vector<16xi32>
      %sub3A_250 = arith.subf %gather3A_237, %broadcast_in_dim3A_22 : vector<16xf32>
      %abs3A_251 = math.absf %sub3A_250 : vector<16xf32>
      %broadcast_in_dim3A_252 = arith.constant 3 : i32
      %broadcast_in_dim3A_253 = vector.broadcast %broadcast_in_dim3A_252 : i32 to vector<16xi32>
      %sub3A_254 = arith.subf %gather3A_237, %broadcast_in_dim3A_25 : vector<16xf32>
      %abs3A_255 = math.absf %sub3A_254 : vector<16xf32>
      %broadcast_in_dim3A_256 = arith.constant 4 : i32
      %broadcast_in_dim3A_257 = vector.broadcast %broadcast_in_dim3A_256 : i32 to vector<16xi32>
      %sub3A_258 = arith.subf %gather3A_237, %broadcast_in_dim3A_28 : vector<16xf32>
      %abs3A_259 = math.absf %sub3A_258 : vector<16xf32>
      %broadcast_in_dim3A_260 = arith.constant 5 : i32
      %broadcast_in_dim3A_261 = vector.broadcast %broadcast_in_dim3A_260 : i32 to vector<16xi32>
      %sub3A_262 = arith.subf %gather3A_237, %broadcast_in_dim3A_31 : vector<16xf32>
      %abs3A_263 = math.absf %sub3A_262 : vector<16xf32>
      %broadcast_in_dim3A_264 = arith.constant 6 : i32
      %broadcast_in_dim3A_265 = vector.broadcast %broadcast_in_dim3A_264 : i32 to vector<16xi32>
      %sub3A_266 = arith.subf %gather3A_237, %broadcast_in_dim3A_34 : vector<16xf32>
      %abs3A_267 = math.absf %sub3A_266 : vector<16xf32>
      %broadcast_in_dim3A_268 = arith.constant 7 : i32
      %broadcast_in_dim3A_269 = vector.broadcast %broadcast_in_dim3A_268 : i32 to vector<16xi32>
      %sub3A_270 = arith.subf %gather3A_237, %broadcast_in_dim3A_37 : vector<16xf32>
      %abs3A_271 = math.absf %sub3A_270 : vector<16xf32>
      %broadcast_in_dim3A_272 = arith.constant 8 : i32
      %broadcast_in_dim3A_273 = vector.broadcast %broadcast_in_dim3A_272 : i32 to vector<16xi32>
      %sub3A_274 = arith.subf %gather3A_237, %broadcast_in_dim3A_40 : vector<16xf32>
      %abs3A_275 = math.absf %sub3A_274 : vector<16xf32>
      %broadcast_in_dim3A_276 = arith.constant 9 : i32
      %broadcast_in_dim3A_277 = vector.broadcast %broadcast_in_dim3A_276 : i32 to vector<16xi32>
      %sub3A_278 = arith.subf %gather3A_237, %broadcast_in_dim3A_43 : vector<16xf32>
      %abs3A_279 = math.absf %sub3A_278 : vector<16xf32>
      %broadcast_in_dim3A_280 = arith.constant 10 : i32
      %broadcast_in_dim3A_281 = vector.broadcast %broadcast_in_dim3A_280 : i32 to vector<16xi32>
      %sub3A_282 = arith.subf %gather3A_237, %broadcast_in_dim3A_46 : vector<16xf32>
      %abs3A_283 = math.absf %sub3A_282 : vector<16xf32>
      %broadcast_in_dim3A_284 = arith.constant 11 : i32
      %broadcast_in_dim3A_285 = vector.broadcast %broadcast_in_dim3A_284 : i32 to vector<16xi32>
      %sub3A_286 = arith.subf %gather3A_237, %broadcast_in_dim3A_49 : vector<16xf32>
      %abs3A_287 = math.absf %sub3A_286 : vector<16xf32>
      %broadcast_in_dim3A_288 = arith.constant 12 : i32
      %broadcast_in_dim3A_289 = vector.broadcast %broadcast_in_dim3A_288 : i32 to vector<16xi32>
      %sub3A_290 = arith.subf %gather3A_237, %broadcast_in_dim3A_52 : vector<16xf32>
      %abs3A_291 = math.absf %sub3A_290 : vector<16xf32>
      %broadcast_in_dim3A_292 = arith.constant 13 : i32
      %broadcast_in_dim3A_293 = vector.broadcast %broadcast_in_dim3A_292 : i32 to vector<16xi32>
      %sub3A_294 = arith.subf %gather3A_237, %broadcast_in_dim3A_55 : vector<16xf32>
      %abs3A_295 = math.absf %sub3A_294 : vector<16xf32>
      %broadcast_in_dim3A_296 = arith.constant 14 : i32
      %broadcast_in_dim3A_297 = vector.broadcast %broadcast_in_dim3A_296 : i32 to vector<16xi32>
      %sub3A_298 = arith.subf %gather3A_237, %broadcast_in_dim3A_58 : vector<16xf32>
      %abs3A_299 = math.absf %sub3A_298 : vector<16xf32>
      %broadcast_in_dim3A_300 = arith.constant 15 : i32
      %broadcast_in_dim3A_301 = vector.broadcast %broadcast_in_dim3A_300 : i32 to vector<16xi32>
      %lt3A_302 = arith.cmpf olt, %abs3A_243, %abs3A_239 : vector<16xf32>
      %select_n3A_303 = arith.select %lt3A_302, %abs3A_243, %abs3A_239 : vector<16xi1>, vector<16xf32>
      %select_n3A_304 = arith.select %lt3A_302, %broadcast_in_dim3A_245, %broadcast_in_dim3A_241 : vector<16xi1>, vector<16xi32>
      %lt3A_305 = arith.cmpf olt, %abs3A_251, %abs3A_247 : vector<16xf32>
      %select_n3A_306 = arith.select %lt3A_305, %abs3A_251, %abs3A_247 : vector<16xi1>, vector<16xf32>
      %select_n3A_307 = arith.select %lt3A_305, %broadcast_in_dim3A_253, %broadcast_in_dim3A_249 : vector<16xi1>, vector<16xi32>
      %lt3A_308 = arith.cmpf olt, %abs3A_259, %abs3A_255 : vector<16xf32>
      %select_n3A_309 = arith.select %lt3A_308, %abs3A_259, %abs3A_255 : vector<16xi1>, vector<16xf32>
      %select_n3A_310 = arith.select %lt3A_308, %broadcast_in_dim3A_261, %broadcast_in_dim3A_257 : vector<16xi1>, vector<16xi32>
      %lt3A_311 = arith.cmpf olt, %abs3A_267, %abs3A_263 : vector<16xf32>
      %select_n3A_312 = arith.select %lt3A_311, %abs3A_267, %abs3A_263 : vector<16xi1>, vector<16xf32>
      %select_n3A_313 = arith.select %lt3A_311, %broadcast_in_dim3A_269, %broadcast_in_dim3A_265 : vector<16xi1>, vector<16xi32>
      %lt3A_314 = arith.cmpf olt, %abs3A_275, %abs3A_271 : vector<16xf32>
      %select_n3A_315 = arith.select %lt3A_314, %abs3A_275, %abs3A_271 : vector<16xi1>, vector<16xf32>
      %select_n3A_316 = arith.select %lt3A_314, %broadcast_in_dim3A_277, %broadcast_in_dim3A_273 : vector<16xi1>, vector<16xi32>
      %lt3A_317 = arith.cmpf olt, %abs3A_283, %abs3A_279 : vector<16xf32>
      %select_n3A_318 = arith.select %lt3A_317, %abs3A_283, %abs3A_279 : vector<16xi1>, vector<16xf32>
      %select_n3A_319 = arith.select %lt3A_317, %broadcast_in_dim3A_285, %broadcast_in_dim3A_281 : vector<16xi1>, vector<16xi32>
      %lt3A_320 = arith.cmpf olt, %abs3A_291, %abs3A_287 : vector<16xf32>
      %select_n3A_321 = arith.select %lt3A_320, %abs3A_291, %abs3A_287 : vector<16xi1>, vector<16xf32>
      %select_n3A_322 = arith.select %lt3A_320, %broadcast_in_dim3A_293, %broadcast_in_dim3A_289 : vector<16xi1>, vector<16xi32>
      %lt3A_323 = arith.cmpf olt, %abs3A_299, %abs3A_295 : vector<16xf32>
      %select_n3A_324 = arith.select %lt3A_323, %abs3A_299, %abs3A_295 : vector<16xi1>, vector<16xf32>
      %select_n3A_325 = arith.select %lt3A_323, %broadcast_in_dim3A_301, %broadcast_in_dim3A_297 : vector<16xi1>, vector<16xi32>
      %lt3A_326 = arith.cmpf olt, %select_n3A_306, %select_n3A_303 : vector<16xf32>
      %select_n3A_327 = arith.select %lt3A_326, %select_n3A_306, %select_n3A_303 : vector<16xi1>, vector<16xf32>
      %select_n3A_328 = arith.select %lt3A_326, %select_n3A_307, %select_n3A_304 : vector<16xi1>, vector<16xi32>
      %lt3A_329 = arith.cmpf olt, %select_n3A_312, %select_n3A_309 : vector<16xf32>
      %select_n3A_330 = arith.select %lt3A_329, %select_n3A_312, %select_n3A_309 : vector<16xi1>, vector<16xf32>
      %select_n3A_331 = arith.select %lt3A_329, %select_n3A_313, %select_n3A_310 : vector<16xi1>, vector<16xi32>
      %lt3A_332 = arith.cmpf olt, %select_n3A_318, %select_n3A_315 : vector<16xf32>
      %select_n3A_333 = arith.select %lt3A_332, %select_n3A_318, %select_n3A_315 : vector<16xi1>, vector<16xf32>
      %select_n3A_334 = arith.select %lt3A_332, %select_n3A_319, %select_n3A_316 : vector<16xi1>, vector<16xi32>
      %lt3A_335 = arith.cmpf olt, %select_n3A_324, %select_n3A_321 : vector<16xf32>
      %select_n3A_336 = arith.select %lt3A_335, %select_n3A_324, %select_n3A_321 : vector<16xi1>, vector<16xf32>
      %select_n3A_337 = arith.select %lt3A_335, %select_n3A_325, %select_n3A_322 : vector<16xi1>, vector<16xi32>
      %lt3A_338 = arith.cmpf olt, %select_n3A_330, %select_n3A_327 : vector<16xf32>
      %select_n3A_339 = arith.select %lt3A_338, %select_n3A_330, %select_n3A_327 : vector<16xi1>, vector<16xf32>
      %select_n3A_340 = arith.select %lt3A_338, %select_n3A_331, %select_n3A_328 : vector<16xi1>, vector<16xi32>
      %lt3A_341 = arith.cmpf olt, %select_n3A_336, %select_n3A_333 : vector<16xf32>
      %select_n3A_342 = arith.select %lt3A_341, %select_n3A_336, %select_n3A_333 : vector<16xi1>, vector<16xf32>
      %select_n3A_343 = arith.select %lt3A_341, %select_n3A_337, %select_n3A_334 : vector<16xi1>, vector<16xi32>
      %lt3A_344 = arith.cmpf olt, %select_n3A_342, %select_n3A_339 : vector<16xf32>
      %select_n3A_345 = arith.select %lt3A_344, %select_n3A_342, %select_n3A_339 : vector<16xi1>, vector<16xf32>
      %select_n3A_346 = arith.select %lt3A_344, %select_n3A_343, %select_n3A_340 : vector<16xi1>, vector<16xi32>
      tpu.vector_store_idx %arg12[%select_n3A_232, %sub3A_236, %broadcast_in_dim3A], %select_n3A_345 : memref<4x20x65xf32, #tpu.memory_space<vmem>>[vector<16xi32>, vector<16xi32>, vector<16xi32>], vector<16xf32>,
      tpu.vector_store_idx %arg13[%select_n3A_232, %sub3A_236, %broadcast_in_dim3A], %select_n3A_346 : memref<4x20x65xi32, #tpu.memory_space<vmem>>[vector<16xi32>, vector<16xi32>, vector<16xi32>], vector<16xi32>,
      %add3A_347 = vector.broadcast %mul3A_10 : i32 to vector<16xi32>
      %add3A_348 = arith.addi %add3A_347, %select_n3A_346 : vector<16xi32>
      tpu.vector_store_idx %arg11[%select_n3A_232, %sub3A_236, %broadcast_in_dim3A], %add3A_348 : memref<4x20x65xi32, #tpu.memory_space<vmem>>[vector<16xi32>, vector<16xi32>, vector<16xi32>], vector<16xi32>,
      %add3A_349 = arith.constant 32 : i32
      %add3A_350 = vector.broadcast %add3A_349 : i32 to vector<16xi32>
      %add3A_351 = arith.addi %iota3A, %add3A_350 : vector<16xi32>
      %jit3A_352 = arith.constant 20 : i32
      %div3A_353 = vector.broadcast %jit3A_352 : i32 to vector<16xi32>
      %div3A_354 = arith.divsi %add3A_351, %div3A_353 : vector<16xi32>
      %sign3A_355 = arith.constant 0 : i32
      %sign3A_356 = vector.broadcast %sign3A_355 : i32 to vector<16xi32>
      %sign3A_357 = arith.cmpi sgt, %add3A_351, %sign3A_356 : vector<16xi32>
      %sign3A_358 = arith.extui %sign3A_357 : vector<16xi1> to vector<16xi32>
      %sign3A_359 = arith.constant 0 : i32
      %sign3A_360 = vector.broadcast %sign3A_359 : i32 to vector<16xi32>
      %sign3A_361 = arith.cmpi slt, %add3A_351, %sign3A_360 : vector<16xi32>
      %sign3A_362 = arith.extui %sign3A_361 : vector<16xi1> to vector<16xi32>
      %sign3A_363 = arith.subi %sign3A_358, %sign3A_362 : vector<16xi32>
      %sign3A_364 = arith.constant 0 : i32
      %sign3A_365 = arith.cmpi sgt, %jit3A_352, %sign3A_364 : i32
      %sign3A_366 = arith.extui %sign3A_365 : i1 to i32
      %sign3A_367 = arith.constant 0 : i32
      %sign3A_368 = arith.cmpi slt, %jit3A_352, %sign3A_367 : i32
      %sign3A_369 = arith.extui %sign3A_368 : i1 to i32
      %sign3A_370 = arith.subi %sign3A_366, %sign3A_369 : i32
      %ne3A_371 = vector.broadcast %sign3A_370 : i32 to vector<16xi32>
      %ne3A_372 = arith.cmpi ne, %sign3A_363, %ne3A_371 : vector<16xi32>
      %rem3A_373 = vector.broadcast %jit3A_352 : i32 to vector<16xi32>
      %rem3A_374 = arith.remsi %add3A_351, %rem3A_373 : vector<16xi32>
      %ne3A_375 = arith.constant 0 : i32
      %ne3A_376 = vector.broadcast %ne3A_375 : i32 to vector<16xi32>
      %ne3A_377 = arith.cmpi ne, %rem3A_374, %ne3A_376 : vector<16xi32>
      %and3A_378 = arith.andi %ne3A_372, %ne3A_377 : vector<16xi1>
      %sub3A_379 = arith.constant 1 : i32
      %sub3A_380 = vector.broadcast %sub3A_379 : i32 to vector<16xi32>
      %sub3A_381 = arith.subi %div3A_354, %sub3A_380 : vector<16xi32>
      %select_n3A_382 = arith.select %and3A_378, %sub3A_381, %div3A_354 : vector<16xi1>, vector<16xi32>
      %mul3A_383 = arith.constant 20 : i32
      %mul3A_384 = vector.broadcast %mul3A_383 : i32 to vector<16xi32>
      %mul3A_385 = arith.muli %select_n3A_382, %mul3A_384 : vector<16xi32>
      %sub3A_386 = arith.subi %add3A_351, %mul3A_385 : vector<16xi32>
      %gather3A_387 = tpu.vector_load_idx %arg8[%select_n3A_382, %sub3A_386, %gather3A] : memref<4x20x65xf32, #tpu.memory_space<vmem>>[vector<16xi32>, vector<16xi32>, vector<16xi32>], vector<16xf32>,
      %sub3A_388 = arith.subf %gather3A_387, %broadcast_in_dim3A_13 : vector<16xf32>
      %abs3A_389 = math.absf %sub3A_388 : vector<16xf32>
      %broadcast_in_dim3A_390 = arith.constant 0 : i32
      %broadcast_in_dim3A_391 = vector.broadcast %broadcast_in_dim3A_390 : i32 to vector<16xi32>
      %sub3A_392 = arith.subf %gather3A_387, %broadcast_in_dim3A_16 : vector<16xf32>
      %abs3A_393 = math.absf %sub3A_392 : vector<16xf32>
      %broadcast_in_dim3A_394 = arith.constant 1 : i32
      %broadcast_in_dim3A_395 = vector.broadcast %broadcast_in_dim3A_394 : i32 to vector<16xi32>
      %sub3A_396 = arith.subf %gather3A_387, %broadcast_in_dim3A_19 : vector<16xf32>
      %abs3A_397 = math.absf %sub3A_396 : vector<16xf32>
      %broadcast_in_dim3A_398 = arith.constant 2 : i32
      %broadcast_in_dim3A_399 = vector.broadcast %broadcast_in_dim3A_398 : i32 to vector<16xi32>
      %sub3A_400 = arith.subf %gather3A_387, %broadcast_in_dim3A_22 : vector<16xf32>
      %abs3A_401 = math.absf %sub3A_400 : vector<16xf32>
      %broadcast_in_dim3A_402 = arith.constant 3 : i32
      %broadcast_in_dim3A_403 = vector.broadcast %broadcast_in_dim3A_402 : i32 to vector<16xi32>
      %sub3A_404 = arith.subf %gather3A_387, %broadcast_in_dim3A_25 : vector<16xf32>
      %abs3A_405 = math.absf %sub3A_404 : vector<16xf32>
      %broadcast_in_dim3A_406 = arith.constant 4 : i32
      %broadcast_in_dim3A_407 = vector.broadcast %broadcast_in_dim3A_406 : i32 to vector<16xi32>
      %sub3A_408 = arith.subf %gather3A_387, %broadcast_in_dim3A_28 : vector<16xf32>
      %abs3A_409 = math.absf %sub3A_408 : vector<16xf32>
      %broadcast_in_dim3A_410 = arith.constant 5 : i32
      %broadcast_in_dim3A_411 = vector.broadcast %broadcast_in_dim3A_410 : i32 to vector<16xi32>
      %sub3A_412 = arith.subf %gather3A_387, %broadcast_in_dim3A_31 : vector<16xf32>
      %abs3A_413 = math.absf %sub3A_412 : vector<16xf32>
      %broadcast_in_dim3A_414 = arith.constant 6 : i32
      %broadcast_in_dim3A_415 = vector.broadcast %broadcast_in_dim3A_414 : i32 to vector<16xi32>
      %sub3A_416 = arith.subf %gather3A_387, %broadcast_in_dim3A_34 : vector<16xf32>
      %abs3A_417 = math.absf %sub3A_416 : vector<16xf32>
      %broadcast_in_dim3A_418 = arith.constant 7 : i32
      %broadcast_in_dim3A_419 = vector.broadcast %broadcast_in_dim3A_418 : i32 to vector<16xi32>
      %sub3A_420 = arith.subf %gather3A_387, %broadcast_in_dim3A_37 : vector<16xf32>
      %abs3A_421 = math.absf %sub3A_420 : vector<16xf32>
      %broadcast_in_dim3A_422 = arith.constant 8 : i32
      %broadcast_in_dim3A_423 = vector.broadcast %broadcast_in_dim3A_422 : i32 to vector<16xi32>
      %sub3A_424 = arith.subf %gather3A_387, %broadcast_in_dim3A_40 : vector<16xf32>
      %abs3A_425 = math.absf %sub3A_424 : vector<16xf32>
      %broadcast_in_dim3A_426 = arith.constant 9 : i32
      %broadcast_in_dim3A_427 = vector.broadcast %broadcast_in_dim3A_426 : i32 to vector<16xi32>
      %sub3A_428 = arith.subf %gather3A_387, %broadcast_in_dim3A_43 : vector<16xf32>
      %abs3A_429 = math.absf %sub3A_428 : vector<16xf32>
      %broadcast_in_dim3A_430 = arith.constant 10 : i32
      %broadcast_in_dim3A_431 = vector.broadcast %broadcast_in_dim3A_430 : i32 to vector<16xi32>
      %sub3A_432 = arith.subf %gather3A_387, %broadcast_in_dim3A_46 : vector<16xf32>
      %abs3A_433 = math.absf %sub3A_432 : vector<16xf32>
      %broadcast_in_dim3A_434 = arith.constant 11 : i32
      %broadcast_in_dim3A_435 = vector.broadcast %broadcast_in_dim3A_434 : i32 to vector<16xi32>
      %sub3A_436 = arith.subf %gather3A_387, %broadcast_in_dim3A_49 : vector<16xf32>
      %abs3A_437 = math.absf %sub3A_436 : vector<16xf32>
      %broadcast_in_dim3A_438 = arith.constant 12 : i32
      %broadcast_in_dim3A_439 = vector.broadcast %broadcast_in_dim3A_438 : i32 to vector<16xi32>
      %sub3A_440 = arith.subf %gather3A_387, %broadcast_in_dim3A_52 : vector<16xf32>
      %abs3A_441 = math.absf %sub3A_440 : vector<16xf32>
      %broadcast_in_dim3A_442 = arith.constant 13 : i32
      %broadcast_in_dim3A_443 = vector.broadcast %broadcast_in_dim3A_442 : i32 to vector<16xi32>
      %sub3A_444 = arith.subf %gather3A_387, %broadcast_in_dim3A_55 : vector<16xf32>
      %abs3A_445 = math.absf %sub3A_444 : vector<16xf32>
      %broadcast_in_dim3A_446 = arith.constant 14 : i32
      %broadcast_in_dim3A_447 = vector.broadcast %broadcast_in_dim3A_446 : i32 to vector<16xi32>
      %sub3A_448 = arith.subf %gather3A_387, %broadcast_in_dim3A_58 : vector<16xf32>
      %abs3A_449 = math.absf %sub3A_448 : vector<16xf32>
      %broadcast_in_dim3A_450 = arith.constant 15 : i32
      %broadcast_in_dim3A_451 = vector.broadcast %broadcast_in_dim3A_450 : i32 to vector<16xi32>
      %lt3A_452 = arith.cmpf olt, %abs3A_393, %abs3A_389 : vector<16xf32>
      %select_n3A_453 = arith.select %lt3A_452, %abs3A_393, %abs3A_389 : vector<16xi1>, vector<16xf32>
      %select_n3A_454 = arith.select %lt3A_452, %broadcast_in_dim3A_395, %broadcast_in_dim3A_391 : vector<16xi1>, vector<16xi32>
      %lt3A_455 = arith.cmpf olt, %abs3A_401, %abs3A_397 : vector<16xf32>
      %select_n3A_456 = arith.select %lt3A_455, %abs3A_401, %abs3A_397 : vector<16xi1>, vector<16xf32>
      %select_n3A_457 = arith.select %lt3A_455, %broadcast_in_dim3A_403, %broadcast_in_dim3A_399 : vector<16xi1>, vector<16xi32>
      %lt3A_458 = arith.cmpf olt, %abs3A_409, %abs3A_405 : vector<16xf32>
      %select_n3A_459 = arith.select %lt3A_458, %abs3A_409, %abs3A_405 : vector<16xi1>, vector<16xf32>
      %select_n3A_460 = arith.select %lt3A_458, %broadcast_in_dim3A_411, %broadcast_in_dim3A_407 : vector<16xi1>, vector<16xi32>
      %lt3A_461 = arith.cmpf olt, %abs3A_417, %abs3A_413 : vector<16xf32>
      %select_n3A_462 = arith.select %lt3A_461, %abs3A_417, %abs3A_413 : vector<16xi1>, vector<16xf32>
      %select_n3A_463 = arith.select %lt3A_461, %broadcast_in_dim3A_419, %broadcast_in_dim3A_415 : vector<16xi1>, vector<16xi32>
      %lt3A_464 = arith.cmpf olt, %abs3A_425, %abs3A_421 : vector<16xf32>
      %select_n3A_465 = arith.select %lt3A_464, %abs3A_425, %abs3A_421 : vector<16xi1>, vector<16xf32>
      %select_n3A_466 = arith.select %lt3A_464, %broadcast_in_dim3A_427, %broadcast_in_dim3A_423 : vector<16xi1>, vector<16xi32>
      %lt3A_467 = arith.cmpf olt, %abs3A_433, %abs3A_429 : vector<16xf32>
      %select_n3A_468 = arith.select %lt3A_467, %abs3A_433, %abs3A_429 : vector<16xi1>, vector<16xf32>
      %select_n3A_469 = arith.select %lt3A_467, %broadcast_in_dim3A_435, %broadcast_in_dim3A_431 : vector<16xi1>, vector<16xi32>
      %lt3A_470 = arith.cmpf olt, %abs3A_441, %abs3A_437 : vector<16xf32>
      %select_n3A_471 = arith.select %lt3A_470, %abs3A_441, %abs3A_437 : vector<16xi1>, vector<16xf32>
      %select_n3A_472 = arith.select %lt3A_470, %broadcast_in_dim3A_443, %broadcast_in_dim3A_439 : vector<16xi1>, vector<16xi32>
      %lt3A_473 = arith.cmpf olt, %abs3A_449, %abs3A_445 : vector<16xf32>
      %select_n3A_474 = arith.select %lt3A_473, %abs3A_449, %abs3A_445 : vector<16xi1>, vector<16xf32>
      %select_n3A_475 = arith.select %lt3A_473, %broadcast_in_dim3A_451, %broadcast_in_dim3A_447 : vector<16xi1>, vector<16xi32>
      %lt3A_476 = arith.cmpf olt, %select_n3A_456, %select_n3A_453 : vector<16xf32>
      %select_n3A_477 = arith.select %lt3A_476, %select_n3A_456, %select_n3A_453 : vector<16xi1>, vector<16xf32>
      %select_n3A_478 = arith.select %lt3A_476, %select_n3A_457, %select_n3A_454 : vector<16xi1>, vector<16xi32>
      %lt3A_479 = arith.cmpf olt, %select_n3A_462, %select_n3A_459 : vector<16xf32>
      %select_n3A_480 = arith.select %lt3A_479, %select_n3A_462, %select_n3A_459 : vector<16xi1>, vector<16xf32>
      %select_n3A_481 = arith.select %lt3A_479, %select_n3A_463, %select_n3A_460 : vector<16xi1>, vector<16xi32>
      %lt3A_482 = arith.cmpf olt, %select_n3A_468, %select_n3A_465 : vector<16xf32>
      %select_n3A_483 = arith.select %lt3A_482, %select_n3A_468, %select_n3A_465 : vector<16xi1>, vector<16xf32>
      %select_n3A_484 = arith.select %lt3A_482, %select_n3A_469, %select_n3A_466 : vector<16xi1>, vector<16xi32>
      %lt3A_485 = arith.cmpf olt, %select_n3A_474, %select_n3A_471 : vector<16xf32>
      %select_n3A_486 = arith.select %lt3A_485, %select_n3A_474, %select_n3A_471 : vector<16xi1>, vector<16xf32>
      %select_n3A_487 = arith.select %lt3A_485, %select_n3A_475, %select_n3A_472 : vector<16xi1>, vector<16xi32>
      %lt3A_488 = arith.cmpf olt, %select_n3A_480, %select_n3A_477 : vector<16xf32>
      %select_n3A_489 = arith.select %lt3A_488, %select_n3A_480, %select_n3A_477 : vector<16xi1>, vector<16xf32>
      %select_n3A_490 = arith.select %lt3A_488, %select_n3A_481, %select_n3A_478 : vector<16xi1>, vector<16xi32>
      %lt3A_491 = arith.cmpf olt, %select_n3A_486, %select_n3A_483 : vector<16xf32>
      %select_n3A_492 = arith.select %lt3A_491, %select_n3A_486, %select_n3A_483 : vector<16xi1>, vector<16xf32>
      %select_n3A_493 = arith.select %lt3A_491, %select_n3A_487, %select_n3A_484 : vector<16xi1>, vector<16xi32>
      %lt3A_494 = arith.cmpf olt, %select_n3A_492, %select_n3A_489 : vector<16xf32>
      %select_n3A_495 = arith.select %lt3A_494, %select_n3A_492, %select_n3A_489 : vector<16xi1>, vector<16xf32>
      %select_n3A_496 = arith.select %lt3A_494, %select_n3A_493, %select_n3A_490 : vector<16xi1>, vector<16xi32>
      tpu.vector_store_idx %arg12[%select_n3A_382, %sub3A_386, %broadcast_in_dim3A], %select_n3A_495 : memref<4x20x65xf32, #tpu.memory_space<vmem>>[vector<16xi32>, vector<16xi32>, vector<16xi32>], vector<16xf32>,
      tpu.vector_store_idx %arg13[%select_n3A_382, %sub3A_386, %broadcast_in_dim3A], %select_n3A_496 : memref<4x20x65xi32, #tpu.memory_space<vmem>>[vector<16xi32>, vector<16xi32>, vector<16xi32>], vector<16xi32>,
      %add3A_497 = vector.broadcast %mul3A_10 : i32 to vector<16xi32>
      %add3A_498 = arith.addi %add3A_497, %select_n3A_496 : vector<16xi32>
      tpu.vector_store_idx %arg11[%select_n3A_382, %sub3A_386, %broadcast_in_dim3A], %add3A_498 : memref<4x20x65xi32, #tpu.memory_space<vmem>>[vector<16xi32>, vector<16xi32>, vector<16xi32>], vector<16xi32>,
      %add3A_499 = arith.constant 48 : i32
      %add3A_500 = vector.broadcast %add3A_499 : i32 to vector<16xi32>
      %add3A_501 = arith.addi %iota3A, %add3A_500 : vector<16xi32>
      %jit3A_502 = arith.constant 20 : i32
      %div3A_503 = vector.broadcast %jit3A_502 : i32 to vector<16xi32>
      %div3A_504 = arith.divsi %add3A_501, %div3A_503 : vector<16xi32>
      %sign3A_505 = arith.constant 0 : i32
      %sign3A_506 = vector.broadcast %sign3A_505 : i32 to vector<16xi32>
      %sign3A_507 = arith.cmpi sgt, %add3A_501, %sign3A_506 : vector<16xi32>
      %sign3A_508 = arith.extui %sign3A_507 : vector<16xi1> to vector<16xi32>
      %sign3A_509 = arith.constant 0 : i32
      %sign3A_510 = vector.broadcast %sign3A_509 : i32 to vector<16xi32>
      %sign3A_511 = arith.cmpi slt, %add3A_501, %sign3A_510 : vector<16xi32>
      %sign3A_512 = arith.extui %sign3A_511 : vector<16xi1> to vector<16xi32>
      %sign3A_513 = arith.subi %sign3A_508, %sign3A_512 : vector<16xi32>
      %sign3A_514 = arith.constant 0 : i32
      %sign3A_515 = arith.cmpi sgt, %jit3A_502, %sign3A_514 : i32
      %sign3A_516 = arith.extui %sign3A_515 : i1 to i32
      %sign3A_517 = arith.constant 0 : i32
      %sign3A_518 = arith.cmpi slt, %jit3A_502, %sign3A_517 : i32
      %sign3A_519 = arith.extui %sign3A_518 : i1 to i32
      %sign3A_520 = arith.subi %sign3A_516, %sign3A_519 : i32
      %ne3A_521 = vector.broadcast %sign3A_520 : i32 to vector<16xi32>
      %ne3A_522 = arith.cmpi ne, %sign3A_513, %ne3A_521 : vector<16xi32>
      %rem3A_523 = vector.broadcast %jit3A_502 : i32 to vector<16xi32>
      %rem3A_524 = arith.remsi %add3A_501, %rem3A_523 : vector<16xi32>
      %ne3A_525 = arith.constant 0 : i32
      %ne3A_526 = vector.broadcast %ne3A_525 : i32 to vector<16xi32>
      %ne3A_527 = arith.cmpi ne, %rem3A_524, %ne3A_526 : vector<16xi32>
      %and3A_528 = arith.andi %ne3A_522, %ne3A_527 : vector<16xi1>
      %sub3A_529 = arith.constant 1 : i32
      %sub3A_530 = vector.broadcast %sub3A_529 : i32 to vector<16xi32>
      %sub3A_531 = arith.subi %div3A_504, %sub3A_530 : vector<16xi32>
      %select_n3A_532 = arith.select %and3A_528, %sub3A_531, %div3A_504 : vector<16xi1>, vector<16xi32>
      %mul3A_533 = arith.constant 20 : i32
      %mul3A_534 = vector.broadcast %mul3A_533 : i32 to vector<16xi32>
      %mul3A_535 = arith.muli %select_n3A_532, %mul3A_534 : vector<16xi32>
      %sub3A_536 = arith.subi %add3A_501, %mul3A_535 : vector<16xi32>
      %gather3A_537 = tpu.vector_load_idx %arg8[%select_n3A_532, %sub3A_536, %gather3A] : memref<4x20x65xf32, #tpu.memory_space<vmem>>[vector<16xi32>, vector<16xi32>, vector<16xi32>], vector<16xf32>,
      %sub3A_538 = arith.subf %gather3A_537, %broadcast_in_dim3A_13 : vector<16xf32>
      %abs3A_539 = math.absf %sub3A_538 : vector<16xf32>
      %broadcast_in_dim3A_540 = arith.constant 0 : i32
      %broadcast_in_dim3A_541 = vector.broadcast %broadcast_in_dim3A_540 : i32 to vector<16xi32>
      %sub3A_542 = arith.subf %gather3A_537, %broadcast_in_dim3A_16 : vector<16xf32>
      %abs3A_543 = math.absf %sub3A_542 : vector<16xf32>
      %broadcast_in_dim3A_544 = arith.constant 1 : i32
      %broadcast_in_dim3A_545 = vector.broadcast %broadcast_in_dim3A_544 : i32 to vector<16xi32>
      %sub3A_546 = arith.subf %gather3A_537, %broadcast_in_dim3A_19 : vector<16xf32>
      %abs3A_547 = math.absf %sub3A_546 : vector<16xf32>
      %broadcast_in_dim3A_548 = arith.constant 2 : i32
      %broadcast_in_dim3A_549 = vector.broadcast %broadcast_in_dim3A_548 : i32 to vector<16xi32>
      %sub3A_550 = arith.subf %gather3A_537, %broadcast_in_dim3A_22 : vector<16xf32>
      %abs3A_551 = math.absf %sub3A_550 : vector<16xf32>
      %broadcast_in_dim3A_552 = arith.constant 3 : i32
      %broadcast_in_dim3A_553 = vector.broadcast %broadcast_in_dim3A_552 : i32 to vector<16xi32>
      %sub3A_554 = arith.subf %gather3A_537, %broadcast_in_dim3A_25 : vector<16xf32>
      %abs3A_555 = math.absf %sub3A_554 : vector<16xf32>
      %broadcast_in_dim3A_556 = arith.constant 4 : i32
      %broadcast_in_dim3A_557 = vector.broadcast %broadcast_in_dim3A_556 : i32 to vector<16xi32>
      %sub3A_558 = arith.subf %gather3A_537, %broadcast_in_dim3A_28 : vector<16xf32>
      %abs3A_559 = math.absf %sub3A_558 : vector<16xf32>
      %broadcast_in_dim3A_560 = arith.constant 5 : i32
      %broadcast_in_dim3A_561 = vector.broadcast %broadcast_in_dim3A_560 : i32 to vector<16xi32>
      %sub3A_562 = arith.subf %gather3A_537, %broadcast_in_dim3A_31 : vector<16xf32>
      %abs3A_563 = math.absf %sub3A_562 : vector<16xf32>
      %broadcast_in_dim3A_564 = arith.constant 6 : i32
      %broadcast_in_dim3A_565 = vector.broadcast %broadcast_in_dim3A_564 : i32 to vector<16xi32>
      %sub3A_566 = arith.subf %gather3A_537, %broadcast_in_dim3A_34 : vector<16xf32>
      %abs3A_567 = math.absf %sub3A_566 : vector<16xf32>
      %broadcast_in_dim3A_568 = arith.constant 7 : i32
      %broadcast_in_dim3A_569 = vector.broadcast %broadcast_in_dim3A_568 : i32 to vector<16xi32>
      %sub3A_570 = arith.subf %gather3A_537, %broadcast_in_dim3A_37 : vector<16xf32>
      %abs3A_571 = math.absf %sub3A_570 : vector<16xf32>
      %broadcast_in_dim3A_572 = arith.constant 8 : i32
      %broadcast_in_dim3A_573 = vector.broadcast %broadcast_in_dim3A_572 : i32 to vector<16xi32>
      %sub3A_574 = arith.subf %gather3A_537, %broadcast_in_dim3A_40 : vector<16xf32>
      %abs3A_575 = math.absf %sub3A_574 : vector<16xf32>
      %broadcast_in_dim3A_576 = arith.constant 9 : i32
      %broadcast_in_dim3A_577 = vector.broadcast %broadcast_in_dim3A_576 : i32 to vector<16xi32>
      %sub3A_578 = arith.subf %gather3A_537, %broadcast_in_dim3A_43 : vector<16xf32>
      %abs3A_579 = math.absf %sub3A_578 : vector<16xf32>
      %broadcast_in_dim3A_580 = arith.constant 10 : i32
      %broadcast_in_dim3A_581 = vector.broadcast %broadcast_in_dim3A_580 : i32 to vector<16xi32>
      %sub3A_582 = arith.subf %gather3A_537, %broadcast_in_dim3A_46 : vector<16xf32>
      %abs3A_583 = math.absf %sub3A_582 : vector<16xf32>
      %broadcast_in_dim3A_584 = arith.constant 11 : i32
      %broadcast_in_dim3A_585 = vector.broadcast %broadcast_in_dim3A_584 : i32 to vector<16xi32>
      %sub3A_586 = arith.subf %gather3A_537, %broadcast_in_dim3A_49 : vector<16xf32>
      %abs3A_587 = math.absf %sub3A_586 : vector<16xf32>
      %broadcast_in_dim3A_588 = arith.constant 12 : i32
      %broadcast_in_dim3A_589 = vector.broadcast %broadcast_in_dim3A_588 : i32 to vector<16xi32>
      %sub3A_590 = arith.subf %gather3A_537, %broadcast_in_dim3A_52 : vector<16xf32>
      %abs3A_591 = math.absf %sub3A_590 : vector<16xf32>
      %broadcast_in_dim3A_592 = arith.constant 13 : i32
      %broadcast_in_dim3A_593 = vector.broadcast %broadcast_in_dim3A_592 : i32 to vector<16xi32>
      %sub3A_594 = arith.subf %gather3A_537, %broadcast_in_dim3A_55 : vector<16xf32>
      %abs3A_595 = math.absf %sub3A_594 : vector<16xf32>
      %broadcast_in_dim3A_596 = arith.constant 14 : i32
      %broadcast_in_dim3A_597 = vector.broadcast %broadcast_in_dim3A_596 : i32 to vector<16xi32>
      %sub3A_598 = arith.subf %gather3A_537, %broadcast_in_dim3A_58 : vector<16xf32>
      %abs3A_599 = math.absf %sub3A_598 : vector<16xf32>
      %broadcast_in_dim3A_600 = arith.constant 15 : i32
      %broadcast_in_dim3A_601 = vector.broadcast %broadcast_in_dim3A_600 : i32 to vector<16xi32>
      %lt3A_602 = arith.cmpf olt, %abs3A_543, %abs3A_539 : vector<16xf32>
      %select_n3A_603 = arith.select %lt3A_602, %abs3A_543, %abs3A_539 : vector<16xi1>, vector<16xf32>
      %select_n3A_604 = arith.select %lt3A_602, %broadcast_in_dim3A_545, %broadcast_in_dim3A_541 : vector<16xi1>, vector<16xi32>
      %lt3A_605 = arith.cmpf olt, %abs3A_551, %abs3A_547 : vector<16xf32>
      %select_n3A_606 = arith.select %lt3A_605, %abs3A_551, %abs3A_547 : vector<16xi1>, vector<16xf32>
      %select_n3A_607 = arith.select %lt3A_605, %broadcast_in_dim3A_553, %broadcast_in_dim3A_549 : vector<16xi1>, vector<16xi32>
      %lt3A_608 = arith.cmpf olt, %abs3A_559, %abs3A_555 : vector<16xf32>
      %select_n3A_609 = arith.select %lt3A_608, %abs3A_559, %abs3A_555 : vector<16xi1>, vector<16xf32>
      %select_n3A_610 = arith.select %lt3A_608, %broadcast_in_dim3A_561, %broadcast_in_dim3A_557 : vector<16xi1>, vector<16xi32>
      %lt3A_611 = arith.cmpf olt, %abs3A_567, %abs3A_563 : vector<16xf32>
      %select_n3A_612 = arith.select %lt3A_611, %abs3A_567, %abs3A_563 : vector<16xi1>, vector<16xf32>
      %select_n3A_613 = arith.select %lt3A_611, %broadcast_in_dim3A_569, %broadcast_in_dim3A_565 : vector<16xi1>, vector<16xi32>
      %lt3A_614 = arith.cmpf olt, %abs3A_575, %abs3A_571 : vector<16xf32>
      %select_n3A_615 = arith.select %lt3A_614, %abs3A_575, %abs3A_571 : vector<16xi1>, vector<16xf32>
      %select_n3A_616 = arith.select %lt3A_614, %broadcast_in_dim3A_577, %broadcast_in_dim3A_573 : vector<16xi1>, vector<16xi32>
      %lt3A_617 = arith.cmpf olt, %abs3A_583, %abs3A_579 : vector<16xf32>
      %select_n3A_618 = arith.select %lt3A_617, %abs3A_583, %abs3A_579 : vector<16xi1>, vector<16xf32>
      %select_n3A_619 = arith.select %lt3A_617, %broadcast_in_dim3A_585, %broadcast_in_dim3A_581 : vector<16xi1>, vector<16xi32>
      %lt3A_620 = arith.cmpf olt, %abs3A_591, %abs3A_587 : vector<16xf32>
      %select_n3A_621 = arith.select %lt3A_620, %abs3A_591, %abs3A_587 : vector<16xi1>, vector<16xf32>
      %select_n3A_622 = arith.select %lt3A_620, %broadcast_in_dim3A_593, %broadcast_in_dim3A_589 : vector<16xi1>, vector<16xi32>
      %lt3A_623 = arith.cmpf olt, %abs3A_599, %abs3A_595 : vector<16xf32>
      %select_n3A_624 = arith.select %lt3A_623, %abs3A_599, %abs3A_595 : vector<16xi1>, vector<16xf32>
      %select_n3A_625 = arith.select %lt3A_623, %broadcast_in_dim3A_601, %broadcast_in_dim3A_597 : vector<16xi1>, vector<16xi32>
      %lt3A_626 = arith.cmpf olt, %select_n3A_606, %select_n3A_603 : vector<16xf32>
      %select_n3A_627 = arith.select %lt3A_626, %select_n3A_606, %select_n3A_603 : vector<16xi1>, vector<16xf32>
      %select_n3A_628 = arith.select %lt3A_626, %select_n3A_607, %select_n3A_604 : vector<16xi1>, vector<16xi32>
      %lt3A_629 = arith.cmpf olt, %select_n3A_612, %select_n3A_609 : vector<16xf32>
      %select_n3A_630 = arith.select %lt3A_629, %select_n3A_612, %select_n3A_609 : vector<16xi1>, vector<16xf32>
      %select_n3A_631 = arith.select %lt3A_629, %select_n3A_613, %select_n3A_610 : vector<16xi1>, vector<16xi32>
      %lt3A_632 = arith.cmpf olt, %select_n3A_618, %select_n3A_615 : vector<16xf32>
      %select_n3A_633 = arith.select %lt3A_632, %select_n3A_618, %select_n3A_615 : vector<16xi1>, vector<16xf32>
      %select_n3A_634 = arith.select %lt3A_632, %select_n3A_619, %select_n3A_616 : vector<16xi1>, vector<16xi32>
      %lt3A_635 = arith.cmpf olt, %select_n3A_624, %select_n3A_621 : vector<16xf32>
      %select_n3A_636 = arith.select %lt3A_635, %select_n3A_624, %select_n3A_621 : vector<16xi1>, vector<16xf32>
      %select_n3A_637 = arith.select %lt3A_635, %select_n3A_625, %select_n3A_622 : vector<16xi1>, vector<16xi32>
      %lt3A_638 = arith.cmpf olt, %select_n3A_630, %select_n3A_627 : vector<16xf32>
      %select_n3A_639 = arith.select %lt3A_638, %select_n3A_630, %select_n3A_627 : vector<16xi1>, vector<16xf32>
      %select_n3A_640 = arith.select %lt3A_638, %select_n3A_631, %select_n3A_628 : vector<16xi1>, vector<16xi32>
      %lt3A_641 = arith.cmpf olt, %select_n3A_636, %select_n3A_633 : vector<16xf32>
      %select_n3A_642 = arith.select %lt3A_641, %select_n3A_636, %select_n3A_633 : vector<16xi1>, vector<16xf32>
      %select_n3A_643 = arith.select %lt3A_641, %select_n3A_637, %select_n3A_634 : vector<16xi1>, vector<16xi32>
      %lt3A_644 = arith.cmpf olt, %select_n3A_642, %select_n3A_639 : vector<16xf32>
      %select_n3A_645 = arith.select %lt3A_644, %select_n3A_642, %select_n3A_639 : vector<16xi1>, vector<16xf32>
      %select_n3A_646 = arith.select %lt3A_644, %select_n3A_643, %select_n3A_640 : vector<16xi1>, vector<16xi32>
      tpu.vector_store_idx %arg12[%select_n3A_532, %sub3A_536, %broadcast_in_dim3A], %select_n3A_645 : memref<4x20x65xf32, #tpu.memory_space<vmem>>[vector<16xi32>, vector<16xi32>, vector<16xi32>], vector<16xf32>,
      tpu.vector_store_idx %arg13[%select_n3A_532, %sub3A_536, %broadcast_in_dim3A], %select_n3A_646 : memref<4x20x65xi32, #tpu.memory_space<vmem>>[vector<16xi32>, vector<16xi32>, vector<16xi32>], vector<16xi32>,
      %add3A_647 = vector.broadcast %mul3A_10 : i32 to vector<16xi32>
      %add3A_648 = arith.addi %add3A_647, %select_n3A_646 : vector<16xi32>
      tpu.vector_store_idx %arg11[%select_n3A_532, %sub3A_536, %broadcast_in_dim3A], %add3A_648 : memref<4x20x65xi32, #tpu.memory_space<vmem>>[vector<16xi32>, vector<16xi32>, vector<16xi32>], vector<16xi32>,
      %add3A_649 = arith.constant 64 : i32
      %add3A_650 = vector.broadcast %add3A_649 : i32 to vector<16xi32>
      %add3A_651 = arith.addi %iota3A, %add3A_650 : vector<16xi32>
      %jit3A_652 = arith.constant 20 : i32
      %div3A_653 = vector.broadcast %jit3A_652 : i32 to vector<16xi32>
      %div3A_654 = arith.divsi %add3A_651, %div3A_653 : vector<16xi32>
      %sign3A_655 = arith.constant 0 : i32
      %sign3A_656 = vector.broadcast %sign3A_655 : i32 to vector<16xi32>
      %sign3A_657 = arith.cmpi sgt, %add3A_651, %sign3A_656 : vector<16xi32>
      %sign3A_658 = arith.extui %sign3A_657 : vector<16xi1> to vector<16xi32>
      %sign3A_659 = arith.constant 0 : i32
      %sign3A_660 = vector.broadcast %sign3A_659 : i32 to vector<16xi32>
      %sign3A_661 = arith.cmpi slt, %add3A_651, %sign3A_660 : vector<16xi32>
      %sign3A_662 = arith.extui %sign3A_661 : vector<16xi1> to vector<16xi32>
      %sign3A_663 = arith.subi %sign3A_658, %sign3A_662 : vector<16xi32>
      %sign3A_664 = arith.constant 0 : i32
      %sign3A_665 = arith.cmpi sgt, %jit3A_652, %sign3A_664 : i32
      %sign3A_666 = arith.extui %sign3A_665 : i1 to i32
      %sign3A_667 = arith.constant 0 : i32
      %sign3A_668 = arith.cmpi slt, %jit3A_652, %sign3A_667 : i32
      %sign3A_669 = arith.extui %sign3A_668 : i1 to i32
      %sign3A_670 = arith.subi %sign3A_666, %sign3A_669 : i32
      %ne3A_671 = vector.broadcast %sign3A_670 : i32 to vector<16xi32>
      %ne3A_672 = arith.cmpi ne, %sign3A_663, %ne3A_671 : vector<16xi32>
      %rem3A_673 = vector.broadcast %jit3A_652 : i32 to vector<16xi32>
      %rem3A_674 = arith.remsi %add3A_651, %rem3A_673 : vector<16xi32>
      %ne3A_675 = arith.constant 0 : i32
      %ne3A_676 = vector.broadcast %ne3A_675 : i32 to vector<16xi32>
      %ne3A_677 = arith.cmpi ne, %rem3A_674, %ne3A_676 : vector<16xi32>
      %and3A_678 = arith.andi %ne3A_672, %ne3A_677 : vector<16xi1>
      %sub3A_679 = arith.constant 1 : i32
      %sub3A_680 = vector.broadcast %sub3A_679 : i32 to vector<16xi32>
      %sub3A_681 = arith.subi %div3A_654, %sub3A_680 : vector<16xi32>
      %select_n3A_682 = arith.select %and3A_678, %sub3A_681, %div3A_654 : vector<16xi1>, vector<16xi32>
      %mul3A_683 = arith.constant 20 : i32
      %mul3A_684 = vector.broadcast %mul3A_683 : i32 to vector<16xi32>
      %mul3A_685 = arith.muli %select_n3A_682, %mul3A_684 : vector<16xi32>
      %sub3A_686 = arith.subi %add3A_651, %mul3A_685 : vector<16xi32>
      %gather3A_687 = tpu.vector_load_idx %arg8[%select_n3A_682, %sub3A_686, %gather3A] : memref<4x20x65xf32, #tpu.memory_space<vmem>>[vector<16xi32>, vector<16xi32>, vector<16xi32>], vector<16xf32>,
      %sub3A_688 = arith.subf %gather3A_687, %broadcast_in_dim3A_13 : vector<16xf32>
      %abs3A_689 = math.absf %sub3A_688 : vector<16xf32>
      %broadcast_in_dim3A_690 = arith.constant 0 : i32
      %broadcast_in_dim3A_691 = vector.broadcast %broadcast_in_dim3A_690 : i32 to vector<16xi32>
      %sub3A_692 = arith.subf %gather3A_687, %broadcast_in_dim3A_16 : vector<16xf32>
      %abs3A_693 = math.absf %sub3A_692 : vector<16xf32>
      %broadcast_in_dim3A_694 = arith.constant 1 : i32
      %broadcast_in_dim3A_695 = vector.broadcast %broadcast_in_dim3A_694 : i32 to vector<16xi32>
      %sub3A_696 = arith.subf %gather3A_687, %broadcast_in_dim3A_19 : vector<16xf32>
      %abs3A_697 = math.absf %sub3A_696 : vector<16xf32>
      %broadcast_in_dim3A_698 = arith.constant 2 : i32
      %broadcast_in_dim3A_699 = vector.broadcast %broadcast_in_dim3A_698 : i32 to vector<16xi32>
      %sub3A_700 = arith.subf %gather3A_687, %broadcast_in_dim3A_22 : vector<16xf32>
      %abs3A_701 = math.absf %sub3A_700 : vector<16xf32>
      %broadcast_in_dim3A_702 = arith.constant 3 : i32
      %broadcast_in_dim3A_703 = vector.broadcast %broadcast_in_dim3A_702 : i32 to vector<16xi32>
      %sub3A_704 = arith.subf %gather3A_687, %broadcast_in_dim3A_25 : vector<16xf32>
      %abs3A_705 = math.absf %sub3A_704 : vector<16xf32>
      %broadcast_in_dim3A_706 = arith.constant 4 : i32
      %broadcast_in_dim3A_707 = vector.broadcast %broadcast_in_dim3A_706 : i32 to vector<16xi32>
      %sub3A_708 = arith.subf %gather3A_687, %broadcast_in_dim3A_28 : vector<16xf32>
      %abs3A_709 = math.absf %sub3A_708 : vector<16xf32>
      %broadcast_in_dim3A_710 = arith.constant 5 : i32
      %broadcast_in_dim3A_711 = vector.broadcast %broadcast_in_dim3A_710 : i32 to vector<16xi32>
      %sub3A_712 = arith.subf %gather3A_687, %broadcast_in_dim3A_31 : vector<16xf32>
      %abs3A_713 = math.absf %sub3A_712 : vector<16xf32>
      %broadcast_in_dim3A_714 = arith.constant 6 : i32
      %broadcast_in_dim3A_715 = vector.broadcast %broadcast_in_dim3A_714 : i32 to vector<16xi32>
      %sub3A_716 = arith.subf %gather3A_687, %broadcast_in_dim3A_34 : vector<16xf32>
      %abs3A_717 = math.absf %sub3A_716 : vector<16xf32>
      %broadcast_in_dim3A_718 = arith.constant 7 : i32
      %broadcast_in_dim3A_719 = vector.broadcast %broadcast_in_dim3A_718 : i32 to vector<16xi32>
      %sub3A_720 = arith.subf %gather3A_687, %broadcast_in_dim3A_37 : vector<16xf32>
      %abs3A_721 = math.absf %sub3A_720 : vector<16xf32>
      %broadcast_in_dim3A_722 = arith.constant 8 : i32
      %broadcast_in_dim3A_723 = vector.broadcast %broadcast_in_dim3A_722 : i32 to vector<16xi32>
      %sub3A_724 = arith.subf %gather3A_687, %broadcast_in_dim3A_40 : vector<16xf32>
      %abs3A_725 = math.absf %sub3A_724 : vector<16xf32>
      %broadcast_in_dim3A_726 = arith.constant 9 : i32
      %broadcast_in_dim3A_727 = vector.broadcast %broadcast_in_dim3A_726 : i32 to vector<16xi32>
      %sub3A_728 = arith.subf %gather3A_687, %broadcast_in_dim3A_43 : vector<16xf32>
      %abs3A_729 = math.absf %sub3A_728 : vector<16xf32>
      %broadcast_in_dim3A_730 = arith.constant 10 : i32
      %broadcast_in_dim3A_731 = vector.broadcast %broadcast_in_dim3A_730 : i32 to vector<16xi32>
      %sub3A_732 = arith.subf %gather3A_687, %broadcast_in_dim3A_46 : vector<16xf32>
      %abs3A_733 = math.absf %sub3A_732 : vector<16xf32>
      %broadcast_in_dim3A_734 = arith.constant 11 : i32
      %broadcast_in_dim3A_735 = vector.broadcast %broadcast_in_dim3A_734 : i32 to vector<16xi32>
      %sub3A_736 = arith.subf %gather3A_687, %broadcast_in_dim3A_49 : vector<16xf32>
      %abs3A_737 = math.absf %sub3A_736 : vector<16xf32>
      %broadcast_in_dim3A_738 = arith.constant 12 : i32
      %broadcast_in_dim3A_739 = vector.broadcast %broadcast_in_dim3A_738 : i32 to vector<16xi32>
      %sub3A_740 = arith.subf %gather3A_687, %broadcast_in_dim3A_52 : vector<16xf32>
      %abs3A_741 = math.absf %sub3A_740 : vector<16xf32>
      %broadcast_in_dim3A_742 = arith.constant 13 : i32
      %broadcast_in_dim3A_743 = vector.broadcast %broadcast_in_dim3A_742 : i32 to vector<16xi32>
      %sub3A_744 = arith.subf %gather3A_687, %broadcast_in_dim3A_55 : vector<16xf32>
      %abs3A_745 = math.absf %sub3A_744 : vector<16xf32>
      %broadcast_in_dim3A_746 = arith.constant 14 : i32
      %broadcast_in_dim3A_747 = vector.broadcast %broadcast_in_dim3A_746 : i32 to vector<16xi32>
      %sub3A_748 = arith.subf %gather3A_687, %broadcast_in_dim3A_58 : vector<16xf32>
      %abs3A_749 = math.absf %sub3A_748 : vector<16xf32>
      %broadcast_in_dim3A_750 = arith.constant 15 : i32
      %broadcast_in_dim3A_751 = vector.broadcast %broadcast_in_dim3A_750 : i32 to vector<16xi32>
      %lt3A_752 = arith.cmpf olt, %abs3A_693, %abs3A_689 : vector<16xf32>
      %select_n3A_753 = arith.select %lt3A_752, %abs3A_693, %abs3A_689 : vector<16xi1>, vector<16xf32>
      %select_n3A_754 = arith.select %lt3A_752, %broadcast_in_dim3A_695, %broadcast_in_dim3A_691 : vector<16xi1>, vector<16xi32>
      %lt3A_755 = arith.cmpf olt, %abs3A_701, %abs3A_697 : vector<16xf32>
      %select_n3A_756 = arith.select %lt3A_755, %abs3A_701, %abs3A_697 : vector<16xi1>, vector<16xf32>
      %select_n3A_757 = arith.select %lt3A_755, %broadcast_in_dim3A_703, %broadcast_in_dim3A_699 : vector<16xi1>, vector<16xi32>
      %lt3A_758 = arith.cmpf olt, %abs3A_709, %abs3A_705 : vector<16xf32>
      %select_n3A_759 = arith.select %lt3A_758, %abs3A_709, %abs3A_705 : vector<16xi1>, vector<16xf32>
      %select_n3A_760 = arith.select %lt3A_758, %broadcast_in_dim3A_711, %broadcast_in_dim3A_707 : vector<16xi1>, vector<16xi32>
      %lt3A_761 = arith.cmpf olt, %abs3A_717, %abs3A_713 : vector<16xf32>
      %select_n3A_762 = arith.select %lt3A_761, %abs3A_717, %abs3A_713 : vector<16xi1>, vector<16xf32>
      %select_n3A_763 = arith.select %lt3A_761, %broadcast_in_dim3A_719, %broadcast_in_dim3A_715 : vector<16xi1>, vector<16xi32>
      %lt3A_764 = arith.cmpf olt, %abs3A_725, %abs3A_721 : vector<16xf32>
      %select_n3A_765 = arith.select %lt3A_764, %abs3A_725, %abs3A_721 : vector<16xi1>, vector<16xf32>
      %select_n3A_766 = arith.select %lt3A_764, %broadcast_in_dim3A_727, %broadcast_in_dim3A_723 : vector<16xi1>, vector<16xi32>
      %lt3A_767 = arith.cmpf olt, %abs3A_733, %abs3A_729 : vector<16xf32>
      %select_n3A_768 = arith.select %lt3A_767, %abs3A_733, %abs3A_729 : vector<16xi1>, vector<16xf32>
      %select_n3A_769 = arith.select %lt3A_767, %broadcast_in_dim3A_735, %broadcast_in_dim3A_731 : vector<16xi1>, vector<16xi32>
      %lt3A_770 = arith.cmpf olt, %abs3A_741, %abs3A_737 : vector<16xf32>
      %select_n3A_771 = arith.select %lt3A_770, %abs3A_741, %abs3A_737 : vector<16xi1>, vector<16xf32>
      %select_n3A_772 = arith.select %lt3A_770, %broadcast_in_dim3A_743, %broadcast_in_dim3A_739 : vector<16xi1>, vector<16xi32>
      %lt3A_773 = arith.cmpf olt, %abs3A_749, %abs3A_745 : vector<16xf32>
      %select_n3A_774 = arith.select %lt3A_773, %abs3A_749, %abs3A_745 : vector<16xi1>, vector<16xf32>
      %select_n3A_775 = arith.select %lt3A_773, %broadcast_in_dim3A_751, %broadcast_in_dim3A_747 : vector<16xi1>, vector<16xi32>
      %lt3A_776 = arith.cmpf olt, %select_n3A_756, %select_n3A_753 : vector<16xf32>
      %select_n3A_777 = arith.select %lt3A_776, %select_n3A_756, %select_n3A_753 : vector<16xi1>, vector<16xf32>
      %select_n3A_778 = arith.select %lt3A_776, %select_n3A_757, %select_n3A_754 : vector<16xi1>, vector<16xi32>
      %lt3A_779 = arith.cmpf olt, %select_n3A_762, %select_n3A_759 : vector<16xf32>
      %select_n3A_780 = arith.select %lt3A_779, %select_n3A_762, %select_n3A_759 : vector<16xi1>, vector<16xf32>
      %select_n3A_781 = arith.select %lt3A_779, %select_n3A_763, %select_n3A_760 : vector<16xi1>, vector<16xi32>
      %lt3A_782 = arith.cmpf olt, %select_n3A_768, %select_n3A_765 : vector<16xf32>
      %select_n3A_783 = arith.select %lt3A_782, %select_n3A_768, %select_n3A_765 : vector<16xi1>, vector<16xf32>
      %select_n3A_784 = arith.select %lt3A_782, %select_n3A_769, %select_n3A_766 : vector<16xi1>, vector<16xi32>
      %lt3A_785 = arith.cmpf olt, %select_n3A_774, %select_n3A_771 : vector<16xf32>
      %select_n3A_786 = arith.select %lt3A_785, %select_n3A_774, %select_n3A_771 : vector<16xi1>, vector<16xf32>
      %select_n3A_787 = arith.select %lt3A_785, %select_n3A_775, %select_n3A_772 : vector<16xi1>, vector<16xi32>
      %lt3A_788 = arith.cmpf olt, %select_n3A_780, %select_n3A_777 : vector<16xf32>
      %select_n3A_789 = arith.select %lt3A_788, %select_n3A_780, %select_n3A_777 : vector<16xi1>, vector<16xf32>
      %select_n3A_790 = arith.select %lt3A_788, %select_n3A_781, %select_n3A_778 : vector<16xi1>, vector<16xi32>
      %lt3A_791 = arith.cmpf olt, %select_n3A_786, %select_n3A_783 : vector<16xf32>
      %select_n3A_792 = arith.select %lt3A_791, %select_n3A_786, %select_n3A_783 : vector<16xi1>, vector<16xf32>
      %select_n3A_793 = arith.select %lt3A_791, %select_n3A_787, %select_n3A_784 : vector<16xi1>, vector<16xi32>
      %lt3A_794 = arith.cmpf olt, %select_n3A_792, %select_n3A_789 : vector<16xf32>
      %select_n3A_795 = arith.select %lt3A_794, %select_n3A_792, %select_n3A_789 : vector<16xi1>, vector<16xf32>
      %select_n3A_796 = arith.select %lt3A_794, %select_n3A_793, %select_n3A_790 : vector<16xi1>, vector<16xi32>
      tpu.vector_store_idx %arg12[%select_n3A_682, %sub3A_686, %broadcast_in_dim3A], %select_n3A_795 : memref<4x20x65xf32, #tpu.memory_space<vmem>>[vector<16xi32>, vector<16xi32>, vector<16xi32>], vector<16xf32>,
      tpu.vector_store_idx %arg13[%select_n3A_682, %sub3A_686, %broadcast_in_dim3A], %select_n3A_796 : memref<4x20x65xi32, #tpu.memory_space<vmem>>[vector<16xi32>, vector<16xi32>, vector<16xi32>], vector<16xi32>,
      %add3A_797 = vector.broadcast %mul3A_10 : i32 to vector<16xi32>
      %add3A_798 = arith.addi %add3A_797, %select_n3A_796 : vector<16xi32>
      tpu.vector_store_idx %arg11[%select_n3A_682, %sub3A_686, %broadcast_in_dim3A], %add3A_798 : memref<4x20x65xi32, #tpu.memory_space<vmem>>[vector<16xi32>, vector<16xi32>, vector<16xi32>], vector<16xi32>,
    }
    %scan3A_7 = arith.constant 64 : i32
    "tpu.trace_stop"() : () -> ()
    "tpu.trace_start"() <{level = 10 : i32, message = "a_out"}> : () -> ()
    "tpu.region"() ({
      %run_scoped3A = tpu.sem_alloc : memref<!tpu.dma_semaphore, #tpu.memory_space<semaphore_mem>>
      %dma_start3A = arith.constant 0 : i32
      %dma_start3A_8 = arith.constant 0 : i32
      %dma_start3A_9 = arith.constant 0 : i32
      %dma_start3A_10 = tpu.memref_slice %arg11[%dma_start3A, %dma_start3A_8, %dma_start3A_9] : memref<4x20x65xi32, #tpu.memory_space<vmem>> -> memref<4x20x64xi32, #tpu.memory_space<vmem>>
      %dma_start3A_11 = arith.constant 0 : i32
      %dma_start3A_12 = tpu.memref_slice %arg5[%mul3A_0, %dma_start3A_11, %mul3A_2] : memref<8x20x1024xi32, #tpu.memory_space<hbm>> -> memref<4x20x64xi32, #tpu.memory_space<hbm>>
      %dma_start3A_13 = arith.constant 0 : i32
      %dma_start3A_14 = tpu.memref_slice %arg5[%mul3A_0, %dma_start3A_13, %mul3A_2] : memref<8x20x1024xi32, #tpu.memory_space<hbm>> -> memref<4x20x64xi32, #tpu.memory_space<hbm>>
      %dma_start3A_15 = arith.constant 0 : i32
      %dma_start3A_16 = arith.constant 0 : i32
      %dma_start3A_17 = arith.constant 0 : i32
      %dma_start3A_18 = tpu.memref_slice %arg11[%dma_start3A_15, %dma_start3A_16, %dma_start3A_17] : memref<4x20x65xi32, #tpu.memory_space<vmem>> -> memref<4x20x64xi32, #tpu.memory_space<vmem>>
      tpu.enqueue_dma source(%dma_start3A_18 : memref<4x20x64xi32, #tpu.memory_space<vmem>>) target(%dma_start3A_14 : memref<4x20x64xi32, #tpu.memory_space<hbm>>) target_semaphore(%run_scoped3A : memref<!tpu.dma_semaphore, #tpu.memory_space<semaphore_mem>>)
      %dma_wait3A = arith.constant 0 : i32
      %dma_wait3A_19 = arith.constant 0 : i32
      %dma_wait3A_20 = arith.constant 0 : i32
      %dma_wait3A_21 = tpu.memref_slice %arg11[%dma_wait3A, %dma_wait3A_19, %dma_wait3A_20] : memref<4x20x65xi32, #tpu.memory_space<vmem>> -> memref<4x20x64xi32, #tpu.memory_space<vmem>>
      %dma_wait3A_22 = arith.constant 0 : i32
      %dma_wait3A_23 = tpu.memref_slice %arg5[%mul3A_0, %dma_wait3A_22, %mul3A_2] : memref<8x20x1024xi32, #tpu.memory_space<hbm>> -> memref<4x20x64xi32, #tpu.memory_space<hbm>>
      %dma_wait3A_24 = arith.constant 0 : i32
      %dma_wait3A_25 = tpu.memref_slice %arg5[%mul3A_0, %dma_wait3A_24, %mul3A_2] : memref<8x20x1024xi32, #tpu.memory_space<hbm>> -> memref<4x20x64xi32, #tpu.memory_space<hbm>>
      %dma_wait3A_26 = arith.constant 0 : i32
      %dma_wait3A_27 = arith.constant 0 : i32
      %dma_wait3A_28 = arith.constant 0 : i32
      %dma_wait3A_29 = tpu.memref_slice %arg11[%dma_wait3A_26, %dma_wait3A_27, %dma_wait3A_28] : memref<4x20x65xi32, #tpu.memory_space<vmem>> -> memref<4x20x64xi32, #tpu.memory_space<vmem>>
      tpu.wait_dma2 semaphore(%run_scoped3A : memref<!tpu.dma_semaphore, #tpu.memory_space<semaphore_mem>>) src(%dma_wait3A_29 : memref<4x20x64xi32, #tpu.memory_space<vmem>>) dst(%dma_wait3A_25 : memref<4x20x64xi32, #tpu.memory_space<hbm>>)
      tpu.yield
    }) : () -> ()
    "tpu.region"() ({
      %run_scoped3A = tpu.sem_alloc : memref<!tpu.dma_semaphore, #tpu.memory_space<semaphore_mem>>
      %dma_start3A = arith.constant 0 : i32
      %dma_start3A_8 = arith.constant 0 : i32
      %dma_start3A_9 = arith.constant 0 : i32
      %dma_start3A_10 = tpu.memref_slice %arg12[%dma_start3A, %dma_start3A_8, %dma_start3A_9] : memref<4x20x65xf32, #tpu.memory_space<vmem>> -> memref<4x20x64xf32, #tpu.memory_space<vmem>>
      %dma_start3A_11 = arith.constant 0 : i32
      %dma_start3A_12 = tpu.memref_slice %arg6[%mul3A_0, %dma_start3A_11, %mul3A_2] : memref<8x20x1024xf32, #tpu.memory_space<hbm>> -> memref<4x20x64xf32, #tpu.memory_space<hbm>>
      %dma_start3A_13 = arith.constant 0 : i32
      %dma_start3A_14 = tpu.memref_slice %arg6[%mul3A_0, %dma_start3A_13, %mul3A_2] : memref<8x20x1024xf32, #tpu.memory_space<hbm>> -> memref<4x20x64xf32, #tpu.memory_space<hbm>>
      %dma_start3A_15 = arith.constant 0 : i32
      %dma_start3A_16 = arith.constant 0 : i32
      %dma_start3A_17 = arith.constant 0 : i32
      %dma_start3A_18 = tpu.memref_slice %arg12[%dma_start3A_15, %dma_start3A_16, %dma_start3A_17] : memref<4x20x65xf32, #tpu.memory_space<vmem>> -> memref<4x20x64xf32, #tpu.memory_space<vmem>>
      tpu.enqueue_dma source(%dma_start3A_18 : memref<4x20x64xf32, #tpu.memory_space<vmem>>) target(%dma_start3A_14 : memref<4x20x64xf32, #tpu.memory_space<hbm>>) target_semaphore(%run_scoped3A : memref<!tpu.dma_semaphore, #tpu.memory_space<semaphore_mem>>)
      %dma_wait3A = arith.constant 0 : i32
      %dma_wait3A_19 = arith.constant 0 : i32
      %dma_wait3A_20 = arith.constant 0 : i32
      %dma_wait3A_21 = tpu.memref_slice %arg12[%dma_wait3A, %dma_wait3A_19, %dma_wait3A_20] : memref<4x20x65xf32, #tpu.memory_space<vmem>> -> memref<4x20x64xf32, #tpu.memory_space<vmem>>
      %dma_wait3A_22 = arith.constant 0 : i32
      %dma_wait3A_23 = tpu.memref_slice %arg6[%mul3A_0, %dma_wait3A_22, %mul3A_2] : memref<8x20x1024xf32, #tpu.memory_space<hbm>> -> memref<4x20x64xf32, #tpu.memory_space<hbm>>
      %dma_wait3A_24 = arith.constant 0 : i32
      %dma_wait3A_25 = tpu.memref_slice %arg6[%mul3A_0, %dma_wait3A_24, %mul3A_2] : memref<8x20x1024xf32, #tpu.memory_space<hbm>> -> memref<4x20x64xf32, #tpu.memory_space<hbm>>
      %dma_wait3A_26 = arith.constant 0 : i32
      %dma_wait3A_27 = arith.constant 0 : i32
      %dma_wait3A_28 = arith.constant 0 : i32
      %dma_wait3A_29 = tpu.memref_slice %arg12[%dma_wait3A_26, %dma_wait3A_27, %dma_wait3A_28] : memref<4x20x65xf32, #tpu.memory_space<vmem>> -> memref<4x20x64xf32, #tpu.memory_space<vmem>>
      tpu.wait_dma2 semaphore(%run_scoped3A : memref<!tpu.dma_semaphore, #tpu.memory_space<semaphore_mem>>) src(%dma_wait3A_29 : memref<4x20x64xf32, #tpu.memory_space<vmem>>) dst(%dma_wait3A_25 : memref<4x20x64xf32, #tpu.memory_space<hbm>>)
      tpu.yield
    }) : () -> ()
    "tpu.region"() ({
      %run_scoped3A = tpu.sem_alloc : memref<!tpu.dma_semaphore, #tpu.memory_space<semaphore_mem>>
      %dma_start3A = arith.constant 0 : i32
      %dma_start3A_8 = arith.constant 0 : i32
      %dma_start3A_9 = arith.constant 0 : i32
      %dma_start3A_10 = tpu.memref_slice %arg13[%dma_start3A, %dma_start3A_8, %dma_start3A_9] : memref<4x20x65xi32, #tpu.memory_space<vmem>> -> memref<4x20x64xi32, #tpu.memory_space<vmem>>
      %dma_start3A_11 = arith.constant 0 : i32
      %dma_start3A_12 = tpu.memref_slice %arg7[%mul3A_0, %dma_start3A_11, %mul3A_2] : memref<8x20x1024xi32, #tpu.memory_space<hbm>> -> memref<4x20x64xi32, #tpu.memory_space<hbm>>
      %dma_start3A_13 = arith.constant 0 : i32
      %dma_start3A_14 = tpu.memref_slice %arg7[%mul3A_0, %dma_start3A_13, %mul3A_2] : memref<8x20x1024xi32, #tpu.memory_space<hbm>> -> memref<4x20x64xi32, #tpu.memory_space<hbm>>
      %dma_start3A_15 = arith.constant 0 : i32
      %dma_start3A_16 = arith.constant 0 : i32
      %dma_start3A_17 = arith.constant 0 : i32
      %dma_start3A_18 = tpu.memref_slice %arg13[%dma_start3A_15, %dma_start3A_16, %dma_start3A_17] : memref<4x20x65xi32, #tpu.memory_space<vmem>> -> memref<4x20x64xi32, #tpu.memory_space<vmem>>
      tpu.enqueue_dma source(%dma_start3A_18 : memref<4x20x64xi32, #tpu.memory_space<vmem>>) target(%dma_start3A_14 : memref<4x20x64xi32, #tpu.memory_space<hbm>>) target_semaphore(%run_scoped3A : memref<!tpu.dma_semaphore, #tpu.memory_space<semaphore_mem>>)
      %dma_wait3A = arith.constant 0 : i32
      %dma_wait3A_19 = arith.constant 0 : i32
      %dma_wait3A_20 = arith.constant 0 : i32
      %dma_wait3A_21 = tpu.memref_slice %arg13[%dma_wait3A, %dma_wait3A_19, %dma_wait3A_20] : memref<4x20x65xi32, #tpu.memory_space<vmem>> -> memref<4x20x64xi32, #tpu.memory_space<vmem>>
      %dma_wait3A_22 = arith.constant 0 : i32
      %dma_wait3A_23 = tpu.memref_slice %arg7[%mul3A_0, %dma_wait3A_22, %mul3A_2] : memref<8x20x1024xi32, #tpu.memory_space<hbm>> -> memref<4x20x64xi32, #tpu.memory_space<hbm>>
      %dma_wait3A_24 = arith.constant 0 : i32
      %dma_wait3A_25 = tpu.memref_slice %arg7[%mul3A_0, %dma_wait3A_24, %mul3A_2] : memref<8x20x1024xi32, #tpu.memory_space<hbm>> -> memref<4x20x64xi32, #tpu.memory_space<hbm>>
      %dma_wait3A_26 = arith.constant 0 : i32
      %dma_wait3A_27 = arith.constant 0 : i32
      %dma_wait3A_28 = arith.constant 0 : i32
      %dma_wait3A_29 = tpu.memref_slice %arg13[%dma_wait3A_26, %dma_wait3A_27, %dma_wait3A_28] : memref<4x20x65xi32, #tpu.memory_space<vmem>> -> memref<4x20x64xi32, #tpu.memory_space<vmem>>
      tpu.wait_dma2 semaphore(%run_scoped3A : memref<!tpu.dma_semaphore, #tpu.memory_space<semaphore_mem>>) src(%dma_wait3A_29 : memref<4x20x64xi32, #tpu.memory_space<vmem>>) dst(%dma_wait3A_25 : memref<4x20x64xi32, #tpu.memory_space<hbm>>)
      tpu.yield
    }) : () -> ()
    "tpu.trace_stop"() : () -> ()
    return
  }
}

#map = affine_map<(d0, d1) -> (0, 0)>
#map1 = affine_map<(d0, d1) -> (0, 0, 0)>
module attributes {stable_mosaic.version = 14 : i64} {
  func.func @_body_b(%arg0: i32, %arg1: i32, %arg2: memref<16384x64xf32, #tpu.memory_space<hbm>>, %arg3: memref<8x20x1024xf32, #tpu.memory_space<hbm>>, %arg4: memref<8x20x1024xi32, #tpu.memory_space<hbm>>, %arg5: memref<8x20x64xf32, #tpu.memory_space<hbm>>, %arg6: memref<1024x64xf32, #tpu.memory_space<vmem>>, %arg7: memref<4x20x64xf32, #tpu.memory_space<vmem>>, %arg8: memref<4x20x64xi32, #tpu.memory_space<vmem>>, %arg9: memref<80x64xf32, #tpu.memory_space<vmem>>, %arg10: memref<80xi32, #tpu.memory_space<vmem>>, %arg11: memref<80x64xf32, #tpu.memory_space<vmem_shared>>, %arg12: memref<!tpu.dma_semaphore, #tpu.memory_space<semaphore_mem>>) attributes {dimension_semantics = [#tpu.dimension_semantics<core_parallel>, #tpu.dimension_semantics<subcore_parallel>], iteration_bounds = array<i64: 2, 16>, scalar_prefetch = 0 : i64, scratch_operands = 7 : i64, tpu.core_type = #tpu.core_type<sc_vector_subcore>, window_params = [{transform_indices = #map}, {transform_indices = #map1}, {transform_indices = #map1}, {transform_indices = #map1}]} {
    %mul3A = arith.constant 4 : i32
    %mul3A_0 = arith.muli %arg0, %mul3A : i32
    %mul3A_1 = arith.constant 64 : i32
    %mul3A_2 = arith.muli %arg1, %mul3A_1 : i32
    "tpu.trace_start"() <{level = 10 : i32, message = "b_in"}> : () -> ()
    %mul3A_3 = arith.constant 16 : i32
    %mul3A_4 = arith.muli %mul3A_2, %mul3A_3 : i32
    %dma_start3A = arith.constant 0 : i32
    %dma_start3A_5 = tpu.memref_slice %arg2[%mul3A_4, %dma_start3A] : memref<16384x64xf32, #tpu.memory_space<hbm>> -> memref<1024x64xf32, #tpu.memory_space<hbm>>
    %dma_start3A_6 = arith.constant 0 : i32
    %dma_start3A_7 = tpu.memref_slice %arg2[%mul3A_4, %dma_start3A_6] : memref<16384x64xf32, #tpu.memory_space<hbm>> -> memref<1024x64xf32, #tpu.memory_space<hbm>>
    tpu.enqueue_dma source(%dma_start3A_7 : memref<1024x64xf32, #tpu.memory_space<hbm>>) target(%arg6 : memref<1024x64xf32, #tpu.memory_space<vmem>>) target_semaphore(%arg12 : memref<!tpu.dma_semaphore, #tpu.memory_space<semaphore_mem>>)
    %dma_start3A_8 = arith.constant 0 : i32
    %dma_start3A_9 = tpu.memref_slice %arg3[%mul3A_0, %dma_start3A_8, %mul3A_2] : memref<8x20x1024xf32, #tpu.memory_space<hbm>> -> memref<4x20x64xf32, #tpu.memory_space<hbm>>
    %dma_start3A_10 = arith.constant 0 : i32
    %dma_start3A_11 = tpu.memref_slice %arg3[%mul3A_0, %dma_start3A_10, %mul3A_2] : memref<8x20x1024xf32, #tpu.memory_space<hbm>> -> memref<4x20x64xf32, #tpu.memory_space<hbm>>
    tpu.enqueue_dma source(%dma_start3A_11 : memref<4x20x64xf32, #tpu.memory_space<hbm>>) target(%arg7 : memref<4x20x64xf32, #tpu.memory_space<vmem>>) target_semaphore(%arg12 : memref<!tpu.dma_semaphore, #tpu.memory_space<semaphore_mem>>)
    %dma_start3A_12 = arith.constant 0 : i32
    %dma_start3A_13 = tpu.memref_slice %arg4[%mul3A_0, %dma_start3A_12, %mul3A_2] : memref<8x20x1024xi32, #tpu.memory_space<hbm>> -> memref<4x20x64xi32, #tpu.memory_space<hbm>>
    %dma_start3A_14 = arith.constant 0 : i32
    %dma_start3A_15 = tpu.memref_slice %arg4[%mul3A_0, %dma_start3A_14, %mul3A_2] : memref<8x20x1024xi32, #tpu.memory_space<hbm>> -> memref<4x20x64xi32, #tpu.memory_space<hbm>>
    tpu.enqueue_dma source(%dma_start3A_15 : memref<4x20x64xi32, #tpu.memory_space<hbm>>) target(%arg8 : memref<4x20x64xi32, #tpu.memory_space<vmem>>) target_semaphore(%arg12 : memref<!tpu.dma_semaphore, #tpu.memory_space<semaphore_mem>>)
    %dma_wait3A = arith.constant 0 : i32
    %dma_wait3A_16 = tpu.memref_slice %arg2[%mul3A_4, %dma_wait3A] : memref<16384x64xf32, #tpu.memory_space<hbm>> -> memref<1024x64xf32, #tpu.memory_space<hbm>>
    %dma_wait3A_17 = arith.constant 0 : i32
    %dma_wait3A_18 = tpu.memref_slice %arg2[%mul3A_4, %dma_wait3A_17] : memref<16384x64xf32, #tpu.memory_space<hbm>> -> memref<1024x64xf32, #tpu.memory_space<hbm>>
    tpu.wait_dma2 semaphore(%arg12 : memref<!tpu.dma_semaphore, #tpu.memory_space<semaphore_mem>>) src(%dma_wait3A_18 : memref<1024x64xf32, #tpu.memory_space<hbm>>) dst(%arg6 : memref<1024x64xf32, #tpu.memory_space<vmem>>)
    %dma_wait3A_19 = arith.constant 0 : i32
    %dma_wait3A_20 = tpu.memref_slice %arg3[%mul3A_0, %dma_wait3A_19, %mul3A_2] : memref<8x20x1024xf32, #tpu.memory_space<hbm>> -> memref<4x20x64xf32, #tpu.memory_space<hbm>>
    %dma_wait3A_21 = arith.constant 0 : i32
    %dma_wait3A_22 = tpu.memref_slice %arg3[%mul3A_0, %dma_wait3A_21, %mul3A_2] : memref<8x20x1024xf32, #tpu.memory_space<hbm>> -> memref<4x20x64xf32, #tpu.memory_space<hbm>>
    tpu.wait_dma2 semaphore(%arg12 : memref<!tpu.dma_semaphore, #tpu.memory_space<semaphore_mem>>) src(%dma_wait3A_22 : memref<4x20x64xf32, #tpu.memory_space<hbm>>) dst(%arg7 : memref<4x20x64xf32, #tpu.memory_space<vmem>>)
    %dma_wait3A_23 = arith.constant 0 : i32
    %dma_wait3A_24 = tpu.memref_slice %arg4[%mul3A_0, %dma_wait3A_23, %mul3A_2] : memref<8x20x1024xi32, #tpu.memory_space<hbm>> -> memref<4x20x64xi32, #tpu.memory_space<hbm>>
    %dma_wait3A_25 = arith.constant 0 : i32
    %dma_wait3A_26 = tpu.memref_slice %arg4[%mul3A_0, %dma_wait3A_25, %mul3A_2] : memref<8x20x1024xi32, #tpu.memory_space<hbm>> -> memref<4x20x64xi32, #tpu.memory_space<hbm>>
    tpu.wait_dma2 semaphore(%arg12 : memref<!tpu.dma_semaphore, #tpu.memory_space<semaphore_mem>>) src(%dma_wait3A_26 : memref<4x20x64xi32, #tpu.memory_space<hbm>>) dst(%arg8 : memref<4x20x64xi32, #tpu.memory_space<vmem>>)
    "tpu.trace_stop"() : () -> ()
    %iota3A = tpu.iota {dimensions = array<i32: 0>} : vector<16xi32>
    %add3A = arith.constant 0 : i32
    %add3A_27 = vector.broadcast %add3A : i32 to vector<16xi32>
    %add3A_28 = arith.addi %iota3A, %add3A_27 : vector<16xi32>
    %swap3A = arith.constant 0 : index
    %swap3A_29 = tpu.vector_load %arg10[%swap3A] {strides = array<i32>} : memref<80xi32, #tpu.memory_space<vmem>>, vector<16xi32>,
    tpu.vector_store %arg10[%swap3A], %add3A_28 {strides = array<i32>} : memref<80xi32, #tpu.memory_space<vmem>>, vector<16xi32>,
    %add3A_30 = arith.constant 16 : i32
    %add3A_31 = vector.broadcast %add3A_30 : i32 to vector<16xi32>
    %add3A_32 = arith.addi %iota3A, %add3A_31 : vector<16xi32>
    %swap3A_33 = arith.constant 16 : index
    %swap3A_34 = tpu.vector_load %arg10[%swap3A_33] {strides = array<i32>} : memref<80xi32, #tpu.memory_space<vmem>>, vector<16xi32>,
    tpu.vector_store %arg10[%swap3A_33], %add3A_32 {strides = array<i32>} : memref<80xi32, #tpu.memory_space<vmem>>, vector<16xi32>,
    %add3A_35 = arith.constant 32 : i32
    %add3A_36 = vector.broadcast %add3A_35 : i32 to vector<16xi32>
    %add3A_37 = arith.addi %iota3A, %add3A_36 : vector<16xi32>
    %swap3A_38 = arith.constant 32 : index
    %swap3A_39 = tpu.vector_load %arg10[%swap3A_38] {strides = array<i32>} : memref<80xi32, #tpu.memory_space<vmem>>, vector<16xi32>,
    tpu.vector_store %arg10[%swap3A_38], %add3A_37 {strides = array<i32>} : memref<80xi32, #tpu.memory_space<vmem>>, vector<16xi32>,
    %add3A_40 = arith.constant 48 : i32
    %add3A_41 = vector.broadcast %add3A_40 : i32 to vector<16xi32>
    %add3A_42 = arith.addi %iota3A, %add3A_41 : vector<16xi32>
    %swap3A_43 = arith.constant 48 : index
    %swap3A_44 = tpu.vector_load %arg10[%swap3A_43] {strides = array<i32>} : memref<80xi32, #tpu.memory_space<vmem>>, vector<16xi32>,
    tpu.vector_store %arg10[%swap3A_43], %add3A_42 {strides = array<i32>} : memref<80xi32, #tpu.memory_space<vmem>>, vector<16xi32>,
    %add3A_45 = arith.constant 64 : i32
    %add3A_46 = vector.broadcast %add3A_45 : i32 to vector<16xi32>
    %add3A_47 = arith.addi %iota3A, %add3A_46 : vector<16xi32>
    %swap3A_48 = arith.constant 64 : index
    %swap3A_49 = tpu.vector_load %arg10[%swap3A_48] {strides = array<i32>} : memref<80xi32, #tpu.memory_space<vmem>>, vector<16xi32>,
    tpu.vector_store %arg10[%swap3A_48], %add3A_47 {strides = array<i32>} : memref<80xi32, #tpu.memory_space<vmem>>, vector<16xi32>,
    %broadcast_in_dim3A = arith.constant 0.000000e+00 : f32
    %broadcast_in_dim3A_50 = vector.broadcast %broadcast_in_dim3A : f32 to vector<16xf32>
    "tpu.trace_start"() <{level = 10 : i32, message = "phase2"}> : () -> ()
    %scan3A = arith.constant 0 : i32
    %scan3A_51 = arith.constant 0 : i32
    %scan3A_52 = arith.constant 80 : i32
    %scan3A_53 = arith.addi %scan3A_51, %scan3A_52 : i32
    %scan3A_54 = arith.constant 1 : i32
    scf.for %scan3A_69 = %scan3A_51 to %scan3A_53 step %scan3A_54  : i32 {
      %jit3A = arith.constant 20 : i32
      %div3A = arith.divsi %scan3A_69, %jit3A : i32
      %sign3A = arith.constant 0 : i32
      %sign3A_70 = arith.cmpi sgt, %scan3A_69, %sign3A : i32
      %sign3A_71 = arith.extui %sign3A_70 : i1 to i32
      %sign3A_72 = arith.constant 0 : i32
      %sign3A_73 = arith.cmpi slt, %scan3A_69, %sign3A_72 : i32
      %sign3A_74 = arith.extui %sign3A_73 : i1 to i32
      %sign3A_75 = arith.subi %sign3A_71, %sign3A_74 : i32
      %sign3A_76 = arith.constant 0 : i32
      %sign3A_77 = arith.cmpi sgt, %jit3A, %sign3A_76 : i32
      %sign3A_78 = arith.extui %sign3A_77 : i1 to i32
      %sign3A_79 = arith.constant 0 : i32
      %sign3A_80 = arith.cmpi slt, %jit3A, %sign3A_79 : i32
      %sign3A_81 = arith.extui %sign3A_80 : i1 to i32
      %sign3A_82 = arith.subi %sign3A_78, %sign3A_81 : i32
      %ne3A_83 = arith.cmpi ne, %sign3A_75, %sign3A_82 : i32
      %rem3A = arith.remsi %scan3A_69, %jit3A : i32
      %ne3A_84 = arith.constant 0 : i32
      %ne3A_85 = arith.cmpi ne, %rem3A, %ne3A_84 : i32
      %and3A = arith.andi %ne3A_83, %ne3A_85 : i1
      %sub3A = arith.constant 1 : i32
      %sub3A_86 = arith.subi %div3A, %sub3A : i32
      %select_n3A = arith.select %and3A, %sub3A_86, %div3A : i32
      %mul3A_87 = arith.constant 20 : i32
      %mul3A_88 = arith.muli %select_n3A, %mul3A_87 : i32
      %sub3A_89 = arith.subi %scan3A_69, %mul3A_88 : i32
      %get3A = arith.index_cast %select_n3A : i32 to index
      %get3A_90 = arith.index_cast %sub3A_89 : i32 to index
      %get3A_91 = arith.constant 0 : index
      %get3A_92 = tpu.vector_load %arg8[%get3A, %get3A_90, %get3A_91] {strides = array<i32>} : memref<4x20x64xi32, #tpu.memory_space<vmem>>, vector<16xi32>,
      %get3A_93 = arith.index_cast %select_n3A : i32 to index
      %get3A_94 = arith.index_cast %sub3A_89 : i32 to index
      %get3A_95 = arith.constant 0 : index
      %get3A_96 = tpu.vector_load %arg7[%get3A_93, %get3A_94, %get3A_95] {strides = array<i32>} : memref<4x20x64xf32, #tpu.memory_space<vmem>>, vector<16xf32>,
      %sub3A_97 = arith.constant 1.000000e+00 : f32
      %sub3A_98 = vector.broadcast %sub3A_97 : f32 to vector<16xf32>
      %sub3A_99 = arith.subf %sub3A_98, %get3A_96 : vector<16xf32>
      %slice3A = vector.extract_strided_slice %get3A_92 {offsets = [0], sizes = [1], strides = [1]} : vector<16xi32> to vector<1xi32>
      %squeeze3A = vector.extract %slice3A[0] : i32 from vector<1xi32>
      %add3A_100 = arith.constant 0 : i32
      %add3A_101 = arith.addi %add3A_100, %squeeze3A : i32
      %slice3A_102 = vector.extract_strided_slice %sub3A_99 {offsets = [0], sizes = [1], strides = [1]} : vector<16xf32> to vector<1xf32>
      %squeeze3A_103 = vector.extract %slice3A_102[0] : f32 from vector<1xf32>
      %get3A_104 = arith.index_cast %add3A_101 : i32 to index
      %get3A_105 = arith.constant 0 : index
      %get3A_106 = tpu.vector_load %arg6[%get3A_104, %get3A_105] {strides = array<i32>} : memref<1024x64xf32, #tpu.memory_space<vmem>>, vector<16xf32>,
      %mul3A_107 = vector.broadcast %squeeze3A_103 : f32 to vector<16xf32>
      %mul3A_108 = arith.mulf %mul3A_107, %get3A_106 : vector<16xf32>
      %add3A_109 = arith.addf %broadcast_in_dim3A_50, %mul3A_108 : vector<16xf32>
      %get3A_110 = arith.index_cast %add3A_101 : i32 to index
      %get3A_111 = arith.constant 16 : index
      %get3A_112 = tpu.vector_load %arg6[%get3A_110, %get3A_111] {strides = array<i32>} : memref<1024x64xf32, #tpu.memory_space<vmem>>, vector<16xf32>,
      %mul3A_113 = vector.broadcast %squeeze3A_103 : f32 to vector<16xf32>
      %mul3A_114 = arith.mulf %mul3A_113, %get3A_112 : vector<16xf32>
      %add3A_115 = arith.addf %broadcast_in_dim3A_50, %mul3A_114 : vector<16xf32>
      %get3A_116 = arith.index_cast %add3A_101 : i32 to index
      %get3A_117 = arith.constant 32 : index
      %get3A_118 = tpu.vector_load %arg6[%get3A_116, %get3A_117] {strides = array<i32>} : memref<1024x64xf32, #tpu.memory_space<vmem>>, vector<16xf32>,
      %mul3A_119 = vector.broadcast %squeeze3A_103 : f32 to vector<16xf32>
      %mul3A_120 = arith.mulf %mul3A_119, %get3A_118 : vector<16xf32>
      %add3A_121 = arith.addf %broadcast_in_dim3A_50, %mul3A_120 : vector<16xf32>
      %get3A_122 = arith.index_cast %add3A_101 : i32 to index
      %get3A_123 = arith.constant 48 : index
      %get3A_124 = tpu.vector_load %arg6[%get3A_122, %get3A_123] {strides = array<i32>} : memref<1024x64xf32, #tpu.memory_space<vmem>>, vector<16xf32>,
      %mul3A_125 = vector.broadcast %squeeze3A_103 : f32 to vector<16xf32>
      %mul3A_126 = arith.mulf %mul3A_125, %get3A_124 : vector<16xf32>
      %add3A_127 = arith.addf %broadcast_in_dim3A_50, %mul3A_126 : vector<16xf32>
      %slice3A_128 = vector.extract_strided_slice %get3A_92 {offsets = [1], sizes = [1], strides = [1]} : vector<16xi32> to vector<1xi32>
      %squeeze3A_129 = vector.extract %slice3A_128[0] : i32 from vector<1xi32>
      %add3A_130 = arith.constant 16 : i32
      %add3A_131 = arith.addi %add3A_130, %squeeze3A_129 : i32
      %slice3A_132 = vector.extract_strided_slice %sub3A_99 {offsets = [1], sizes = [1], strides = [1]} : vector<16xf32> to vector<1xf32>
      %squeeze3A_133 = vector.extract %slice3A_132[0] : f32 from vector<1xf32>
      %get3A_134 = arith.index_cast %add3A_131 : i32 to index
      %get3A_135 = arith.constant 0 : index
      %get3A_136 = tpu.vector_load %arg6[%get3A_134, %get3A_135] {strides = array<i32>} : memref<1024x64xf32, #tpu.memory_space<vmem>>, vector<16xf32>,
      %mul3A_137 = vector.broadcast %squeeze3A_133 : f32 to vector<16xf32>
      %mul3A_138 = arith.mulf %mul3A_137, %get3A_136 : vector<16xf32>
      %add3A_139 = arith.addf %add3A_109, %mul3A_138 : vector<16xf32>
      %get3A_140 = arith.index_cast %add3A_131 : i32 to index
      %get3A_141 = arith.constant 16 : index
      %get3A_142 = tpu.vector_load %arg6[%get3A_140, %get3A_141] {strides = array<i32>} : memref<1024x64xf32, #tpu.memory_space<vmem>>, vector<16xf32>,
      %mul3A_143 = vector.broadcast %squeeze3A_133 : f32 to vector<16xf32>
      %mul3A_144 = arith.mulf %mul3A_143, %get3A_142 : vector<16xf32>
      %add3A_145 = arith.addf %add3A_115, %mul3A_144 : vector<16xf32>
      %get3A_146 = arith.index_cast %add3A_131 : i32 to index
      %get3A_147 = arith.constant 32 : index
      %get3A_148 = tpu.vector_load %arg6[%get3A_146, %get3A_147] {strides = array<i32>} : memref<1024x64xf32, #tpu.memory_space<vmem>>, vector<16xf32>,
      %mul3A_149 = vector.broadcast %squeeze3A_133 : f32 to vector<16xf32>
      %mul3A_150 = arith.mulf %mul3A_149, %get3A_148 : vector<16xf32>
      %add3A_151 = arith.addf %add3A_121, %mul3A_150 : vector<16xf32>
      %get3A_152 = arith.index_cast %add3A_131 : i32 to index
      %get3A_153 = arith.constant 48 : index
      %get3A_154 = tpu.vector_load %arg6[%get3A_152, %get3A_153] {strides = array<i32>} : memref<1024x64xf32, #tpu.memory_space<vmem>>, vector<16xf32>,
      %mul3A_155 = vector.broadcast %squeeze3A_133 : f32 to vector<16xf32>
      %mul3A_156 = arith.mulf %mul3A_155, %get3A_154 : vector<16xf32>
      %add3A_157 = arith.addf %add3A_127, %mul3A_156 : vector<16xf32>
      %slice3A_158 = vector.extract_strided_slice %get3A_92 {offsets = [2], sizes = [1], strides = [1]} : vector<16xi32> to vector<1xi32>
      %squeeze3A_159 = vector.extract %slice3A_158[0] : i32 from vector<1xi32>
      %add3A_160 = arith.constant 32 : i32
      %add3A_161 = arith.addi %add3A_160, %squeeze3A_159 : i32
      %slice3A_162 = vector.extract_strided_slice %sub3A_99 {offsets = [2], sizes = [1], strides = [1]} : vector<16xf32> to vector<1xf32>
      %squeeze3A_163 = vector.extract %slice3A_162[0] : f32 from vector<1xf32>
      %get3A_164 = arith.index_cast %add3A_161 : i32 to index
      %get3A_165 = arith.constant 0 : index
      %get3A_166 = tpu.vector_load %arg6[%get3A_164, %get3A_165] {strides = array<i32>} : memref<1024x64xf32, #tpu.memory_space<vmem>>, vector<16xf32>,
      %mul3A_167 = vector.broadcast %squeeze3A_163 : f32 to vector<16xf32>
      %mul3A_168 = arith.mulf %mul3A_167, %get3A_166 : vector<16xf32>
      %add3A_169 = arith.addf %add3A_139, %mul3A_168 : vector<16xf32>
      %get3A_170 = arith.index_cast %add3A_161 : i32 to index
      %get3A_171 = arith.constant 16 : index
      %get3A_172 = tpu.vector_load %arg6[%get3A_170, %get3A_171] {strides = array<i32>} : memref<1024x64xf32, #tpu.memory_space<vmem>>, vector<16xf32>,
      %mul3A_173 = vector.broadcast %squeeze3A_163 : f32 to vector<16xf32>
      %mul3A_174 = arith.mulf %mul3A_173, %get3A_172 : vector<16xf32>
      %add3A_175 = arith.addf %add3A_145, %mul3A_174 : vector<16xf32>
      %get3A_176 = arith.index_cast %add3A_161 : i32 to index
      %get3A_177 = arith.constant 32 : index
      %get3A_178 = tpu.vector_load %arg6[%get3A_176, %get3A_177] {strides = array<i32>} : memref<1024x64xf32, #tpu.memory_space<vmem>>, vector<16xf32>,
      %mul3A_179 = vector.broadcast %squeeze3A_163 : f32 to vector<16xf32>
      %mul3A_180 = arith.mulf %mul3A_179, %get3A_178 : vector<16xf32>
      %add3A_181 = arith.addf %add3A_151, %mul3A_180 : vector<16xf32>
      %get3A_182 = arith.index_cast %add3A_161 : i32 to index
      %get3A_183 = arith.constant 48 : index
      %get3A_184 = tpu.vector_load %arg6[%get3A_182, %get3A_183] {strides = array<i32>} : memref<1024x64xf32, #tpu.memory_space<vmem>>, vector<16xf32>,
      %mul3A_185 = vector.broadcast %squeeze3A_163 : f32 to vector<16xf32>
      %mul3A_186 = arith.mulf %mul3A_185, %get3A_184 : vector<16xf32>
      %add3A_187 = arith.addf %add3A_157, %mul3A_186 : vector<16xf32>
      %slice3A_188 = vector.extract_strided_slice %get3A_92 {offsets = [3], sizes = [1], strides = [1]} : vector<16xi32> to vector<1xi32>
      %squeeze3A_189 = vector.extract %slice3A_188[0] : i32 from vector<1xi32>
      %add3A_190 = arith.constant 48 : i32
      %add3A_191 = arith.addi %add3A_190, %squeeze3A_189 : i32
      %slice3A_192 = vector.extract_strided_slice %sub3A_99 {offsets = [3], sizes = [1], strides = [1]} : vector<16xf32> to vector<1xf32>
      %squeeze3A_193 = vector.extract %slice3A_192[0] : f32 from vector<1xf32>
      %get3A_194 = arith.index_cast %add3A_191 : i32 to index
      %get3A_195 = arith.constant 0 : index
      %get3A_196 = tpu.vector_load %arg6[%get3A_194, %get3A_195] {strides = array<i32>} : memref<1024x64xf32, #tpu.memory_space<vmem>>, vector<16xf32>,
      %mul3A_197 = vector.broadcast %squeeze3A_193 : f32 to vector<16xf32>
      %mul3A_198 = arith.mulf %mul3A_197, %get3A_196 : vector<16xf32>
      %add3A_199 = arith.addf %add3A_169, %mul3A_198 : vector<16xf32>
      %get3A_200 = arith.index_cast %add3A_191 : i32 to index
      %get3A_201 = arith.constant 16 : index
      %get3A_202 = tpu.vector_load %arg6[%get3A_200, %get3A_201] {strides = array<i32>} : memref<1024x64xf32, #tpu.memory_space<vmem>>, vector<16xf32>,
      %mul3A_203 = vector.broadcast %squeeze3A_193 : f32 to vector<16xf32>
      %mul3A_204 = arith.mulf %mul3A_203, %get3A_202 : vector<16xf32>
      %add3A_205 = arith.addf %add3A_175, %mul3A_204 : vector<16xf32>
      %get3A_206 = arith.index_cast %add3A_191 : i32 to index
      %get3A_207 = arith.constant 32 : index
      %get3A_208 = tpu.vector_load %arg6[%get3A_206, %get3A_207] {strides = array<i32>} : memref<1024x64xf32, #tpu.memory_space<vmem>>, vector<16xf32>,
      %mul3A_209 = vector.broadcast %squeeze3A_193 : f32 to vector<16xf32>
      %mul3A_210 = arith.mulf %mul3A_209, %get3A_208 : vector<16xf32>
      %add3A_211 = arith.addf %add3A_181, %mul3A_210 : vector<16xf32>
      %get3A_212 = arith.index_cast %add3A_191 : i32 to index
      %get3A_213 = arith.constant 48 : index
      %get3A_214 = tpu.vector_load %arg6[%get3A_212, %get3A_213] {strides = array<i32>} : memref<1024x64xf32, #tpu.memory_space<vmem>>, vector<16xf32>,
      %mul3A_215 = vector.broadcast %squeeze3A_193 : f32 to vector<16xf32>
      %mul3A_216 = arith.mulf %mul3A_215, %get3A_214 : vector<16xf32>
      %add3A_217 = arith.addf %add3A_187, %mul3A_216 : vector<16xf32>
      %slice3A_218 = vector.extract_strided_slice %get3A_92 {offsets = [4], sizes = [1], strides = [1]} : vector<16xi32> to vector<1xi32>
      %squeeze3A_219 = vector.extract %slice3A_218[0] : i32 from vector<1xi32>
      %add3A_220 = arith.constant 64 : i32
      %add3A_221 = arith.addi %add3A_220, %squeeze3A_219 : i32
      %slice3A_222 = vector.extract_strided_slice %sub3A_99 {offsets = [4], sizes = [1], strides = [1]} : vector<16xf32> to vector<1xf32>
      %squeeze3A_223 = vector.extract %slice3A_222[0] : f32 from vector<1xf32>
      %get3A_224 = arith.index_cast %add3A_221 : i32 to index
      %get3A_225 = arith.constant 0 : index
      %get3A_226 = tpu.vector_load %arg6[%get3A_224, %get3A_225] {strides = array<i32>} : memref<1024x64xf32, #tpu.memory_space<vmem>>, vector<16xf32>,
      %mul3A_227 = vector.broadcast %squeeze3A_223 : f32 to vector<16xf32>
      %mul3A_228 = arith.mulf %mul3A_227, %get3A_226 : vector<16xf32>
      %add3A_229 = arith.addf %add3A_199, %mul3A_228 : vector<16xf32>
      %get3A_230 = arith.index_cast %add3A_221 : i32 to index
      %get3A_231 = arith.constant 16 : index
      %get3A_232 = tpu.vector_load %arg6[%get3A_230, %get3A_231] {strides = array<i32>} : memref<1024x64xf32, #tpu.memory_space<vmem>>, vector<16xf32>,
      %mul3A_233 = vector.broadcast %squeeze3A_223 : f32 to vector<16xf32>
      %mul3A_234 = arith.mulf %mul3A_233, %get3A_232 : vector<16xf32>
      %add3A_235 = arith.addf %add3A_205, %mul3A_234 : vector<16xf32>
      %get3A_236 = arith.index_cast %add3A_221 : i32 to index
      %get3A_237 = arith.constant 32 : index
      %get3A_238 = tpu.vector_load %arg6[%get3A_236, %get3A_237] {strides = array<i32>} : memref<1024x64xf32, #tpu.memory_space<vmem>>, vector<16xf32>,
      %mul3A_239 = vector.broadcast %squeeze3A_223 : f32 to vector<16xf32>
      %mul3A_240 = arith.mulf %mul3A_239, %get3A_238 : vector<16xf32>
      %add3A_241 = arith.addf %add3A_211, %mul3A_240 : vector<16xf32>
      %get3A_242 = arith.index_cast %add3A_221 : i32 to index
      %get3A_243 = arith.constant 48 : index
      %get3A_244 = tpu.vector_load %arg6[%get3A_242, %get3A_243] {strides = array<i32>} : memref<1024x64xf32, #tpu.memory_space<vmem>>, vector<16xf32>,
      %mul3A_245 = vector.broadcast %squeeze3A_223 : f32 to vector<16xf32>
      %mul3A_246 = arith.mulf %mul3A_245, %get3A_244 : vector<16xf32>
      %add3A_247 = arith.addf %add3A_217, %mul3A_246 : vector<16xf32>
      %slice3A_248 = vector.extract_strided_slice %get3A_92 {offsets = [5], sizes = [1], strides = [1]} : vector<16xi32> to vector<1xi32>
      %squeeze3A_249 = vector.extract %slice3A_248[0] : i32 from vector<1xi32>
      %add3A_250 = arith.constant 80 : i32
      %add3A_251 = arith.addi %add3A_250, %squeeze3A_249 : i32
      %slice3A_252 = vector.extract_strided_slice %sub3A_99 {offsets = [5], sizes = [1], strides = [1]} : vector<16xf32> to vector<1xf32>
      %squeeze3A_253 = vector.extract %slice3A_252[0] : f32 from vector<1xf32>
      %get3A_254 = arith.index_cast %add3A_251 : i32 to index
      %get3A_255 = arith.constant 0 : index
      %get3A_256 = tpu.vector_load %arg6[%get3A_254, %get3A_255] {strides = array<i32>} : memref<1024x64xf32, #tpu.memory_space<vmem>>, vector<16xf32>,
      %mul3A_257 = vector.broadcast %squeeze3A_253 : f32 to vector<16xf32>
      %mul3A_258 = arith.mulf %mul3A_257, %get3A_256 : vector<16xf32>
      %add3A_259 = arith.addf %add3A_229, %mul3A_258 : vector<16xf32>
      %get3A_260 = arith.index_cast %add3A_251 : i32 to index
      %get3A_261 = arith.constant 16 : index
      %get3A_262 = tpu.vector_load %arg6[%get3A_260, %get3A_261] {strides = array<i32>} : memref<1024x64xf32, #tpu.memory_space<vmem>>, vector<16xf32>,
      %mul3A_263 = vector.broadcast %squeeze3A_253 : f32 to vector<16xf32>
      %mul3A_264 = arith.mulf %mul3A_263, %get3A_262 : vector<16xf32>
      %add3A_265 = arith.addf %add3A_235, %mul3A_264 : vector<16xf32>
      %get3A_266 = arith.index_cast %add3A_251 : i32 to index
      %get3A_267 = arith.constant 32 : index
      %get3A_268 = tpu.vector_load %arg6[%get3A_266, %get3A_267] {strides = array<i32>} : memref<1024x64xf32, #tpu.memory_space<vmem>>, vector<16xf32>,
      %mul3A_269 = vector.broadcast %squeeze3A_253 : f32 to vector<16xf32>
      %mul3A_270 = arith.mulf %mul3A_269, %get3A_268 : vector<16xf32>
      %add3A_271 = arith.addf %add3A_241, %mul3A_270 : vector<16xf32>
      %get3A_272 = arith.index_cast %add3A_251 : i32 to index
      %get3A_273 = arith.constant 48 : index
      %get3A_274 = tpu.vector_load %arg6[%get3A_272, %get3A_273] {strides = array<i32>} : memref<1024x64xf32, #tpu.memory_space<vmem>>, vector<16xf32>,
      %mul3A_275 = vector.broadcast %squeeze3A_253 : f32 to vector<16xf32>
      %mul3A_276 = arith.mulf %mul3A_275, %get3A_274 : vector<16xf32>
      %add3A_277 = arith.addf %add3A_247, %mul3A_276 : vector<16xf32>
      %slice3A_278 = vector.extract_strided_slice %get3A_92 {offsets = [6], sizes = [1], strides = [1]} : vector<16xi32> to vector<1xi32>
      %squeeze3A_279 = vector.extract %slice3A_278[0] : i32 from vector<1xi32>
      %add3A_280 = arith.constant 96 : i32
      %add3A_281 = arith.addi %add3A_280, %squeeze3A_279 : i32
      %slice3A_282 = vector.extract_strided_slice %sub3A_99 {offsets = [6], sizes = [1], strides = [1]} : vector<16xf32> to vector<1xf32>
      %squeeze3A_283 = vector.extract %slice3A_282[0] : f32 from vector<1xf32>
      %get3A_284 = arith.index_cast %add3A_281 : i32 to index
      %get3A_285 = arith.constant 0 : index
      %get3A_286 = tpu.vector_load %arg6[%get3A_284, %get3A_285] {strides = array<i32>} : memref<1024x64xf32, #tpu.memory_space<vmem>>, vector<16xf32>,
      %mul3A_287 = vector.broadcast %squeeze3A_283 : f32 to vector<16xf32>
      %mul3A_288 = arith.mulf %mul3A_287, %get3A_286 : vector<16xf32>
      %add3A_289 = arith.addf %add3A_259, %mul3A_288 : vector<16xf32>
      %get3A_290 = arith.index_cast %add3A_281 : i32 to index
      %get3A_291 = arith.constant 16 : index
      %get3A_292 = tpu.vector_load %arg6[%get3A_290, %get3A_291] {strides = array<i32>} : memref<1024x64xf32, #tpu.memory_space<vmem>>, vector<16xf32>,
      %mul3A_293 = vector.broadcast %squeeze3A_283 : f32 to vector<16xf32>
      %mul3A_294 = arith.mulf %mul3A_293, %get3A_292 : vector<16xf32>
      %add3A_295 = arith.addf %add3A_265, %mul3A_294 : vector<16xf32>
      %get3A_296 = arith.index_cast %add3A_281 : i32 to index
      %get3A_297 = arith.constant 32 : index
      %get3A_298 = tpu.vector_load %arg6[%get3A_296, %get3A_297] {strides = array<i32>} : memref<1024x64xf32, #tpu.memory_space<vmem>>, vector<16xf32>,
      %mul3A_299 = vector.broadcast %squeeze3A_283 : f32 to vector<16xf32>
      %mul3A_300 = arith.mulf %mul3A_299, %get3A_298 : vector<16xf32>
      %add3A_301 = arith.addf %add3A_271, %mul3A_300 : vector<16xf32>
      %get3A_302 = arith.index_cast %add3A_281 : i32 to index
      %get3A_303 = arith.constant 48 : index
      %get3A_304 = tpu.vector_load %arg6[%get3A_302, %get3A_303] {strides = array<i32>} : memref<1024x64xf32, #tpu.memory_space<vmem>>, vector<16xf32>,
      %mul3A_305 = vector.broadcast %squeeze3A_283 : f32 to vector<16xf32>
      %mul3A_306 = arith.mulf %mul3A_305, %get3A_304 : vector<16xf32>
      %add3A_307 = arith.addf %add3A_277, %mul3A_306 : vector<16xf32>
      %slice3A_308 = vector.extract_strided_slice %get3A_92 {offsets = [7], sizes = [1], strides = [1]} : vector<16xi32> to vector<1xi32>
      %squeeze3A_309 = vector.extract %slice3A_308[0] : i32 from vector<1xi32>
      %add3A_310 = arith.constant 112 : i32
      %add3A_311 = arith.addi %add3A_310, %squeeze3A_309 : i32
      %slice3A_312 = vector.extract_strided_slice %sub3A_99 {offsets = [7], sizes = [1], strides = [1]} : vector<16xf32> to vector<1xf32>
      %squeeze3A_313 = vector.extract %slice3A_312[0] : f32 from vector<1xf32>
      %get3A_314 = arith.index_cast %add3A_311 : i32 to index
      %get3A_315 = arith.constant 0 : index
      %get3A_316 = tpu.vector_load %arg6[%get3A_314, %get3A_315] {strides = array<i32>} : memref<1024x64xf32, #tpu.memory_space<vmem>>, vector<16xf32>,
      %mul3A_317 = vector.broadcast %squeeze3A_313 : f32 to vector<16xf32>
      %mul3A_318 = arith.mulf %mul3A_317, %get3A_316 : vector<16xf32>
      %add3A_319 = arith.addf %add3A_289, %mul3A_318 : vector<16xf32>
      %get3A_320 = arith.index_cast %add3A_311 : i32 to index
      %get3A_321 = arith.constant 16 : index
      %get3A_322 = tpu.vector_load %arg6[%get3A_320, %get3A_321] {strides = array<i32>} : memref<1024x64xf32, #tpu.memory_space<vmem>>, vector<16xf32>,
      %mul3A_323 = vector.broadcast %squeeze3A_313 : f32 to vector<16xf32>
      %mul3A_324 = arith.mulf %mul3A_323, %get3A_322 : vector<16xf32>
      %add3A_325 = arith.addf %add3A_295, %mul3A_324 : vector<16xf32>
      %get3A_326 = arith.index_cast %add3A_311 : i32 to index
      %get3A_327 = arith.constant 32 : index
      %get3A_328 = tpu.vector_load %arg6[%get3A_326, %get3A_327] {strides = array<i32>} : memref<1024x64xf32, #tpu.memory_space<vmem>>, vector<16xf32>,
      %mul3A_329 = vector.broadcast %squeeze3A_313 : f32 to vector<16xf32>
      %mul3A_330 = arith.mulf %mul3A_329, %get3A_328 : vector<16xf32>
      %add3A_331 = arith.addf %add3A_301, %mul3A_330 : vector<16xf32>
      %get3A_332 = arith.index_cast %add3A_311 : i32 to index
      %get3A_333 = arith.constant 48 : index
      %get3A_334 = tpu.vector_load %arg6[%get3A_332, %get3A_333] {strides = array<i32>} : memref<1024x64xf32, #tpu.memory_space<vmem>>, vector<16xf32>,
      %mul3A_335 = vector.broadcast %squeeze3A_313 : f32 to vector<16xf32>
      %mul3A_336 = arith.mulf %mul3A_335, %get3A_334 : vector<16xf32>
      %add3A_337 = arith.addf %add3A_307, %mul3A_336 : vector<16xf32>
      %slice3A_338 = vector.extract_strided_slice %get3A_92 {offsets = [8], sizes = [1], strides = [1]} : vector<16xi32> to vector<1xi32>
      %squeeze3A_339 = vector.extract %slice3A_338[0] : i32 from vector<1xi32>
      %add3A_340 = arith.constant 128 : i32
      %add3A_341 = arith.addi %add3A_340, %squeeze3A_339 : i32
      %slice3A_342 = vector.extract_strided_slice %sub3A_99 {offsets = [8], sizes = [1], strides = [1]} : vector<16xf32> to vector<1xf32>
      %squeeze3A_343 = vector.extract %slice3A_342[0] : f32 from vector<1xf32>
      %get3A_344 = arith.index_cast %add3A_341 : i32 to index
      %get3A_345 = arith.constant 0 : index
      %get3A_346 = tpu.vector_load %arg6[%get3A_344, %get3A_345] {strides = array<i32>} : memref<1024x64xf32, #tpu.memory_space<vmem>>, vector<16xf32>,
      %mul3A_347 = vector.broadcast %squeeze3A_343 : f32 to vector<16xf32>
      %mul3A_348 = arith.mulf %mul3A_347, %get3A_346 : vector<16xf32>
      %add3A_349 = arith.addf %add3A_319, %mul3A_348 : vector<16xf32>
      %get3A_350 = arith.index_cast %add3A_341 : i32 to index
      %get3A_351 = arith.constant 16 : index
      %get3A_352 = tpu.vector_load %arg6[%get3A_350, %get3A_351] {strides = array<i32>} : memref<1024x64xf32, #tpu.memory_space<vmem>>, vector<16xf32>,
      %mul3A_353 = vector.broadcast %squeeze3A_343 : f32 to vector<16xf32>
      %mul3A_354 = arith.mulf %mul3A_353, %get3A_352 : vector<16xf32>
      %add3A_355 = arith.addf %add3A_325, %mul3A_354 : vector<16xf32>
      %get3A_356 = arith.index_cast %add3A_341 : i32 to index
      %get3A_357 = arith.constant 32 : index
      %get3A_358 = tpu.vector_load %arg6[%get3A_356, %get3A_357] {strides = array<i32>} : memref<1024x64xf32, #tpu.memory_space<vmem>>, vector<16xf32>,
      %mul3A_359 = vector.broadcast %squeeze3A_343 : f32 to vector<16xf32>
      %mul3A_360 = arith.mulf %mul3A_359, %get3A_358 : vector<16xf32>
      %add3A_361 = arith.addf %add3A_331, %mul3A_360 : vector<16xf32>
      %get3A_362 = arith.index_cast %add3A_341 : i32 to index
      %get3A_363 = arith.constant 48 : index
      %get3A_364 = tpu.vector_load %arg6[%get3A_362, %get3A_363] {strides = array<i32>} : memref<1024x64xf32, #tpu.memory_space<vmem>>, vector<16xf32>,
      %mul3A_365 = vector.broadcast %squeeze3A_343 : f32 to vector<16xf32>
      %mul3A_366 = arith.mulf %mul3A_365, %get3A_364 : vector<16xf32>
      %add3A_367 = arith.addf %add3A_337, %mul3A_366 : vector<16xf32>
      %slice3A_368 = vector.extract_strided_slice %get3A_92 {offsets = [9], sizes = [1], strides = [1]} : vector<16xi32> to vector<1xi32>
      %squeeze3A_369 = vector.extract %slice3A_368[0] : i32 from vector<1xi32>
      %add3A_370 = arith.constant 144 : i32
      %add3A_371 = arith.addi %add3A_370, %squeeze3A_369 : i32
      %slice3A_372 = vector.extract_strided_slice %sub3A_99 {offsets = [9], sizes = [1], strides = [1]} : vector<16xf32> to vector<1xf32>
      %squeeze3A_373 = vector.extract %slice3A_372[0] : f32 from vector<1xf32>
      %get3A_374 = arith.index_cast %add3A_371 : i32 to index
      %get3A_375 = arith.constant 0 : index
      %get3A_376 = tpu.vector_load %arg6[%get3A_374, %get3A_375] {strides = array<i32>} : memref<1024x64xf32, #tpu.memory_space<vmem>>, vector<16xf32>,
      %mul3A_377 = vector.broadcast %squeeze3A_373 : f32 to vector<16xf32>
      %mul3A_378 = arith.mulf %mul3A_377, %get3A_376 : vector<16xf32>
      %add3A_379 = arith.addf %add3A_349, %mul3A_378 : vector<16xf32>
      %get3A_380 = arith.index_cast %add3A_371 : i32 to index
      %get3A_381 = arith.constant 16 : index
      %get3A_382 = tpu.vector_load %arg6[%get3A_380, %get3A_381] {strides = array<i32>} : memref<1024x64xf32, #tpu.memory_space<vmem>>, vector<16xf32>,
      %mul3A_383 = vector.broadcast %squeeze3A_373 : f32 to vector<16xf32>
      %mul3A_384 = arith.mulf %mul3A_383, %get3A_382 : vector<16xf32>
      %add3A_385 = arith.addf %add3A_355, %mul3A_384 : vector<16xf32>
      %get3A_386 = arith.index_cast %add3A_371 : i32 to index
      %get3A_387 = arith.constant 32 : index
      %get3A_388 = tpu.vector_load %arg6[%get3A_386, %get3A_387] {strides = array<i32>} : memref<1024x64xf32, #tpu.memory_space<vmem>>, vector<16xf32>,
      %mul3A_389 = vector.broadcast %squeeze3A_373 : f32 to vector<16xf32>
      %mul3A_390 = arith.mulf %mul3A_389, %get3A_388 : vector<16xf32>
      %add3A_391 = arith.addf %add3A_361, %mul3A_390 : vector<16xf32>
      %get3A_392 = arith.index_cast %add3A_371 : i32 to index
      %get3A_393 = arith.constant 48 : index
      %get3A_394 = tpu.vector_load %arg6[%get3A_392, %get3A_393] {strides = array<i32>} : memref<1024x64xf32, #tpu.memory_space<vmem>>, vector<16xf32>,
      %mul3A_395 = vector.broadcast %squeeze3A_373 : f32 to vector<16xf32>
      %mul3A_396 = arith.mulf %mul3A_395, %get3A_394 : vector<16xf32>
      %add3A_397 = arith.addf %add3A_367, %mul3A_396 : vector<16xf32>
      %slice3A_398 = vector.extract_strided_slice %get3A_92 {offsets = [10], sizes = [1], strides = [1]} : vector<16xi32> to vector<1xi32>
      %squeeze3A_399 = vector.extract %slice3A_398[0] : i32 from vector<1xi32>
      %add3A_400 = arith.constant 160 : i32
      %add3A_401 = arith.addi %add3A_400, %squeeze3A_399 : i32
      %slice3A_402 = vector.extract_strided_slice %sub3A_99 {offsets = [10], sizes = [1], strides = [1]} : vector<16xf32> to vector<1xf32>
      %squeeze3A_403 = vector.extract %slice3A_402[0] : f32 from vector<1xf32>
      %get3A_404 = arith.index_cast %add3A_401 : i32 to index
      %get3A_405 = arith.constant 0 : index
      %get3A_406 = tpu.vector_load %arg6[%get3A_404, %get3A_405] {strides = array<i32>} : memref<1024x64xf32, #tpu.memory_space<vmem>>, vector<16xf32>,
      %mul3A_407 = vector.broadcast %squeeze3A_403 : f32 to vector<16xf32>
      %mul3A_408 = arith.mulf %mul3A_407, %get3A_406 : vector<16xf32>
      %add3A_409 = arith.addf %add3A_379, %mul3A_408 : vector<16xf32>
      %get3A_410 = arith.index_cast %add3A_401 : i32 to index
      %get3A_411 = arith.constant 16 : index
      %get3A_412 = tpu.vector_load %arg6[%get3A_410, %get3A_411] {strides = array<i32>} : memref<1024x64xf32, #tpu.memory_space<vmem>>, vector<16xf32>,
      %mul3A_413 = vector.broadcast %squeeze3A_403 : f32 to vector<16xf32>
      %mul3A_414 = arith.mulf %mul3A_413, %get3A_412 : vector<16xf32>
      %add3A_415 = arith.addf %add3A_385, %mul3A_414 : vector<16xf32>
      %get3A_416 = arith.index_cast %add3A_401 : i32 to index
      %get3A_417 = arith.constant 32 : index
      %get3A_418 = tpu.vector_load %arg6[%get3A_416, %get3A_417] {strides = array<i32>} : memref<1024x64xf32, #tpu.memory_space<vmem>>, vector<16xf32>,
      %mul3A_419 = vector.broadcast %squeeze3A_403 : f32 to vector<16xf32>
      %mul3A_420 = arith.mulf %mul3A_419, %get3A_418 : vector<16xf32>
      %add3A_421 = arith.addf %add3A_391, %mul3A_420 : vector<16xf32>
      %get3A_422 = arith.index_cast %add3A_401 : i32 to index
      %get3A_423 = arith.constant 48 : index
      %get3A_424 = tpu.vector_load %arg6[%get3A_422, %get3A_423] {strides = array<i32>} : memref<1024x64xf32, #tpu.memory_space<vmem>>, vector<16xf32>,
      %mul3A_425 = vector.broadcast %squeeze3A_403 : f32 to vector<16xf32>
      %mul3A_426 = arith.mulf %mul3A_425, %get3A_424 : vector<16xf32>
      %add3A_427 = arith.addf %add3A_397, %mul3A_426 : vector<16xf32>
      %slice3A_428 = vector.extract_strided_slice %get3A_92 {offsets = [11], sizes = [1], strides = [1]} : vector<16xi32> to vector<1xi32>
      %squeeze3A_429 = vector.extract %slice3A_428[0] : i32 from vector<1xi32>
      %add3A_430 = arith.constant 176 : i32
      %add3A_431 = arith.addi %add3A_430, %squeeze3A_429 : i32
      %slice3A_432 = vector.extract_strided_slice %sub3A_99 {offsets = [11], sizes = [1], strides = [1]} : vector<16xf32> to vector<1xf32>
      %squeeze3A_433 = vector.extract %slice3A_432[0] : f32 from vector<1xf32>
      %get3A_434 = arith.index_cast %add3A_431 : i32 to index
      %get3A_435 = arith.constant 0 : index
      %get3A_436 = tpu.vector_load %arg6[%get3A_434, %get3A_435] {strides = array<i32>} : memref<1024x64xf32, #tpu.memory_space<vmem>>, vector<16xf32>,
      %mul3A_437 = vector.broadcast %squeeze3A_433 : f32 to vector<16xf32>
      %mul3A_438 = arith.mulf %mul3A_437, %get3A_436 : vector<16xf32>
      %add3A_439 = arith.addf %add3A_409, %mul3A_438 : vector<16xf32>
      %get3A_440 = arith.index_cast %add3A_431 : i32 to index
      %get3A_441 = arith.constant 16 : index
      %get3A_442 = tpu.vector_load %arg6[%get3A_440, %get3A_441] {strides = array<i32>} : memref<1024x64xf32, #tpu.memory_space<vmem>>, vector<16xf32>,
      %mul3A_443 = vector.broadcast %squeeze3A_433 : f32 to vector<16xf32>
      %mul3A_444 = arith.mulf %mul3A_443, %get3A_442 : vector<16xf32>
      %add3A_445 = arith.addf %add3A_415, %mul3A_444 : vector<16xf32>
      %get3A_446 = arith.index_cast %add3A_431 : i32 to index
      %get3A_447 = arith.constant 32 : index
      %get3A_448 = tpu.vector_load %arg6[%get3A_446, %get3A_447] {strides = array<i32>} : memref<1024x64xf32, #tpu.memory_space<vmem>>, vector<16xf32>,
      %mul3A_449 = vector.broadcast %squeeze3A_433 : f32 to vector<16xf32>
      %mul3A_450 = arith.mulf %mul3A_449, %get3A_448 : vector<16xf32>
      %add3A_451 = arith.addf %add3A_421, %mul3A_450 : vector<16xf32>
      %get3A_452 = arith.index_cast %add3A_431 : i32 to index
      %get3A_453 = arith.constant 48 : index
      %get3A_454 = tpu.vector_load %arg6[%get3A_452, %get3A_453] {strides = array<i32>} : memref<1024x64xf32, #tpu.memory_space<vmem>>, vector<16xf32>,
      %mul3A_455 = vector.broadcast %squeeze3A_433 : f32 to vector<16xf32>
      %mul3A_456 = arith.mulf %mul3A_455, %get3A_454 : vector<16xf32>
      %add3A_457 = arith.addf %add3A_427, %mul3A_456 : vector<16xf32>
      %slice3A_458 = vector.extract_strided_slice %get3A_92 {offsets = [12], sizes = [1], strides = [1]} : vector<16xi32> to vector<1xi32>
      %squeeze3A_459 = vector.extract %slice3A_458[0] : i32 from vector<1xi32>
      %add3A_460 = arith.constant 192 : i32
      %add3A_461 = arith.addi %add3A_460, %squeeze3A_459 : i32
      %slice3A_462 = vector.extract_strided_slice %sub3A_99 {offsets = [12], sizes = [1], strides = [1]} : vector<16xf32> to vector<1xf32>
      %squeeze3A_463 = vector.extract %slice3A_462[0] : f32 from vector<1xf32>
      %get3A_464 = arith.index_cast %add3A_461 : i32 to index
      %get3A_465 = arith.constant 0 : index
      %get3A_466 = tpu.vector_load %arg6[%get3A_464, %get3A_465] {strides = array<i32>} : memref<1024x64xf32, #tpu.memory_space<vmem>>, vector<16xf32>,
      %mul3A_467 = vector.broadcast %squeeze3A_463 : f32 to vector<16xf32>
      %mul3A_468 = arith.mulf %mul3A_467, %get3A_466 : vector<16xf32>
      %add3A_469 = arith.addf %add3A_439, %mul3A_468 : vector<16xf32>
      %get3A_470 = arith.index_cast %add3A_461 : i32 to index
      %get3A_471 = arith.constant 16 : index
      %get3A_472 = tpu.vector_load %arg6[%get3A_470, %get3A_471] {strides = array<i32>} : memref<1024x64xf32, #tpu.memory_space<vmem>>, vector<16xf32>,
      %mul3A_473 = vector.broadcast %squeeze3A_463 : f32 to vector<16xf32>
      %mul3A_474 = arith.mulf %mul3A_473, %get3A_472 : vector<16xf32>
      %add3A_475 = arith.addf %add3A_445, %mul3A_474 : vector<16xf32>
      %get3A_476 = arith.index_cast %add3A_461 : i32 to index
      %get3A_477 = arith.constant 32 : index
      %get3A_478 = tpu.vector_load %arg6[%get3A_476, %get3A_477] {strides = array<i32>} : memref<1024x64xf32, #tpu.memory_space<vmem>>, vector<16xf32>,
      %mul3A_479 = vector.broadcast %squeeze3A_463 : f32 to vector<16xf32>
      %mul3A_480 = arith.mulf %mul3A_479, %get3A_478 : vector<16xf32>
      %add3A_481 = arith.addf %add3A_451, %mul3A_480 : vector<16xf32>
      %get3A_482 = arith.index_cast %add3A_461 : i32 to index
      %get3A_483 = arith.constant 48 : index
      %get3A_484 = tpu.vector_load %arg6[%get3A_482, %get3A_483] {strides = array<i32>} : memref<1024x64xf32, #tpu.memory_space<vmem>>, vector<16xf32>,
      %mul3A_485 = vector.broadcast %squeeze3A_463 : f32 to vector<16xf32>
      %mul3A_486 = arith.mulf %mul3A_485, %get3A_484 : vector<16xf32>
      %add3A_487 = arith.addf %add3A_457, %mul3A_486 : vector<16xf32>
      %slice3A_488 = vector.extract_strided_slice %get3A_92 {offsets = [13], sizes = [1], strides = [1]} : vector<16xi32> to vector<1xi32>
      %squeeze3A_489 = vector.extract %slice3A_488[0] : i32 from vector<1xi32>
      %add3A_490 = arith.constant 208 : i32
      %add3A_491 = arith.addi %add3A_490, %squeeze3A_489 : i32
      %slice3A_492 = vector.extract_strided_slice %sub3A_99 {offsets = [13], sizes = [1], strides = [1]} : vector<16xf32> to vector<1xf32>
      %squeeze3A_493 = vector.extract %slice3A_492[0] : f32 from vector<1xf32>
      %get3A_494 = arith.index_cast %add3A_491 : i32 to index
      %get3A_495 = arith.constant 0 : index
      %get3A_496 = tpu.vector_load %arg6[%get3A_494, %get3A_495] {strides = array<i32>} : memref<1024x64xf32, #tpu.memory_space<vmem>>, vector<16xf32>,
      %mul3A_497 = vector.broadcast %squeeze3A_493 : f32 to vector<16xf32>
      %mul3A_498 = arith.mulf %mul3A_497, %get3A_496 : vector<16xf32>
      %add3A_499 = arith.addf %add3A_469, %mul3A_498 : vector<16xf32>
      %get3A_500 = arith.index_cast %add3A_491 : i32 to index
      %get3A_501 = arith.constant 16 : index
      %get3A_502 = tpu.vector_load %arg6[%get3A_500, %get3A_501] {strides = array<i32>} : memref<1024x64xf32, #tpu.memory_space<vmem>>, vector<16xf32>,
      %mul3A_503 = vector.broadcast %squeeze3A_493 : f32 to vector<16xf32>
      %mul3A_504 = arith.mulf %mul3A_503, %get3A_502 : vector<16xf32>
      %add3A_505 = arith.addf %add3A_475, %mul3A_504 : vector<16xf32>
      %get3A_506 = arith.index_cast %add3A_491 : i32 to index
      %get3A_507 = arith.constant 32 : index
      %get3A_508 = tpu.vector_load %arg6[%get3A_506, %get3A_507] {strides = array<i32>} : memref<1024x64xf32, #tpu.memory_space<vmem>>, vector<16xf32>,
      %mul3A_509 = vector.broadcast %squeeze3A_493 : f32 to vector<16xf32>
      %mul3A_510 = arith.mulf %mul3A_509, %get3A_508 : vector<16xf32>
      %add3A_511 = arith.addf %add3A_481, %mul3A_510 : vector<16xf32>
      %get3A_512 = arith.index_cast %add3A_491 : i32 to index
      %get3A_513 = arith.constant 48 : index
      %get3A_514 = tpu.vector_load %arg6[%get3A_512, %get3A_513] {strides = array<i32>} : memref<1024x64xf32, #tpu.memory_space<vmem>>, vector<16xf32>,
      %mul3A_515 = vector.broadcast %squeeze3A_493 : f32 to vector<16xf32>
      %mul3A_516 = arith.mulf %mul3A_515, %get3A_514 : vector<16xf32>
      %add3A_517 = arith.addf %add3A_487, %mul3A_516 : vector<16xf32>
      %slice3A_518 = vector.extract_strided_slice %get3A_92 {offsets = [14], sizes = [1], strides = [1]} : vector<16xi32> to vector<1xi32>
      %squeeze3A_519 = vector.extract %slice3A_518[0] : i32 from vector<1xi32>
      %add3A_520 = arith.constant 224 : i32
      %add3A_521 = arith.addi %add3A_520, %squeeze3A_519 : i32
      %slice3A_522 = vector.extract_strided_slice %sub3A_99 {offsets = [14], sizes = [1], strides = [1]} : vector<16xf32> to vector<1xf32>
      %squeeze3A_523 = vector.extract %slice3A_522[0] : f32 from vector<1xf32>
      %get3A_524 = arith.index_cast %add3A_521 : i32 to index
      %get3A_525 = arith.constant 0 : index
      %get3A_526 = tpu.vector_load %arg6[%get3A_524, %get3A_525] {strides = array<i32>} : memref<1024x64xf32, #tpu.memory_space<vmem>>, vector<16xf32>,
      %mul3A_527 = vector.broadcast %squeeze3A_523 : f32 to vector<16xf32>
      %mul3A_528 = arith.mulf %mul3A_527, %get3A_526 : vector<16xf32>
      %add3A_529 = arith.addf %add3A_499, %mul3A_528 : vector<16xf32>
      %get3A_530 = arith.index_cast %add3A_521 : i32 to index
      %get3A_531 = arith.constant 16 : index
      %get3A_532 = tpu.vector_load %arg6[%get3A_530, %get3A_531] {strides = array<i32>} : memref<1024x64xf32, #tpu.memory_space<vmem>>, vector<16xf32>,
      %mul3A_533 = vector.broadcast %squeeze3A_523 : f32 to vector<16xf32>
      %mul3A_534 = arith.mulf %mul3A_533, %get3A_532 : vector<16xf32>
      %add3A_535 = arith.addf %add3A_505, %mul3A_534 : vector<16xf32>
      %get3A_536 = arith.index_cast %add3A_521 : i32 to index
      %get3A_537 = arith.constant 32 : index
      %get3A_538 = tpu.vector_load %arg6[%get3A_536, %get3A_537] {strides = array<i32>} : memref<1024x64xf32, #tpu.memory_space<vmem>>, vector<16xf32>,
      %mul3A_539 = vector.broadcast %squeeze3A_523 : f32 to vector<16xf32>
      %mul3A_540 = arith.mulf %mul3A_539, %get3A_538 : vector<16xf32>
      %add3A_541 = arith.addf %add3A_511, %mul3A_540 : vector<16xf32>
      %get3A_542 = arith.index_cast %add3A_521 : i32 to index
      %get3A_543 = arith.constant 48 : index
      %get3A_544 = tpu.vector_load %arg6[%get3A_542, %get3A_543] {strides = array<i32>} : memref<1024x64xf32, #tpu.memory_space<vmem>>, vector<16xf32>,
      %mul3A_545 = vector.broadcast %squeeze3A_523 : f32 to vector<16xf32>
      %mul3A_546 = arith.mulf %mul3A_545, %get3A_544 : vector<16xf32>
      %add3A_547 = arith.addf %add3A_517, %mul3A_546 : vector<16xf32>
      %slice3A_548 = vector.extract_strided_slice %get3A_92 {offsets = [15], sizes = [1], strides = [1]} : vector<16xi32> to vector<1xi32>
      %squeeze3A_549 = vector.extract %slice3A_548[0] : i32 from vector<1xi32>
      %add3A_550 = arith.constant 240 : i32
      %add3A_551 = arith.addi %add3A_550, %squeeze3A_549 : i32
      %slice3A_552 = vector.extract_strided_slice %sub3A_99 {offsets = [15], sizes = [1], strides = [1]} : vector<16xf32> to vector<1xf32>
      %squeeze3A_553 = vector.extract %slice3A_552[0] : f32 from vector<1xf32>
      %get3A_554 = arith.index_cast %add3A_551 : i32 to index
      %get3A_555 = arith.constant 0 : index
      %get3A_556 = tpu.vector_load %arg6[%get3A_554, %get3A_555] {strides = array<i32>} : memref<1024x64xf32, #tpu.memory_space<vmem>>, vector<16xf32>,
      %mul3A_557 = vector.broadcast %squeeze3A_553 : f32 to vector<16xf32>
      %mul3A_558 = arith.mulf %mul3A_557, %get3A_556 : vector<16xf32>
      %add3A_559 = arith.addf %add3A_529, %mul3A_558 : vector<16xf32>
      %get3A_560 = arith.index_cast %add3A_551 : i32 to index
      %get3A_561 = arith.constant 16 : index
      %get3A_562 = tpu.vector_load %arg6[%get3A_560, %get3A_561] {strides = array<i32>} : memref<1024x64xf32, #tpu.memory_space<vmem>>, vector<16xf32>,
      %mul3A_563 = vector.broadcast %squeeze3A_553 : f32 to vector<16xf32>
      %mul3A_564 = arith.mulf %mul3A_563, %get3A_562 : vector<16xf32>
      %add3A_565 = arith.addf %add3A_535, %mul3A_564 : vector<16xf32>
      %get3A_566 = arith.index_cast %add3A_551 : i32 to index
      %get3A_567 = arith.constant 32 : index
      %get3A_568 = tpu.vector_load %arg6[%get3A_566, %get3A_567] {strides = array<i32>} : memref<1024x64xf32, #tpu.memory_space<vmem>>, vector<16xf32>,
      %mul3A_569 = vector.broadcast %squeeze3A_553 : f32 to vector<16xf32>
      %mul3A_570 = arith.mulf %mul3A_569, %get3A_568 : vector<16xf32>
      %add3A_571 = arith.addf %add3A_541, %mul3A_570 : vector<16xf32>
      %get3A_572 = arith.index_cast %add3A_551 : i32 to index
      %get3A_573 = arith.constant 48 : index
      %get3A_574 = tpu.vector_load %arg6[%get3A_572, %get3A_573] {strides = array<i32>} : memref<1024x64xf32, #tpu.memory_space<vmem>>, vector<16xf32>,
      %mul3A_575 = vector.broadcast %squeeze3A_553 : f32 to vector<16xf32>
      %mul3A_576 = arith.mulf %mul3A_575, %get3A_574 : vector<16xf32>
      %add3A_577 = arith.addf %add3A_547, %mul3A_576 : vector<16xf32>
      %get3A_578 = arith.index_cast %select_n3A : i32 to index
      %get3A_579 = arith.index_cast %sub3A_89 : i32 to index
      %get3A_580 = arith.constant 16 : index
      %get3A_581 = tpu.vector_load %arg8[%get3A_578, %get3A_579, %get3A_580] {strides = array<i32>} : memref<4x20x64xi32, #tpu.memory_space<vmem>>, vector<16xi32>,
      %get3A_582 = arith.index_cast %select_n3A : i32 to index
      %get3A_583 = arith.index_cast %sub3A_89 : i32 to index
      %get3A_584 = arith.constant 16 : index
      %get3A_585 = tpu.vector_load %arg7[%get3A_582, %get3A_583, %get3A_584] {strides = array<i32>} : memref<4x20x64xf32, #tpu.memory_space<vmem>>, vector<16xf32>,
      %sub3A_586 = arith.constant 1.000000e+00 : f32
      %sub3A_587 = vector.broadcast %sub3A_586 : f32 to vector<16xf32>
      %sub3A_588 = arith.subf %sub3A_587, %get3A_585 : vector<16xf32>
      %slice3A_589 = vector.extract_strided_slice %get3A_581 {offsets = [0], sizes = [1], strides = [1]} : vector<16xi32> to vector<1xi32>
      %squeeze3A_590 = vector.extract %slice3A_589[0] : i32 from vector<1xi32>
      %add3A_591 = arith.constant 256 : i32
      %add3A_592 = arith.addi %add3A_591, %squeeze3A_590 : i32
      %slice3A_593 = vector.extract_strided_slice %sub3A_588 {offsets = [0], sizes = [1], strides = [1]} : vector<16xf32> to vector<1xf32>
      %squeeze3A_594 = vector.extract %slice3A_593[0] : f32 from vector<1xf32>
      %get3A_595 = arith.index_cast %add3A_592 : i32 to index
      %get3A_596 = arith.constant 0 : index
      %get3A_597 = tpu.vector_load %arg6[%get3A_595, %get3A_596] {strides = array<i32>} : memref<1024x64xf32, #tpu.memory_space<vmem>>, vector<16xf32>,
      %mul3A_598 = vector.broadcast %squeeze3A_594 : f32 to vector<16xf32>
      %mul3A_599 = arith.mulf %mul3A_598, %get3A_597 : vector<16xf32>
      %add3A_600 = arith.addf %add3A_559, %mul3A_599 : vector<16xf32>
      %get3A_601 = arith.index_cast %add3A_592 : i32 to index
      %get3A_602 = arith.constant 16 : index
      %get3A_603 = tpu.vector_load %arg6[%get3A_601, %get3A_602] {strides = array<i32>} : memref<1024x64xf32, #tpu.memory_space<vmem>>, vector<16xf32>,
      %mul3A_604 = vector.broadcast %squeeze3A_594 : f32 to vector<16xf32>
      %mul3A_605 = arith.mulf %mul3A_604, %get3A_603 : vector<16xf32>
      %add3A_606 = arith.addf %add3A_565, %mul3A_605 : vector<16xf32>
      %get3A_607 = arith.index_cast %add3A_592 : i32 to index
      %get3A_608 = arith.constant 32 : index
      %get3A_609 = tpu.vector_load %arg6[%get3A_607, %get3A_608] {strides = array<i32>} : memref<1024x64xf32, #tpu.memory_space<vmem>>, vector<16xf32>,
      %mul3A_610 = vector.broadcast %squeeze3A_594 : f32 to vector<16xf32>
      %mul3A_611 = arith.mulf %mul3A_610, %get3A_609 : vector<16xf32>
      %add3A_612 = arith.addf %add3A_571, %mul3A_611 : vector<16xf32>
      %get3A_613 = arith.index_cast %add3A_592 : i32 to index
      %get3A_614 = arith.constant 48 : index
      %get3A_615 = tpu.vector_load %arg6[%get3A_613, %get3A_614] {strides = array<i32>} : memref<1024x64xf32, #tpu.memory_space<vmem>>, vector<16xf32>,
      %mul3A_616 = vector.broadcast %squeeze3A_594 : f32 to vector<16xf32>
      %mul3A_617 = arith.mulf %mul3A_616, %get3A_615 : vector<16xf32>
      %add3A_618 = arith.addf %add3A_577, %mul3A_617 : vector<16xf32>
      %slice3A_619 = vector.extract_strided_slice %get3A_581 {offsets = [1], sizes = [1], strides = [1]} : vector<16xi32> to vector<1xi32>
      %squeeze3A_620 = vector.extract %slice3A_619[0] : i32 from vector<1xi32>
      %add3A_621 = arith.constant 272 : i32
      %add3A_622 = arith.addi %add3A_621, %squeeze3A_620 : i32
      %slice3A_623 = vector.extract_strided_slice %sub3A_588 {offsets = [1], sizes = [1], strides = [1]} : vector<16xf32> to vector<1xf32>
      %squeeze3A_624 = vector.extract %slice3A_623[0] : f32 from vector<1xf32>
      %get3A_625 = arith.index_cast %add3A_622 : i32 to index
      %get3A_626 = arith.constant 0 : index
      %get3A_627 = tpu.vector_load %arg6[%get3A_625, %get3A_626] {strides = array<i32>} : memref<1024x64xf32, #tpu.memory_space<vmem>>, vector<16xf32>,
      %mul3A_628 = vector.broadcast %squeeze3A_624 : f32 to vector<16xf32>
      %mul3A_629 = arith.mulf %mul3A_628, %get3A_627 : vector<16xf32>
      %add3A_630 = arith.addf %add3A_600, %mul3A_629 : vector<16xf32>
      %get3A_631 = arith.index_cast %add3A_622 : i32 to index
      %get3A_632 = arith.constant 16 : index
      %get3A_633 = tpu.vector_load %arg6[%get3A_631, %get3A_632] {strides = array<i32>} : memref<1024x64xf32, #tpu.memory_space<vmem>>, vector<16xf32>,
      %mul3A_634 = vector.broadcast %squeeze3A_624 : f32 to vector<16xf32>
      %mul3A_635 = arith.mulf %mul3A_634, %get3A_633 : vector<16xf32>
      %add3A_636 = arith.addf %add3A_606, %mul3A_635 : vector<16xf32>
      %get3A_637 = arith.index_cast %add3A_622 : i32 to index
      %get3A_638 = arith.constant 32 : index
      %get3A_639 = tpu.vector_load %arg6[%get3A_637, %get3A_638] {strides = array<i32>} : memref<1024x64xf32, #tpu.memory_space<vmem>>, vector<16xf32>,
      %mul3A_640 = vector.broadcast %squeeze3A_624 : f32 to vector<16xf32>
      %mul3A_641 = arith.mulf %mul3A_640, %get3A_639 : vector<16xf32>
      %add3A_642 = arith.addf %add3A_612, %mul3A_641 : vector<16xf32>
      %get3A_643 = arith.index_cast %add3A_622 : i32 to index
      %get3A_644 = arith.constant 48 : index
      %get3A_645 = tpu.vector_load %arg6[%get3A_643, %get3A_644] {strides = array<i32>} : memref<1024x64xf32, #tpu.memory_space<vmem>>, vector<16xf32>,
      %mul3A_646 = vector.broadcast %squeeze3A_624 : f32 to vector<16xf32>
      %mul3A_647 = arith.mulf %mul3A_646, %get3A_645 : vector<16xf32>
      %add3A_648 = arith.addf %add3A_618, %mul3A_647 : vector<16xf32>
      %slice3A_649 = vector.extract_strided_slice %get3A_581 {offsets = [2], sizes = [1], strides = [1]} : vector<16xi32> to vector<1xi32>
      %squeeze3A_650 = vector.extract %slice3A_649[0] : i32 from vector<1xi32>
      %add3A_651 = arith.constant 288 : i32
      %add3A_652 = arith.addi %add3A_651, %squeeze3A_650 : i32
      %slice3A_653 = vector.extract_strided_slice %sub3A_588 {offsets = [2], sizes = [1], strides = [1]} : vector<16xf32> to vector<1xf32>
      %squeeze3A_654 = vector.extract %slice3A_653[0] : f32 from vector<1xf32>
      %get3A_655 = arith.index_cast %add3A_652 : i32 to index
      %get3A_656 = arith.constant 0 : index
      %get3A_657 = tpu.vector_load %arg6[%get3A_655, %get3A_656] {strides = array<i32>} : memref<1024x64xf32, #tpu.memory_space<vmem>>, vector<16xf32>,
      %mul3A_658 = vector.broadcast %squeeze3A_654 : f32 to vector<16xf32>
      %mul3A_659 = arith.mulf %mul3A_658, %get3A_657 : vector<16xf32>
      %add3A_660 = arith.addf %add3A_630, %mul3A_659 : vector<16xf32>
      %get3A_661 = arith.index_cast %add3A_652 : i32 to index
      %get3A_662 = arith.constant 16 : index
      %get3A_663 = tpu.vector_load %arg6[%get3A_661, %get3A_662] {strides = array<i32>} : memref<1024x64xf32, #tpu.memory_space<vmem>>, vector<16xf32>,
      %mul3A_664 = vector.broadcast %squeeze3A_654 : f32 to vector<16xf32>
      %mul3A_665 = arith.mulf %mul3A_664, %get3A_663 : vector<16xf32>
      %add3A_666 = arith.addf %add3A_636, %mul3A_665 : vector<16xf32>
      %get3A_667 = arith.index_cast %add3A_652 : i32 to index
      %get3A_668 = arith.constant 32 : index
      %get3A_669 = tpu.vector_load %arg6[%get3A_667, %get3A_668] {strides = array<i32>} : memref<1024x64xf32, #tpu.memory_space<vmem>>, vector<16xf32>,
      %mul3A_670 = vector.broadcast %squeeze3A_654 : f32 to vector<16xf32>
      %mul3A_671 = arith.mulf %mul3A_670, %get3A_669 : vector<16xf32>
      %add3A_672 = arith.addf %add3A_642, %mul3A_671 : vector<16xf32>
      %get3A_673 = arith.index_cast %add3A_652 : i32 to index
      %get3A_674 = arith.constant 48 : index
      %get3A_675 = tpu.vector_load %arg6[%get3A_673, %get3A_674] {strides = array<i32>} : memref<1024x64xf32, #tpu.memory_space<vmem>>, vector<16xf32>,
      %mul3A_676 = vector.broadcast %squeeze3A_654 : f32 to vector<16xf32>
      %mul3A_677 = arith.mulf %mul3A_676, %get3A_675 : vector<16xf32>
      %add3A_678 = arith.addf %add3A_648, %mul3A_677 : vector<16xf32>
      %slice3A_679 = vector.extract_strided_slice %get3A_581 {offsets = [3], sizes = [1], strides = [1]} : vector<16xi32> to vector<1xi32>
      %squeeze3A_680 = vector.extract %slice3A_679[0] : i32 from vector<1xi32>
      %add3A_681 = arith.constant 304 : i32
      %add3A_682 = arith.addi %add3A_681, %squeeze3A_680 : i32
      %slice3A_683 = vector.extract_strided_slice %sub3A_588 {offsets = [3], sizes = [1], strides = [1]} : vector<16xf32> to vector<1xf32>
      %squeeze3A_684 = vector.extract %slice3A_683[0] : f32 from vector<1xf32>
      %get3A_685 = arith.index_cast %add3A_682 : i32 to index
      %get3A_686 = arith.constant 0 : index
      %get3A_687 = tpu.vector_load %arg6[%get3A_685, %get3A_686] {strides = array<i32>} : memref<1024x64xf32, #tpu.memory_space<vmem>>, vector<16xf32>,
      %mul3A_688 = vector.broadcast %squeeze3A_684 : f32 to vector<16xf32>
      %mul3A_689 = arith.mulf %mul3A_688, %get3A_687 : vector<16xf32>
      %add3A_690 = arith.addf %add3A_660, %mul3A_689 : vector<16xf32>
      %get3A_691 = arith.index_cast %add3A_682 : i32 to index
      %get3A_692 = arith.constant 16 : index
      %get3A_693 = tpu.vector_load %arg6[%get3A_691, %get3A_692] {strides = array<i32>} : memref<1024x64xf32, #tpu.memory_space<vmem>>, vector<16xf32>,
      %mul3A_694 = vector.broadcast %squeeze3A_684 : f32 to vector<16xf32>
      %mul3A_695 = arith.mulf %mul3A_694, %get3A_693 : vector<16xf32>
      %add3A_696 = arith.addf %add3A_666, %mul3A_695 : vector<16xf32>
      %get3A_697 = arith.index_cast %add3A_682 : i32 to index
      %get3A_698 = arith.constant 32 : index
      %get3A_699 = tpu.vector_load %arg6[%get3A_697, %get3A_698] {strides = array<i32>} : memref<1024x64xf32, #tpu.memory_space<vmem>>, vector<16xf32>,
      %mul3A_700 = vector.broadcast %squeeze3A_684 : f32 to vector<16xf32>
      %mul3A_701 = arith.mulf %mul3A_700, %get3A_699 : vector<16xf32>
      %add3A_702 = arith.addf %add3A_672, %mul3A_701 : vector<16xf32>
      %get3A_703 = arith.index_cast %add3A_682 : i32 to index
      %get3A_704 = arith.constant 48 : index
      %get3A_705 = tpu.vector_load %arg6[%get3A_703, %get3A_704] {strides = array<i32>} : memref<1024x64xf32, #tpu.memory_space<vmem>>, vector<16xf32>,
      %mul3A_706 = vector.broadcast %squeeze3A_684 : f32 to vector<16xf32>
      %mul3A_707 = arith.mulf %mul3A_706, %get3A_705 : vector<16xf32>
      %add3A_708 = arith.addf %add3A_678, %mul3A_707 : vector<16xf32>
      %slice3A_709 = vector.extract_strided_slice %get3A_581 {offsets = [4], sizes = [1], strides = [1]} : vector<16xi32> to vector<1xi32>
      %squeeze3A_710 = vector.extract %slice3A_709[0] : i32 from vector<1xi32>
      %add3A_711 = arith.constant 320 : i32
      %add3A_712 = arith.addi %add3A_711, %squeeze3A_710 : i32
      %slice3A_713 = vector.extract_strided_slice %sub3A_588 {offsets = [4], sizes = [1], strides = [1]} : vector<16xf32> to vector<1xf32>
      %squeeze3A_714 = vector.extract %slice3A_713[0] : f32 from vector<1xf32>
      %get3A_715 = arith.index_cast %add3A_712 : i32 to index
      %get3A_716 = arith.constant 0 : index
      %get3A_717 = tpu.vector_load %arg6[%get3A_715, %get3A_716] {strides = array<i32>} : memref<1024x64xf32, #tpu.memory_space<vmem>>, vector<16xf32>,
      %mul3A_718 = vector.broadcast %squeeze3A_714 : f32 to vector<16xf32>
      %mul3A_719 = arith.mulf %mul3A_718, %get3A_717 : vector<16xf32>
      %add3A_720 = arith.addf %add3A_690, %mul3A_719 : vector<16xf32>
      %get3A_721 = arith.index_cast %add3A_712 : i32 to index
      %get3A_722 = arith.constant 16 : index
      %get3A_723 = tpu.vector_load %arg6[%get3A_721, %get3A_722] {strides = array<i32>} : memref<1024x64xf32, #tpu.memory_space<vmem>>, vector<16xf32>,
      %mul3A_724 = vector.broadcast %squeeze3A_714 : f32 to vector<16xf32>
      %mul3A_725 = arith.mulf %mul3A_724, %get3A_723 : vector<16xf32>
      %add3A_726 = arith.addf %add3A_696, %mul3A_725 : vector<16xf32>
      %get3A_727 = arith.index_cast %add3A_712 : i32 to index
      %get3A_728 = arith.constant 32 : index
      %get3A_729 = tpu.vector_load %arg6[%get3A_727, %get3A_728] {strides = array<i32>} : memref<1024x64xf32, #tpu.memory_space<vmem>>, vector<16xf32>,
      %mul3A_730 = vector.broadcast %squeeze3A_714 : f32 to vector<16xf32>
      %mul3A_731 = arith.mulf %mul3A_730, %get3A_729 : vector<16xf32>
      %add3A_732 = arith.addf %add3A_702, %mul3A_731 : vector<16xf32>
      %get3A_733 = arith.index_cast %add3A_712 : i32 to index
      %get3A_734 = arith.constant 48 : index
      %get3A_735 = tpu.vector_load %arg6[%get3A_733, %get3A_734] {strides = array<i32>} : memref<1024x64xf32, #tpu.memory_space<vmem>>, vector<16xf32>,
      %mul3A_736 = vector.broadcast %squeeze3A_714 : f32 to vector<16xf32>
      %mul3A_737 = arith.mulf %mul3A_736, %get3A_735 : vector<16xf32>
      %add3A_738 = arith.addf %add3A_708, %mul3A_737 : vector<16xf32>
      %slice3A_739 = vector.extract_strided_slice %get3A_581 {offsets = [5], sizes = [1], strides = [1]} : vector<16xi32> to vector<1xi32>
      %squeeze3A_740 = vector.extract %slice3A_739[0] : i32 from vector<1xi32>
      %add3A_741 = arith.constant 336 : i32
      %add3A_742 = arith.addi %add3A_741, %squeeze3A_740 : i32
      %slice3A_743 = vector.extract_strided_slice %sub3A_588 {offsets = [5], sizes = [1], strides = [1]} : vector<16xf32> to vector<1xf32>
      %squeeze3A_744 = vector.extract %slice3A_743[0] : f32 from vector<1xf32>
      %get3A_745 = arith.index_cast %add3A_742 : i32 to index
      %get3A_746 = arith.constant 0 : index
      %get3A_747 = tpu.vector_load %arg6[%get3A_745, %get3A_746] {strides = array<i32>} : memref<1024x64xf32, #tpu.memory_space<vmem>>, vector<16xf32>,
      %mul3A_748 = vector.broadcast %squeeze3A_744 : f32 to vector<16xf32>
      %mul3A_749 = arith.mulf %mul3A_748, %get3A_747 : vector<16xf32>
      %add3A_750 = arith.addf %add3A_720, %mul3A_749 : vector<16xf32>
      %get3A_751 = arith.index_cast %add3A_742 : i32 to index
      %get3A_752 = arith.constant 16 : index
      %get3A_753 = tpu.vector_load %arg6[%get3A_751, %get3A_752] {strides = array<i32>} : memref<1024x64xf32, #tpu.memory_space<vmem>>, vector<16xf32>,
      %mul3A_754 = vector.broadcast %squeeze3A_744 : f32 to vector<16xf32>
      %mul3A_755 = arith.mulf %mul3A_754, %get3A_753 : vector<16xf32>
      %add3A_756 = arith.addf %add3A_726, %mul3A_755 : vector<16xf32>
      %get3A_757 = arith.index_cast %add3A_742 : i32 to index
      %get3A_758 = arith.constant 32 : index
      %get3A_759 = tpu.vector_load %arg6[%get3A_757, %get3A_758] {strides = array<i32>} : memref<1024x64xf32, #tpu.memory_space<vmem>>, vector<16xf32>,
      %mul3A_760 = vector.broadcast %squeeze3A_744 : f32 to vector<16xf32>
      %mul3A_761 = arith.mulf %mul3A_760, %get3A_759 : vector<16xf32>
      %add3A_762 = arith.addf %add3A_732, %mul3A_761 : vector<16xf32>
      %get3A_763 = arith.index_cast %add3A_742 : i32 to index
      %get3A_764 = arith.constant 48 : index
      %get3A_765 = tpu.vector_load %arg6[%get3A_763, %get3A_764] {strides = array<i32>} : memref<1024x64xf32, #tpu.memory_space<vmem>>, vector<16xf32>,
      %mul3A_766 = vector.broadcast %squeeze3A_744 : f32 to vector<16xf32>
      %mul3A_767 = arith.mulf %mul3A_766, %get3A_765 : vector<16xf32>
      %add3A_768 = arith.addf %add3A_738, %mul3A_767 : vector<16xf32>
      %slice3A_769 = vector.extract_strided_slice %get3A_581 {offsets = [6], sizes = [1], strides = [1]} : vector<16xi32> to vector<1xi32>
      %squeeze3A_770 = vector.extract %slice3A_769[0] : i32 from vector<1xi32>
      %add3A_771 = arith.constant 352 : i32
      %add3A_772 = arith.addi %add3A_771, %squeeze3A_770 : i32
      %slice3A_773 = vector.extract_strided_slice %sub3A_588 {offsets = [6], sizes = [1], strides = [1]} : vector<16xf32> to vector<1xf32>
      %squeeze3A_774 = vector.extract %slice3A_773[0] : f32 from vector<1xf32>
      %get3A_775 = arith.index_cast %add3A_772 : i32 to index
      %get3A_776 = arith.constant 0 : index
      %get3A_777 = tpu.vector_load %arg6[%get3A_775, %get3A_776] {strides = array<i32>} : memref<1024x64xf32, #tpu.memory_space<vmem>>, vector<16xf32>,
      %mul3A_778 = vector.broadcast %squeeze3A_774 : f32 to vector<16xf32>
      %mul3A_779 = arith.mulf %mul3A_778, %get3A_777 : vector<16xf32>
      %add3A_780 = arith.addf %add3A_750, %mul3A_779 : vector<16xf32>
      %get3A_781 = arith.index_cast %add3A_772 : i32 to index
      %get3A_782 = arith.constant 16 : index
      %get3A_783 = tpu.vector_load %arg6[%get3A_781, %get3A_782] {strides = array<i32>} : memref<1024x64xf32, #tpu.memory_space<vmem>>, vector<16xf32>,
      %mul3A_784 = vector.broadcast %squeeze3A_774 : f32 to vector<16xf32>
      %mul3A_785 = arith.mulf %mul3A_784, %get3A_783 : vector<16xf32>
      %add3A_786 = arith.addf %add3A_756, %mul3A_785 : vector<16xf32>
      %get3A_787 = arith.index_cast %add3A_772 : i32 to index
      %get3A_788 = arith.constant 32 : index
      %get3A_789 = tpu.vector_load %arg6[%get3A_787, %get3A_788] {strides = array<i32>} : memref<1024x64xf32, #tpu.memory_space<vmem>>, vector<16xf32>,
      %mul3A_790 = vector.broadcast %squeeze3A_774 : f32 to vector<16xf32>
      %mul3A_791 = arith.mulf %mul3A_790, %get3A_789 : vector<16xf32>
      %add3A_792 = arith.addf %add3A_762, %mul3A_791 : vector<16xf32>
      %get3A_793 = arith.index_cast %add3A_772 : i32 to index
      %get3A_794 = arith.constant 48 : index
      %get3A_795 = tpu.vector_load %arg6[%get3A_793, %get3A_794] {strides = array<i32>} : memref<1024x64xf32, #tpu.memory_space<vmem>>, vector<16xf32>,
      %mul3A_796 = vector.broadcast %squeeze3A_774 : f32 to vector<16xf32>
      %mul3A_797 = arith.mulf %mul3A_796, %get3A_795 : vector<16xf32>
      %add3A_798 = arith.addf %add3A_768, %mul3A_797 : vector<16xf32>
      %slice3A_799 = vector.extract_strided_slice %get3A_581 {offsets = [7], sizes = [1], strides = [1]} : vector<16xi32> to vector<1xi32>
      %squeeze3A_800 = vector.extract %slice3A_799[0] : i32 from vector<1xi32>
      %add3A_801 = arith.constant 368 : i32
      %add3A_802 = arith.addi %add3A_801, %squeeze3A_800 : i32
      %slice3A_803 = vector.extract_strided_slice %sub3A_588 {offsets = [7], sizes = [1], strides = [1]} : vector<16xf32> to vector<1xf32>
      %squeeze3A_804 = vector.extract %slice3A_803[0] : f32 from vector<1xf32>
      %get3A_805 = arith.index_cast %add3A_802 : i32 to index
      %get3A_806 = arith.constant 0 : index
      %get3A_807 = tpu.vector_load %arg6[%get3A_805, %get3A_806] {strides = array<i32>} : memref<1024x64xf32, #tpu.memory_space<vmem>>, vector<16xf32>,
      %mul3A_808 = vector.broadcast %squeeze3A_804 : f32 to vector<16xf32>
      %mul3A_809 = arith.mulf %mul3A_808, %get3A_807 : vector<16xf32>
      %add3A_810 = arith.addf %add3A_780, %mul3A_809 : vector<16xf32>
      %get3A_811 = arith.index_cast %add3A_802 : i32 to index
      %get3A_812 = arith.constant 16 : index
      %get3A_813 = tpu.vector_load %arg6[%get3A_811, %get3A_812] {strides = array<i32>} : memref<1024x64xf32, #tpu.memory_space<vmem>>, vector<16xf32>,
      %mul3A_814 = vector.broadcast %squeeze3A_804 : f32 to vector<16xf32>
      %mul3A_815 = arith.mulf %mul3A_814, %get3A_813 : vector<16xf32>
      %add3A_816 = arith.addf %add3A_786, %mul3A_815 : vector<16xf32>
      %get3A_817 = arith.index_cast %add3A_802 : i32 to index
      %get3A_818 = arith.constant 32 : index
      %get3A_819 = tpu.vector_load %arg6[%get3A_817, %get3A_818] {strides = array<i32>} : memref<1024x64xf32, #tpu.memory_space<vmem>>, vector<16xf32>,
      %mul3A_820 = vector.broadcast %squeeze3A_804 : f32 to vector<16xf32>
      %mul3A_821 = arith.mulf %mul3A_820, %get3A_819 : vector<16xf32>
      %add3A_822 = arith.addf %add3A_792, %mul3A_821 : vector<16xf32>
      %get3A_823 = arith.index_cast %add3A_802 : i32 to index
      %get3A_824 = arith.constant 48 : index
      %get3A_825 = tpu.vector_load %arg6[%get3A_823, %get3A_824] {strides = array<i32>} : memref<1024x64xf32, #tpu.memory_space<vmem>>, vector<16xf32>,
      %mul3A_826 = vector.broadcast %squeeze3A_804 : f32 to vector<16xf32>
      %mul3A_827 = arith.mulf %mul3A_826, %get3A_825 : vector<16xf32>
      %add3A_828 = arith.addf %add3A_798, %mul3A_827 : vector<16xf32>
      %slice3A_829 = vector.extract_strided_slice %get3A_581 {offsets = [8], sizes = [1], strides = [1]} : vector<16xi32> to vector<1xi32>
      %squeeze3A_830 = vector.extract %slice3A_829[0] : i32 from vector<1xi32>
      %add3A_831 = arith.constant 384 : i32
      %add3A_832 = arith.addi %add3A_831, %squeeze3A_830 : i32
      %slice3A_833 = vector.extract_strided_slice %sub3A_588 {offsets = [8], sizes = [1], strides = [1]} : vector<16xf32> to vector<1xf32>
      %squeeze3A_834 = vector.extract %slice3A_833[0] : f32 from vector<1xf32>
      %get3A_835 = arith.index_cast %add3A_832 : i32 to index
      %get3A_836 = arith.constant 0 : index
      %get3A_837 = tpu.vector_load %arg6[%get3A_835, %get3A_836] {strides = array<i32>} : memref<1024x64xf32, #tpu.memory_space<vmem>>, vector<16xf32>,
      %mul3A_838 = vector.broadcast %squeeze3A_834 : f32 to vector<16xf32>
      %mul3A_839 = arith.mulf %mul3A_838, %get3A_837 : vector<16xf32>
      %add3A_840 = arith.addf %add3A_810, %mul3A_839 : vector<16xf32>
      %get3A_841 = arith.index_cast %add3A_832 : i32 to index
      %get3A_842 = arith.constant 16 : index
      %get3A_843 = tpu.vector_load %arg6[%get3A_841, %get3A_842] {strides = array<i32>} : memref<1024x64xf32, #tpu.memory_space<vmem>>, vector<16xf32>,
      %mul3A_844 = vector.broadcast %squeeze3A_834 : f32 to vector<16xf32>
      %mul3A_845 = arith.mulf %mul3A_844, %get3A_843 : vector<16xf32>
      %add3A_846 = arith.addf %add3A_816, %mul3A_845 : vector<16xf32>
      %get3A_847 = arith.index_cast %add3A_832 : i32 to index
      %get3A_848 = arith.constant 32 : index
      %get3A_849 = tpu.vector_load %arg6[%get3A_847, %get3A_848] {strides = array<i32>} : memref<1024x64xf32, #tpu.memory_space<vmem>>, vector<16xf32>,
      %mul3A_850 = vector.broadcast %squeeze3A_834 : f32 to vector<16xf32>
      %mul3A_851 = arith.mulf %mul3A_850, %get3A_849 : vector<16xf32>
      %add3A_852 = arith.addf %add3A_822, %mul3A_851 : vector<16xf32>
      %get3A_853 = arith.index_cast %add3A_832 : i32 to index
      %get3A_854 = arith.constant 48 : index
      %get3A_855 = tpu.vector_load %arg6[%get3A_853, %get3A_854] {strides = array<i32>} : memref<1024x64xf32, #tpu.memory_space<vmem>>, vector<16xf32>,
      %mul3A_856 = vector.broadcast %squeeze3A_834 : f32 to vector<16xf32>
      %mul3A_857 = arith.mulf %mul3A_856, %get3A_855 : vector<16xf32>
      %add3A_858 = arith.addf %add3A_828, %mul3A_857 : vector<16xf32>
      %slice3A_859 = vector.extract_strided_slice %get3A_581 {offsets = [9], sizes = [1], strides = [1]} : vector<16xi32> to vector<1xi32>
      %squeeze3A_860 = vector.extract %slice3A_859[0] : i32 from vector<1xi32>
      %add3A_861 = arith.constant 400 : i32
      %add3A_862 = arith.addi %add3A_861, %squeeze3A_860 : i32
      %slice3A_863 = vector.extract_strided_slice %sub3A_588 {offsets = [9], sizes = [1], strides = [1]} : vector<16xf32> to vector<1xf32>
      %squeeze3A_864 = vector.extract %slice3A_863[0] : f32 from vector<1xf32>
      %get3A_865 = arith.index_cast %add3A_862 : i32 to index
      %get3A_866 = arith.constant 0 : index
      %get3A_867 = tpu.vector_load %arg6[%get3A_865, %get3A_866] {strides = array<i32>} : memref<1024x64xf32, #tpu.memory_space<vmem>>, vector<16xf32>,
      %mul3A_868 = vector.broadcast %squeeze3A_864 : f32 to vector<16xf32>
      %mul3A_869 = arith.mulf %mul3A_868, %get3A_867 : vector<16xf32>
      %add3A_870 = arith.addf %add3A_840, %mul3A_869 : vector<16xf32>
      %get3A_871 = arith.index_cast %add3A_862 : i32 to index
      %get3A_872 = arith.constant 16 : index
      %get3A_873 = tpu.vector_load %arg6[%get3A_871, %get3A_872] {strides = array<i32>} : memref<1024x64xf32, #tpu.memory_space<vmem>>, vector<16xf32>,
      %mul3A_874 = vector.broadcast %squeeze3A_864 : f32 to vector<16xf32>
      %mul3A_875 = arith.mulf %mul3A_874, %get3A_873 : vector<16xf32>
      %add3A_876 = arith.addf %add3A_846, %mul3A_875 : vector<16xf32>
      %get3A_877 = arith.index_cast %add3A_862 : i32 to index
      %get3A_878 = arith.constant 32 : index
      %get3A_879 = tpu.vector_load %arg6[%get3A_877, %get3A_878] {strides = array<i32>} : memref<1024x64xf32, #tpu.memory_space<vmem>>, vector<16xf32>,
      %mul3A_880 = vector.broadcast %squeeze3A_864 : f32 to vector<16xf32>
      %mul3A_881 = arith.mulf %mul3A_880, %get3A_879 : vector<16xf32>
      %add3A_882 = arith.addf %add3A_852, %mul3A_881 : vector<16xf32>
      %get3A_883 = arith.index_cast %add3A_862 : i32 to index
      %get3A_884 = arith.constant 48 : index
      %get3A_885 = tpu.vector_load %arg6[%get3A_883, %get3A_884] {strides = array<i32>} : memref<1024x64xf32, #tpu.memory_space<vmem>>, vector<16xf32>,
      %mul3A_886 = vector.broadcast %squeeze3A_864 : f32 to vector<16xf32>
      %mul3A_887 = arith.mulf %mul3A_886, %get3A_885 : vector<16xf32>
      %add3A_888 = arith.addf %add3A_858, %mul3A_887 : vector<16xf32>
      %slice3A_889 = vector.extract_strided_slice %get3A_581 {offsets = [10], sizes = [1], strides = [1]} : vector<16xi32> to vector<1xi32>
      %squeeze3A_890 = vector.extract %slice3A_889[0] : i32 from vector<1xi32>
      %add3A_891 = arith.constant 416 : i32
      %add3A_892 = arith.addi %add3A_891, %squeeze3A_890 : i32
      %slice3A_893 = vector.extract_strided_slice %sub3A_588 {offsets = [10], sizes = [1], strides = [1]} : vector<16xf32> to vector<1xf32>
      %squeeze3A_894 = vector.extract %slice3A_893[0] : f32 from vector<1xf32>
      %get3A_895 = arith.index_cast %add3A_892 : i32 to index
      %get3A_896 = arith.constant 0 : index
      %get3A_897 = tpu.vector_load %arg6[%get3A_895, %get3A_896] {strides = array<i32>} : memref<1024x64xf32, #tpu.memory_space<vmem>>, vector<16xf32>,
      %mul3A_898 = vector.broadcast %squeeze3A_894 : f32 to vector<16xf32>
      %mul3A_899 = arith.mulf %mul3A_898, %get3A_897 : vector<16xf32>
      %add3A_900 = arith.addf %add3A_870, %mul3A_899 : vector<16xf32>
      %get3A_901 = arith.index_cast %add3A_892 : i32 to index
      %get3A_902 = arith.constant 16 : index
      %get3A_903 = tpu.vector_load %arg6[%get3A_901, %get3A_902] {strides = array<i32>} : memref<1024x64xf32, #tpu.memory_space<vmem>>, vector<16xf32>,
      %mul3A_904 = vector.broadcast %squeeze3A_894 : f32 to vector<16xf32>
      %mul3A_905 = arith.mulf %mul3A_904, %get3A_903 : vector<16xf32>
      %add3A_906 = arith.addf %add3A_876, %mul3A_905 : vector<16xf32>
      %get3A_907 = arith.index_cast %add3A_892 : i32 to index
      %get3A_908 = arith.constant 32 : index
      %get3A_909 = tpu.vector_load %arg6[%get3A_907, %get3A_908] {strides = array<i32>} : memref<1024x64xf32, #tpu.memory_space<vmem>>, vector<16xf32>,
      %mul3A_910 = vector.broadcast %squeeze3A_894 : f32 to vector<16xf32>
      %mul3A_911 = arith.mulf %mul3A_910, %get3A_909 : vector<16xf32>
      %add3A_912 = arith.addf %add3A_882, %mul3A_911 : vector<16xf32>
      %get3A_913 = arith.index_cast %add3A_892 : i32 to index
      %get3A_914 = arith.constant 48 : index
      %get3A_915 = tpu.vector_load %arg6[%get3A_913, %get3A_914] {strides = array<i32>} : memref<1024x64xf32, #tpu.memory_space<vmem>>, vector<16xf32>,
      %mul3A_916 = vector.broadcast %squeeze3A_894 : f32 to vector<16xf32>
      %mul3A_917 = arith.mulf %mul3A_916, %get3A_915 : vector<16xf32>
      %add3A_918 = arith.addf %add3A_888, %mul3A_917 : vector<16xf32>
      %slice3A_919 = vector.extract_strided_slice %get3A_581 {offsets = [11], sizes = [1], strides = [1]} : vector<16xi32> to vector<1xi32>
      %squeeze3A_920 = vector.extract %slice3A_919[0] : i32 from vector<1xi32>
      %add3A_921 = arith.constant 432 : i32
      %add3A_922 = arith.addi %add3A_921, %squeeze3A_920 : i32
      %slice3A_923 = vector.extract_strided_slice %sub3A_588 {offsets = [11], sizes = [1], strides = [1]} : vector<16xf32> to vector<1xf32>
      %squeeze3A_924 = vector.extract %slice3A_923[0] : f32 from vector<1xf32>
      %get3A_925 = arith.index_cast %add3A_922 : i32 to index
      %get3A_926 = arith.constant 0 : index
      %get3A_927 = tpu.vector_load %arg6[%get3A_925, %get3A_926] {strides = array<i32>} : memref<1024x64xf32, #tpu.memory_space<vmem>>, vector<16xf32>,
      %mul3A_928 = vector.broadcast %squeeze3A_924 : f32 to vector<16xf32>
      %mul3A_929 = arith.mulf %mul3A_928, %get3A_927 : vector<16xf32>
      %add3A_930 = arith.addf %add3A_900, %mul3A_929 : vector<16xf32>
      %get3A_931 = arith.index_cast %add3A_922 : i32 to index
      %get3A_932 = arith.constant 16 : index
      %get3A_933 = tpu.vector_load %arg6[%get3A_931, %get3A_932] {strides = array<i32>} : memref<1024x64xf32, #tpu.memory_space<vmem>>, vector<16xf32>,
      %mul3A_934 = vector.broadcast %squeeze3A_924 : f32 to vector<16xf32>
      %mul3A_935 = arith.mulf %mul3A_934, %get3A_933 : vector<16xf32>
      %add3A_936 = arith.addf %add3A_906, %mul3A_935 : vector<16xf32>
      %get3A_937 = arith.index_cast %add3A_922 : i32 to index
      %get3A_938 = arith.constant 32 : index
      %get3A_939 = tpu.vector_load %arg6[%get3A_937, %get3A_938] {strides = array<i32>} : memref<1024x64xf32, #tpu.memory_space<vmem>>, vector<16xf32>,
      %mul3A_940 = vector.broadcast %squeeze3A_924 : f32 to vector<16xf32>
      %mul3A_941 = arith.mulf %mul3A_940, %get3A_939 : vector<16xf32>
      %add3A_942 = arith.addf %add3A_912, %mul3A_941 : vector<16xf32>
      %get3A_943 = arith.index_cast %add3A_922 : i32 to index
      %get3A_944 = arith.constant 48 : index
      %get3A_945 = tpu.vector_load %arg6[%get3A_943, %get3A_944] {strides = array<i32>} : memref<1024x64xf32, #tpu.memory_space<vmem>>, vector<16xf32>,
      %mul3A_946 = vector.broadcast %squeeze3A_924 : f32 to vector<16xf32>
      %mul3A_947 = arith.mulf %mul3A_946, %get3A_945 : vector<16xf32>
      %add3A_948 = arith.addf %add3A_918, %mul3A_947 : vector<16xf32>
      %slice3A_949 = vector.extract_strided_slice %get3A_581 {offsets = [12], sizes = [1], strides = [1]} : vector<16xi32> to vector<1xi32>
      %squeeze3A_950 = vector.extract %slice3A_949[0] : i32 from vector<1xi32>
      %add3A_951 = arith.constant 448 : i32
      %add3A_952 = arith.addi %add3A_951, %squeeze3A_950 : i32
      %slice3A_953 = vector.extract_strided_slice %sub3A_588 {offsets = [12], sizes = [1], strides = [1]} : vector<16xf32> to vector<1xf32>
      %squeeze3A_954 = vector.extract %slice3A_953[0] : f32 from vector<1xf32>
      %get3A_955 = arith.index_cast %add3A_952 : i32 to index
      %get3A_956 = arith.constant 0 : index
      %get3A_957 = tpu.vector_load %arg6[%get3A_955, %get3A_956] {strides = array<i32>} : memref<1024x64xf32, #tpu.memory_space<vmem>>, vector<16xf32>,
      %mul3A_958 = vector.broadcast %squeeze3A_954 : f32 to vector<16xf32>
      %mul3A_959 = arith.mulf %mul3A_958, %get3A_957 : vector<16xf32>
      %add3A_960 = arith.addf %add3A_930, %mul3A_959 : vector<16xf32>
      %get3A_961 = arith.index_cast %add3A_952 : i32 to index
      %get3A_962 = arith.constant 16 : index
      %get3A_963 = tpu.vector_load %arg6[%get3A_961, %get3A_962] {strides = array<i32>} : memref<1024x64xf32, #tpu.memory_space<vmem>>, vector<16xf32>,
      %mul3A_964 = vector.broadcast %squeeze3A_954 : f32 to vector<16xf32>
      %mul3A_965 = arith.mulf %mul3A_964, %get3A_963 : vector<16xf32>
      %add3A_966 = arith.addf %add3A_936, %mul3A_965 : vector<16xf32>
      %get3A_967 = arith.index_cast %add3A_952 : i32 to index
      %get3A_968 = arith.constant 32 : index
      %get3A_969 = tpu.vector_load %arg6[%get3A_967, %get3A_968] {strides = array<i32>} : memref<1024x64xf32, #tpu.memory_space<vmem>>, vector<16xf32>,
      %mul3A_970 = vector.broadcast %squeeze3A_954 : f32 to vector<16xf32>
      %mul3A_971 = arith.mulf %mul3A_970, %get3A_969 : vector<16xf32>
      %add3A_972 = arith.addf %add3A_942, %mul3A_971 : vector<16xf32>
      %get3A_973 = arith.index_cast %add3A_952 : i32 to index
      %get3A_974 = arith.constant 48 : index
      %get3A_975 = tpu.vector_load %arg6[%get3A_973, %get3A_974] {strides = array<i32>} : memref<1024x64xf32, #tpu.memory_space<vmem>>, vector<16xf32>,
      %mul3A_976 = vector.broadcast %squeeze3A_954 : f32 to vector<16xf32>
      %mul3A_977 = arith.mulf %mul3A_976, %get3A_975 : vector<16xf32>
      %add3A_978 = arith.addf %add3A_948, %mul3A_977 : vector<16xf32>
      %slice3A_979 = vector.extract_strided_slice %get3A_581 {offsets = [13], sizes = [1], strides = [1]} : vector<16xi32> to vector<1xi32>
      %squeeze3A_980 = vector.extract %slice3A_979[0] : i32 from vector<1xi32>
      %add3A_981 = arith.constant 464 : i32
      %add3A_982 = arith.addi %add3A_981, %squeeze3A_980 : i32
      %slice3A_983 = vector.extract_strided_slice %sub3A_588 {offsets = [13], sizes = [1], strides = [1]} : vector<16xf32> to vector<1xf32>
      %squeeze3A_984 = vector.extract %slice3A_983[0] : f32 from vector<1xf32>
      %get3A_985 = arith.index_cast %add3A_982 : i32 to index
      %get3A_986 = arith.constant 0 : index
      %get3A_987 = tpu.vector_load %arg6[%get3A_985, %get3A_986] {strides = array<i32>} : memref<1024x64xf32, #tpu.memory_space<vmem>>, vector<16xf32>,
      %mul3A_988 = vector.broadcast %squeeze3A_984 : f32 to vector<16xf32>
      %mul3A_989 = arith.mulf %mul3A_988, %get3A_987 : vector<16xf32>
      %add3A_990 = arith.addf %add3A_960, %mul3A_989 : vector<16xf32>
      %get3A_991 = arith.index_cast %add3A_982 : i32 to index
      %get3A_992 = arith.constant 16 : index
      %get3A_993 = tpu.vector_load %arg6[%get3A_991, %get3A_992] {strides = array<i32>} : memref<1024x64xf32, #tpu.memory_space<vmem>>, vector<16xf32>,
      %mul3A_994 = vector.broadcast %squeeze3A_984 : f32 to vector<16xf32>
      %mul3A_995 = arith.mulf %mul3A_994, %get3A_993 : vector<16xf32>
      %add3A_996 = arith.addf %add3A_966, %mul3A_995 : vector<16xf32>
      %get3A_997 = arith.index_cast %add3A_982 : i32 to index
      %get3A_998 = arith.constant 32 : index
      %get3A_999 = tpu.vector_load %arg6[%get3A_997, %get3A_998] {strides = array<i32>} : memref<1024x64xf32, #tpu.memory_space<vmem>>, vector<16xf32>,
      %mul3A_1000 = vector.broadcast %squeeze3A_984 : f32 to vector<16xf32>
      %mul3A_1001 = arith.mulf %mul3A_1000, %get3A_999 : vector<16xf32>
      %add3A_1002 = arith.addf %add3A_972, %mul3A_1001 : vector<16xf32>
      %get3A_1003 = arith.index_cast %add3A_982 : i32 to index
      %get3A_1004 = arith.constant 48 : index
      %get3A_1005 = tpu.vector_load %arg6[%get3A_1003, %get3A_1004] {strides = array<i32>} : memref<1024x64xf32, #tpu.memory_space<vmem>>, vector<16xf32>,
      %mul3A_1006 = vector.broadcast %squeeze3A_984 : f32 to vector<16xf32>
      %mul3A_1007 = arith.mulf %mul3A_1006, %get3A_1005 : vector<16xf32>
      %add3A_1008 = arith.addf %add3A_978, %mul3A_1007 : vector<16xf32>
      %slice3A_1009 = vector.extract_strided_slice %get3A_581 {offsets = [14], sizes = [1], strides = [1]} : vector<16xi32> to vector<1xi32>
      %squeeze3A_1010 = vector.extract %slice3A_1009[0] : i32 from vector<1xi32>
      %add3A_1011 = arith.constant 480 : i32
      %add3A_1012 = arith.addi %add3A_1011, %squeeze3A_1010 : i32
      %slice3A_1013 = vector.extract_strided_slice %sub3A_588 {offsets = [14], sizes = [1], strides = [1]} : vector<16xf32> to vector<1xf32>
      %squeeze3A_1014 = vector.extract %slice3A_1013[0] : f32 from vector<1xf32>
      %get3A_1015 = arith.index_cast %add3A_1012 : i32 to index
      %get3A_1016 = arith.constant 0 : index
      %get3A_1017 = tpu.vector_load %arg6[%get3A_1015, %get3A_1016] {strides = array<i32>} : memref<1024x64xf32, #tpu.memory_space<vmem>>, vector<16xf32>,
      %mul3A_1018 = vector.broadcast %squeeze3A_1014 : f32 to vector<16xf32>
      %mul3A_1019 = arith.mulf %mul3A_1018, %get3A_1017 : vector<16xf32>
      %add3A_1020 = arith.addf %add3A_990, %mul3A_1019 : vector<16xf32>
      %get3A_1021 = arith.index_cast %add3A_1012 : i32 to index
      %get3A_1022 = arith.constant 16 : index
      %get3A_1023 = tpu.vector_load %arg6[%get3A_1021, %get3A_1022] {strides = array<i32>} : memref<1024x64xf32, #tpu.memory_space<vmem>>, vector<16xf32>,
      %mul3A_1024 = vector.broadcast %squeeze3A_1014 : f32 to vector<16xf32>
      %mul3A_1025 = arith.mulf %mul3A_1024, %get3A_1023 : vector<16xf32>
      %add3A_1026 = arith.addf %add3A_996, %mul3A_1025 : vector<16xf32>
      %get3A_1027 = arith.index_cast %add3A_1012 : i32 to index
      %get3A_1028 = arith.constant 32 : index
      %get3A_1029 = tpu.vector_load %arg6[%get3A_1027, %get3A_1028] {strides = array<i32>} : memref<1024x64xf32, #tpu.memory_space<vmem>>, vector<16xf32>,
      %mul3A_1030 = vector.broadcast %squeeze3A_1014 : f32 to vector<16xf32>
      %mul3A_1031 = arith.mulf %mul3A_1030, %get3A_1029 : vector<16xf32>
      %add3A_1032 = arith.addf %add3A_1002, %mul3A_1031 : vector<16xf32>
      %get3A_1033 = arith.index_cast %add3A_1012 : i32 to index
      %get3A_1034 = arith.constant 48 : index
      %get3A_1035 = tpu.vector_load %arg6[%get3A_1033, %get3A_1034] {strides = array<i32>} : memref<1024x64xf32, #tpu.memory_space<vmem>>, vector<16xf32>,
      %mul3A_1036 = vector.broadcast %squeeze3A_1014 : f32 to vector<16xf32>
      %mul3A_1037 = arith.mulf %mul3A_1036, %get3A_1035 : vector<16xf32>
      %add3A_1038 = arith.addf %add3A_1008, %mul3A_1037 : vector<16xf32>
      %slice3A_1039 = vector.extract_strided_slice %get3A_581 {offsets = [15], sizes = [1], strides = [1]} : vector<16xi32> to vector<1xi32>
      %squeeze3A_1040 = vector.extract %slice3A_1039[0] : i32 from vector<1xi32>
      %add3A_1041 = arith.constant 496 : i32
      %add3A_1042 = arith.addi %add3A_1041, %squeeze3A_1040 : i32
      %slice3A_1043 = vector.extract_strided_slice %sub3A_588 {offsets = [15], sizes = [1], strides = [1]} : vector<16xf32> to vector<1xf32>
      %squeeze3A_1044 = vector.extract %slice3A_1043[0] : f32 from vector<1xf32>
      %get3A_1045 = arith.index_cast %add3A_1042 : i32 to index
      %get3A_1046 = arith.constant 0 : index
      %get3A_1047 = tpu.vector_load %arg6[%get3A_1045, %get3A_1046] {strides = array<i32>} : memref<1024x64xf32, #tpu.memory_space<vmem>>, vector<16xf32>,
      %mul3A_1048 = vector.broadcast %squeeze3A_1044 : f32 to vector<16xf32>
      %mul3A_1049 = arith.mulf %mul3A_1048, %get3A_1047 : vector<16xf32>
      %add3A_1050 = arith.addf %add3A_1020, %mul3A_1049 : vector<16xf32>
      %get3A_1051 = arith.index_cast %add3A_1042 : i32 to index
      %get3A_1052 = arith.constant 16 : index
      %get3A_1053 = tpu.vector_load %arg6[%get3A_1051, %get3A_1052] {strides = array<i32>} : memref<1024x64xf32, #tpu.memory_space<vmem>>, vector<16xf32>,
      %mul3A_1054 = vector.broadcast %squeeze3A_1044 : f32 to vector<16xf32>
      %mul3A_1055 = arith.mulf %mul3A_1054, %get3A_1053 : vector<16xf32>
      %add3A_1056 = arith.addf %add3A_1026, %mul3A_1055 : vector<16xf32>
      %get3A_1057 = arith.index_cast %add3A_1042 : i32 to index
      %get3A_1058 = arith.constant 32 : index
      %get3A_1059 = tpu.vector_load %arg6[%get3A_1057, %get3A_1058] {strides = array<i32>} : memref<1024x64xf32, #tpu.memory_space<vmem>>, vector<16xf32>,
      %mul3A_1060 = vector.broadcast %squeeze3A_1044 : f32 to vector<16xf32>
      %mul3A_1061 = arith.mulf %mul3A_1060, %get3A_1059 : vector<16xf32>
      %add3A_1062 = arith.addf %add3A_1032, %mul3A_1061 : vector<16xf32>
      %get3A_1063 = arith.index_cast %add3A_1042 : i32 to index
      %get3A_1064 = arith.constant 48 : index
      %get3A_1065 = tpu.vector_load %arg6[%get3A_1063, %get3A_1064] {strides = array<i32>} : memref<1024x64xf32, #tpu.memory_space<vmem>>, vector<16xf32>,
      %mul3A_1066 = vector.broadcast %squeeze3A_1044 : f32 to vector<16xf32>
      %mul3A_1067 = arith.mulf %mul3A_1066, %get3A_1065 : vector<16xf32>
      %add3A_1068 = arith.addf %add3A_1038, %mul3A_1067 : vector<16xf32>
      %get3A_1069 = arith.index_cast %select_n3A : i32 to index
      %get3A_1070 = arith.index_cast %sub3A_89 : i32 to index
      %get3A_1071 = arith.constant 32 : index
      %get3A_1072 = tpu.vector_load %arg8[%get3A_1069, %get3A_1070, %get3A_1071] {strides = array<i32>} : memref<4x20x64xi32, #tpu.memory_space<vmem>>, vector<16xi32>,
      %get3A_1073 = arith.index_cast %select_n3A : i32 to index
      %get3A_1074 = arith.index_cast %sub3A_89 : i32 to index
      %get3A_1075 = arith.constant 32 : index
      %get3A_1076 = tpu.vector_load %arg7[%get3A_1073, %get3A_1074, %get3A_1075] {strides = array<i32>} : memref<4x20x64xf32, #tpu.memory_space<vmem>>, vector<16xf32>,
      %sub3A_1077 = arith.constant 1.000000e+00 : f32
      %sub3A_1078 = vector.broadcast %sub3A_1077 : f32 to vector<16xf32>
      %sub3A_1079 = arith.subf %sub3A_1078, %get3A_1076 : vector<16xf32>
      %slice3A_1080 = vector.extract_strided_slice %get3A_1072 {offsets = [0], sizes = [1], strides = [1]} : vector<16xi32> to vector<1xi32>
      %squeeze3A_1081 = vector.extract %slice3A_1080[0] : i32 from vector<1xi32>
      %add3A_1082 = arith.constant 512 : i32
      %add3A_1083 = arith.addi %add3A_1082, %squeeze3A_1081 : i32
      %slice3A_1084 = vector.extract_strided_slice %sub3A_1079 {offsets = [0], sizes = [1], strides = [1]} : vector<16xf32> to vector<1xf32>
      %squeeze3A_1085 = vector.extract %slice3A_1084[0] : f32 from vector<1xf32>
      %get3A_1086 = arith.index_cast %add3A_1083 : i32 to index
      %get3A_1087 = arith.constant 0 : index
      %get3A_1088 = tpu.vector_load %arg6[%get3A_1086, %get3A_1087] {strides = array<i32>} : memref<1024x64xf32, #tpu.memory_space<vmem>>, vector<16xf32>,
      %mul3A_1089 = vector.broadcast %squeeze3A_1085 : f32 to vector<16xf32>
      %mul3A_1090 = arith.mulf %mul3A_1089, %get3A_1088 : vector<16xf32>
      %add3A_1091 = arith.addf %add3A_1050, %mul3A_1090 : vector<16xf32>
      %get3A_1092 = arith.index_cast %add3A_1083 : i32 to index
      %get3A_1093 = arith.constant 16 : index
      %get3A_1094 = tpu.vector_load %arg6[%get3A_1092, %get3A_1093] {strides = array<i32>} : memref<1024x64xf32, #tpu.memory_space<vmem>>, vector<16xf32>,
      %mul3A_1095 = vector.broadcast %squeeze3A_1085 : f32 to vector<16xf32>
      %mul3A_1096 = arith.mulf %mul3A_1095, %get3A_1094 : vector<16xf32>
      %add3A_1097 = arith.addf %add3A_1056, %mul3A_1096 : vector<16xf32>
      %get3A_1098 = arith.index_cast %add3A_1083 : i32 to index
      %get3A_1099 = arith.constant 32 : index
      %get3A_1100 = tpu.vector_load %arg6[%get3A_1098, %get3A_1099] {strides = array<i32>} : memref<1024x64xf32, #tpu.memory_space<vmem>>, vector<16xf32>,
      %mul3A_1101 = vector.broadcast %squeeze3A_1085 : f32 to vector<16xf32>
      %mul3A_1102 = arith.mulf %mul3A_1101, %get3A_1100 : vector<16xf32>
      %add3A_1103 = arith.addf %add3A_1062, %mul3A_1102 : vector<16xf32>
      %get3A_1104 = arith.index_cast %add3A_1083 : i32 to index
      %get3A_1105 = arith.constant 48 : index
      %get3A_1106 = tpu.vector_load %arg6[%get3A_1104, %get3A_1105] {strides = array<i32>} : memref<1024x64xf32, #tpu.memory_space<vmem>>, vector<16xf32>,
      %mul3A_1107 = vector.broadcast %squeeze3A_1085 : f32 to vector<16xf32>
      %mul3A_1108 = arith.mulf %mul3A_1107, %get3A_1106 : vector<16xf32>
      %add3A_1109 = arith.addf %add3A_1068, %mul3A_1108 : vector<16xf32>
      %slice3A_1110 = vector.extract_strided_slice %get3A_1072 {offsets = [1], sizes = [1], strides = [1]} : vector<16xi32> to vector<1xi32>
      %squeeze3A_1111 = vector.extract %slice3A_1110[0] : i32 from vector<1xi32>
      %add3A_1112 = arith.constant 528 : i32
      %add3A_1113 = arith.addi %add3A_1112, %squeeze3A_1111 : i32
      %slice3A_1114 = vector.extract_strided_slice %sub3A_1079 {offsets = [1], sizes = [1], strides = [1]} : vector<16xf32> to vector<1xf32>
      %squeeze3A_1115 = vector.extract %slice3A_1114[0] : f32 from vector<1xf32>
      %get3A_1116 = arith.index_cast %add3A_1113 : i32 to index
      %get3A_1117 = arith.constant 0 : index
      %get3A_1118 = tpu.vector_load %arg6[%get3A_1116, %get3A_1117] {strides = array<i32>} : memref<1024x64xf32, #tpu.memory_space<vmem>>, vector<16xf32>,
      %mul3A_1119 = vector.broadcast %squeeze3A_1115 : f32 to vector<16xf32>
      %mul3A_1120 = arith.mulf %mul3A_1119, %get3A_1118 : vector<16xf32>
      %add3A_1121 = arith.addf %add3A_1091, %mul3A_1120 : vector<16xf32>
      %get3A_1122 = arith.index_cast %add3A_1113 : i32 to index
      %get3A_1123 = arith.constant 16 : index
      %get3A_1124 = tpu.vector_load %arg6[%get3A_1122, %get3A_1123] {strides = array<i32>} : memref<1024x64xf32, #tpu.memory_space<vmem>>, vector<16xf32>,
      %mul3A_1125 = vector.broadcast %squeeze3A_1115 : f32 to vector<16xf32>
      %mul3A_1126 = arith.mulf %mul3A_1125, %get3A_1124 : vector<16xf32>
      %add3A_1127 = arith.addf %add3A_1097, %mul3A_1126 : vector<16xf32>
      %get3A_1128 = arith.index_cast %add3A_1113 : i32 to index
      %get3A_1129 = arith.constant 32 : index
      %get3A_1130 = tpu.vector_load %arg6[%get3A_1128, %get3A_1129] {strides = array<i32>} : memref<1024x64xf32, #tpu.memory_space<vmem>>, vector<16xf32>,
      %mul3A_1131 = vector.broadcast %squeeze3A_1115 : f32 to vector<16xf32>
      %mul3A_1132 = arith.mulf %mul3A_1131, %get3A_1130 : vector<16xf32>
      %add3A_1133 = arith.addf %add3A_1103, %mul3A_1132 : vector<16xf32>
      %get3A_1134 = arith.index_cast %add3A_1113 : i32 to index
      %get3A_1135 = arith.constant 48 : index
      %get3A_1136 = tpu.vector_load %arg6[%get3A_1134, %get3A_1135] {strides = array<i32>} : memref<1024x64xf32, #tpu.memory_space<vmem>>, vector<16xf32>,
      %mul3A_1137 = vector.broadcast %squeeze3A_1115 : f32 to vector<16xf32>
      %mul3A_1138 = arith.mulf %mul3A_1137, %get3A_1136 : vector<16xf32>
      %add3A_1139 = arith.addf %add3A_1109, %mul3A_1138 : vector<16xf32>
      %slice3A_1140 = vector.extract_strided_slice %get3A_1072 {offsets = [2], sizes = [1], strides = [1]} : vector<16xi32> to vector<1xi32>
      %squeeze3A_1141 = vector.extract %slice3A_1140[0] : i32 from vector<1xi32>
      %add3A_1142 = arith.constant 544 : i32
      %add3A_1143 = arith.addi %add3A_1142, %squeeze3A_1141 : i32
      %slice3A_1144 = vector.extract_strided_slice %sub3A_1079 {offsets = [2], sizes = [1], strides = [1]} : vector<16xf32> to vector<1xf32>
      %squeeze3A_1145 = vector.extract %slice3A_1144[0] : f32 from vector<1xf32>
      %get3A_1146 = arith.index_cast %add3A_1143 : i32 to index
      %get3A_1147 = arith.constant 0 : index
      %get3A_1148 = tpu.vector_load %arg6[%get3A_1146, %get3A_1147] {strides = array<i32>} : memref<1024x64xf32, #tpu.memory_space<vmem>>, vector<16xf32>,
      %mul3A_1149 = vector.broadcast %squeeze3A_1145 : f32 to vector<16xf32>
      %mul3A_1150 = arith.mulf %mul3A_1149, %get3A_1148 : vector<16xf32>
      %add3A_1151 = arith.addf %add3A_1121, %mul3A_1150 : vector<16xf32>
      %get3A_1152 = arith.index_cast %add3A_1143 : i32 to index
      %get3A_1153 = arith.constant 16 : index
      %get3A_1154 = tpu.vector_load %arg6[%get3A_1152, %get3A_1153] {strides = array<i32>} : memref<1024x64xf32, #tpu.memory_space<vmem>>, vector<16xf32>,
      %mul3A_1155 = vector.broadcast %squeeze3A_1145 : f32 to vector<16xf32>
      %mul3A_1156 = arith.mulf %mul3A_1155, %get3A_1154 : vector<16xf32>
      %add3A_1157 = arith.addf %add3A_1127, %mul3A_1156 : vector<16xf32>
      %get3A_1158 = arith.index_cast %add3A_1143 : i32 to index
      %get3A_1159 = arith.constant 32 : index
      %get3A_1160 = tpu.vector_load %arg6[%get3A_1158, %get3A_1159] {strides = array<i32>} : memref<1024x64xf32, #tpu.memory_space<vmem>>, vector<16xf32>,
      %mul3A_1161 = vector.broadcast %squeeze3A_1145 : f32 to vector<16xf32>
      %mul3A_1162 = arith.mulf %mul3A_1161, %get3A_1160 : vector<16xf32>
      %add3A_1163 = arith.addf %add3A_1133, %mul3A_1162 : vector<16xf32>
      %get3A_1164 = arith.index_cast %add3A_1143 : i32 to index
      %get3A_1165 = arith.constant 48 : index
      %get3A_1166 = tpu.vector_load %arg6[%get3A_1164, %get3A_1165] {strides = array<i32>} : memref<1024x64xf32, #tpu.memory_space<vmem>>, vector<16xf32>,
      %mul3A_1167 = vector.broadcast %squeeze3A_1145 : f32 to vector<16xf32>
      %mul3A_1168 = arith.mulf %mul3A_1167, %get3A_1166 : vector<16xf32>
      %add3A_1169 = arith.addf %add3A_1139, %mul3A_1168 : vector<16xf32>
      %slice3A_1170 = vector.extract_strided_slice %get3A_1072 {offsets = [3], sizes = [1], strides = [1]} : vector<16xi32> to vector<1xi32>
      %squeeze3A_1171 = vector.extract %slice3A_1170[0] : i32 from vector<1xi32>
      %add3A_1172 = arith.constant 560 : i32
      %add3A_1173 = arith.addi %add3A_1172, %squeeze3A_1171 : i32
      %slice3A_1174 = vector.extract_strided_slice %sub3A_1079 {offsets = [3], sizes = [1], strides = [1]} : vector<16xf32> to vector<1xf32>
      %squeeze3A_1175 = vector.extract %slice3A_1174[0] : f32 from vector<1xf32>
      %get3A_1176 = arith.index_cast %add3A_1173 : i32 to index
      %get3A_1177 = arith.constant 0 : index
      %get3A_1178 = tpu.vector_load %arg6[%get3A_1176, %get3A_1177] {strides = array<i32>} : memref<1024x64xf32, #tpu.memory_space<vmem>>, vector<16xf32>,
      %mul3A_1179 = vector.broadcast %squeeze3A_1175 : f32 to vector<16xf32>
      %mul3A_1180 = arith.mulf %mul3A_1179, %get3A_1178 : vector<16xf32>
      %add3A_1181 = arith.addf %add3A_1151, %mul3A_1180 : vector<16xf32>
      %get3A_1182 = arith.index_cast %add3A_1173 : i32 to index
      %get3A_1183 = arith.constant 16 : index
      %get3A_1184 = tpu.vector_load %arg6[%get3A_1182, %get3A_1183] {strides = array<i32>} : memref<1024x64xf32, #tpu.memory_space<vmem>>, vector<16xf32>,
      %mul3A_1185 = vector.broadcast %squeeze3A_1175 : f32 to vector<16xf32>
      %mul3A_1186 = arith.mulf %mul3A_1185, %get3A_1184 : vector<16xf32>
      %add3A_1187 = arith.addf %add3A_1157, %mul3A_1186 : vector<16xf32>
      %get3A_1188 = arith.index_cast %add3A_1173 : i32 to index
      %get3A_1189 = arith.constant 32 : index
      %get3A_1190 = tpu.vector_load %arg6[%get3A_1188, %get3A_1189] {strides = array<i32>} : memref<1024x64xf32, #tpu.memory_space<vmem>>, vector<16xf32>,
      %mul3A_1191 = vector.broadcast %squeeze3A_1175 : f32 to vector<16xf32>
      %mul3A_1192 = arith.mulf %mul3A_1191, %get3A_1190 : vector<16xf32>
      %add3A_1193 = arith.addf %add3A_1163, %mul3A_1192 : vector<16xf32>
      %get3A_1194 = arith.index_cast %add3A_1173 : i32 to index
      %get3A_1195 = arith.constant 48 : index
      %get3A_1196 = tpu.vector_load %arg6[%get3A_1194, %get3A_1195] {strides = array<i32>} : memref<1024x64xf32, #tpu.memory_space<vmem>>, vector<16xf32>,
      %mul3A_1197 = vector.broadcast %squeeze3A_1175 : f32 to vector<16xf32>
      %mul3A_1198 = arith.mulf %mul3A_1197, %get3A_1196 : vector<16xf32>
      %add3A_1199 = arith.addf %add3A_1169, %mul3A_1198 : vector<16xf32>
      %slice3A_1200 = vector.extract_strided_slice %get3A_1072 {offsets = [4], sizes = [1], strides = [1]} : vector<16xi32> to vector<1xi32>
      %squeeze3A_1201 = vector.extract %slice3A_1200[0] : i32 from vector<1xi32>
      %add3A_1202 = arith.constant 576 : i32
      %add3A_1203 = arith.addi %add3A_1202, %squeeze3A_1201 : i32
      %slice3A_1204 = vector.extract_strided_slice %sub3A_1079 {offsets = [4], sizes = [1], strides = [1]} : vector<16xf32> to vector<1xf32>
      %squeeze3A_1205 = vector.extract %slice3A_1204[0] : f32 from vector<1xf32>
      %get3A_1206 = arith.index_cast %add3A_1203 : i32 to index
      %get3A_1207 = arith.constant 0 : index
      %get3A_1208 = tpu.vector_load %arg6[%get3A_1206, %get3A_1207] {strides = array<i32>} : memref<1024x64xf32, #tpu.memory_space<vmem>>, vector<16xf32>,
      %mul3A_1209 = vector.broadcast %squeeze3A_1205 : f32 to vector<16xf32>
      %mul3A_1210 = arith.mulf %mul3A_1209, %get3A_1208 : vector<16xf32>
      %add3A_1211 = arith.addf %add3A_1181, %mul3A_1210 : vector<16xf32>
      %get3A_1212 = arith.index_cast %add3A_1203 : i32 to index
      %get3A_1213 = arith.constant 16 : index
      %get3A_1214 = tpu.vector_load %arg6[%get3A_1212, %get3A_1213] {strides = array<i32>} : memref<1024x64xf32, #tpu.memory_space<vmem>>, vector<16xf32>,
      %mul3A_1215 = vector.broadcast %squeeze3A_1205 : f32 to vector<16xf32>
      %mul3A_1216 = arith.mulf %mul3A_1215, %get3A_1214 : vector<16xf32>
      %add3A_1217 = arith.addf %add3A_1187, %mul3A_1216 : vector<16xf32>
      %get3A_1218 = arith.index_cast %add3A_1203 : i32 to index
      %get3A_1219 = arith.constant 32 : index
      %get3A_1220 = tpu.vector_load %arg6[%get3A_1218, %get3A_1219] {strides = array<i32>} : memref<1024x64xf32, #tpu.memory_space<vmem>>, vector<16xf32>,
      %mul3A_1221 = vector.broadcast %squeeze3A_1205 : f32 to vector<16xf32>
      %mul3A_1222 = arith.mulf %mul3A_1221, %get3A_1220 : vector<16xf32>
      %add3A_1223 = arith.addf %add3A_1193, %mul3A_1222 : vector<16xf32>
      %get3A_1224 = arith.index_cast %add3A_1203 : i32 to index
      %get3A_1225 = arith.constant 48 : index
      %get3A_1226 = tpu.vector_load %arg6[%get3A_1224, %get3A_1225] {strides = array<i32>} : memref<1024x64xf32, #tpu.memory_space<vmem>>, vector<16xf32>,
      %mul3A_1227 = vector.broadcast %squeeze3A_1205 : f32 to vector<16xf32>
      %mul3A_1228 = arith.mulf %mul3A_1227, %get3A_1226 : vector<16xf32>
      %add3A_1229 = arith.addf %add3A_1199, %mul3A_1228 : vector<16xf32>
      %slice3A_1230 = vector.extract_strided_slice %get3A_1072 {offsets = [5], sizes = [1], strides = [1]} : vector<16xi32> to vector<1xi32>
      %squeeze3A_1231 = vector.extract %slice3A_1230[0] : i32 from vector<1xi32>
      %add3A_1232 = arith.constant 592 : i32
      %add3A_1233 = arith.addi %add3A_1232, %squeeze3A_1231 : i32
      %slice3A_1234 = vector.extract_strided_slice %sub3A_1079 {offsets = [5], sizes = [1], strides = [1]} : vector<16xf32> to vector<1xf32>
      %squeeze3A_1235 = vector.extract %slice3A_1234[0] : f32 from vector<1xf32>
      %get3A_1236 = arith.index_cast %add3A_1233 : i32 to index
      %get3A_1237 = arith.constant 0 : index
      %get3A_1238 = tpu.vector_load %arg6[%get3A_1236, %get3A_1237] {strides = array<i32>} : memref<1024x64xf32, #tpu.memory_space<vmem>>, vector<16xf32>,
      %mul3A_1239 = vector.broadcast %squeeze3A_1235 : f32 to vector<16xf32>
      %mul3A_1240 = arith.mulf %mul3A_1239, %get3A_1238 : vector<16xf32>
      %add3A_1241 = arith.addf %add3A_1211, %mul3A_1240 : vector<16xf32>
      %get3A_1242 = arith.index_cast %add3A_1233 : i32 to index
      %get3A_1243 = arith.constant 16 : index
      %get3A_1244 = tpu.vector_load %arg6[%get3A_1242, %get3A_1243] {strides = array<i32>} : memref<1024x64xf32, #tpu.memory_space<vmem>>, vector<16xf32>,
      %mul3A_1245 = vector.broadcast %squeeze3A_1235 : f32 to vector<16xf32>
      %mul3A_1246 = arith.mulf %mul3A_1245, %get3A_1244 : vector<16xf32>
      %add3A_1247 = arith.addf %add3A_1217, %mul3A_1246 : vector<16xf32>
      %get3A_1248 = arith.index_cast %add3A_1233 : i32 to index
      %get3A_1249 = arith.constant 32 : index
      %get3A_1250 = tpu.vector_load %arg6[%get3A_1248, %get3A_1249] {strides = array<i32>} : memref<1024x64xf32, #tpu.memory_space<vmem>>, vector<16xf32>,
      %mul3A_1251 = vector.broadcast %squeeze3A_1235 : f32 to vector<16xf32>
      %mul3A_1252 = arith.mulf %mul3A_1251, %get3A_1250 : vector<16xf32>
      %add3A_1253 = arith.addf %add3A_1223, %mul3A_1252 : vector<16xf32>
      %get3A_1254 = arith.index_cast %add3A_1233 : i32 to index
      %get3A_1255 = arith.constant 48 : index
      %get3A_1256 = tpu.vector_load %arg6[%get3A_1254, %get3A_1255] {strides = array<i32>} : memref<1024x64xf32, #tpu.memory_space<vmem>>, vector<16xf32>,
      %mul3A_1257 = vector.broadcast %squeeze3A_1235 : f32 to vector<16xf32>
      %mul3A_1258 = arith.mulf %mul3A_1257, %get3A_1256 : vector<16xf32>
      %add3A_1259 = arith.addf %add3A_1229, %mul3A_1258 : vector<16xf32>
      %slice3A_1260 = vector.extract_strided_slice %get3A_1072 {offsets = [6], sizes = [1], strides = [1]} : vector<16xi32> to vector<1xi32>
      %squeeze3A_1261 = vector.extract %slice3A_1260[0] : i32 from vector<1xi32>
      %add3A_1262 = arith.constant 608 : i32
      %add3A_1263 = arith.addi %add3A_1262, %squeeze3A_1261 : i32
      %slice3A_1264 = vector.extract_strided_slice %sub3A_1079 {offsets = [6], sizes = [1], strides = [1]} : vector<16xf32> to vector<1xf32>
      %squeeze3A_1265 = vector.extract %slice3A_1264[0] : f32 from vector<1xf32>
      %get3A_1266 = arith.index_cast %add3A_1263 : i32 to index
      %get3A_1267 = arith.constant 0 : index
      %get3A_1268 = tpu.vector_load %arg6[%get3A_1266, %get3A_1267] {strides = array<i32>} : memref<1024x64xf32, #tpu.memory_space<vmem>>, vector<16xf32>,
      %mul3A_1269 = vector.broadcast %squeeze3A_1265 : f32 to vector<16xf32>
      %mul3A_1270 = arith.mulf %mul3A_1269, %get3A_1268 : vector<16xf32>
      %add3A_1271 = arith.addf %add3A_1241, %mul3A_1270 : vector<16xf32>
      %get3A_1272 = arith.index_cast %add3A_1263 : i32 to index
      %get3A_1273 = arith.constant 16 : index
      %get3A_1274 = tpu.vector_load %arg6[%get3A_1272, %get3A_1273] {strides = array<i32>} : memref<1024x64xf32, #tpu.memory_space<vmem>>, vector<16xf32>,
      %mul3A_1275 = vector.broadcast %squeeze3A_1265 : f32 to vector<16xf32>
      %mul3A_1276 = arith.mulf %mul3A_1275, %get3A_1274 : vector<16xf32>
      %add3A_1277 = arith.addf %add3A_1247, %mul3A_1276 : vector<16xf32>
      %get3A_1278 = arith.index_cast %add3A_1263 : i32 to index
      %get3A_1279 = arith.constant 32 : index
      %get3A_1280 = tpu.vector_load %arg6[%get3A_1278, %get3A_1279] {strides = array<i32>} : memref<1024x64xf32, #tpu.memory_space<vmem>>, vector<16xf32>,
      %mul3A_1281 = vector.broadcast %squeeze3A_1265 : f32 to vector<16xf32>
      %mul3A_1282 = arith.mulf %mul3A_1281, %get3A_1280 : vector<16xf32>
      %add3A_1283 = arith.addf %add3A_1253, %mul3A_1282 : vector<16xf32>
      %get3A_1284 = arith.index_cast %add3A_1263 : i32 to index
      %get3A_1285 = arith.constant 48 : index
      %get3A_1286 = tpu.vector_load %arg6[%get3A_1284, %get3A_1285] {strides = array<i32>} : memref<1024x64xf32, #tpu.memory_space<vmem>>, vector<16xf32>,
      %mul3A_1287 = vector.broadcast %squeeze3A_1265 : f32 to vector<16xf32>
      %mul3A_1288 = arith.mulf %mul3A_1287, %get3A_1286 : vector<16xf32>
      %add3A_1289 = arith.addf %add3A_1259, %mul3A_1288 : vector<16xf32>
      %slice3A_1290 = vector.extract_strided_slice %get3A_1072 {offsets = [7], sizes = [1], strides = [1]} : vector<16xi32> to vector<1xi32>
      %squeeze3A_1291 = vector.extract %slice3A_1290[0] : i32 from vector<1xi32>
      %add3A_1292 = arith.constant 624 : i32
      %add3A_1293 = arith.addi %add3A_1292, %squeeze3A_1291 : i32
      %slice3A_1294 = vector.extract_strided_slice %sub3A_1079 {offsets = [7], sizes = [1], strides = [1]} : vector<16xf32> to vector<1xf32>
      %squeeze3A_1295 = vector.extract %slice3A_1294[0] : f32 from vector<1xf32>
      %get3A_1296 = arith.index_cast %add3A_1293 : i32 to index
      %get3A_1297 = arith.constant 0 : index
      %get3A_1298 = tpu.vector_load %arg6[%get3A_1296, %get3A_1297] {strides = array<i32>} : memref<1024x64xf32, #tpu.memory_space<vmem>>, vector<16xf32>,
      %mul3A_1299 = vector.broadcast %squeeze3A_1295 : f32 to vector<16xf32>
      %mul3A_1300 = arith.mulf %mul3A_1299, %get3A_1298 : vector<16xf32>
      %add3A_1301 = arith.addf %add3A_1271, %mul3A_1300 : vector<16xf32>
      %get3A_1302 = arith.index_cast %add3A_1293 : i32 to index
      %get3A_1303 = arith.constant 16 : index
      %get3A_1304 = tpu.vector_load %arg6[%get3A_1302, %get3A_1303] {strides = array<i32>} : memref<1024x64xf32, #tpu.memory_space<vmem>>, vector<16xf32>,
      %mul3A_1305 = vector.broadcast %squeeze3A_1295 : f32 to vector<16xf32>
      %mul3A_1306 = arith.mulf %mul3A_1305, %get3A_1304 : vector<16xf32>
      %add3A_1307 = arith.addf %add3A_1277, %mul3A_1306 : vector<16xf32>
      %get3A_1308 = arith.index_cast %add3A_1293 : i32 to index
      %get3A_1309 = arith.constant 32 : index
      %get3A_1310 = tpu.vector_load %arg6[%get3A_1308, %get3A_1309] {strides = array<i32>} : memref<1024x64xf32, #tpu.memory_space<vmem>>, vector<16xf32>,
      %mul3A_1311 = vector.broadcast %squeeze3A_1295 : f32 to vector<16xf32>
      %mul3A_1312 = arith.mulf %mul3A_1311, %get3A_1310 : vector<16xf32>
      %add3A_1313 = arith.addf %add3A_1283, %mul3A_1312 : vector<16xf32>
      %get3A_1314 = arith.index_cast %add3A_1293 : i32 to index
      %get3A_1315 = arith.constant 48 : index
      %get3A_1316 = tpu.vector_load %arg6[%get3A_1314, %get3A_1315] {strides = array<i32>} : memref<1024x64xf32, #tpu.memory_space<vmem>>, vector<16xf32>,
      %mul3A_1317 = vector.broadcast %squeeze3A_1295 : f32 to vector<16xf32>
      %mul3A_1318 = arith.mulf %mul3A_1317, %get3A_1316 : vector<16xf32>
      %add3A_1319 = arith.addf %add3A_1289, %mul3A_1318 : vector<16xf32>
      %slice3A_1320 = vector.extract_strided_slice %get3A_1072 {offsets = [8], sizes = [1], strides = [1]} : vector<16xi32> to vector<1xi32>
      %squeeze3A_1321 = vector.extract %slice3A_1320[0] : i32 from vector<1xi32>
      %add3A_1322 = arith.constant 640 : i32
      %add3A_1323 = arith.addi %add3A_1322, %squeeze3A_1321 : i32
      %slice3A_1324 = vector.extract_strided_slice %sub3A_1079 {offsets = [8], sizes = [1], strides = [1]} : vector<16xf32> to vector<1xf32>
      %squeeze3A_1325 = vector.extract %slice3A_1324[0] : f32 from vector<1xf32>
      %get3A_1326 = arith.index_cast %add3A_1323 : i32 to index
      %get3A_1327 = arith.constant 0 : index
      %get3A_1328 = tpu.vector_load %arg6[%get3A_1326, %get3A_1327] {strides = array<i32>} : memref<1024x64xf32, #tpu.memory_space<vmem>>, vector<16xf32>,
      %mul3A_1329 = vector.broadcast %squeeze3A_1325 : f32 to vector<16xf32>
      %mul3A_1330 = arith.mulf %mul3A_1329, %get3A_1328 : vector<16xf32>
      %add3A_1331 = arith.addf %add3A_1301, %mul3A_1330 : vector<16xf32>
      %get3A_1332 = arith.index_cast %add3A_1323 : i32 to index
      %get3A_1333 = arith.constant 16 : index
      %get3A_1334 = tpu.vector_load %arg6[%get3A_1332, %get3A_1333] {strides = array<i32>} : memref<1024x64xf32, #tpu.memory_space<vmem>>, vector<16xf32>,
      %mul3A_1335 = vector.broadcast %squeeze3A_1325 : f32 to vector<16xf32>
      %mul3A_1336 = arith.mulf %mul3A_1335, %get3A_1334 : vector<16xf32>
      %add3A_1337 = arith.addf %add3A_1307, %mul3A_1336 : vector<16xf32>
      %get3A_1338 = arith.index_cast %add3A_1323 : i32 to index
      %get3A_1339 = arith.constant 32 : index
      %get3A_1340 = tpu.vector_load %arg6[%get3A_1338, %get3A_1339] {strides = array<i32>} : memref<1024x64xf32, #tpu.memory_space<vmem>>, vector<16xf32>,
      %mul3A_1341 = vector.broadcast %squeeze3A_1325 : f32 to vector<16xf32>
      %mul3A_1342 = arith.mulf %mul3A_1341, %get3A_1340 : vector<16xf32>
      %add3A_1343 = arith.addf %add3A_1313, %mul3A_1342 : vector<16xf32>
      %get3A_1344 = arith.index_cast %add3A_1323 : i32 to index
      %get3A_1345 = arith.constant 48 : index
      %get3A_1346 = tpu.vector_load %arg6[%get3A_1344, %get3A_1345] {strides = array<i32>} : memref<1024x64xf32, #tpu.memory_space<vmem>>, vector<16xf32>,
      %mul3A_1347 = vector.broadcast %squeeze3A_1325 : f32 to vector<16xf32>
      %mul3A_1348 = arith.mulf %mul3A_1347, %get3A_1346 : vector<16xf32>
      %add3A_1349 = arith.addf %add3A_1319, %mul3A_1348 : vector<16xf32>
      %slice3A_1350 = vector.extract_strided_slice %get3A_1072 {offsets = [9], sizes = [1], strides = [1]} : vector<16xi32> to vector<1xi32>
      %squeeze3A_1351 = vector.extract %slice3A_1350[0] : i32 from vector<1xi32>
      %add3A_1352 = arith.constant 656 : i32
      %add3A_1353 = arith.addi %add3A_1352, %squeeze3A_1351 : i32
      %slice3A_1354 = vector.extract_strided_slice %sub3A_1079 {offsets = [9], sizes = [1], strides = [1]} : vector<16xf32> to vector<1xf32>
      %squeeze3A_1355 = vector.extract %slice3A_1354[0] : f32 from vector<1xf32>
      %get3A_1356 = arith.index_cast %add3A_1353 : i32 to index
      %get3A_1357 = arith.constant 0 : index
      %get3A_1358 = tpu.vector_load %arg6[%get3A_1356, %get3A_1357] {strides = array<i32>} : memref<1024x64xf32, #tpu.memory_space<vmem>>, vector<16xf32>,
      %mul3A_1359 = vector.broadcast %squeeze3A_1355 : f32 to vector<16xf32>
      %mul3A_1360 = arith.mulf %mul3A_1359, %get3A_1358 : vector<16xf32>
      %add3A_1361 = arith.addf %add3A_1331, %mul3A_1360 : vector<16xf32>
      %get3A_1362 = arith.index_cast %add3A_1353 : i32 to index
      %get3A_1363 = arith.constant 16 : index
      %get3A_1364 = tpu.vector_load %arg6[%get3A_1362, %get3A_1363] {strides = array<i32>} : memref<1024x64xf32, #tpu.memory_space<vmem>>, vector<16xf32>,
      %mul3A_1365 = vector.broadcast %squeeze3A_1355 : f32 to vector<16xf32>
      %mul3A_1366 = arith.mulf %mul3A_1365, %get3A_1364 : vector<16xf32>
      %add3A_1367 = arith.addf %add3A_1337, %mul3A_1366 : vector<16xf32>
      %get3A_1368 = arith.index_cast %add3A_1353 : i32 to index
      %get3A_1369 = arith.constant 32 : index
      %get3A_1370 = tpu.vector_load %arg6[%get3A_1368, %get3A_1369] {strides = array<i32>} : memref<1024x64xf32, #tpu.memory_space<vmem>>, vector<16xf32>,
      %mul3A_1371 = vector.broadcast %squeeze3A_1355 : f32 to vector<16xf32>
      %mul3A_1372 = arith.mulf %mul3A_1371, %get3A_1370 : vector<16xf32>
      %add3A_1373 = arith.addf %add3A_1343, %mul3A_1372 : vector<16xf32>
      %get3A_1374 = arith.index_cast %add3A_1353 : i32 to index
      %get3A_1375 = arith.constant 48 : index
      %get3A_1376 = tpu.vector_load %arg6[%get3A_1374, %get3A_1375] {strides = array<i32>} : memref<1024x64xf32, #tpu.memory_space<vmem>>, vector<16xf32>,
      %mul3A_1377 = vector.broadcast %squeeze3A_1355 : f32 to vector<16xf32>
      %mul3A_1378 = arith.mulf %mul3A_1377, %get3A_1376 : vector<16xf32>
      %add3A_1379 = arith.addf %add3A_1349, %mul3A_1378 : vector<16xf32>
      %slice3A_1380 = vector.extract_strided_slice %get3A_1072 {offsets = [10], sizes = [1], strides = [1]} : vector<16xi32> to vector<1xi32>
      %squeeze3A_1381 = vector.extract %slice3A_1380[0] : i32 from vector<1xi32>
      %add3A_1382 = arith.constant 672 : i32
      %add3A_1383 = arith.addi %add3A_1382, %squeeze3A_1381 : i32
      %slice3A_1384 = vector.extract_strided_slice %sub3A_1079 {offsets = [10], sizes = [1], strides = [1]} : vector<16xf32> to vector<1xf32>
      %squeeze3A_1385 = vector.extract %slice3A_1384[0] : f32 from vector<1xf32>
      %get3A_1386 = arith.index_cast %add3A_1383 : i32 to index
      %get3A_1387 = arith.constant 0 : index
      %get3A_1388 = tpu.vector_load %arg6[%get3A_1386, %get3A_1387] {strides = array<i32>} : memref<1024x64xf32, #tpu.memory_space<vmem>>, vector<16xf32>,
      %mul3A_1389 = vector.broadcast %squeeze3A_1385 : f32 to vector<16xf32>
      %mul3A_1390 = arith.mulf %mul3A_1389, %get3A_1388 : vector<16xf32>
      %add3A_1391 = arith.addf %add3A_1361, %mul3A_1390 : vector<16xf32>
      %get3A_1392 = arith.index_cast %add3A_1383 : i32 to index
      %get3A_1393 = arith.constant 16 : index
      %get3A_1394 = tpu.vector_load %arg6[%get3A_1392, %get3A_1393] {strides = array<i32>} : memref<1024x64xf32, #tpu.memory_space<vmem>>, vector<16xf32>,
      %mul3A_1395 = vector.broadcast %squeeze3A_1385 : f32 to vector<16xf32>
      %mul3A_1396 = arith.mulf %mul3A_1395, %get3A_1394 : vector<16xf32>
      %add3A_1397 = arith.addf %add3A_1367, %mul3A_1396 : vector<16xf32>
      %get3A_1398 = arith.index_cast %add3A_1383 : i32 to index
      %get3A_1399 = arith.constant 32 : index
      %get3A_1400 = tpu.vector_load %arg6[%get3A_1398, %get3A_1399] {strides = array<i32>} : memref<1024x64xf32, #tpu.memory_space<vmem>>, vector<16xf32>,
      %mul3A_1401 = vector.broadcast %squeeze3A_1385 : f32 to vector<16xf32>
      %mul3A_1402 = arith.mulf %mul3A_1401, %get3A_1400 : vector<16xf32>
      %add3A_1403 = arith.addf %add3A_1373, %mul3A_1402 : vector<16xf32>
      %get3A_1404 = arith.index_cast %add3A_1383 : i32 to index
      %get3A_1405 = arith.constant 48 : index
      %get3A_1406 = tpu.vector_load %arg6[%get3A_1404, %get3A_1405] {strides = array<i32>} : memref<1024x64xf32, #tpu.memory_space<vmem>>, vector<16xf32>,
      %mul3A_1407 = vector.broadcast %squeeze3A_1385 : f32 to vector<16xf32>
      %mul3A_1408 = arith.mulf %mul3A_1407, %get3A_1406 : vector<16xf32>
      %add3A_1409 = arith.addf %add3A_1379, %mul3A_1408 : vector<16xf32>
      %slice3A_1410 = vector.extract_strided_slice %get3A_1072 {offsets = [11], sizes = [1], strides = [1]} : vector<16xi32> to vector<1xi32>
      %squeeze3A_1411 = vector.extract %slice3A_1410[0] : i32 from vector<1xi32>
      %add3A_1412 = arith.constant 688 : i32
      %add3A_1413 = arith.addi %add3A_1412, %squeeze3A_1411 : i32
      %slice3A_1414 = vector.extract_strided_slice %sub3A_1079 {offsets = [11], sizes = [1], strides = [1]} : vector<16xf32> to vector<1xf32>
      %squeeze3A_1415 = vector.extract %slice3A_1414[0] : f32 from vector<1xf32>
      %get3A_1416 = arith.index_cast %add3A_1413 : i32 to index
      %get3A_1417 = arith.constant 0 : index
      %get3A_1418 = tpu.vector_load %arg6[%get3A_1416, %get3A_1417] {strides = array<i32>} : memref<1024x64xf32, #tpu.memory_space<vmem>>, vector<16xf32>,
      %mul3A_1419 = vector.broadcast %squeeze3A_1415 : f32 to vector<16xf32>
      %mul3A_1420 = arith.mulf %mul3A_1419, %get3A_1418 : vector<16xf32>
      %add3A_1421 = arith.addf %add3A_1391, %mul3A_1420 : vector<16xf32>
      %get3A_1422 = arith.index_cast %add3A_1413 : i32 to index
      %get3A_1423 = arith.constant 16 : index
      %get3A_1424 = tpu.vector_load %arg6[%get3A_1422, %get3A_1423] {strides = array<i32>} : memref<1024x64xf32, #tpu.memory_space<vmem>>, vector<16xf32>,
      %mul3A_1425 = vector.broadcast %squeeze3A_1415 : f32 to vector<16xf32>
      %mul3A_1426 = arith.mulf %mul3A_1425, %get3A_1424 : vector<16xf32>
      %add3A_1427 = arith.addf %add3A_1397, %mul3A_1426 : vector<16xf32>
      %get3A_1428 = arith.index_cast %add3A_1413 : i32 to index
      %get3A_1429 = arith.constant 32 : index
      %get3A_1430 = tpu.vector_load %arg6[%get3A_1428, %get3A_1429] {strides = array<i32>} : memref<1024x64xf32, #tpu.memory_space<vmem>>, vector<16xf32>,
      %mul3A_1431 = vector.broadcast %squeeze3A_1415 : f32 to vector<16xf32>
      %mul3A_1432 = arith.mulf %mul3A_1431, %get3A_1430 : vector<16xf32>
      %add3A_1433 = arith.addf %add3A_1403, %mul3A_1432 : vector<16xf32>
      %get3A_1434 = arith.index_cast %add3A_1413 : i32 to index
      %get3A_1435 = arith.constant 48 : index
      %get3A_1436 = tpu.vector_load %arg6[%get3A_1434, %get3A_1435] {strides = array<i32>} : memref<1024x64xf32, #tpu.memory_space<vmem>>, vector<16xf32>,
      %mul3A_1437 = vector.broadcast %squeeze3A_1415 : f32 to vector<16xf32>
      %mul3A_1438 = arith.mulf %mul3A_1437, %get3A_1436 : vector<16xf32>
      %add3A_1439 = arith.addf %add3A_1409, %mul3A_1438 : vector<16xf32>
      %slice3A_1440 = vector.extract_strided_slice %get3A_1072 {offsets = [12], sizes = [1], strides = [1]} : vector<16xi32> to vector<1xi32>
      %squeeze3A_1441 = vector.extract %slice3A_1440[0] : i32 from vector<1xi32>
      %add3A_1442 = arith.constant 704 : i32
      %add3A_1443 = arith.addi %add3A_1442, %squeeze3A_1441 : i32
      %slice3A_1444 = vector.extract_strided_slice %sub3A_1079 {offsets = [12], sizes = [1], strides = [1]} : vector<16xf32> to vector<1xf32>
      %squeeze3A_1445 = vector.extract %slice3A_1444[0] : f32 from vector<1xf32>
      %get3A_1446 = arith.index_cast %add3A_1443 : i32 to index
      %get3A_1447 = arith.constant 0 : index
      %get3A_1448 = tpu.vector_load %arg6[%get3A_1446, %get3A_1447] {strides = array<i32>} : memref<1024x64xf32, #tpu.memory_space<vmem>>, vector<16xf32>,
      %mul3A_1449 = vector.broadcast %squeeze3A_1445 : f32 to vector<16xf32>
      %mul3A_1450 = arith.mulf %mul3A_1449, %get3A_1448 : vector<16xf32>
      %add3A_1451 = arith.addf %add3A_1421, %mul3A_1450 : vector<16xf32>
      %get3A_1452 = arith.index_cast %add3A_1443 : i32 to index
      %get3A_1453 = arith.constant 16 : index
      %get3A_1454 = tpu.vector_load %arg6[%get3A_1452, %get3A_1453] {strides = array<i32>} : memref<1024x64xf32, #tpu.memory_space<vmem>>, vector<16xf32>,
      %mul3A_1455 = vector.broadcast %squeeze3A_1445 : f32 to vector<16xf32>
      %mul3A_1456 = arith.mulf %mul3A_1455, %get3A_1454 : vector<16xf32>
      %add3A_1457 = arith.addf %add3A_1427, %mul3A_1456 : vector<16xf32>
      %get3A_1458 = arith.index_cast %add3A_1443 : i32 to index
      %get3A_1459 = arith.constant 32 : index
      %get3A_1460 = tpu.vector_load %arg6[%get3A_1458, %get3A_1459] {strides = array<i32>} : memref<1024x64xf32, #tpu.memory_space<vmem>>, vector<16xf32>,
      %mul3A_1461 = vector.broadcast %squeeze3A_1445 : f32 to vector<16xf32>
      %mul3A_1462 = arith.mulf %mul3A_1461, %get3A_1460 : vector<16xf32>
      %add3A_1463 = arith.addf %add3A_1433, %mul3A_1462 : vector<16xf32>
      %get3A_1464 = arith.index_cast %add3A_1443 : i32 to index
      %get3A_1465 = arith.constant 48 : index
      %get3A_1466 = tpu.vector_load %arg6[%get3A_1464, %get3A_1465] {strides = array<i32>} : memref<1024x64xf32, #tpu.memory_space<vmem>>, vector<16xf32>,
      %mul3A_1467 = vector.broadcast %squeeze3A_1445 : f32 to vector<16xf32>
      %mul3A_1468 = arith.mulf %mul3A_1467, %get3A_1466 : vector<16xf32>
      %add3A_1469 = arith.addf %add3A_1439, %mul3A_1468 : vector<16xf32>
      %slice3A_1470 = vector.extract_strided_slice %get3A_1072 {offsets = [13], sizes = [1], strides = [1]} : vector<16xi32> to vector<1xi32>
      %squeeze3A_1471 = vector.extract %slice3A_1470[0] : i32 from vector<1xi32>
      %add3A_1472 = arith.constant 720 : i32
      %add3A_1473 = arith.addi %add3A_1472, %squeeze3A_1471 : i32
      %slice3A_1474 = vector.extract_strided_slice %sub3A_1079 {offsets = [13], sizes = [1], strides = [1]} : vector<16xf32> to vector<1xf32>
      %squeeze3A_1475 = vector.extract %slice3A_1474[0] : f32 from vector<1xf32>
      %get3A_1476 = arith.index_cast %add3A_1473 : i32 to index
      %get3A_1477 = arith.constant 0 : index
      %get3A_1478 = tpu.vector_load %arg6[%get3A_1476, %get3A_1477] {strides = array<i32>} : memref<1024x64xf32, #tpu.memory_space<vmem>>, vector<16xf32>,
      %mul3A_1479 = vector.broadcast %squeeze3A_1475 : f32 to vector<16xf32>
      %mul3A_1480 = arith.mulf %mul3A_1479, %get3A_1478 : vector<16xf32>
      %add3A_1481 = arith.addf %add3A_1451, %mul3A_1480 : vector<16xf32>
      %get3A_1482 = arith.index_cast %add3A_1473 : i32 to index
      %get3A_1483 = arith.constant 16 : index
      %get3A_1484 = tpu.vector_load %arg6[%get3A_1482, %get3A_1483] {strides = array<i32>} : memref<1024x64xf32, #tpu.memory_space<vmem>>, vector<16xf32>,
      %mul3A_1485 = vector.broadcast %squeeze3A_1475 : f32 to vector<16xf32>
      %mul3A_1486 = arith.mulf %mul3A_1485, %get3A_1484 : vector<16xf32>
      %add3A_1487 = arith.addf %add3A_1457, %mul3A_1486 : vector<16xf32>
      %get3A_1488 = arith.index_cast %add3A_1473 : i32 to index
      %get3A_1489 = arith.constant 32 : index
      %get3A_1490 = tpu.vector_load %arg6[%get3A_1488, %get3A_1489] {strides = array<i32>} : memref<1024x64xf32, #tpu.memory_space<vmem>>, vector<16xf32>,
      %mul3A_1491 = vector.broadcast %squeeze3A_1475 : f32 to vector<16xf32>
      %mul3A_1492 = arith.mulf %mul3A_1491, %get3A_1490 : vector<16xf32>
      %add3A_1493 = arith.addf %add3A_1463, %mul3A_1492 : vector<16xf32>
      %get3A_1494 = arith.index_cast %add3A_1473 : i32 to index
      %get3A_1495 = arith.constant 48 : index
      %get3A_1496 = tpu.vector_load %arg6[%get3A_1494, %get3A_1495] {strides = array<i32>} : memref<1024x64xf32, #tpu.memory_space<vmem>>, vector<16xf32>,
      %mul3A_1497 = vector.broadcast %squeeze3A_1475 : f32 to vector<16xf32>
      %mul3A_1498 = arith.mulf %mul3A_1497, %get3A_1496 : vector<16xf32>
      %add3A_1499 = arith.addf %add3A_1469, %mul3A_1498 : vector<16xf32>
      %slice3A_1500 = vector.extract_strided_slice %get3A_1072 {offsets = [14], sizes = [1], strides = [1]} : vector<16xi32> to vector<1xi32>
      %squeeze3A_1501 = vector.extract %slice3A_1500[0] : i32 from vector<1xi32>
      %add3A_1502 = arith.constant 736 : i32
      %add3A_1503 = arith.addi %add3A_1502, %squeeze3A_1501 : i32
      %slice3A_1504 = vector.extract_strided_slice %sub3A_1079 {offsets = [14], sizes = [1], strides = [1]} : vector<16xf32> to vector<1xf32>
      %squeeze3A_1505 = vector.extract %slice3A_1504[0] : f32 from vector<1xf32>
      %get3A_1506 = arith.index_cast %add3A_1503 : i32 to index
      %get3A_1507 = arith.constant 0 : index
      %get3A_1508 = tpu.vector_load %arg6[%get3A_1506, %get3A_1507] {strides = array<i32>} : memref<1024x64xf32, #tpu.memory_space<vmem>>, vector<16xf32>,
      %mul3A_1509 = vector.broadcast %squeeze3A_1505 : f32 to vector<16xf32>
      %mul3A_1510 = arith.mulf %mul3A_1509, %get3A_1508 : vector<16xf32>
      %add3A_1511 = arith.addf %add3A_1481, %mul3A_1510 : vector<16xf32>
      %get3A_1512 = arith.index_cast %add3A_1503 : i32 to index
      %get3A_1513 = arith.constant 16 : index
      %get3A_1514 = tpu.vector_load %arg6[%get3A_1512, %get3A_1513] {strides = array<i32>} : memref<1024x64xf32, #tpu.memory_space<vmem>>, vector<16xf32>,
      %mul3A_1515 = vector.broadcast %squeeze3A_1505 : f32 to vector<16xf32>
      %mul3A_1516 = arith.mulf %mul3A_1515, %get3A_1514 : vector<16xf32>
      %add3A_1517 = arith.addf %add3A_1487, %mul3A_1516 : vector<16xf32>
      %get3A_1518 = arith.index_cast %add3A_1503 : i32 to index
      %get3A_1519 = arith.constant 32 : index
      %get3A_1520 = tpu.vector_load %arg6[%get3A_1518, %get3A_1519] {strides = array<i32>} : memref<1024x64xf32, #tpu.memory_space<vmem>>, vector<16xf32>,
      %mul3A_1521 = vector.broadcast %squeeze3A_1505 : f32 to vector<16xf32>
      %mul3A_1522 = arith.mulf %mul3A_1521, %get3A_1520 : vector<16xf32>
      %add3A_1523 = arith.addf %add3A_1493, %mul3A_1522 : vector<16xf32>
      %get3A_1524 = arith.index_cast %add3A_1503 : i32 to index
      %get3A_1525 = arith.constant 48 : index
      %get3A_1526 = tpu.vector_load %arg6[%get3A_1524, %get3A_1525] {strides = array<i32>} : memref<1024x64xf32, #tpu.memory_space<vmem>>, vector<16xf32>,
      %mul3A_1527 = vector.broadcast %squeeze3A_1505 : f32 to vector<16xf32>
      %mul3A_1528 = arith.mulf %mul3A_1527, %get3A_1526 : vector<16xf32>
      %add3A_1529 = arith.addf %add3A_1499, %mul3A_1528 : vector<16xf32>
      %slice3A_1530 = vector.extract_strided_slice %get3A_1072 {offsets = [15], sizes = [1], strides = [1]} : vector<16xi32> to vector<1xi32>
      %squeeze3A_1531 = vector.extract %slice3A_1530[0] : i32 from vector<1xi32>
      %add3A_1532 = arith.constant 752 : i32
      %add3A_1533 = arith.addi %add3A_1532, %squeeze3A_1531 : i32
      %slice3A_1534 = vector.extract_strided_slice %sub3A_1079 {offsets = [15], sizes = [1], strides = [1]} : vector<16xf32> to vector<1xf32>
      %squeeze3A_1535 = vector.extract %slice3A_1534[0] : f32 from vector<1xf32>
      %get3A_1536 = arith.index_cast %add3A_1533 : i32 to index
      %get3A_1537 = arith.constant 0 : index
      %get3A_1538 = tpu.vector_load %arg6[%get3A_1536, %get3A_1537] {strides = array<i32>} : memref<1024x64xf32, #tpu.memory_space<vmem>>, vector<16xf32>,
      %mul3A_1539 = vector.broadcast %squeeze3A_1535 : f32 to vector<16xf32>
      %mul3A_1540 = arith.mulf %mul3A_1539, %get3A_1538 : vector<16xf32>
      %add3A_1541 = arith.addf %add3A_1511, %mul3A_1540 : vector<16xf32>
      %get3A_1542 = arith.index_cast %add3A_1533 : i32 to index
      %get3A_1543 = arith.constant 16 : index
      %get3A_1544 = tpu.vector_load %arg6[%get3A_1542, %get3A_1543] {strides = array<i32>} : memref<1024x64xf32, #tpu.memory_space<vmem>>, vector<16xf32>,
      %mul3A_1545 = vector.broadcast %squeeze3A_1535 : f32 to vector<16xf32>
      %mul3A_1546 = arith.mulf %mul3A_1545, %get3A_1544 : vector<16xf32>
      %add3A_1547 = arith.addf %add3A_1517, %mul3A_1546 : vector<16xf32>
      %get3A_1548 = arith.index_cast %add3A_1533 : i32 to index
      %get3A_1549 = arith.constant 32 : index
      %get3A_1550 = tpu.vector_load %arg6[%get3A_1548, %get3A_1549] {strides = array<i32>} : memref<1024x64xf32, #tpu.memory_space<vmem>>, vector<16xf32>,
      %mul3A_1551 = vector.broadcast %squeeze3A_1535 : f32 to vector<16xf32>
      %mul3A_1552 = arith.mulf %mul3A_1551, %get3A_1550 : vector<16xf32>
      %add3A_1553 = arith.addf %add3A_1523, %mul3A_1552 : vector<16xf32>
      %get3A_1554 = arith.index_cast %add3A_1533 : i32 to index
      %get3A_1555 = arith.constant 48 : index
      %get3A_1556 = tpu.vector_load %arg6[%get3A_1554, %get3A_1555] {strides = array<i32>} : memref<1024x64xf32, #tpu.memory_space<vmem>>, vector<16xf32>,
      %mul3A_1557 = vector.broadcast %squeeze3A_1535 : f32 to vector<16xf32>
      %mul3A_1558 = arith.mulf %mul3A_1557, %get3A_1556 : vector<16xf32>
      %add3A_1559 = arith.addf %add3A_1529, %mul3A_1558 : vector<16xf32>
      %get3A_1560 = arith.index_cast %select_n3A : i32 to index
      %get3A_1561 = arith.index_cast %sub3A_89 : i32 to index
      %get3A_1562 = arith.constant 48 : index
      %get3A_1563 = tpu.vector_load %arg8[%get3A_1560, %get3A_1561, %get3A_1562] {strides = array<i32>} : memref<4x20x64xi32, #tpu.memory_space<vmem>>, vector<16xi32>,
      %get3A_1564 = arith.index_cast %select_n3A : i32 to index
      %get3A_1565 = arith.index_cast %sub3A_89 : i32 to index
      %get3A_1566 = arith.constant 48 : index
      %get3A_1567 = tpu.vector_load %arg7[%get3A_1564, %get3A_1565, %get3A_1566] {strides = array<i32>} : memref<4x20x64xf32, #tpu.memory_space<vmem>>, vector<16xf32>,
      %sub3A_1568 = arith.constant 1.000000e+00 : f32
      %sub3A_1569 = vector.broadcast %sub3A_1568 : f32 to vector<16xf32>
      %sub3A_1570 = arith.subf %sub3A_1569, %get3A_1567 : vector<16xf32>
      %slice3A_1571 = vector.extract_strided_slice %get3A_1563 {offsets = [0], sizes = [1], strides = [1]} : vector<16xi32> to vector<1xi32>
      %squeeze3A_1572 = vector.extract %slice3A_1571[0] : i32 from vector<1xi32>
      %add3A_1573 = arith.constant 768 : i32
      %add3A_1574 = arith.addi %add3A_1573, %squeeze3A_1572 : i32
      %slice3A_1575 = vector.extract_strided_slice %sub3A_1570 {offsets = [0], sizes = [1], strides = [1]} : vector<16xf32> to vector<1xf32>
      %squeeze3A_1576 = vector.extract %slice3A_1575[0] : f32 from vector<1xf32>
      %get3A_1577 = arith.index_cast %add3A_1574 : i32 to index
      %get3A_1578 = arith.constant 0 : index
      %get3A_1579 = tpu.vector_load %arg6[%get3A_1577, %get3A_1578] {strides = array<i32>} : memref<1024x64xf32, #tpu.memory_space<vmem>>, vector<16xf32>,
      %mul3A_1580 = vector.broadcast %squeeze3A_1576 : f32 to vector<16xf32>
      %mul3A_1581 = arith.mulf %mul3A_1580, %get3A_1579 : vector<16xf32>
      %add3A_1582 = arith.addf %add3A_1541, %mul3A_1581 : vector<16xf32>
      %get3A_1583 = arith.index_cast %add3A_1574 : i32 to index
      %get3A_1584 = arith.constant 16 : index
      %get3A_1585 = tpu.vector_load %arg6[%get3A_1583, %get3A_1584] {strides = array<i32>} : memref<1024x64xf32, #tpu.memory_space<vmem>>, vector<16xf32>,
      %mul3A_1586 = vector.broadcast %squeeze3A_1576 : f32 to vector<16xf32>
      %mul3A_1587 = arith.mulf %mul3A_1586, %get3A_1585 : vector<16xf32>
      %add3A_1588 = arith.addf %add3A_1547, %mul3A_1587 : vector<16xf32>
      %get3A_1589 = arith.index_cast %add3A_1574 : i32 to index
      %get3A_1590 = arith.constant 32 : index
      %get3A_1591 = tpu.vector_load %arg6[%get3A_1589, %get3A_1590] {strides = array<i32>} : memref<1024x64xf32, #tpu.memory_space<vmem>>, vector<16xf32>,
      %mul3A_1592 = vector.broadcast %squeeze3A_1576 : f32 to vector<16xf32>
      %mul3A_1593 = arith.mulf %mul3A_1592, %get3A_1591 : vector<16xf32>
      %add3A_1594 = arith.addf %add3A_1553, %mul3A_1593 : vector<16xf32>
      %get3A_1595 = arith.index_cast %add3A_1574 : i32 to index
      %get3A_1596 = arith.constant 48 : index
      %get3A_1597 = tpu.vector_load %arg6[%get3A_1595, %get3A_1596] {strides = array<i32>} : memref<1024x64xf32, #tpu.memory_space<vmem>>, vector<16xf32>,
      %mul3A_1598 = vector.broadcast %squeeze3A_1576 : f32 to vector<16xf32>
      %mul3A_1599 = arith.mulf %mul3A_1598, %get3A_1597 : vector<16xf32>
      %add3A_1600 = arith.addf %add3A_1559, %mul3A_1599 : vector<16xf32>
      %slice3A_1601 = vector.extract_strided_slice %get3A_1563 {offsets = [1], sizes = [1], strides = [1]} : vector<16xi32> to vector<1xi32>
      %squeeze3A_1602 = vector.extract %slice3A_1601[0] : i32 from vector<1xi32>
      %add3A_1603 = arith.constant 784 : i32
      %add3A_1604 = arith.addi %add3A_1603, %squeeze3A_1602 : i32
      %slice3A_1605 = vector.extract_strided_slice %sub3A_1570 {offsets = [1], sizes = [1], strides = [1]} : vector<16xf32> to vector<1xf32>
      %squeeze3A_1606 = vector.extract %slice3A_1605[0] : f32 from vector<1xf32>
      %get3A_1607 = arith.index_cast %add3A_1604 : i32 to index
      %get3A_1608 = arith.constant 0 : index
      %get3A_1609 = tpu.vector_load %arg6[%get3A_1607, %get3A_1608] {strides = array<i32>} : memref<1024x64xf32, #tpu.memory_space<vmem>>, vector<16xf32>,
      %mul3A_1610 = vector.broadcast %squeeze3A_1606 : f32 to vector<16xf32>
      %mul3A_1611 = arith.mulf %mul3A_1610, %get3A_1609 : vector<16xf32>
      %add3A_1612 = arith.addf %add3A_1582, %mul3A_1611 : vector<16xf32>
      %get3A_1613 = arith.index_cast %add3A_1604 : i32 to index
      %get3A_1614 = arith.constant 16 : index
      %get3A_1615 = tpu.vector_load %arg6[%get3A_1613, %get3A_1614] {strides = array<i32>} : memref<1024x64xf32, #tpu.memory_space<vmem>>, vector<16xf32>,
      %mul3A_1616 = vector.broadcast %squeeze3A_1606 : f32 to vector<16xf32>
      %mul3A_1617 = arith.mulf %mul3A_1616, %get3A_1615 : vector<16xf32>
      %add3A_1618 = arith.addf %add3A_1588, %mul3A_1617 : vector<16xf32>
      %get3A_1619 = arith.index_cast %add3A_1604 : i32 to index
      %get3A_1620 = arith.constant 32 : index
      %get3A_1621 = tpu.vector_load %arg6[%get3A_1619, %get3A_1620] {strides = array<i32>} : memref<1024x64xf32, #tpu.memory_space<vmem>>, vector<16xf32>,
      %mul3A_1622 = vector.broadcast %squeeze3A_1606 : f32 to vector<16xf32>
      %mul3A_1623 = arith.mulf %mul3A_1622, %get3A_1621 : vector<16xf32>
      %add3A_1624 = arith.addf %add3A_1594, %mul3A_1623 : vector<16xf32>
      %get3A_1625 = arith.index_cast %add3A_1604 : i32 to index
      %get3A_1626 = arith.constant 48 : index
      %get3A_1627 = tpu.vector_load %arg6[%get3A_1625, %get3A_1626] {strides = array<i32>} : memref<1024x64xf32, #tpu.memory_space<vmem>>, vector<16xf32>,
      %mul3A_1628 = vector.broadcast %squeeze3A_1606 : f32 to vector<16xf32>
      %mul3A_1629 = arith.mulf %mul3A_1628, %get3A_1627 : vector<16xf32>
      %add3A_1630 = arith.addf %add3A_1600, %mul3A_1629 : vector<16xf32>
      %slice3A_1631 = vector.extract_strided_slice %get3A_1563 {offsets = [2], sizes = [1], strides = [1]} : vector<16xi32> to vector<1xi32>
      %squeeze3A_1632 = vector.extract %slice3A_1631[0] : i32 from vector<1xi32>
      %add3A_1633 = arith.constant 800 : i32
      %add3A_1634 = arith.addi %add3A_1633, %squeeze3A_1632 : i32
      %slice3A_1635 = vector.extract_strided_slice %sub3A_1570 {offsets = [2], sizes = [1], strides = [1]} : vector<16xf32> to vector<1xf32>
      %squeeze3A_1636 = vector.extract %slice3A_1635[0] : f32 from vector<1xf32>
      %get3A_1637 = arith.index_cast %add3A_1634 : i32 to index
      %get3A_1638 = arith.constant 0 : index
      %get3A_1639 = tpu.vector_load %arg6[%get3A_1637, %get3A_1638] {strides = array<i32>} : memref<1024x64xf32, #tpu.memory_space<vmem>>, vector<16xf32>,
      %mul3A_1640 = vector.broadcast %squeeze3A_1636 : f32 to vector<16xf32>
      %mul3A_1641 = arith.mulf %mul3A_1640, %get3A_1639 : vector<16xf32>
      %add3A_1642 = arith.addf %add3A_1612, %mul3A_1641 : vector<16xf32>
      %get3A_1643 = arith.index_cast %add3A_1634 : i32 to index
      %get3A_1644 = arith.constant 16 : index
      %get3A_1645 = tpu.vector_load %arg6[%get3A_1643, %get3A_1644] {strides = array<i32>} : memref<1024x64xf32, #tpu.memory_space<vmem>>, vector<16xf32>,
      %mul3A_1646 = vector.broadcast %squeeze3A_1636 : f32 to vector<16xf32>
      %mul3A_1647 = arith.mulf %mul3A_1646, %get3A_1645 : vector<16xf32>
      %add3A_1648 = arith.addf %add3A_1618, %mul3A_1647 : vector<16xf32>
      %get3A_1649 = arith.index_cast %add3A_1634 : i32 to index
      %get3A_1650 = arith.constant 32 : index
      %get3A_1651 = tpu.vector_load %arg6[%get3A_1649, %get3A_1650] {strides = array<i32>} : memref<1024x64xf32, #tpu.memory_space<vmem>>, vector<16xf32>,
      %mul3A_1652 = vector.broadcast %squeeze3A_1636 : f32 to vector<16xf32>
      %mul3A_1653 = arith.mulf %mul3A_1652, %get3A_1651 : vector<16xf32>
      %add3A_1654 = arith.addf %add3A_1624, %mul3A_1653 : vector<16xf32>
      %get3A_1655 = arith.index_cast %add3A_1634 : i32 to index
      %get3A_1656 = arith.constant 48 : index
      %get3A_1657 = tpu.vector_load %arg6[%get3A_1655, %get3A_1656] {strides = array<i32>} : memref<1024x64xf32, #tpu.memory_space<vmem>>, vector<16xf32>,
      %mul3A_1658 = vector.broadcast %squeeze3A_1636 : f32 to vector<16xf32>
      %mul3A_1659 = arith.mulf %mul3A_1658, %get3A_1657 : vector<16xf32>
      %add3A_1660 = arith.addf %add3A_1630, %mul3A_1659 : vector<16xf32>
      %slice3A_1661 = vector.extract_strided_slice %get3A_1563 {offsets = [3], sizes = [1], strides = [1]} : vector<16xi32> to vector<1xi32>
      %squeeze3A_1662 = vector.extract %slice3A_1661[0] : i32 from vector<1xi32>
      %add3A_1663 = arith.constant 816 : i32
      %add3A_1664 = arith.addi %add3A_1663, %squeeze3A_1662 : i32
      %slice3A_1665 = vector.extract_strided_slice %sub3A_1570 {offsets = [3], sizes = [1], strides = [1]} : vector<16xf32> to vector<1xf32>
      %squeeze3A_1666 = vector.extract %slice3A_1665[0] : f32 from vector<1xf32>
      %get3A_1667 = arith.index_cast %add3A_1664 : i32 to index
      %get3A_1668 = arith.constant 0 : index
      %get3A_1669 = tpu.vector_load %arg6[%get3A_1667, %get3A_1668] {strides = array<i32>} : memref<1024x64xf32, #tpu.memory_space<vmem>>, vector<16xf32>,
      %mul3A_1670 = vector.broadcast %squeeze3A_1666 : f32 to vector<16xf32>
      %mul3A_1671 = arith.mulf %mul3A_1670, %get3A_1669 : vector<16xf32>
      %add3A_1672 = arith.addf %add3A_1642, %mul3A_1671 : vector<16xf32>
      %get3A_1673 = arith.index_cast %add3A_1664 : i32 to index
      %get3A_1674 = arith.constant 16 : index
      %get3A_1675 = tpu.vector_load %arg6[%get3A_1673, %get3A_1674] {strides = array<i32>} : memref<1024x64xf32, #tpu.memory_space<vmem>>, vector<16xf32>,
      %mul3A_1676 = vector.broadcast %squeeze3A_1666 : f32 to vector<16xf32>
      %mul3A_1677 = arith.mulf %mul3A_1676, %get3A_1675 : vector<16xf32>
      %add3A_1678 = arith.addf %add3A_1648, %mul3A_1677 : vector<16xf32>
      %get3A_1679 = arith.index_cast %add3A_1664 : i32 to index
      %get3A_1680 = arith.constant 32 : index
      %get3A_1681 = tpu.vector_load %arg6[%get3A_1679, %get3A_1680] {strides = array<i32>} : memref<1024x64xf32, #tpu.memory_space<vmem>>, vector<16xf32>,
      %mul3A_1682 = vector.broadcast %squeeze3A_1666 : f32 to vector<16xf32>
      %mul3A_1683 = arith.mulf %mul3A_1682, %get3A_1681 : vector<16xf32>
      %add3A_1684 = arith.addf %add3A_1654, %mul3A_1683 : vector<16xf32>
      %get3A_1685 = arith.index_cast %add3A_1664 : i32 to index
      %get3A_1686 = arith.constant 48 : index
      %get3A_1687 = tpu.vector_load %arg6[%get3A_1685, %get3A_1686] {strides = array<i32>} : memref<1024x64xf32, #tpu.memory_space<vmem>>, vector<16xf32>,
      %mul3A_1688 = vector.broadcast %squeeze3A_1666 : f32 to vector<16xf32>
      %mul3A_1689 = arith.mulf %mul3A_1688, %get3A_1687 : vector<16xf32>
      %add3A_1690 = arith.addf %add3A_1660, %mul3A_1689 : vector<16xf32>
      %slice3A_1691 = vector.extract_strided_slice %get3A_1563 {offsets = [4], sizes = [1], strides = [1]} : vector<16xi32> to vector<1xi32>
      %squeeze3A_1692 = vector.extract %slice3A_1691[0] : i32 from vector<1xi32>
      %add3A_1693 = arith.constant 832 : i32
      %add3A_1694 = arith.addi %add3A_1693, %squeeze3A_1692 : i32
      %slice3A_1695 = vector.extract_strided_slice %sub3A_1570 {offsets = [4], sizes = [1], strides = [1]} : vector<16xf32> to vector<1xf32>
      %squeeze3A_1696 = vector.extract %slice3A_1695[0] : f32 from vector<1xf32>
      %get3A_1697 = arith.index_cast %add3A_1694 : i32 to index
      %get3A_1698 = arith.constant 0 : index
      %get3A_1699 = tpu.vector_load %arg6[%get3A_1697, %get3A_1698] {strides = array<i32>} : memref<1024x64xf32, #tpu.memory_space<vmem>>, vector<16xf32>,
      %mul3A_1700 = vector.broadcast %squeeze3A_1696 : f32 to vector<16xf32>
      %mul3A_1701 = arith.mulf %mul3A_1700, %get3A_1699 : vector<16xf32>
      %add3A_1702 = arith.addf %add3A_1672, %mul3A_1701 : vector<16xf32>
      %get3A_1703 = arith.index_cast %add3A_1694 : i32 to index
      %get3A_1704 = arith.constant 16 : index
      %get3A_1705 = tpu.vector_load %arg6[%get3A_1703, %get3A_1704] {strides = array<i32>} : memref<1024x64xf32, #tpu.memory_space<vmem>>, vector<16xf32>,
      %mul3A_1706 = vector.broadcast %squeeze3A_1696 : f32 to vector<16xf32>
      %mul3A_1707 = arith.mulf %mul3A_1706, %get3A_1705 : vector<16xf32>
      %add3A_1708 = arith.addf %add3A_1678, %mul3A_1707 : vector<16xf32>
      %get3A_1709 = arith.index_cast %add3A_1694 : i32 to index
      %get3A_1710 = arith.constant 32 : index
      %get3A_1711 = tpu.vector_load %arg6[%get3A_1709, %get3A_1710] {strides = array<i32>} : memref<1024x64xf32, #tpu.memory_space<vmem>>, vector<16xf32>,
      %mul3A_1712 = vector.broadcast %squeeze3A_1696 : f32 to vector<16xf32>
      %mul3A_1713 = arith.mulf %mul3A_1712, %get3A_1711 : vector<16xf32>
      %add3A_1714 = arith.addf %add3A_1684, %mul3A_1713 : vector<16xf32>
      %get3A_1715 = arith.index_cast %add3A_1694 : i32 to index
      %get3A_1716 = arith.constant 48 : index
      %get3A_1717 = tpu.vector_load %arg6[%get3A_1715, %get3A_1716] {strides = array<i32>} : memref<1024x64xf32, #tpu.memory_space<vmem>>, vector<16xf32>,
      %mul3A_1718 = vector.broadcast %squeeze3A_1696 : f32 to vector<16xf32>
      %mul3A_1719 = arith.mulf %mul3A_1718, %get3A_1717 : vector<16xf32>
      %add3A_1720 = arith.addf %add3A_1690, %mul3A_1719 : vector<16xf32>
      %slice3A_1721 = vector.extract_strided_slice %get3A_1563 {offsets = [5], sizes = [1], strides = [1]} : vector<16xi32> to vector<1xi32>
      %squeeze3A_1722 = vector.extract %slice3A_1721[0] : i32 from vector<1xi32>
      %add3A_1723 = arith.constant 848 : i32
      %add3A_1724 = arith.addi %add3A_1723, %squeeze3A_1722 : i32
      %slice3A_1725 = vector.extract_strided_slice %sub3A_1570 {offsets = [5], sizes = [1], strides = [1]} : vector<16xf32> to vector<1xf32>
      %squeeze3A_1726 = vector.extract %slice3A_1725[0] : f32 from vector<1xf32>
      %get3A_1727 = arith.index_cast %add3A_1724 : i32 to index
      %get3A_1728 = arith.constant 0 : index
      %get3A_1729 = tpu.vector_load %arg6[%get3A_1727, %get3A_1728] {strides = array<i32>} : memref<1024x64xf32, #tpu.memory_space<vmem>>, vector<16xf32>,
      %mul3A_1730 = vector.broadcast %squeeze3A_1726 : f32 to vector<16xf32>
      %mul3A_1731 = arith.mulf %mul3A_1730, %get3A_1729 : vector<16xf32>
      %add3A_1732 = arith.addf %add3A_1702, %mul3A_1731 : vector<16xf32>
      %get3A_1733 = arith.index_cast %add3A_1724 : i32 to index
      %get3A_1734 = arith.constant 16 : index
      %get3A_1735 = tpu.vector_load %arg6[%get3A_1733, %get3A_1734] {strides = array<i32>} : memref<1024x64xf32, #tpu.memory_space<vmem>>, vector<16xf32>,
      %mul3A_1736 = vector.broadcast %squeeze3A_1726 : f32 to vector<16xf32>
      %mul3A_1737 = arith.mulf %mul3A_1736, %get3A_1735 : vector<16xf32>
      %add3A_1738 = arith.addf %add3A_1708, %mul3A_1737 : vector<16xf32>
      %get3A_1739 = arith.index_cast %add3A_1724 : i32 to index
      %get3A_1740 = arith.constant 32 : index
      %get3A_1741 = tpu.vector_load %arg6[%get3A_1739, %get3A_1740] {strides = array<i32>} : memref<1024x64xf32, #tpu.memory_space<vmem>>, vector<16xf32>,
      %mul3A_1742 = vector.broadcast %squeeze3A_1726 : f32 to vector<16xf32>
      %mul3A_1743 = arith.mulf %mul3A_1742, %get3A_1741 : vector<16xf32>
      %add3A_1744 = arith.addf %add3A_1714, %mul3A_1743 : vector<16xf32>
      %get3A_1745 = arith.index_cast %add3A_1724 : i32 to index
      %get3A_1746 = arith.constant 48 : index
      %get3A_1747 = tpu.vector_load %arg6[%get3A_1745, %get3A_1746] {strides = array<i32>} : memref<1024x64xf32, #tpu.memory_space<vmem>>, vector<16xf32>,
      %mul3A_1748 = vector.broadcast %squeeze3A_1726 : f32 to vector<16xf32>
      %mul3A_1749 = arith.mulf %mul3A_1748, %get3A_1747 : vector<16xf32>
      %add3A_1750 = arith.addf %add3A_1720, %mul3A_1749 : vector<16xf32>
      %slice3A_1751 = vector.extract_strided_slice %get3A_1563 {offsets = [6], sizes = [1], strides = [1]} : vector<16xi32> to vector<1xi32>
      %squeeze3A_1752 = vector.extract %slice3A_1751[0] : i32 from vector<1xi32>
      %add3A_1753 = arith.constant 864 : i32
      %add3A_1754 = arith.addi %add3A_1753, %squeeze3A_1752 : i32
      %slice3A_1755 = vector.extract_strided_slice %sub3A_1570 {offsets = [6], sizes = [1], strides = [1]} : vector<16xf32> to vector<1xf32>
      %squeeze3A_1756 = vector.extract %slice3A_1755[0] : f32 from vector<1xf32>
      %get3A_1757 = arith.index_cast %add3A_1754 : i32 to index
      %get3A_1758 = arith.constant 0 : index
      %get3A_1759 = tpu.vector_load %arg6[%get3A_1757, %get3A_1758] {strides = array<i32>} : memref<1024x64xf32, #tpu.memory_space<vmem>>, vector<16xf32>,
      %mul3A_1760 = vector.broadcast %squeeze3A_1756 : f32 to vector<16xf32>
      %mul3A_1761 = arith.mulf %mul3A_1760, %get3A_1759 : vector<16xf32>
      %add3A_1762 = arith.addf %add3A_1732, %mul3A_1761 : vector<16xf32>
      %get3A_1763 = arith.index_cast %add3A_1754 : i32 to index
      %get3A_1764 = arith.constant 16 : index
      %get3A_1765 = tpu.vector_load %arg6[%get3A_1763, %get3A_1764] {strides = array<i32>} : memref<1024x64xf32, #tpu.memory_space<vmem>>, vector<16xf32>,
      %mul3A_1766 = vector.broadcast %squeeze3A_1756 : f32 to vector<16xf32>
      %mul3A_1767 = arith.mulf %mul3A_1766, %get3A_1765 : vector<16xf32>
      %add3A_1768 = arith.addf %add3A_1738, %mul3A_1767 : vector<16xf32>
      %get3A_1769 = arith.index_cast %add3A_1754 : i32 to index
      %get3A_1770 = arith.constant 32 : index
      %get3A_1771 = tpu.vector_load %arg6[%get3A_1769, %get3A_1770] {strides = array<i32>} : memref<1024x64xf32, #tpu.memory_space<vmem>>, vector<16xf32>,
      %mul3A_1772 = vector.broadcast %squeeze3A_1756 : f32 to vector<16xf32>
      %mul3A_1773 = arith.mulf %mul3A_1772, %get3A_1771 : vector<16xf32>
      %add3A_1774 = arith.addf %add3A_1744, %mul3A_1773 : vector<16xf32>
      %get3A_1775 = arith.index_cast %add3A_1754 : i32 to index
      %get3A_1776 = arith.constant 48 : index
      %get3A_1777 = tpu.vector_load %arg6[%get3A_1775, %get3A_1776] {strides = array<i32>} : memref<1024x64xf32, #tpu.memory_space<vmem>>, vector<16xf32>,
      %mul3A_1778 = vector.broadcast %squeeze3A_1756 : f32 to vector<16xf32>
      %mul3A_1779 = arith.mulf %mul3A_1778, %get3A_1777 : vector<16xf32>
      %add3A_1780 = arith.addf %add3A_1750, %mul3A_1779 : vector<16xf32>
      %slice3A_1781 = vector.extract_strided_slice %get3A_1563 {offsets = [7], sizes = [1], strides = [1]} : vector<16xi32> to vector<1xi32>
      %squeeze3A_1782 = vector.extract %slice3A_1781[0] : i32 from vector<1xi32>
      %add3A_1783 = arith.constant 880 : i32
      %add3A_1784 = arith.addi %add3A_1783, %squeeze3A_1782 : i32
      %slice3A_1785 = vector.extract_strided_slice %sub3A_1570 {offsets = [7], sizes = [1], strides = [1]} : vector<16xf32> to vector<1xf32>
      %squeeze3A_1786 = vector.extract %slice3A_1785[0] : f32 from vector<1xf32>
      %get3A_1787 = arith.index_cast %add3A_1784 : i32 to index
      %get3A_1788 = arith.constant 0 : index
      %get3A_1789 = tpu.vector_load %arg6[%get3A_1787, %get3A_1788] {strides = array<i32>} : memref<1024x64xf32, #tpu.memory_space<vmem>>, vector<16xf32>,
      %mul3A_1790 = vector.broadcast %squeeze3A_1786 : f32 to vector<16xf32>
      %mul3A_1791 = arith.mulf %mul3A_1790, %get3A_1789 : vector<16xf32>
      %add3A_1792 = arith.addf %add3A_1762, %mul3A_1791 : vector<16xf32>
      %get3A_1793 = arith.index_cast %add3A_1784 : i32 to index
      %get3A_1794 = arith.constant 16 : index
      %get3A_1795 = tpu.vector_load %arg6[%get3A_1793, %get3A_1794] {strides = array<i32>} : memref<1024x64xf32, #tpu.memory_space<vmem>>, vector<16xf32>,
      %mul3A_1796 = vector.broadcast %squeeze3A_1786 : f32 to vector<16xf32>
      %mul3A_1797 = arith.mulf %mul3A_1796, %get3A_1795 : vector<16xf32>
      %add3A_1798 = arith.addf %add3A_1768, %mul3A_1797 : vector<16xf32>
      %get3A_1799 = arith.index_cast %add3A_1784 : i32 to index
      %get3A_1800 = arith.constant 32 : index
      %get3A_1801 = tpu.vector_load %arg6[%get3A_1799, %get3A_1800] {strides = array<i32>} : memref<1024x64xf32, #tpu.memory_space<vmem>>, vector<16xf32>,
      %mul3A_1802 = vector.broadcast %squeeze3A_1786 : f32 to vector<16xf32>
      %mul3A_1803 = arith.mulf %mul3A_1802, %get3A_1801 : vector<16xf32>
      %add3A_1804 = arith.addf %add3A_1774, %mul3A_1803 : vector<16xf32>
      %get3A_1805 = arith.index_cast %add3A_1784 : i32 to index
      %get3A_1806 = arith.constant 48 : index
      %get3A_1807 = tpu.vector_load %arg6[%get3A_1805, %get3A_1806] {strides = array<i32>} : memref<1024x64xf32, #tpu.memory_space<vmem>>, vector<16xf32>,
      %mul3A_1808 = vector.broadcast %squeeze3A_1786 : f32 to vector<16xf32>
      %mul3A_1809 = arith.mulf %mul3A_1808, %get3A_1807 : vector<16xf32>
      %add3A_1810 = arith.addf %add3A_1780, %mul3A_1809 : vector<16xf32>
      %slice3A_1811 = vector.extract_strided_slice %get3A_1563 {offsets = [8], sizes = [1], strides = [1]} : vector<16xi32> to vector<1xi32>
      %squeeze3A_1812 = vector.extract %slice3A_1811[0] : i32 from vector<1xi32>
      %add3A_1813 = arith.constant 896 : i32
      %add3A_1814 = arith.addi %add3A_1813, %squeeze3A_1812 : i32
      %slice3A_1815 = vector.extract_strided_slice %sub3A_1570 {offsets = [8], sizes = [1], strides = [1]} : vector<16xf32> to vector<1xf32>
      %squeeze3A_1816 = vector.extract %slice3A_1815[0] : f32 from vector<1xf32>
      %get3A_1817 = arith.index_cast %add3A_1814 : i32 to index
      %get3A_1818 = arith.constant 0 : index
      %get3A_1819 = tpu.vector_load %arg6[%get3A_1817, %get3A_1818] {strides = array<i32>} : memref<1024x64xf32, #tpu.memory_space<vmem>>, vector<16xf32>,
      %mul3A_1820 = vector.broadcast %squeeze3A_1816 : f32 to vector<16xf32>
      %mul3A_1821 = arith.mulf %mul3A_1820, %get3A_1819 : vector<16xf32>
      %add3A_1822 = arith.addf %add3A_1792, %mul3A_1821 : vector<16xf32>
      %get3A_1823 = arith.index_cast %add3A_1814 : i32 to index
      %get3A_1824 = arith.constant 16 : index
      %get3A_1825 = tpu.vector_load %arg6[%get3A_1823, %get3A_1824] {strides = array<i32>} : memref<1024x64xf32, #tpu.memory_space<vmem>>, vector<16xf32>,
      %mul3A_1826 = vector.broadcast %squeeze3A_1816 : f32 to vector<16xf32>
      %mul3A_1827 = arith.mulf %mul3A_1826, %get3A_1825 : vector<16xf32>
      %add3A_1828 = arith.addf %add3A_1798, %mul3A_1827 : vector<16xf32>
      %get3A_1829 = arith.index_cast %add3A_1814 : i32 to index
      %get3A_1830 = arith.constant 32 : index
      %get3A_1831 = tpu.vector_load %arg6[%get3A_1829, %get3A_1830] {strides = array<i32>} : memref<1024x64xf32, #tpu.memory_space<vmem>>, vector<16xf32>,
      %mul3A_1832 = vector.broadcast %squeeze3A_1816 : f32 to vector<16xf32>
      %mul3A_1833 = arith.mulf %mul3A_1832, %get3A_1831 : vector<16xf32>
      %add3A_1834 = arith.addf %add3A_1804, %mul3A_1833 : vector<16xf32>
      %get3A_1835 = arith.index_cast %add3A_1814 : i32 to index
      %get3A_1836 = arith.constant 48 : index
      %get3A_1837 = tpu.vector_load %arg6[%get3A_1835, %get3A_1836] {strides = array<i32>} : memref<1024x64xf32, #tpu.memory_space<vmem>>, vector<16xf32>,
      %mul3A_1838 = vector.broadcast %squeeze3A_1816 : f32 to vector<16xf32>
      %mul3A_1839 = arith.mulf %mul3A_1838, %get3A_1837 : vector<16xf32>
      %add3A_1840 = arith.addf %add3A_1810, %mul3A_1839 : vector<16xf32>
      %slice3A_1841 = vector.extract_strided_slice %get3A_1563 {offsets = [9], sizes = [1], strides = [1]} : vector<16xi32> to vector<1xi32>
      %squeeze3A_1842 = vector.extract %slice3A_1841[0] : i32 from vector<1xi32>
      %add3A_1843 = arith.constant 912 : i32
      %add3A_1844 = arith.addi %add3A_1843, %squeeze3A_1842 : i32
      %slice3A_1845 = vector.extract_strided_slice %sub3A_1570 {offsets = [9], sizes = [1], strides = [1]} : vector<16xf32> to vector<1xf32>
      %squeeze3A_1846 = vector.extract %slice3A_1845[0] : f32 from vector<1xf32>
      %get3A_1847 = arith.index_cast %add3A_1844 : i32 to index
      %get3A_1848 = arith.constant 0 : index
      %get3A_1849 = tpu.vector_load %arg6[%get3A_1847, %get3A_1848] {strides = array<i32>} : memref<1024x64xf32, #tpu.memory_space<vmem>>, vector<16xf32>,
      %mul3A_1850 = vector.broadcast %squeeze3A_1846 : f32 to vector<16xf32>
      %mul3A_1851 = arith.mulf %mul3A_1850, %get3A_1849 : vector<16xf32>
      %add3A_1852 = arith.addf %add3A_1822, %mul3A_1851 : vector<16xf32>
      %get3A_1853 = arith.index_cast %add3A_1844 : i32 to index
      %get3A_1854 = arith.constant 16 : index
      %get3A_1855 = tpu.vector_load %arg6[%get3A_1853, %get3A_1854] {strides = array<i32>} : memref<1024x64xf32, #tpu.memory_space<vmem>>, vector<16xf32>,
      %mul3A_1856 = vector.broadcast %squeeze3A_1846 : f32 to vector<16xf32>
      %mul3A_1857 = arith.mulf %mul3A_1856, %get3A_1855 : vector<16xf32>
      %add3A_1858 = arith.addf %add3A_1828, %mul3A_1857 : vector<16xf32>
      %get3A_1859 = arith.index_cast %add3A_1844 : i32 to index
      %get3A_1860 = arith.constant 32 : index
      %get3A_1861 = tpu.vector_load %arg6[%get3A_1859, %get3A_1860] {strides = array<i32>} : memref<1024x64xf32, #tpu.memory_space<vmem>>, vector<16xf32>,
      %mul3A_1862 = vector.broadcast %squeeze3A_1846 : f32 to vector<16xf32>
      %mul3A_1863 = arith.mulf %mul3A_1862, %get3A_1861 : vector<16xf32>
      %add3A_1864 = arith.addf %add3A_1834, %mul3A_1863 : vector<16xf32>
      %get3A_1865 = arith.index_cast %add3A_1844 : i32 to index
      %get3A_1866 = arith.constant 48 : index
      %get3A_1867 = tpu.vector_load %arg6[%get3A_1865, %get3A_1866] {strides = array<i32>} : memref<1024x64xf32, #tpu.memory_space<vmem>>, vector<16xf32>,
      %mul3A_1868 = vector.broadcast %squeeze3A_1846 : f32 to vector<16xf32>
      %mul3A_1869 = arith.mulf %mul3A_1868, %get3A_1867 : vector<16xf32>
      %add3A_1870 = arith.addf %add3A_1840, %mul3A_1869 : vector<16xf32>
      %slice3A_1871 = vector.extract_strided_slice %get3A_1563 {offsets = [10], sizes = [1], strides = [1]} : vector<16xi32> to vector<1xi32>
      %squeeze3A_1872 = vector.extract %slice3A_1871[0] : i32 from vector<1xi32>
      %add3A_1873 = arith.constant 928 : i32
      %add3A_1874 = arith.addi %add3A_1873, %squeeze3A_1872 : i32
      %slice3A_1875 = vector.extract_strided_slice %sub3A_1570 {offsets = [10], sizes = [1], strides = [1]} : vector<16xf32> to vector<1xf32>
      %squeeze3A_1876 = vector.extract %slice3A_1875[0] : f32 from vector<1xf32>
      %get3A_1877 = arith.index_cast %add3A_1874 : i32 to index
      %get3A_1878 = arith.constant 0 : index
      %get3A_1879 = tpu.vector_load %arg6[%get3A_1877, %get3A_1878] {strides = array<i32>} : memref<1024x64xf32, #tpu.memory_space<vmem>>, vector<16xf32>,
      %mul3A_1880 = vector.broadcast %squeeze3A_1876 : f32 to vector<16xf32>
      %mul3A_1881 = arith.mulf %mul3A_1880, %get3A_1879 : vector<16xf32>
      %add3A_1882 = arith.addf %add3A_1852, %mul3A_1881 : vector<16xf32>
      %get3A_1883 = arith.index_cast %add3A_1874 : i32 to index
      %get3A_1884 = arith.constant 16 : index
      %get3A_1885 = tpu.vector_load %arg6[%get3A_1883, %get3A_1884] {strides = array<i32>} : memref<1024x64xf32, #tpu.memory_space<vmem>>, vector<16xf32>,
      %mul3A_1886 = vector.broadcast %squeeze3A_1876 : f32 to vector<16xf32>
      %mul3A_1887 = arith.mulf %mul3A_1886, %get3A_1885 : vector<16xf32>
      %add3A_1888 = arith.addf %add3A_1858, %mul3A_1887 : vector<16xf32>
      %get3A_1889 = arith.index_cast %add3A_1874 : i32 to index
      %get3A_1890 = arith.constant 32 : index
      %get3A_1891 = tpu.vector_load %arg6[%get3A_1889, %get3A_1890] {strides = array<i32>} : memref<1024x64xf32, #tpu.memory_space<vmem>>, vector<16xf32>,
      %mul3A_1892 = vector.broadcast %squeeze3A_1876 : f32 to vector<16xf32>
      %mul3A_1893 = arith.mulf %mul3A_1892, %get3A_1891 : vector<16xf32>
      %add3A_1894 = arith.addf %add3A_1864, %mul3A_1893 : vector<16xf32>
      %get3A_1895 = arith.index_cast %add3A_1874 : i32 to index
      %get3A_1896 = arith.constant 48 : index
      %get3A_1897 = tpu.vector_load %arg6[%get3A_1895, %get3A_1896] {strides = array<i32>} : memref<1024x64xf32, #tpu.memory_space<vmem>>, vector<16xf32>,
      %mul3A_1898 = vector.broadcast %squeeze3A_1876 : f32 to vector<16xf32>
      %mul3A_1899 = arith.mulf %mul3A_1898, %get3A_1897 : vector<16xf32>
      %add3A_1900 = arith.addf %add3A_1870, %mul3A_1899 : vector<16xf32>
      %slice3A_1901 = vector.extract_strided_slice %get3A_1563 {offsets = [11], sizes = [1], strides = [1]} : vector<16xi32> to vector<1xi32>
      %squeeze3A_1902 = vector.extract %slice3A_1901[0] : i32 from vector<1xi32>
      %add3A_1903 = arith.constant 944 : i32
      %add3A_1904 = arith.addi %add3A_1903, %squeeze3A_1902 : i32
      %slice3A_1905 = vector.extract_strided_slice %sub3A_1570 {offsets = [11], sizes = [1], strides = [1]} : vector<16xf32> to vector<1xf32>
      %squeeze3A_1906 = vector.extract %slice3A_1905[0] : f32 from vector<1xf32>
      %get3A_1907 = arith.index_cast %add3A_1904 : i32 to index
      %get3A_1908 = arith.constant 0 : index
      %get3A_1909 = tpu.vector_load %arg6[%get3A_1907, %get3A_1908] {strides = array<i32>} : memref<1024x64xf32, #tpu.memory_space<vmem>>, vector<16xf32>,
      %mul3A_1910 = vector.broadcast %squeeze3A_1906 : f32 to vector<16xf32>
      %mul3A_1911 = arith.mulf %mul3A_1910, %get3A_1909 : vector<16xf32>
      %add3A_1912 = arith.addf %add3A_1882, %mul3A_1911 : vector<16xf32>
      %get3A_1913 = arith.index_cast %add3A_1904 : i32 to index
      %get3A_1914 = arith.constant 16 : index
      %get3A_1915 = tpu.vector_load %arg6[%get3A_1913, %get3A_1914] {strides = array<i32>} : memref<1024x64xf32, #tpu.memory_space<vmem>>, vector<16xf32>,
      %mul3A_1916 = vector.broadcast %squeeze3A_1906 : f32 to vector<16xf32>
      %mul3A_1917 = arith.mulf %mul3A_1916, %get3A_1915 : vector<16xf32>
      %add3A_1918 = arith.addf %add3A_1888, %mul3A_1917 : vector<16xf32>
      %get3A_1919 = arith.index_cast %add3A_1904 : i32 to index
      %get3A_1920 = arith.constant 32 : index
      %get3A_1921 = tpu.vector_load %arg6[%get3A_1919, %get3A_1920] {strides = array<i32>} : memref<1024x64xf32, #tpu.memory_space<vmem>>, vector<16xf32>,
      %mul3A_1922 = vector.broadcast %squeeze3A_1906 : f32 to vector<16xf32>
      %mul3A_1923 = arith.mulf %mul3A_1922, %get3A_1921 : vector<16xf32>
      %add3A_1924 = arith.addf %add3A_1894, %mul3A_1923 : vector<16xf32>
      %get3A_1925 = arith.index_cast %add3A_1904 : i32 to index
      %get3A_1926 = arith.constant 48 : index
      %get3A_1927 = tpu.vector_load %arg6[%get3A_1925, %get3A_1926] {strides = array<i32>} : memref<1024x64xf32, #tpu.memory_space<vmem>>, vector<16xf32>,
      %mul3A_1928 = vector.broadcast %squeeze3A_1906 : f32 to vector<16xf32>
      %mul3A_1929 = arith.mulf %mul3A_1928, %get3A_1927 : vector<16xf32>
      %add3A_1930 = arith.addf %add3A_1900, %mul3A_1929 : vector<16xf32>
      %slice3A_1931 = vector.extract_strided_slice %get3A_1563 {offsets = [12], sizes = [1], strides = [1]} : vector<16xi32> to vector<1xi32>
      %squeeze3A_1932 = vector.extract %slice3A_1931[0] : i32 from vector<1xi32>
      %add3A_1933 = arith.constant 960 : i32
      %add3A_1934 = arith.addi %add3A_1933, %squeeze3A_1932 : i32
      %slice3A_1935 = vector.extract_strided_slice %sub3A_1570 {offsets = [12], sizes = [1], strides = [1]} : vector<16xf32> to vector<1xf32>
      %squeeze3A_1936 = vector.extract %slice3A_1935[0] : f32 from vector<1xf32>
      %get3A_1937 = arith.index_cast %add3A_1934 : i32 to index
      %get3A_1938 = arith.constant 0 : index
      %get3A_1939 = tpu.vector_load %arg6[%get3A_1937, %get3A_1938] {strides = array<i32>} : memref<1024x64xf32, #tpu.memory_space<vmem>>, vector<16xf32>,
      %mul3A_1940 = vector.broadcast %squeeze3A_1936 : f32 to vector<16xf32>
      %mul3A_1941 = arith.mulf %mul3A_1940, %get3A_1939 : vector<16xf32>
      %add3A_1942 = arith.addf %add3A_1912, %mul3A_1941 : vector<16xf32>
      %get3A_1943 = arith.index_cast %add3A_1934 : i32 to index
      %get3A_1944 = arith.constant 16 : index
      %get3A_1945 = tpu.vector_load %arg6[%get3A_1943, %get3A_1944] {strides = array<i32>} : memref<1024x64xf32, #tpu.memory_space<vmem>>, vector<16xf32>,
      %mul3A_1946 = vector.broadcast %squeeze3A_1936 : f32 to vector<16xf32>
      %mul3A_1947 = arith.mulf %mul3A_1946, %get3A_1945 : vector<16xf32>
      %add3A_1948 = arith.addf %add3A_1918, %mul3A_1947 : vector<16xf32>
      %get3A_1949 = arith.index_cast %add3A_1934 : i32 to index
      %get3A_1950 = arith.constant 32 : index
      %get3A_1951 = tpu.vector_load %arg6[%get3A_1949, %get3A_1950] {strides = array<i32>} : memref<1024x64xf32, #tpu.memory_space<vmem>>, vector<16xf32>,
      %mul3A_1952 = vector.broadcast %squeeze3A_1936 : f32 to vector<16xf32>
      %mul3A_1953 = arith.mulf %mul3A_1952, %get3A_1951 : vector<16xf32>
      %add3A_1954 = arith.addf %add3A_1924, %mul3A_1953 : vector<16xf32>
      %get3A_1955 = arith.index_cast %add3A_1934 : i32 to index
      %get3A_1956 = arith.constant 48 : index
      %get3A_1957 = tpu.vector_load %arg6[%get3A_1955, %get3A_1956] {strides = array<i32>} : memref<1024x64xf32, #tpu.memory_space<vmem>>, vector<16xf32>,
      %mul3A_1958 = vector.broadcast %squeeze3A_1936 : f32 to vector<16xf32>
      %mul3A_1959 = arith.mulf %mul3A_1958, %get3A_1957 : vector<16xf32>
      %add3A_1960 = arith.addf %add3A_1930, %mul3A_1959 : vector<16xf32>
      %slice3A_1961 = vector.extract_strided_slice %get3A_1563 {offsets = [13], sizes = [1], strides = [1]} : vector<16xi32> to vector<1xi32>
      %squeeze3A_1962 = vector.extract %slice3A_1961[0] : i32 from vector<1xi32>
      %add3A_1963 = arith.constant 976 : i32
      %add3A_1964 = arith.addi %add3A_1963, %squeeze3A_1962 : i32
      %slice3A_1965 = vector.extract_strided_slice %sub3A_1570 {offsets = [13], sizes = [1], strides = [1]} : vector<16xf32> to vector<1xf32>
      %squeeze3A_1966 = vector.extract %slice3A_1965[0] : f32 from vector<1xf32>
      %get3A_1967 = arith.index_cast %add3A_1964 : i32 to index
      %get3A_1968 = arith.constant 0 : index
      %get3A_1969 = tpu.vector_load %arg6[%get3A_1967, %get3A_1968] {strides = array<i32>} : memref<1024x64xf32, #tpu.memory_space<vmem>>, vector<16xf32>,
      %mul3A_1970 = vector.broadcast %squeeze3A_1966 : f32 to vector<16xf32>
      %mul3A_1971 = arith.mulf %mul3A_1970, %get3A_1969 : vector<16xf32>
      %add3A_1972 = arith.addf %add3A_1942, %mul3A_1971 : vector<16xf32>
      %get3A_1973 = arith.index_cast %add3A_1964 : i32 to index
      %get3A_1974 = arith.constant 16 : index
      %get3A_1975 = tpu.vector_load %arg6[%get3A_1973, %get3A_1974] {strides = array<i32>} : memref<1024x64xf32, #tpu.memory_space<vmem>>, vector<16xf32>,
      %mul3A_1976 = vector.broadcast %squeeze3A_1966 : f32 to vector<16xf32>
      %mul3A_1977 = arith.mulf %mul3A_1976, %get3A_1975 : vector<16xf32>
      %add3A_1978 = arith.addf %add3A_1948, %mul3A_1977 : vector<16xf32>
      %get3A_1979 = arith.index_cast %add3A_1964 : i32 to index
      %get3A_1980 = arith.constant 32 : index
      %get3A_1981 = tpu.vector_load %arg6[%get3A_1979, %get3A_1980] {strides = array<i32>} : memref<1024x64xf32, #tpu.memory_space<vmem>>, vector<16xf32>,
      %mul3A_1982 = vector.broadcast %squeeze3A_1966 : f32 to vector<16xf32>
      %mul3A_1983 = arith.mulf %mul3A_1982, %get3A_1981 : vector<16xf32>
      %add3A_1984 = arith.addf %add3A_1954, %mul3A_1983 : vector<16xf32>
      %get3A_1985 = arith.index_cast %add3A_1964 : i32 to index
      %get3A_1986 = arith.constant 48 : index
      %get3A_1987 = tpu.vector_load %arg6[%get3A_1985, %get3A_1986] {strides = array<i32>} : memref<1024x64xf32, #tpu.memory_space<vmem>>, vector<16xf32>,
      %mul3A_1988 = vector.broadcast %squeeze3A_1966 : f32 to vector<16xf32>
      %mul3A_1989 = arith.mulf %mul3A_1988, %get3A_1987 : vector<16xf32>
      %add3A_1990 = arith.addf %add3A_1960, %mul3A_1989 : vector<16xf32>
      %slice3A_1991 = vector.extract_strided_slice %get3A_1563 {offsets = [14], sizes = [1], strides = [1]} : vector<16xi32> to vector<1xi32>
      %squeeze3A_1992 = vector.extract %slice3A_1991[0] : i32 from vector<1xi32>
      %add3A_1993 = arith.constant 992 : i32
      %add3A_1994 = arith.addi %add3A_1993, %squeeze3A_1992 : i32
      %slice3A_1995 = vector.extract_strided_slice %sub3A_1570 {offsets = [14], sizes = [1], strides = [1]} : vector<16xf32> to vector<1xf32>
      %squeeze3A_1996 = vector.extract %slice3A_1995[0] : f32 from vector<1xf32>
      %get3A_1997 = arith.index_cast %add3A_1994 : i32 to index
      %get3A_1998 = arith.constant 0 : index
      %get3A_1999 = tpu.vector_load %arg6[%get3A_1997, %get3A_1998] {strides = array<i32>} : memref<1024x64xf32, #tpu.memory_space<vmem>>, vector<16xf32>,
      %mul3A_2000 = vector.broadcast %squeeze3A_1996 : f32 to vector<16xf32>
      %mul3A_2001 = arith.mulf %mul3A_2000, %get3A_1999 : vector<16xf32>
      %add3A_2002 = arith.addf %add3A_1972, %mul3A_2001 : vector<16xf32>
      %get3A_2003 = arith.index_cast %add3A_1994 : i32 to index
      %get3A_2004 = arith.constant 16 : index
      %get3A_2005 = tpu.vector_load %arg6[%get3A_2003, %get3A_2004] {strides = array<i32>} : memref<1024x64xf32, #tpu.memory_space<vmem>>, vector<16xf32>,
      %mul3A_2006 = vector.broadcast %squeeze3A_1996 : f32 to vector<16xf32>
      %mul3A_2007 = arith.mulf %mul3A_2006, %get3A_2005 : vector<16xf32>
      %add3A_2008 = arith.addf %add3A_1978, %mul3A_2007 : vector<16xf32>
      %get3A_2009 = arith.index_cast %add3A_1994 : i32 to index
      %get3A_2010 = arith.constant 32 : index
      %get3A_2011 = tpu.vector_load %arg6[%get3A_2009, %get3A_2010] {strides = array<i32>} : memref<1024x64xf32, #tpu.memory_space<vmem>>, vector<16xf32>,
      %mul3A_2012 = vector.broadcast %squeeze3A_1996 : f32 to vector<16xf32>
      %mul3A_2013 = arith.mulf %mul3A_2012, %get3A_2011 : vector<16xf32>
      %add3A_2014 = arith.addf %add3A_1984, %mul3A_2013 : vector<16xf32>
      %get3A_2015 = arith.index_cast %add3A_1994 : i32 to index
      %get3A_2016 = arith.constant 48 : index
      %get3A_2017 = tpu.vector_load %arg6[%get3A_2015, %get3A_2016] {strides = array<i32>} : memref<1024x64xf32, #tpu.memory_space<vmem>>, vector<16xf32>,
      %mul3A_2018 = vector.broadcast %squeeze3A_1996 : f32 to vector<16xf32>
      %mul3A_2019 = arith.mulf %mul3A_2018, %get3A_2017 : vector<16xf32>
      %add3A_2020 = arith.addf %add3A_1990, %mul3A_2019 : vector<16xf32>
      %slice3A_2021 = vector.extract_strided_slice %get3A_1563 {offsets = [15], sizes = [1], strides = [1]} : vector<16xi32> to vector<1xi32>
      %squeeze3A_2022 = vector.extract %slice3A_2021[0] : i32 from vector<1xi32>
      %add3A_2023 = arith.constant 1008 : i32
      %add3A_2024 = arith.addi %add3A_2023, %squeeze3A_2022 : i32
      %slice3A_2025 = vector.extract_strided_slice %sub3A_1570 {offsets = [15], sizes = [1], strides = [1]} : vector<16xf32> to vector<1xf32>
      %squeeze3A_2026 = vector.extract %slice3A_2025[0] : f32 from vector<1xf32>
      %get3A_2027 = arith.index_cast %add3A_2024 : i32 to index
      %get3A_2028 = arith.constant 0 : index
      %get3A_2029 = tpu.vector_load %arg6[%get3A_2027, %get3A_2028] {strides = array<i32>} : memref<1024x64xf32, #tpu.memory_space<vmem>>, vector<16xf32>,
      %mul3A_2030 = vector.broadcast %squeeze3A_2026 : f32 to vector<16xf32>
      %mul3A_2031 = arith.mulf %mul3A_2030, %get3A_2029 : vector<16xf32>
      %add3A_2032 = arith.addf %add3A_2002, %mul3A_2031 : vector<16xf32>
      %get3A_2033 = arith.index_cast %add3A_2024 : i32 to index
      %get3A_2034 = arith.constant 16 : index
      %get3A_2035 = tpu.vector_load %arg6[%get3A_2033, %get3A_2034] {strides = array<i32>} : memref<1024x64xf32, #tpu.memory_space<vmem>>, vector<16xf32>,
      %mul3A_2036 = vector.broadcast %squeeze3A_2026 : f32 to vector<16xf32>
      %mul3A_2037 = arith.mulf %mul3A_2036, %get3A_2035 : vector<16xf32>
      %add3A_2038 = arith.addf %add3A_2008, %mul3A_2037 : vector<16xf32>
      %get3A_2039 = arith.index_cast %add3A_2024 : i32 to index
      %get3A_2040 = arith.constant 32 : index
      %get3A_2041 = tpu.vector_load %arg6[%get3A_2039, %get3A_2040] {strides = array<i32>} : memref<1024x64xf32, #tpu.memory_space<vmem>>, vector<16xf32>,
      %mul3A_2042 = vector.broadcast %squeeze3A_2026 : f32 to vector<16xf32>
      %mul3A_2043 = arith.mulf %mul3A_2042, %get3A_2041 : vector<16xf32>
      %add3A_2044 = arith.addf %add3A_2014, %mul3A_2043 : vector<16xf32>
      %get3A_2045 = arith.index_cast %add3A_2024 : i32 to index
      %get3A_2046 = arith.constant 48 : index
      %get3A_2047 = tpu.vector_load %arg6[%get3A_2045, %get3A_2046] {strides = array<i32>} : memref<1024x64xf32, #tpu.memory_space<vmem>>, vector<16xf32>,
      %mul3A_2048 = vector.broadcast %squeeze3A_2026 : f32 to vector<16xf32>
      %mul3A_2049 = arith.mulf %mul3A_2048, %get3A_2047 : vector<16xf32>
      %add3A_2050 = arith.addf %add3A_2020, %mul3A_2049 : vector<16xf32>
      %swap3A_2051 = arith.index_cast %scan3A_69 : i32 to index
      %swap3A_2052 = arith.constant 0 : index
      %swap3A_2053 = tpu.vector_load %arg9[%swap3A_2051, %swap3A_2052] {strides = array<i32>} : memref<80x64xf32, #tpu.memory_space<vmem>>, vector<16xf32>,
      tpu.vector_store %arg9[%swap3A_2051, %swap3A_2052], %add3A_2032 {strides = array<i32>} : memref<80x64xf32, #tpu.memory_space<vmem>>, vector<16xf32>,
      %swap3A_2054 = arith.index_cast %scan3A_69 : i32 to index
      %swap3A_2055 = arith.constant 16 : index
      %swap3A_2056 = tpu.vector_load %arg9[%swap3A_2054, %swap3A_2055] {strides = array<i32>} : memref<80x64xf32, #tpu.memory_space<vmem>>, vector<16xf32>,
      tpu.vector_store %arg9[%swap3A_2054, %swap3A_2055], %add3A_2038 {strides = array<i32>} : memref<80x64xf32, #tpu.memory_space<vmem>>, vector<16xf32>,
      %swap3A_2057 = arith.index_cast %scan3A_69 : i32 to index
      %swap3A_2058 = arith.constant 32 : index
      %swap3A_2059 = tpu.vector_load %arg9[%swap3A_2057, %swap3A_2058] {strides = array<i32>} : memref<80x64xf32, #tpu.memory_space<vmem>>, vector<16xf32>,
      tpu.vector_store %arg9[%swap3A_2057, %swap3A_2058], %add3A_2044 {strides = array<i32>} : memref<80x64xf32, #tpu.memory_space<vmem>>, vector<16xf32>,
      %swap3A_2060 = arith.index_cast %scan3A_69 : i32 to index
      %swap3A_2061 = arith.constant 48 : index
      %swap3A_2062 = tpu.vector_load %arg9[%swap3A_2060, %swap3A_2061] {strides = array<i32>} : memref<80x64xf32, #tpu.memory_space<vmem>>, vector<16xf32>,
      tpu.vector_store %arg9[%swap3A_2060, %swap3A_2061], %add3A_2050 {strides = array<i32>} : memref<80x64xf32, #tpu.memory_space<vmem>>, vector<16xf32>,
    }
    %scan3A_55 = arith.constant 80 : i32
    "tpu.trace_stop"() : () -> ()
    "tpu.trace_start"() <{level = 10 : i32, message = "reduce"}> : () -> ()
    %barrier3A = arith.constant 0 : index
    tpu.barrier barrier_id(%barrier3A)
    %eq3A = arith.constant 0 : i32
    %eq3A_56 = arith.cmpi eq, %arg1, %eq3A : i32
    %convert_element_type3A = arith.extui %eq3A_56 : i1 to i32
    %cond3A = arith.constant 0 : i32
    %cond3A_57 = arith.cmpi ne, %convert_element_type3A, %cond3A : i32
    scf.if %cond3A_57 {
      "tpu.region"() ({
        %run_scoped3A = tpu.sem_alloc : memref<!tpu.dma_semaphore, #tpu.memory_space<semaphore_mem>>
        tpu.enqueue_dma source(%arg9 : memref<80x64xf32, #tpu.memory_space<vmem>>) target(%arg11 : memref<80x64xf32, #tpu.memory_space<vmem_shared>>) target_semaphore(%run_scoped3A : memref<!tpu.dma_semaphore, #tpu.memory_space<semaphore_mem>>)
        tpu.wait_dma2 semaphore(%run_scoped3A : memref<!tpu.dma_semaphore, #tpu.memory_space<semaphore_mem>>) src(%arg9 : memref<80x64xf32, #tpu.memory_space<vmem>>) dst(%arg11 : memref<80x64xf32, #tpu.memory_space<vmem_shared>>)
        tpu.yield
      }) : () -> ()
    } else {
    }
    %barrier3A_58 = arith.constant 0 : index
    tpu.barrier barrier_id(%barrier3A_58)
    %ne3A = arith.constant 0 : i32
    %ne3A_59 = arith.cmpi ne, %arg1, %ne3A : i32
    %convert_element_type3A_60 = arith.extui %ne3A_59 : i1 to i32
    %cond3A_61 = arith.constant 0 : i32
    %cond3A_62 = arith.cmpi ne, %convert_element_type3A_60, %cond3A_61 : i32
    scf.if %cond3A_62 {
      "tpu.region"() ({
        %run_scoped3A = tpu.sem_alloc : memref<!tpu.dma_semaphore, #tpu.memory_space<semaphore_mem>>
        %dma_start3A_69 = arith.constant 0 : i32
        %dma_start3A_70 = arith.constant 0 : i32
        %dma_start3A_71 = tpu.memref_slice %arg11[%dma_start3A_69, %dma_start3A_70] : memref<80x64xf32, #tpu.memory_space<vmem_shared>> -> memref<80x64xf32, #tpu.memory_space<vmem_shared>>
        tpu.enqueue_indirect_dma source(%arg9 : memref<80x64xf32, #tpu.memory_space<vmem>>) target(%dma_start3A_71 : memref<80x64xf32, #tpu.memory_space<vmem_shared>>) offsets(%arg10 : memref<80xi32, #tpu.memory_space<vmem>>) semaphore(%run_scoped3A : memref<!tpu.dma_semaphore, #tpu.memory_space<semaphore_mem>>) {add = true}
        %dma_wait3A_72 = arith.constant 0 : i32
        %dma_wait3A_73 = arith.constant 0 : i32
        %dma_wait3A_74 = tpu.memref_slice %arg11[%dma_wait3A_72, %dma_wait3A_73] : memref<80x64xf32, #tpu.memory_space<vmem_shared>> -> memref<80x64xf32, #tpu.memory_space<vmem_shared>>
        tpu.wait_indirect_dma semaphore(%run_scoped3A : memref<!tpu.dma_semaphore, #tpu.memory_space<semaphore_mem>>) src(%arg9 : memref<80x64xf32, #tpu.memory_space<vmem>>) dst(%dma_wait3A_74 : memref<80x64xf32, #tpu.memory_space<vmem_shared>>)
        tpu.yield
      }) : () -> ()
    } else {
    }
    %barrier3A_63 = arith.constant 0 : index
    tpu.barrier barrier_id(%barrier3A_63)
    %eq3A_64 = arith.constant 0 : i32
    %eq3A_65 = arith.cmpi eq, %arg1, %eq3A_64 : i32
    %convert_element_type3A_66 = arith.extui %eq3A_65 : i1 to i32
    %cond3A_67 = arith.constant 0 : i32
    %cond3A_68 = arith.cmpi ne, %convert_element_type3A_66, %cond3A_67 : i32
    scf.if %cond3A_68 {
      %add3A_69 = arith.constant 0 : i32
      %add3A_70 = arith.addi %mul3A_0, %add3A_69 : i32
      "tpu.region"() ({
        %run_scoped3A = tpu.sem_alloc : memref<!tpu.dma_semaphore, #tpu.memory_space<semaphore_mem>>
        %dma_start3A_77 = arith.constant 0 : i32
        %dma_start3A_78 = arith.constant 0 : i32
        %dma_start3A_79 = tpu.memref_slice %arg5[%add3A_70, %dma_start3A_77, %dma_start3A_78] : memref<8x20x64xf32, #tpu.memory_space<hbm>> -> memref<1x20x64xf32, #tpu.memory_space<hbm>>
        %dma_start3A_80 = tpu.memref_squeeze %dma_start3A_79 : memref<1x20x64xf32, #tpu.memory_space<hbm>> -> memref<20x64xf32, #tpu.memory_space<hbm>>
        %dma_start3A_81 = arith.constant 0 : i32
        %dma_start3A_82 = arith.constant 0 : i32
        %dma_start3A_83 = tpu.memref_slice %arg11[%dma_start3A_81, %dma_start3A_82] : memref<80x64xf32, #tpu.memory_space<vmem_shared>> -> memref<20x64xf32, #tpu.memory_space<vmem_shared>>
        tpu.enqueue_dma source(%dma_start3A_83 : memref<20x64xf32, #tpu.memory_space<vmem_shared>>) target(%dma_start3A_80 : memref<20x64xf32, #tpu.memory_space<hbm>>) target_semaphore(%run_scoped3A : memref<!tpu.dma_semaphore, #tpu.memory_space<semaphore_mem>>)
        %dma_wait3A_84 = arith.constant 0 : i32
        %dma_wait3A_85 = arith.constant 0 : i32
        %dma_wait3A_86 = tpu.memref_slice %arg5[%add3A_70, %dma_wait3A_84, %dma_wait3A_85] : memref<8x20x64xf32, #tpu.memory_space<hbm>> -> memref<1x20x64xf32, #tpu.memory_space<hbm>>
        %dma_wait3A_87 = tpu.memref_squeeze %dma_wait3A_86 : memref<1x20x64xf32, #tpu.memory_space<hbm>> -> memref<20x64xf32, #tpu.memory_space<hbm>>
        %dma_wait3A_88 = arith.constant 0 : i32
        %dma_wait3A_89 = arith.constant 0 : i32
        %dma_wait3A_90 = tpu.memref_slice %arg11[%dma_wait3A_88, %dma_wait3A_89] : memref<80x64xf32, #tpu.memory_space<vmem_shared>> -> memref<20x64xf32, #tpu.memory_space<vmem_shared>>
        tpu.wait_dma2 semaphore(%run_scoped3A : memref<!tpu.dma_semaphore, #tpu.memory_space<semaphore_mem>>) src(%dma_wait3A_90 : memref<20x64xf32, #tpu.memory_space<vmem_shared>>) dst(%dma_wait3A_87 : memref<20x64xf32, #tpu.memory_space<hbm>>)
        tpu.yield
      }) : () -> ()
      %add3A_71 = arith.constant 1 : i32
      %add3A_72 = arith.addi %mul3A_0, %add3A_71 : i32
      "tpu.region"() ({
        %run_scoped3A = tpu.sem_alloc : memref<!tpu.dma_semaphore, #tpu.memory_space<semaphore_mem>>
        %dma_start3A_77 = arith.constant 0 : i32
        %dma_start3A_78 = arith.constant 0 : i32
        %dma_start3A_79 = tpu.memref_slice %arg5[%add3A_72, %dma_start3A_77, %dma_start3A_78] : memref<8x20x64xf32, #tpu.memory_space<hbm>> -> memref<1x20x64xf32, #tpu.memory_space<hbm>>
        %dma_start3A_80 = tpu.memref_squeeze %dma_start3A_79 : memref<1x20x64xf32, #tpu.memory_space<hbm>> -> memref<20x64xf32, #tpu.memory_space<hbm>>
        %dma_start3A_81 = arith.constant 20 : i32
        %dma_start3A_82 = arith.constant 0 : i32
        %dma_start3A_83 = tpu.memref_slice %arg11[%dma_start3A_81, %dma_start3A_82] : memref<80x64xf32, #tpu.memory_space<vmem_shared>> -> memref<20x64xf32, #tpu.memory_space<vmem_shared>>
        tpu.enqueue_dma source(%dma_start3A_83 : memref<20x64xf32, #tpu.memory_space<vmem_shared>>) target(%dma_start3A_80 : memref<20x64xf32, #tpu.memory_space<hbm>>) target_semaphore(%run_scoped3A : memref<!tpu.dma_semaphore, #tpu.memory_space<semaphore_mem>>)
        %dma_wait3A_84 = arith.constant 0 : i32
        %dma_wait3A_85 = arith.constant 0 : i32
        %dma_wait3A_86 = tpu.memref_slice %arg5[%add3A_72, %dma_wait3A_84, %dma_wait3A_85] : memref<8x20x64xf32, #tpu.memory_space<hbm>> -> memref<1x20x64xf32, #tpu.memory_space<hbm>>
        %dma_wait3A_87 = tpu.memref_squeeze %dma_wait3A_86 : memref<1x20x64xf32, #tpu.memory_space<hbm>> -> memref<20x64xf32, #tpu.memory_space<hbm>>
        %dma_wait3A_88 = arith.constant 20 : i32
        %dma_wait3A_89 = arith.constant 0 : i32
        %dma_wait3A_90 = tpu.memref_slice %arg11[%dma_wait3A_88, %dma_wait3A_89] : memref<80x64xf32, #tpu.memory_space<vmem_shared>> -> memref<20x64xf32, #tpu.memory_space<vmem_shared>>
        tpu.wait_dma2 semaphore(%run_scoped3A : memref<!tpu.dma_semaphore, #tpu.memory_space<semaphore_mem>>) src(%dma_wait3A_90 : memref<20x64xf32, #tpu.memory_space<vmem_shared>>) dst(%dma_wait3A_87 : memref<20x64xf32, #tpu.memory_space<hbm>>)
        tpu.yield
      }) : () -> ()
      %add3A_73 = arith.constant 2 : i32
      %add3A_74 = arith.addi %mul3A_0, %add3A_73 : i32
      "tpu.region"() ({
        %run_scoped3A = tpu.sem_alloc : memref<!tpu.dma_semaphore, #tpu.memory_space<semaphore_mem>>
        %dma_start3A_77 = arith.constant 0 : i32
        %dma_start3A_78 = arith.constant 0 : i32
        %dma_start3A_79 = tpu.memref_slice %arg5[%add3A_74, %dma_start3A_77, %dma_start3A_78] : memref<8x20x64xf32, #tpu.memory_space<hbm>> -> memref<1x20x64xf32, #tpu.memory_space<hbm>>
        %dma_start3A_80 = tpu.memref_squeeze %dma_start3A_79 : memref<1x20x64xf32, #tpu.memory_space<hbm>> -> memref<20x64xf32, #tpu.memory_space<hbm>>
        %dma_start3A_81 = arith.constant 40 : i32
        %dma_start3A_82 = arith.constant 0 : i32
        %dma_start3A_83 = tpu.memref_slice %arg11[%dma_start3A_81, %dma_start3A_82] : memref<80x64xf32, #tpu.memory_space<vmem_shared>> -> memref<20x64xf32, #tpu.memory_space<vmem_shared>>
        tpu.enqueue_dma source(%dma_start3A_83 : memref<20x64xf32, #tpu.memory_space<vmem_shared>>) target(%dma_start3A_80 : memref<20x64xf32, #tpu.memory_space<hbm>>) target_semaphore(%run_scoped3A : memref<!tpu.dma_semaphore, #tpu.memory_space<semaphore_mem>>)
        %dma_wait3A_84 = arith.constant 0 : i32
        %dma_wait3A_85 = arith.constant 0 : i32
        %dma_wait3A_86 = tpu.memref_slice %arg5[%add3A_74, %dma_wait3A_84, %dma_wait3A_85] : memref<8x20x64xf32, #tpu.memory_space<hbm>> -> memref<1x20x64xf32, #tpu.memory_space<hbm>>
        %dma_wait3A_87 = tpu.memref_squeeze %dma_wait3A_86 : memref<1x20x64xf32, #tpu.memory_space<hbm>> -> memref<20x64xf32, #tpu.memory_space<hbm>>
        %dma_wait3A_88 = arith.constant 40 : i32
        %dma_wait3A_89 = arith.constant 0 : i32
        %dma_wait3A_90 = tpu.memref_slice %arg11[%dma_wait3A_88, %dma_wait3A_89] : memref<80x64xf32, #tpu.memory_space<vmem_shared>> -> memref<20x64xf32, #tpu.memory_space<vmem_shared>>
        tpu.wait_dma2 semaphore(%run_scoped3A : memref<!tpu.dma_semaphore, #tpu.memory_space<semaphore_mem>>) src(%dma_wait3A_90 : memref<20x64xf32, #tpu.memory_space<vmem_shared>>) dst(%dma_wait3A_87 : memref<20x64xf32, #tpu.memory_space<hbm>>)
        tpu.yield
      }) : () -> ()
      %add3A_75 = arith.constant 3 : i32
      %add3A_76 = arith.addi %mul3A_0, %add3A_75 : i32
      "tpu.region"() ({
        %run_scoped3A = tpu.sem_alloc : memref<!tpu.dma_semaphore, #tpu.memory_space<semaphore_mem>>
        %dma_start3A_77 = arith.constant 0 : i32
        %dma_start3A_78 = arith.constant 0 : i32
        %dma_start3A_79 = tpu.memref_slice %arg5[%add3A_76, %dma_start3A_77, %dma_start3A_78] : memref<8x20x64xf32, #tpu.memory_space<hbm>> -> memref<1x20x64xf32, #tpu.memory_space<hbm>>
        %dma_start3A_80 = tpu.memref_squeeze %dma_start3A_79 : memref<1x20x64xf32, #tpu.memory_space<hbm>> -> memref<20x64xf32, #tpu.memory_space<hbm>>
        %dma_start3A_81 = arith.constant 60 : i32
        %dma_start3A_82 = arith.constant 0 : i32
        %dma_start3A_83 = tpu.memref_slice %arg11[%dma_start3A_81, %dma_start3A_82] : memref<80x64xf32, #tpu.memory_space<vmem_shared>> -> memref<20x64xf32, #tpu.memory_space<vmem_shared>>
        tpu.enqueue_dma source(%dma_start3A_83 : memref<20x64xf32, #tpu.memory_space<vmem_shared>>) target(%dma_start3A_80 : memref<20x64xf32, #tpu.memory_space<hbm>>) target_semaphore(%run_scoped3A : memref<!tpu.dma_semaphore, #tpu.memory_space<semaphore_mem>>)
        %dma_wait3A_84 = arith.constant 0 : i32
        %dma_wait3A_85 = arith.constant 0 : i32
        %dma_wait3A_86 = tpu.memref_slice %arg5[%add3A_76, %dma_wait3A_84, %dma_wait3A_85] : memref<8x20x64xf32, #tpu.memory_space<hbm>> -> memref<1x20x64xf32, #tpu.memory_space<hbm>>
        %dma_wait3A_87 = tpu.memref_squeeze %dma_wait3A_86 : memref<1x20x64xf32, #tpu.memory_space<hbm>> -> memref<20x64xf32, #tpu.memory_space<hbm>>
        %dma_wait3A_88 = arith.constant 60 : i32
        %dma_wait3A_89 = arith.constant 0 : i32
        %dma_wait3A_90 = tpu.memref_slice %arg11[%dma_wait3A_88, %dma_wait3A_89] : memref<80x64xf32, #tpu.memory_space<vmem_shared>> -> memref<20x64xf32, #tpu.memory_space<vmem_shared>>
        tpu.wait_dma2 semaphore(%run_scoped3A : memref<!tpu.dma_semaphore, #tpu.memory_space<semaphore_mem>>) src(%dma_wait3A_90 : memref<20x64xf32, #tpu.memory_space<vmem_shared>>) dst(%dma_wait3A_87 : memref<20x64xf32, #tpu.memory_space<hbm>>)
        tpu.yield
      }) : () -> ()
    } else {
    }
    "tpu.trace_stop"() : () -> ()
    return
  }
}

</mosaic_0001>

<sc_bundles>
// kernel: kernel.4.cloned.1.call-start
scs
__scs_entry_jumppad:
0x0: {  	(pc) =	sbr.rel $0x88, $3  }
0x1: {  	(tag) =	ssettag $0x0;
	lr =	simm.s32 $0x1  }
0x2: {  	[smem:$0x3F9D] =	sst lr;
	_ =	strace $0xD0000000  }
0x3: {  	_ = 	snop  }
0x4: {  	_ = 	snop  }
0x5: {  	_ = 	snop  }
0x6: {  	_ = 	snop  }
0x7: {  	_ = 	snop  }
__scs_overlays_trampoline_lowered:
0x8: {  	[smem:$0x3FAC] =	sst s0  }
0x9: {  	[smem:$0x3FAD] =	sst s1  }
0xa: {  	[smem:$0x3FAE] =	sst s2  }
0xb: {  	[smem:$0x3FAF] =	sst s3  }
0xc: {  	[smem:$0x3FB0] =	sst s4  }
0xd: {  	[smem:$0x3FB1] =	sst s5  }
0xe: {  	[smem:$0x3FB2] =	sst s6  }
0xf: {  	[smem:$0x3FB3] =	sst s7  }
0x10: {  	[smem:$0x3FB4] =	sst s8  }
0x11: {  	[smem:$0x3FB5] =	sst s9;
	s0 =	simm.s32 @!p0 $0x0  }
0x12: {  	s1 =	sld [smem:$0x3F9B];
	s0 =	simm.s32 @p0 $0x1  }
0x13: {  	[smem:$0x3FB6] =	sst s0;
	s0 =	simm.s32 @!p1 $0x0  }
0x14: {  	s2 =	sld [smem:$0x3F9A];
	s0 =	simm.s32 @p1 $0x1  }
0x15: {  	[smem:$0x3FB7] =	sst s0;
	s0 =	simm.s32 @!p2 $0x0  }
0x16: {  	s3 =	sld [smem:$0x3FDB];
	s0 =	simm.s32 @p2 $0x1  }
0x17: {  	s4 =	simm.s32 $0x1BF5;
	[smem:$0x3FB9] =	sst s0  }
0x18: {  	s0 =	sld [smem:$0x3F9C];
	_ =	swait.ge [sflag:s4], $0x0  }
0x19: {  	s7 =	sld [smem:$0x3F9D]  }
0x1a: {  	s8 =	sadd.s32 $0xFFFFE003, lr  }
0x1b: {  	s9 =	sadd.s32 $0xFFFFFEF7, lr;
	s5 =	simm.s32 $0xFFFFFFFF;
	p2 =	slt.u32 s8, $0xFFFFF086  }
0x1c: {  	p1 =	slt.u32 s9, $0xF7A;
	s5 =	simm.s32 @!p2 $0x0  }
0x1d: {  	s5 =	simm.s32 @p1 $0x1;
	p0 =	seq.s32 s7, s2  }
0x1e: {  	s7 =	smul.u32 @!p0 $0xF7A, s2;
	p2 =	seq.s32 @!p0 s5, $0x0  }
0x1f: {  	s9 =	smul.u32 $0xF7A, s1;
	s8 =	simm.s32 @!p0 $0x1BF5;
	p2 =	por !p2, p0  }
0x20: {  	[sflag:s8] =	ssyncset.s32 @!p0 $0xFFFFF086;
	s6 =	sadd.s32 @!p0 s3, s7;
	s7 =	simm.s32 @!p0 $0x108  }
0x21: {  	s3 =	sadd.s32 s3, s9;
	s6 =	sadd.s32 @!p0 $0x88, s6;
	s7 =	simm.s32 @p2 $0x1082  }
0x22: {  	[simem:s7], [sflag:s8] =	dma.local @!p0 [hbm:s6], $0xF7A  }
0x23: {  	s9 =	sor.u32 $0xD0000000, s2;
	s6 =	simm.s32 $0x108;
	_ =	swait.ge @!p0 [sflag:s8], $0x0  }
0x24: {  	s3 =	sadd.s32 $0x88, s3;
	s6 =	simm.s32 @!p1 $0x1082;
	[sflag:s4] =	ssyncset.s32 $0xFFFFF086  }
0x25: {  	[simem:s6], [sflag:s4] =	dma.local [hbm:s3], $0xF7A  }
0x26: {  	[smem:$0x3F9D] =	sst s1;
	(tag) =	ssettag s2;
	_ =	strace s9  }
0x27: {  	s1 =	sld [smem:$0x3FAD]  }
0x28: {  	s2 =	sld [smem:$0x3FAE]  }
0x29: {  	s4 =	sld [smem:$0x3FB0]  }
0x2a: {  	p0 =	seq.s32 s5, $0x0;
	s5 =	sld [smem:$0x3FB1]  }
0x2b: {  	s6 =	sld [smem:$0x3FB2]  }
0x2c: {  	s7 =	sld [smem:$0x3FB3]  }
0x2d: {  	s3 =	simm.s32 $0x108;
	s8 =	sld [smem:$0x3FB4]  }
0x2e: {  	s3 =	simm.s32 @!p0 $0x1082;
	s9 =	sld [smem:$0x3FB5]  }
0x2f: {  	lr =	sadd.s32 s0, s3;
	s0 =	sld [smem:$0x3FAC]  }
0x30: {  	s3 =	sld [smem:$0x3FAF]  }
0x31: {  	[smem:$0x3FB8] =	sst s10  }
0x32: {  	s10 =	sld [smem:$0x3FB6];
	_ =	sdelay $0x3  }
0x33: {  	p0 =	seq.s32 s10, $0x1;
	s10 =	sld [smem:$0x3FB8];
	_ =	sdelay $0x3  }
0x34: {  	[smem:$0x3FB8] =	sst s10  }
0x35: {  	s10 =	sld [smem:$0x3FB7];
	_ =	sdelay $0x3  }
0x36: {  	p1 =	seq.s32 s10, $0x1;
	s10 =	sld [smem:$0x3FB8];
	_ =	sdelay $0x3  }
0x37: {  	[smem:$0x3FB8] =	sst s10  }
0x38: {  	s10 =	sld [smem:$0x3FB9]  }
0x39: {  	_ = 	snop;
	(pc) =	sbr.ind lr, $3  }
0x3a: {  	_ = 	snop  }
0x3b: {  	_ = 	snop  }
0x3c: {  	p2 =	seq.s32 s10, $0x1;
	s10 =	sld [smem:$0x3FB8]  }
0x3d: {  	_ =	shalt  }
0x3e: {  	_ =	shalt  }
0x3f: {  	_ =	shalt  }
0x40: {  	_ =	shalt  }
0x41: {  	_ =	shalt  }
0x42: {  	_ =	shalt  }
0x43: {  	_ =	shalt  }
0x44: {  	_ =	shalt  }
0x45: {  	_ =	shalt  }
0x46: {  	_ =	shalt  }
0x47: {  	_ =	shalt  }
0x48: {  	_ =	shalt  }
0x49: {  	_ =	shalt  }
0x4a: {  	_ =	shalt  }
0x4b: {  	_ =	shalt  }
0x4c: {  	_ =	shalt  }
0x4d: {  	_ =	shalt  }
0x4e: {  	_ =	shalt  }
0x4f: {  	_ =	shalt  }
0x50: {  	_ =	shalt  }
0x51: {  	_ =	shalt  }
0x52: {  	_ =	shalt  }
0x53: {  	_ =	shalt  }
0x54: {  	_ =	shalt  }
0x55: {  	_ =	shalt  }
0x56: {  	_ =	shalt  }
0x57: {  	_ =	shalt  }
0x58: {  	_ =	shalt  }
0x59: {  	_ =	shalt  }
0x5a: {  	_ =	shalt  }
0x5b: {  	_ =	shalt  }
0x5c: {  	_ =	shalt  }
0x5d: {  	_ =	shalt  }
0x5e: {  	_ =	shalt  }
0x5f: {  	_ =	shalt  }
0x60: {  	_ =	shalt  }
0x61: {  	_ =	shalt  }
0x62: {  	_ =	shalt  }
0x63: {  	_ =	shalt  }
0x64: {  	_ =	shalt  }
0x65: {  	_ =	shalt  }
0x66: {  	_ =	shalt  }
0x67: {  	_ =	shalt  }
0x68: {  	_ =	shalt  }
0x69: {  	_ =	shalt  }
0x6a: {  	_ =	shalt  }
0x6b: {  	_ =	shalt  }
0x6c: {  	_ =	shalt  }
0x6d: {  	_ =	shalt  }
0x6e: {  	_ =	shalt  }
0x6f: {  	_ =	shalt  }
0x70: {  	_ =	shalt  }
0x71: {  	_ =	shalt  }
0x72: {  	_ =	shalt  }
0x73: {  	_ =	shalt  }
0x74: {  	_ =	shalt  }
0x75: {  	_ =	shalt  }
0x76: {  	_ =	shalt  }
0x77: {  	_ =	shalt  }
0x78: {  	_ =	shalt  }
0x79: {  	_ =	shalt  }
0x7a: {  	_ =	shalt  }
0x7b: {  	_ =	shalt  }
0x7c: {  	_ =	shalt  }
0x7d: {  	_ =	shalt  }
0x7e: {  	_ =	shalt  }
0x7f: {  	_ =	shalt  }
0x80: {  	_ =	shalt  }
0x81: {  	_ =	shalt  }
0x82: {  	_ =	shalt  }
0x83: {  	_ =	shalt  }
0x84: {  	_ =	shalt  }
0x85: {  	_ =	shalt  }
0x86: {  	_ =	shalt  }
0x87: {  	_ =	shalt  }
.Lfunc_end0:
.L_simem_size_0:
called_computation_lowered:
.L_overlay_start_0:
0x88: {  	s2 =	sld [smem:$0x3FD9]  }
0x89: {  	s3 =	sld [smem:$0x3FFE];
	_ =	sdelay $0x1  }
0x8a: {  	s1 =	srdreg.scid  }
0x8b: {  	s0 =	sand.u32 $0x1, s1  }
0x8c: {  	s14 =	sshll.u32 s0, $0xA;
	s2 =	sadd.s32 s3, s2  }
0x8d: {  	s2 =	sadd.s32 s2, s14  }
0x8e: {  	[smem:$0x3FC4] =	sst s2  }
0x8f: {  	_ = 	snop  }
0x90: {  	s2 =	sld [smem:$0x3FD0];
	_ =	sdelay $0x2  }
0x91: {  	s4 =	simm.s32 $0xA;
	s5 =	simm.s32 $0x10;
	s15 =	sld [smem:$0x3FC6]  }
0x92: {  	[smem:s5], [sflag:s4] =	dma.local [hbm:s2], $0x1  }
0x93: {  	_ =	swait.eq [sflag:s4], $0x1  }
0x94: {  	s16 =	sld [smem:$0x10];
	[sflag:s4] =	ssyncset.done $0x0  }
0x95: {  	s17 =	sld [smem:$0x12];
	[sflag:s4] =	ssyncadd.s32 $0xFFFFFFFF  }
0x96: {  	s18 =	sld [smem:$0x13];
	(tm) =	ssettm $0x1  }
0x97: {  	s6 =	sld [smem:$0x3FFB];
	_ =	sdelay $0x3  }
0x98: {  	_ =	strace s6  }
0x99: {  	s6 =	sld [smem:$0x3FFC];
	_ =	sdelay $0x3  }
0x9a: {  	_ =	strace s6  }
0x9b: {  	s6 =	sld [smem:$0x3FFD];
	_ =	sdelay $0x3  }
0x9c: {  	_ =	strace s6  }
0x9d: {  	_ =	strace $0x8FFFFFFF  }
0x9e: {  	s19 =	sld [smem:$0x3FDB];
	_ =	sdelay $0x1  }
0x9f: {  	s7 =	simm.s32 $_scs_section_size  }
0xa0: {  	s8 =	simm.s32 $_size__tile_overlayer_lowered;
	s9 =	simm.s32 $_tile_overlayer_lowered  }
0xa1: {  	s22 =	simm.s32 $0x1BFF;
	s21 =	sshll.u32 s9, $0x1;
	s6 =	sadd.s32 s7, s19  }
0xa2: {  	s10 =	simm.s32 $0x0;
	s20 =	sshll.u32 s8, $0x1;
	s8 =	sadd.s32 s21, s6  }
0xa3: {  	[timem:s10], [sflag:s22] =	dma.local [hbm:s8], s20  }
0xa4: {  	_ =	swait.ge [sflag:s22], s20  }
0xa5: {  	s7 =	ssub.s32 $0x0, s20;
	[sflag:s22] =	ssyncset.done $0x0  }
0xa6: {  	[sflag:s22] =	ssyncadd.s32 s7;
	_ =	sdelay $0x1  }
0xa7: {  	s23 =	simm.s32 $0x1B8B  }
0xa8: {  	_ =	swait.ge [sflag:s23], $0x1  }
0xa9: {  	[sflag:s23] =	ssyncset.done $0x0  }
0xaa: {  	s25 =	simm.s32 $0x1B8E;
	s24 =	sld [smem:$0x3FFE];
	[sflag:s23] =	ssyncadd.s32 $0xFFFFFFFF  }
0xab: {  	s26 =	simm.s32 $execute0_lowered;
	[smem:$0x3FD2] =	sst s25  }
0xac: {  	s8 =	sshll.u32 s26, $0x1;
	_ =	strace $0x80000046;
	[dreg:$0x1] =	wrdreg $0xFFFFFFFF  }
0xad: {  	s28 =	simm.s32 $_size_execute0_lowered;
	s6 =	sadd.s32 s6, s8;
	[dreg:$0x0] =	wrdreg $0x0  }
0xae: {  	s8 =	sshll.u32 s28, $0x1;
	[dreg:$0x2] =	wrdreg s6  }
0xaf: {  	[dreg:$0x3] =	wrdreg s8  }
0xb0: {  	[dreg:$0x4] =	wrdreg $0xC0  }
0xb1: {  	_ =	task [dreg:s10], $0x5FFFF  }
0xb2: {  	[dreg:$0x1] =	wrdreg $0xFFFFFFFF  }
0xb3: {  	[dreg:$0x0] =	wrdreg $0x60  }
0xb4: {  	[dreg:$0x2] =	wrdreg s17  }
0xb5: {  	[dreg:$0x3] =	wrdreg s16  }
0xb6: {  	[dreg:$0x4] =	wrdreg s15  }
0xb7: {  	[dreg:$0x5] =	wrdreg s18  }
0xb8: {  	[dreg:$0x6] =	wrdreg s24  }
0xb9: {  	[dreg:$0x7] =	wrdreg $0x9  }
0xba: {  	_ =	task.clear_ibuf [dreg:s10], $0x8FFFF;
	_ =	strace $0x90000046  }
0xbb: {  	s29 =	simm.s32 $0x9;
	_ =	strace $0x8000004B  }
0xbc: {  	_ =	swait.ge [sflag:s29], $0x1  }
0xbd: {  	[sflag:s29] =	ssyncadd.s32 $0xFFFFFFFF  }
0xbe: {  	_ =	strace $0x9000004B  }
0xbf: {  	_ =	sfence  }
0xc0: {  	s30 =	sld [smem:$0x0];
	_ =	sdelay $0x2  }
0xc1: {  	s31 =	sshll.u32 s1, $0xD;
	s1 =	sshrl.u32 s1, $0x2  }
0xc2: {  	s3 =	sand.u32 $0x4000, s31;
	s1 =	sadd.s32 s1, s30  }
0xc3: {  	s0 =	sor.u32 s3, s0;
	s1 =	sshll.u32 s1, $0x11  }
0xc4: {  	s0 =	sor.u32 s1, s0  }
0xc5: {  	s0 =	sadd.s32 $0x8F2B, s0  }
0xc6: {  	[sflag:s0] =	ssyncadd.remote.s32 $0x1  }
0xc7: {  	_ =	sfence.sel $0xFFFF  }
0xc8: {  	[dreg:$0x0] =	wrdreg $0xFFFFFFFF;
	(pc) =	sbr.abs _section_cstart, $3  }
0xc9: {  	[dreg:$0x1] =	wrdreg $0xFFFFFFFF  }
0xca: {  	_ =	task.clear_ibuf [dreg:s10], $0x2FFFF;
	_ =	strace $0x9FFFFFFF  }
0xcb: {  	(tm) =	ssettm $0x7FFFFFFF  }
tec
execute0_lowered:
.L_overlay_start_1:
0x0: {  	(tag) =	ssettag $0x1  }
0x1: {  	s3 =	rddreg [dreg:$0x0]  }
0x2: {  	s4 =	rddreg [dreg:$0x1]  }
0x3: {  	s5 =	rddreg [dreg:$0x2]  }
0x4: {  	s6 =	rddreg [dreg:$0x3]  }
0x5: {  	s7 =	rddreg [dreg:$0x4]  }
0x6: {  	s1 =	srdreg.scid;
	s0 =	rddreg [dreg:$0x5]  }
0x7: {  	s2 =	simm.s32 $0x0;
	s13 =	simm.s32 $0x3140;
	s14 =	simm.s32 $0x47C0  }
0x8: {  	s15 =	simm.s32 $0x1AC0;
	s8 =	sand.u32 $0x1, s1;
	s1 =	stileid.u32  }
0x9: {  	s16 =	simm.s32 $0x0;
	[smem:$0x7FF] =	sst s2;
	s9 =	smul.u32 $0x14000, s8  }
0xa: {  	s10 =	sshll.u32 s1, $0x6;
	_ =	strace $0x80000047;
	s29 =	ssub.s32 $0x2, s8  }
0xb: {  	s8 =	smul.u32 $0x280, s8;
	s30 =	sshll.u32 s1, $0x7;
	s31 =	sshll.u32 s1, $0x3  }
0xc: {  	v0 =	vlaneseq.u32;
	v1 =	vimm.s32 $0x0;
	s11 =	sshrl.u32 s29, $0x1;
	s4 =	sadd.s32 s4, s30;
	s9 =	sor.u32 s10, s9  }
0xd: {  	v2 =	vimm.s32 $0x2;
	v3 =	vimm.s32 $0x4;
	v0 =	vmul.u32 $0x48, v0;
	s5 =	sadd.s32 s5, s31;
	s10 =	ssub.s32 s29, s11;
	s9 =	sshrl.u32 s9, $0x3  }
0xe: {  	v4 =	vimm.s32 $0x6;
	v5 =	vimm.s32 $0x8;
	v6 =	vimm.s32 $0xA;
	s3 =	sadd.s32 s3, s8;
	s11 =	simm.s32 $0x1;
	s12 =	sadd.s32 s9, s7  }
0xf: {  	v7 =	vimm.s32 $0xC;
	v8 =	vimm.s32 $0xE;
	v9 =	vadd.s32 $0x480, v0;
	s6 =	sadd.s32 s6, s9;
	s9 =	smax.u32 s10, $0x1;
	s10 =	sshll.u32 s1, $0xA  }
0x10: {  	v10 =	vadd.s32 $0x900, v0;
	v11 =	vadd.s32 $0xD80, v0;
	v12 =	vadd.s32 $0x1200, v0;
	s7 =	sadd.s32 $0x1200, s12;
	s8 =	sadd.s32 $0x6200, s12;
	s12 =	simm.s32 $0x1A80  }
.LBB2_1:
0x11: {  	_ =	strace $0x80000048;
	s17 =	simm.s32 $0x8  }
0x12: {  	s20 =	sadd.s32 $0x0, s3;
	s18 =	simm.s32 $0x48;
	s19 =	simm.s32 $0x0  }
.LBB2_2:
0x13: {  	[tilespmem:s19], [sflag:$0x1] =	stream.linear.gather [hbm4b:s20+s2], $0x40, $0x200038;
	[tilespmem:$0x5E40] =	vst v63  }
0x14: {  	s20 =	smov.u32 s17;
	s19 =	smov.u32 s18;
	p0 =	sne.s32 s17, $0x278  }
.Ltmp0:
0x15: {  	s17 =	sadd.s32 $0x8, s17;
	(pc) =	sbr.rel @p0 .LBB2_2-.Ltmp0, $2  }
0x16: {  	_ =	sdelay $0x2  }
0x17: {  	s18 =	sadd.s32 $0x48, s18;
	s20 =	sadd.s32 s20, s3  }
0x18: {  	[tilespmem:s19], [sflag:$0x1] =	stream.linear.gather [hbm4b:s20+s2], $0x40, $0x200038;
	[tilespmem:$0x5E40] =	vst v63  }
0x19: {  	_ =	swait.ge [sflag:s11], $0x1400  }
0x1a: {  	[sflag:s11] =	ssyncset.done $0x0  }
0x1b: {  	s17 =	simm.s32 $0x0;
	s18 =	simm.s32 $0x1680;
	[sflag:s11] =	ssyncadd.s32 $0xFFFFEC00  }
0x1c: {  	[tilespmem:s18], [sflag:$0x1] =	stream.linear.gather [hbm4b:s4+s17], $0x400, $0x200038;
	[tilespmem:$0x5E40] =	vst v63  }
0x1d: {  	_ =	swait.ge [sflag:s11], $0x400  }
0x1e: {  	[sflag:s11] =	ssyncset.done $0x0  }
0x1f: {  	[sflag:s11] =	ssyncadd.s32 $0xFFFFFC00  }
0x20: {  	[tilespmem:s12], [sflag:$0x1] =	stream.linear.gather [hbm4b:s5+s17], $0x40, $0x200038;
	[tilespmem:$0x5E40] =	vst v63  }
0x21: {  	_ =	swait.ge [sflag:s11], $0x40  }
0x22: {  	[sflag:s11] =	ssyncset.done $0x0  }
0x23: {  	[sflag:s11] =	ssyncadd.s32 $0xFFFFFFC0  }
0x24: {  	_ =	strace $0x90000048  }
0x25: {  	s19 =	smov.u32 s10;
	_ =	strace $0x80000049  }
.LBB2_4:
0x26: {  	v30 =	vmov s17;
	_ =	sdelay $0x4  }
0x27: {  	v29 =	vld.idx.msk [tilespmem:v30+s12+$0x0], $0xffff;
	_ =	sdelay $0x3  }
0x28: {  	v13 =	vld [tilespmem:s18+$0x0]  }
0x29: {  	v14 =	vadd.s32 v0, v29;
	_ =	sdelay $0x3  }
0x2a: {  	v25 =	vbroadcast v13, $0x0  }
0x2b: {  	v26 =	vbroadcast v13, $0x1;
	v27 =	vbroadcast v13, $0x2;
	v31 =	vld.idx.msk [tilespmem:v14+s2+$0x0], $0xffff  }
0x2c: {  	v28 =	vbroadcast v13, $0x3;
	v24 =	vbroadcast v13, $0x4  }
0x2d: {  	v22 =	vbroadcast v13, $0x5;
	v23 =	vbroadcast v13, $0x6  }
0x2e: {  	v20 =	vbroadcast v13, $0x7;
	v21 =	vbroadcast v13, $0x8  }
0x2f: {  	v19 =	vbroadcast v13, $0x9;
	v18 =	vbroadcast v13, $0xA  }
0x30: {  	v15 =	vbroadcast v13, $0xC;
	v32 =	vsub.f32 v31, v25;
	v33 =	vsub.f32 v31, v26  }
0x31: {  	v16 =	vbroadcast v13, $0xD;
	v34 =	vsub.f32 v31, v27;
	v35 =	vsub.f32 v31, v28  }
0x32: {  	v17 =	vbroadcast v13, $0xE;
	v36 =	vsub.f32 v31, v24;
	v37 =	vsub.f32 v31, v22  }
0x33: {  	v14 =	vbroadcast v13, $0xB;
	v38 =	vsub.f32 v31, v23;
	v39 =	vsub.f32 v31, v20  }
0x34: {  	v30 =	vand.u32 $0x3F, v30;
	v40 =	vsub.f32 v31, v21;
	v41 =	vsub.f32 v31, v19  }
0x35: {  	v13 =	vbroadcast v13, $0xF;
	v42 =	vsub.f32 v31, v18;
	v43 =	vsub.f32 v31, v14  }
0x36: {  	v62 =	vadd.s32 v0, v30;
	v44 =	vsub.f32 v31, v15;
	v45 =	vsub.f32 v31, v16  }
0x37: {  	v46 =	vsub.f32 v31, v17;
	v31 =	vsub.f32 v31, v13;
	v32 =	vand.u32 $0x7FFFFFFF, v32  }
0x38: {  	v33 =	vand.u32 $0x7FFFFFFF, v33;
	v34 =	vand.u32 $0x7FFFFFFF, v34;
	v35 =	vand.u32 $0x7FFFFFFF, v35  }
0x39: {  	v36 =	vand.u32 $0x7FFFFFFF, v36;
	v37 =	vand.u32 $0x7FFFFFFF, v37;
	v38 =	vand.u32 $0x7FFFFFFF, v38  }
0x3a: {  	v39 =	vand.u32 $0x7FFFFFFF, v39;
	v40 =	vand.u32 $0x7FFFFFFF, v40;
	v41 =	vand.u32 $0x7FFFFFFF, v41  }
0x3b: {  	v42 =	vand.u32 $0x7FFFFFFF, v42;
	v43 =	vand.u32 $0x7FFFFFFF, v43;
	v44 =	vand.u32 $0x7FFFFFFF, v44  }
0x3c: {  	v45 =	vand.u32 $0x7FFFFFFF, v45;
	v46 =	vand.u32 $0x7FFFFFFF, v46;
	v31 =	vand.u32 $0x7FFFFFFF, v31  }
0x3d: {  	vm0 =	vlt.f32 v33, v32;
	vm1 =	vlt.f32 v35, v34;
	vm2 =	vlt.f32 v37, v36  }
0x3e: {  	vm4 =	vlt.f32 v39, v38;
	vm5 =	vlt.f32 v41, v40;
	vm6 =	vlt.f32 v43, v42  }
0x3f: {  	vm7 =	vlt.f32 v45, v44;
	vm8 =	vlt.f32 v31, v46;
	v32 =	vsel vm0, v33, v32  }
0x40: {  	v63 =	vsel vm1, v35, v34;
	v48 =	vsel vm0, $0x1, v1;
	v49 =	vsel vm2, v37, v36  }
0x41: {  	v50 =	vsel vm1, $0x3, v2;
	v51 =	vsel vm4, v39, v38;
	v52 =	vsel vm2, $0x5, v3  }
0x42: {  	v53 =	vsel vm5, v41, v40;
	v54 =	vsel vm4, $0x7, v4;
	v55 =	vsel vm6, v43, v42  }
0x43: {  	v56 =	vsel vm5, $0x9, v5;
	v57 =	vsel vm7, v45, v44;
	v58 =	vsel vm6, $0xB, v6  }
0x44: {  	v31 =	vsel vm8, v31, v46;
	v59 =	vsel vm7, $0xD, v7;
	v60 =	vsel vm8, $0xF, v8  }
0x45: {  	v36 =	vadd.s32 v9, v29;
	vm9 =	vlt.f32 v63, v32;
	vm10 =	vlt.f32 v51, v49  }
0x46: {  	vm11 =	vlt.f32 v55, v53;
	vm12 =	vlt.f32 v31, v57;
	v32 =	vsel vm9, v63, v32  }
0x47: {  	v35 =	vsel vm10, v51, v49;
	v61 =	vsel vm11, v55, v53;
	v31 =	vsel vm12, v31, v57  }
0x48: {  	v34 =	vsel vm9, v50, v48;
	vm13 =	vlt.f32 v35, v32;
	vm3 =	vlt.f32 v31, v61  }
0x49: {  	v38 =	vsel vm10, v54, v52;
	v32 =	vsel vm13, v35, v32;
	v31 =	vsel vm3, v31, v61  }
0x4a: {  	v63 =	vsel vm11, v58, v56;
	v33 =	vsel vm12, v60, v59;
	vm14 =	vlt.f32 v31, v32  }
0x4b: {  	v34 =	vsel vm13, v38, v34;
	v33 =	vsel vm3, v33, v63;
	v31 =	vsel vm14, v31, v32  }
0x4c: {  	v39 =	vsel vm14, v33, v34;
	[tilespmem:v62+s13+$0x0] =	vst.idx.msk $0xffff, v31  }
0x4d: {  	v40 =	vor.u32 s19, v39;
	[tilespmem:v62+s14+$0x0] =	vst.idx.msk $0xffff, v39  }
0x4e: {  	[tilespmem:v62+s15+$0x0] =	vst.idx.msk $0xffff, v40  }
0x4f: {  	v31 =	vld.idx.msk [tilespmem:v36+s2+$0x0], $0xffff;
	_ =	sdelay $0x4  }
0x50: {  	v41 =	vsub.f32 v31, v25  }
0x51: {  	v42 =	vsub.f32 v31, v26;
	v43 =	vsub.f32 v31, v27  }
0x52: {  	v35 =	vsub.f32 v31, v28;
	v44 =	vsub.f32 v31, v24  }
0x53: {  	v45 =	vsub.f32 v31, v22;
	v46 =	vsub.f32 v31, v23  }
0x54: {  	v47 =	vsub.f32 v31, v20;
	v48 =	vsub.f32 v31, v21  }
0x55: {  	v49 =	vsub.f32 v31, v19;
	v50 =	vsub.f32 v31, v18  }
0x56: {  	v51 =	vsub.f32 v31, v14;
	v52 =	vsub.f32 v31, v15  }
0x57: {  	v53 =	vsub.f32 v31, v16;
	v54 =	vsub.f32 v31, v17  }
0x58: {  	v31 =	vsub.f32 v31, v13;
	v32 =	vand.u32 $0x7FFFFFFF, v41;
	v33 =	vand.u32 $0x7FFFFFFF, v42  }
0x59: {  	v34 =	vand.u32 $0x7FFFFFFF, v43;
	v35 =	vand.u32 $0x7FFFFFFF, v35;
	v36 =	vand.u32 $0x7FFFFFFF, v44  }
0x5a: {  	v37 =	vand.u32 $0x7FFFFFFF, v45;
	v38 =	vand.u32 $0x7FFFFFFF, v46;
	v39 =	vand.u32 $0x7FFFFFFF, v47  }
0x5b: {  	v40 =	vand.u32 $0x7FFFFFFF, v48;
	v41 =	vand.u32 $0x7FFFFFFF, v49;
	v42 =	vand.u32 $0x7FFFFFFF, v50  }
0x5c: {  	v43 =	vand.u32 $0x7FFFFFFF, v51;
	v44 =	vand.u32 $0x7FFFFFFF, v52;
	v45 =	vand.u32 $0x7FFFFFFF, v53  }
0x5d: {  	v46 =	vand.u32 $0x7FFFFFFF, v54;
	v31 =	vand.u32 $0x7FFFFFFF, v31;
	v49 =	vadd.s32 v10, v29  }
0x5e: {  	vm15 =	vlt.f32 v33, v32;
	vm4 =	vlt.f32 v35, v34;
	vm5 =	vlt.f32 v37, v36  }
0x5f: {  	vm6 =	vlt.f32 v39, v38;
	vm7 =	vlt.f32 v41, v40;
	vm8 =	vlt.f32 v43, v42  }
0x60: {  	vm9 =	vlt.f32 v45, v44;
	vm10 =	vlt.f32 v31, v46;
	v32 =	vsel vm15, v33, v32  }
0x61: {  	v55 =	vsel vm15, $0x1, v1;
	v34 =	vsel vm4, v35, v34;
	v56 =	vsel vm4, $0x3, v2  }
0x62: {  	v36 =	vsel vm5, v37, v36;
	v57 =	vsel vm5, $0x5, v3;
	v38 =	vsel vm6, v39, v38  }
0x63: {  	v58 =	vsel vm6, $0x7, v4;
	v40 =	vsel vm7, v41, v40;
	v59 =	vsel vm7, $0x9, v5  }
0x64: {  	v42 =	vsel vm8, v43, v42;
	v60 =	vsel vm8, $0xB, v6;
	v44 =	vsel vm9, v45, v44  }
0x65: {  	v61 =	vsel vm9, $0xD, v7;
	v31 =	vsel vm10, v31, v46;
	v62 =	vsel vm10, $0xF, v8  }
0x66: {  	vm11 =	vlt.f32 v34, v32;
	vm12 =	vlt.f32 v38, v36;
	vm13 =	vlt.f32 v42, v40  }
0x67: {  	vm14 =	vlt.f32 v31, v44;
	v32 =	vsel vm11, v34, v32;
	v63 =	vsel vm12, v38, v36  }
0x68: {  	v42 =	vsel vm13, v42, v40;
	v31 =	vsel vm14, v31, v44;
	v44 =	vadd.s32 v9, v30  }
0x69: {  	v33 =	vsel vm11, v56, v55;
	vm15 =	vlt.f32 v63, v32;
	vm6 =	vlt.f32 v31, v42  }
0x6a: {  	v37 =	vsel vm12, v58, v57;
	v32 =	vsel vm15, v63, v32;
	v31 =	vsel vm6, v31, v42  }
0x6b: {  	v47 =	vsel vm13, v60, v59;
	v48 =	vsel vm14, v62, v61;
	vm7 =	vlt.f32 v31, v32  }
0x6c: {  	v33 =	vsel vm15, v37, v33;
	v34 =	vsel vm6, v48, v47;
	v31 =	vsel vm7, v31, v32  }
0x6d: {  	v50 =	vsel vm7, v34, v33;
	[tilespmem:v44+s13+$0x0] =	vst.idx.msk $0xffff, v31  }
0x6e: {  	v51 =	vor.u32 s19, v50;
	[tilespmem:v44+s14+$0x0] =	vst.idx.msk $0xffff, v50  }
0x6f: {  	[tilespmem:v44+s15+$0x0] =	vst.idx.msk $0xffff, v51  }
0x70: {  	v31 =	vld.idx.msk [tilespmem:v49+s2+$0x0], $0xffff;
	_ =	sdelay $0x4  }
0x71: {  	v52 =	vsub.f32 v31, v25  }
0x72: {  	v53 =	vsub.f32 v31, v26;
	v54 =	vsub.f32 v31, v27  }
0x73: {  	v35 =	vsub.f32 v31, v28;
	v55 =	vsub.f32 v31, v24  }
0x74: {  	v56 =	vsub.f32 v31, v22;
	v57 =	vsub.f32 v31, v23  }
0x75: {  	v58 =	vsub.f32 v31, v20;
	v59 =	vsub.f32 v31, v21  }
0x76: {  	v60 =	vsub.f32 v31, v19;
	v61 =	vsub.f32 v31, v18  }
0x77: {  	v62 =	vsub.f32 v31, v14;
	v63 =	vsub.f32 v31, v15  }
0x78: {  	v48 =	vsub.f32 v31, v16;
	v49 =	vsub.f32 v31, v17  }
0x79: {  	v31 =	vsub.f32 v31, v13;
	v32 =	vand.u32 $0x7FFFFFFF, v52;
	v33 =	vand.u32 $0x7FFFFFFF, v53  }
0x7a: {  	v34 =	vand.u32 $0x7FFFFFFF, v54;
	v35 =	vand.u32 $0x7FFFFFFF, v35;
	v36 =	vand.u32 $0x7FFFFFFF, v55  }
0x7b: {  	v37 =	vand.u32 $0x7FFFFFFF, v56;
	v38 =	vand.u32 $0x7FFFFFFF, v57;
	v39 =	vand.u32 $0x7FFFFFFF, v58  }
0x7c: {  	v40 =	vand.u32 $0x7FFFFFFF, v59;
	v41 =	vand.u32 $0x7FFFFFFF, v60;
	v42 =	vand.u32 $0x7FFFFFFF, v61  }
0x7d: {  	v43 =	vand.u32 $0x7FFFFFFF, v62;
	v44 =	vand.u32 $0x7FFFFFFF, v63;
	v45 =	vand.u32 $0x7FFFFFFF, v48  }
0x7e: {  	v46 =	vand.u32 $0x7FFFFFFF, v49;
	v31 =	vand.u32 $0x7FFFFFFF, v31;
	v60 =	vadd.s32 v10, v30  }
0x7f: {  	v63 =	vadd.s32 v11, v29;
	vm8 =	vlt.f32 v33, v32;
	vm9 =	vlt.f32 v35, v34  }
0x80: {  	vm10 =	vlt.f32 v37, v36;
	vm11 =	vlt.f32 v39, v38;
	vm12 =	vlt.f32 v41, v40  }
0x81: {  	vm13 =	vlt.f32 v43, v42;
	vm14 =	vlt.f32 v45, v44;
	vm15 =	vlt.f32 v31, v46  }
0x82: {  	v32 =	vsel vm8, v33, v32;
	v50 =	vsel vm8, $0x1, v1;
	v34 =	vsel vm9, v35, v34  }
0x83: {  	v51 =	vsel vm9, $0x3, v2;
	v36 =	vsel vm10, v37, v36;
	v52 =	vsel vm10, $0x5, v3  }
0x84: {  	v38 =	vsel vm11, v39, v38;
	v53 =	vsel vm11, $0x7, v4;
	v40 =	vsel vm12, v41, v40  }
0x85: {  	v54 =	vsel vm12, $0x9, v5;
	v42 =	vsel vm13, v43, v42;
	v55 =	vsel vm13, $0xB, v6  }
0x86: {  	v44 =	vsel vm14, v45, v44;
	v56 =	vsel vm14, $0xD, v7;
	v31 =	vsel vm15, v31, v46  }
0x87: {  	v57 =	vsel vm15, $0xF, v8;
	vm4 =	vlt.f32 v34, v32;
	vm5 =	vlt.f32 v38, v36  }
0x88: {  	vm6 =	vlt.f32 v42, v40;
	vm7 =	vlt.f32 v31, v44;
	v32 =	vsel vm4, v34, v32  }
0x89: {  	v58 =	vsel vm5, v38, v36;
	v59 =	vsel vm6, v42, v40;
	v31 =	vsel vm7, v31, v44  }
0x8a: {  	v33 =	vsel vm4, v51, v50;
	vm8 =	vlt.f32 v58, v32;
	vm9 =	vlt.f32 v31, v59  }
0x8b: {  	v37 =	vsel vm5, v53, v52;
	v32 =	vsel vm8, v58, v32;
	v31 =	vsel vm9, v31, v59  }
0x8c: {  	v61 =	vsel vm6, v55, v54;
	v62 =	vsel vm7, v57, v56;
	vm10 =	vlt.f32 v31, v32  }
0x8d: {  	v33 =	vsel vm8, v37, v33;
	v34 =	vsel vm9, v62, v61;
	v31 =	vsel vm10, v31, v32  }
0x8e: {  	v39 =	vsel vm10, v34, v33;
	[tilespmem:v60+s13+$0x0] =	vst.idx.msk $0xffff, v31  }
0x8f: {  	v40 =	vor.u32 s19, v39;
	[tilespmem:v60+s14+$0x0] =	vst.idx.msk $0xffff, v39  }
0x90: {  	[tilespmem:v60+s15+$0x0] =	vst.idx.msk $0xffff, v40  }
0x91: {  	v31 =	vld.idx.msk [tilespmem:v63+s2+$0x0], $0xffff;
	_ =	sdelay $0x4  }
0x92: {  	v41 =	vsub.f32 v31, v25;
	v42 =	vsub.f32 v31, v26  }
0x93: {  	v43 =	vsub.f32 v31, v27;
	v35 =	vsub.f32 v31, v28  }
0x94: {  	v44 =	vsub.f32 v31, v24;
	v45 =	vsub.f32 v31, v22  }
0x95: {  	v46 =	vsub.f32 v31, v23;
	v47 =	vsub.f32 v31, v20  }
0x96: {  	v48 =	vsub.f32 v31, v21;
	v49 =	vsub.f32 v31, v19  }
0x97: {  	v50 =	vsub.f32 v31, v18;
	v51 =	vsub.f32 v31, v14  }
0x98: {  	v29 =	vadd.s32 v12, v29;
	v52 =	vsub.f32 v31, v15;
	v53 =	vsub.f32 v31, v16  }
0x99: {  	v54 =	vsub.f32 v31, v17;
	v31 =	vsub.f32 v31, v13;
	v32 =	vand.u32 $0x7FFFFFFF, v41  }
0x9a: {  	v33 =	vand.u32 $0x7FFFFFFF, v42;
	v34 =	vand.u32 $0x7FFFFFFF, v43;
	v35 =	vand.u32 $0x7FFFFFFF, v35  }
0x9b: {  	v36 =	vand.u32 $0x7FFFFFFF, v44;
	v37 =	vand.u32 $0x7FFFFFFF, v45;
	v38 =	vand.u32 $0x7FFFFFFF, v46  }
0x9c: {  	v39 =	vand.u32 $0x7FFFFFFF, v47;
	v40 =	vand.u32 $0x7FFFFFFF, v48;
	v41 =	vand.u32 $0x7FFFFFFF, v49  }
0x9d: {  	v42 =	vand.u32 $0x7FFFFFFF, v50;
	v43 =	vand.u32 $0x7FFFFFFF, v51;
	v44 =	vand.u32 $0x7FFFFFFF, v52  }
0x9e: {  	v45 =	vand.u32 $0x7FFFFFFF, v53;
	v46 =	vand.u32 $0x7FFFFFFF, v54;
	v31 =	vand.u32 $0x7FFFFFFF, v31  }
0x9f: {  	v48 =	vadd.s32 v11, v30;
	vm11 =	vlt.f32 v33, v32;
	vm12 =	vlt.f32 v35, v34  }
0xa0: {  	vm13 =	vlt.f32 v37, v36;
	vm14 =	vlt.f32 v39, v38;
	vm15 =	vlt.f32 v41, v40  }
0xa1: {  	vm4 =	vlt.f32 v43, v42;
	vm5 =	vlt.f32 v45, v44;
	vm6 =	vlt.f32 v31, v46  }
0xa2: {  	v32 =	vsel vm11, v33, v32;
	v55 =	vsel vm11, $0x1, v1;
	v34 =	vsel vm12, v35, v34  }
0xa3: {  	v56 =	vsel vm12, $0x3, v2;
	v36 =	vsel vm13, v37, v36;
	v57 =	vsel vm13, $0x5, v3  }
0xa4: {  	v38 =	vsel vm14, v39, v38;
	v58 =	vsel vm14, $0x7, v4;
	v40 =	vsel vm15, v41, v40  }
0xa5: {  	v59 =	vsel vm15, $0x9, v5;
	v42 =	vsel vm4, v43, v42;
	v60 =	vsel vm4, $0xB, v6  }
0xa6: {  	v44 =	vsel vm5, v45, v44;
	v61 =	vsel vm5, $0xD, v7;
	v31 =	vsel vm6, v31, v46  }
0xa7: {  	v62 =	vsel vm6, $0xF, v8;
	vm7 =	vlt.f32 v34, v32;
	vm8 =	vlt.f32 v38, v36  }
0xa8: {  	vm9 =	vlt.f32 v42, v40;
	vm10 =	vlt.f32 v31, v44;
	v32 =	vsel vm7, v34, v32  }
0xa9: {  	v63 =	vsel vm8, v38, v36;
	v47 =	vsel vm9, v42, v40;
	v31 =	vsel vm10, v31, v44  }
0xaa: {  	v33 =	vsel vm7, v56, v55;
	vm11 =	vlt.f32 v63, v32;
	vm12 =	vlt.f32 v31, v47  }
0xab: {  	v37 =	vsel vm8, v58, v57;
	v32 =	vsel vm11, v63, v32;
	v31 =	vsel vm12, v31, v47  }
0xac: {  	v49 =	vsel vm9, v60, v59;
	v50 =	vsel vm10, v62, v61;
	vm13 =	vlt.f32 v31, v32  }
0xad: {  	v33 =	vsel vm11, v37, v33;
	v34 =	vsel vm12, v50, v49;
	v31 =	vsel vm13, v31, v32  }
0xae: {  	v51 =	vsel vm13, v34, v33;
	[tilespmem:v48+s13+$0x0] =	vst.idx.msk $0xffff, v31  }
0xaf: {  	v52 =	vor.u32 s19, v51;
	[tilespmem:v48+s14+$0x0] =	vst.idx.msk $0xffff, v51  }
0xb0: {  	[tilespmem:v48+s15+$0x0] =	vst.idx.msk $0xffff, v52  }
0xb1: {  	v29 =	vld.idx.msk [tilespmem:v29+s2+$0x0], $0xffff;
	_ =	sdelay $0x4  }
0xb2: {  	v25 =	vsub.f32 v29, v25;
	v26 =	vsub.f32 v29, v26  }
0xb3: {  	v27 =	vsub.f32 v29, v27;
	v28 =	vsub.f32 v29, v28  }
0xb4: {  	v24 =	vsub.f32 v29, v24;
	v22 =	vsub.f32 v29, v22  }
0xb5: {  	v23 =	vsub.f32 v29, v23;
	v20 =	vsub.f32 v29, v20  }
0xb6: {  	v21 =	vsub.f32 v29, v21;
	v19 =	vsub.f32 v29, v19  }
0xb7: {  	v18 =	vsub.f32 v29, v18;
	v14 =	vsub.f32 v29, v14  }
0xb8: {  	v15 =	vsub.f32 v29, v15;
	v16 =	vsub.f32 v29, v16  }
0xb9: {  	v17 =	vsub.f32 v29, v17;
	v13 =	vsub.f32 v29, v13;
	v25 =	vand.u32 $0x7FFFFFFF, v25  }
0xba: {  	v26 =	vand.u32 $0x7FFFFFFF, v26;
	v27 =	vand.u32 $0x7FFFFFFF, v27;
	v28 =	vand.u32 $0x7FFFFFFF, v28  }
0xbb: {  	v24 =	vand.u32 $0x7FFFFFFF, v24;
	v22 =	vand.u32 $0x7FFFFFFF, v22;
	v23 =	vand.u32 $0x7FFFFFFF, v23  }
0xbc: {  	v20 =	vand.u32 $0x7FFFFFFF, v20;
	v21 =	vand.u32 $0x7FFFFFFF, v21;
	v19 =	vand.u32 $0x7FFFFFFF, v19  }
0xbd: {  	v18 =	vand.u32 $0x7FFFFFFF, v18;
	v14 =	vand.u32 $0x7FFFFFFF, v14;
	v15 =	vand.u32 $0x7FFFFFFF, v15  }
0xbe: {  	v16 =	vand.u32 $0x7FFFFFFF, v16;
	v17 =	vand.u32 $0x7FFFFFFF, v17;
	v13 =	vand.u32 $0x7FFFFFFF, v13  }
0xbf: {  	vm14 =	vlt.f32 v26, v25;
	vm15 =	vlt.f32 v28, v27;
	vm4 =	vlt.f32 v22, v24  }
0xc0: {  	vm5 =	vlt.f32 v20, v23;
	vm6 =	vlt.f32 v19, v21;
	vm7 =	vlt.f32 v14, v18  }
0xc1: {  	vm8 =	vlt.f32 v16, v15;
	vm9 =	vlt.f32 v13, v17;
	v25 =	vsel vm14, v26, v25  }
0xc2: {  	v53 =	vsel vm14, $0x1, v1;
	v27 =	vsel vm15, v28, v27;
	v54 =	vsel vm15, $0x3, v2  }
0xc3: {  	v22 =	vsel vm4, v22, v24;
	v55 =	vsel vm4, $0x5, v3;
	v20 =	vsel vm5, v20, v23  }
0xc4: {  	v56 =	vsel vm5, $0x7, v4;
	v19 =	vsel vm6, v19, v21;
	v57 =	vsel vm6, $0x9, v5  }
0xc5: {  	v14 =	vsel vm7, v14, v18;
	v58 =	vsel vm7, $0xB, v6;
	v15 =	vsel vm8, v16, v15  }
0xc6: {  	v59 =	vsel vm8, $0xD, v7;
	v13 =	vsel vm9, v13, v17;
	v60 =	vsel vm9, $0xF, v8  }
0xc7: {  	vm10 =	vlt.f32 v27, v25;
	vm11 =	vlt.f32 v20, v22;
	vm12 =	vlt.f32 v14, v19  }
0xc8: {  	vm13 =	vlt.f32 v13, v15;
	v25 =	vsel vm10, v27, v25;
	v20 =	vsel vm11, v20, v22  }
0xc9: {  	v14 =	vsel vm12, v14, v19;
	v13 =	vsel vm13, v13, v15;
	v15 =	vadd.s32 v12, v30  }
0xca: {  	v61 =	vsel vm10, v54, v53;
	vm14 =	vlt.f32 v20, v25;
	vm4 =	vlt.f32 v13, v14  }
0xcb: {  	p0 =	sne.s32 s17, $0x3F;
	v62 =	vsel vm11, v56, v55;
	v20 =	vsel vm14, v20, v25;
	v13 =	vsel vm4, v13, v14  }
.Ltmp1:
0xcc: {  	v16 =	vsel vm13, v60, v59;
	v14 =	vsel vm12, v58, v57;
	vm15 =	vlt.f32 v13, v20;
	(pc) =	sbr.rel @p0 .LBB2_4-.Ltmp1, $4  }
0xcd: {  	v63 =	vsel vm14, v62, v61;
	v14 =	vsel vm4, v16, v14;
	v13 =	vsel vm15, v13, v20  }
0xce: {  	v14 =	vsel vm15, v14, v63;
	[tilespmem:v15+s13+$0x0] =	vst.idx.msk $0xffff, v13  }
0xcf: {  	v13 =	vor.u32 s19, v14;
	[tilespmem:v15+s14+$0x0] =	vst.idx.msk $0xffff, v14  }
0xd0: {  	s18 =	sadd.s32 $0x10, s18;
	s17 =	sadd.s32 $0x1, s17;
	s19 =	sadd.s32 $0x10, s19;
	[tilespmem:v15+s15+$0x0] =	vst.idx.msk $0xffff, v13  }
0xd1: {  	_ =	strace $0x90000049;
	s17 =	simm.s32 $0x1AC0;
	s18 =	simm.s32 $0x80  }
0xd2: {  	s20 =	sadd.s32 $0x0, s6;
	s19 =	simm.s32 $0x1B08;
	_ =	strace $0x8000004A  }
.LBB2_6:
0xd3: {  	[hbm4b:s20+s2] =	stream.linear.scatter [tilespmem:s17], [sflag:$0x1], $0x40, $0x200038;
	[tilespmem:$0x5E40] =	vst v63  }
0xd4: {  	s20 =	smov.u32 s18;
	s17 =	smov.u32 s19;
	p0 =	sne.s32 s18, $0x2780  }
.Ltmp2:
0xd5: {  	s18 =	sadd.s32 $0x80, s18;
	(pc) =	sbr.rel @p0 .LBB2_6-.Ltmp2, $2  }
0xd6: {  	_ =	sdelay $0x2  }
0xd7: {  	s19 =	sadd.s32 $0x48, s19;
	s20 =	sadd.s32 s20, s6  }
0xd8: {  	[hbm4b:s20+s2] =	stream.linear.scatter [tilespmem:s17], [sflag:$0x1], $0x40, $0x200038;
	[tilespmem:$0x5E40] =	vst v63  }
0xd9: {  	_ =	swait.ge [sflag:s11], $0x1400  }
0xda: {  	s17 =	simm.s32 $0x3140;
	s18 =	simm.s32 $0x80;
	[sflag:s11] =	ssyncset.done $0x0  }
0xdb: {  	s20 =	sadd.s32 $0x0, s7;
	s19 =	simm.s32 $0x3188;
	[sflag:s11] =	ssyncadd.s32 $0xFFFFEC00  }
.LBB2_8:
0xdc: {  	[hbm4b:s20+s2] =	stream.linear.scatter [tilespmem:s17], [sflag:$0x1], $0x40, $0x200038;
	[tilespmem:$0x5E40] =	vst v63  }
0xdd: {  	s20 =	smov.u32 s18;
	s17 =	smov.u32 s19;
	p0 =	sne.s32 s18, $0x2780  }
.Ltmp3:
0xde: {  	s18 =	sadd.s32 $0x80, s18;
	(pc) =	sbr.rel @p0 .LBB2_8-.Ltmp3, $2  }
0xdf: {  	_ =	sdelay $0x2  }
0xe0: {  	s19 =	sadd.s32 $0x48, s19;
	s20 =	sadd.s32 s20, s7  }
0xe1: {  	[hbm4b:s20+s2] =	stream.linear.scatter [tilespmem:s17], [sflag:$0x1], $0x40, $0x200038;
	[tilespmem:$0x5E40] =	vst v63  }
0xe2: {  	_ =	swait.ge [sflag:s11], $0x1400  }
0xe3: {  	s17 =	simm.s32 $0x47C0;
	s18 =	simm.s32 $0x80;
	[sflag:s11] =	ssyncset.done $0x0  }
0xe4: {  	s20 =	sadd.s32 $0x0, s8;
	s19 =	simm.s32 $0x4808;
	[sflag:s11] =	ssyncadd.s32 $0xFFFFEC00  }
.LBB2_10:
0xe5: {  	[hbm4b:s20+s2] =	stream.linear.scatter [tilespmem:s17], [sflag:$0x1], $0x40, $0x200038;
	[tilespmem:$0x5E40] =	vst v63  }
0xe6: {  	s20 =	smov.u32 s18;
	s17 =	smov.u32 s19;
	p0 =	sne.s32 s18, $0x2780  }
.Ltmp4:
0xe7: {  	s18 =	sadd.s32 $0x80, s18;
	(pc) =	sbr.rel @p0 .LBB2_10-.Ltmp4, $2  }
0xe8: {  	_ =	sdelay $0x2  }
0xe9: {  	s19 =	sadd.s32 $0x48, s19;
	s20 =	sadd.s32 s20, s8  }
0xea: {  	[hbm4b:s20+s2] =	stream.linear.scatter [tilespmem:s17], [sflag:$0x1], $0x40, $0x200038;
	[tilespmem:$0x5E40] =	vst v63  }
0xeb: {  	s16 =	sadd.s32 $0x1, s16  }
0xec: {  	p0 =	sne.s32 s16, s9  }
.Ltmp5:
0xed: {  	_ = 	snop;
	(pc) =	sbr.rel @p0 .LBB2_1-.Ltmp5, $4  }
0xee: {  	_ =	swait.ge [sflag:s11], $0x1400  }
0xef: {  	[sflag:s11] =	ssyncset.done $0x0  }
0xf0: {  	[sflag:s11] =	ssyncadd.s32 $0xFFFFEC00  }
0xf1: {  	_ =	strace $0x9000004A  }
0xf2: {  	_ =	sfence.sel $0x180000  }
0xf3: {  	[bflag:$0x0] =	sbarrier.arrive $0xFFFF  }
0xf4: {  	p0 =	sne.s32 s1, $0x0;
	_ =	strace $0x90000047  }
0xf5: {  	s0 =	sadd.s32 @!p0 $0x100000, s0;
	[bflag:$0x2] =	sbarrier.arrive $0xFFFF  }
0xf6: {  	[sflag:s0] =	ssyncadd.tile.s32 @!p0 $0x1;
	_ =	shalt  }
.Lfunc_end2:
_tile_overlayer_lowered:
.L_overlay_start_2:
0xf7: {  	(tag) =	ssettag $0x2  }
0xf8: {  	s0 =	rddreg [dreg:$0x0];
	s2 =	stileid.u32  }
0xf9: {  	s1 =	rddreg [dreg:$0x1];
	p0 =	sne.s32 s2, $0x0  }
0xfa: {  	s3 =	rddreg [dreg:$0x2];
	[bflag:$0x3] =	sbarrier.arrive $0xFFFF;
	s2 =	simm.s32 @!p0 $0x1C01  }
0xfb: {  	[timem:s3], [sflag:s2] =	dma.local @!p0 [hbm:s0], s1  }
0xfc: {  	s0 =	simm.s32 @!p0 $0x1  }
0xfd: {  	_ =	swait.ge @!p0 [sflag:s0], s1  }
0xfe: {  	s1 =	ssub.s32 @!p0 $0x0, s1;
	[sflag:s0] =	ssyncset.done @!p0 $0x0  }
0xff: {  	[sflag:s0] =	ssyncadd.s32 @!p0 s1  }
0x100: {  	[bflag:$0x3] =	sbarrier.arrive $0xFFFF  }
0x101: {  	_ =	shalt  }

// kernel: kernel.7.cloned.1.call-start
scs
__scs_entry_jumppad:
0x0: {  	(pc) =	sbr.rel $0x88, $3  }
0x1: {  	(tag) =	ssettag $0x0;
	lr =	simm.s32 $0x1  }
0x2: {  	[smem:$0x3F9D] =	sst lr;
	_ =	strace $0xD0000000  }
0x3: {  	_ = 	snop  }
0x4: {  	_ = 	snop  }
0x5: {  	_ = 	snop  }
0x6: {  	_ = 	snop  }
0x7: {  	_ = 	snop  }
__scs_overlays_trampoline_lowered:
0x8: {  	[smem:$0x3FAC] =	sst s0  }
0x9: {  	[smem:$0x3FAD] =	sst s1  }
0xa: {  	[smem:$0x3FAE] =	sst s2  }
0xb: {  	[smem:$0x3FAF] =	sst s3  }
0xc: {  	[smem:$0x3FB0] =	sst s4  }
0xd: {  	[smem:$0x3FB1] =	sst s5  }
0xe: {  	[smem:$0x3FB2] =	sst s6  }
0xf: {  	[smem:$0x3FB3] =	sst s7  }
0x10: {  	[smem:$0x3FB4] =	sst s8  }
0x11: {  	[smem:$0x3FB5] =	sst s9;
	s0 =	simm.s32 @!p0 $0x0  }
0x12: {  	s1 =	sld [smem:$0x3F9B];
	s0 =	simm.s32 @p0 $0x1  }
0x13: {  	[smem:$0x3FB6] =	sst s0;
	s0 =	simm.s32 @!p1 $0x0  }
0x14: {  	s2 =	sld [smem:$0x3F9A];
	s0 =	simm.s32 @p1 $0x1  }
0x15: {  	[smem:$0x3FB7] =	sst s0;
	s0 =	simm.s32 @!p2 $0x0  }
0x16: {  	s3 =	sld [smem:$0x3FDB];
	s0 =	simm.s32 @p2 $0x1  }
0x17: {  	s4 =	simm.s32 $0x1BF5;
	[smem:$0x3FB9] =	sst s0  }
0x18: {  	s0 =	sld [smem:$0x3F9C];
	_ =	swait.ge [sflag:s4], $0x0  }
0x19: {  	s7 =	sld [smem:$0x3F9D]  }
0x1a: {  	s8 =	sadd.s32 $0xFFFFE003, lr  }
0x1b: {  	s9 =	sadd.s32 $0xFFFFFEF7, lr;
	s5 =	simm.s32 $0xFFFFFFFF;
	p2 =	slt.u32 s8, $0xFFFFF086  }
0x1c: {  	p1 =	slt.u32 s9, $0xF7A;
	s5 =	simm.s32 @!p2 $0x0  }
0x1d: {  	s5 =	simm.s32 @p1 $0x1;
	p0 =	seq.s32 s7, s2  }
0x1e: {  	s7 =	smul.u32 @!p0 $0xF7A, s2;
	p2 =	seq.s32 @!p0 s5, $0x0  }
0x1f: {  	s9 =	smul.u32 $0xF7A, s1;
	s8 =	simm.s32 @!p0 $0x1BF5;
	p2 =	por !p2, p0  }
0x20: {  	[sflag:s8] =	ssyncset.s32 @!p0 $0xFFFFF086;
	s6 =	sadd.s32 @!p0 s3, s7;
	s7 =	simm.s32 @!p0 $0x108  }
0x21: {  	s3 =	sadd.s32 s3, s9;
	s6 =	sadd.s32 @!p0 $0x88, s6;
	s7 =	simm.s32 @p2 $0x1082  }
0x22: {  	[simem:s7], [sflag:s8] =	dma.local @!p0 [hbm:s6], $0xF7A  }
0x23: {  	s9 =	sor.u32 $0xD0000000, s2;
	s6 =	simm.s32 $0x108;
	_ =	swait.ge @!p0 [sflag:s8], $0x0  }
0x24: {  	s3 =	sadd.s32 $0x88, s3;
	s6 =	simm.s32 @!p1 $0x1082;
	[sflag:s4] =	ssyncset.s32 $0xFFFFF086  }
0x25: {  	[simem:s6], [sflag:s4] =	dma.local [hbm:s3], $0xF7A  }
0x26: {  	[smem:$0x3F9D] =	sst s1;
	(tag) =	ssettag s2;
	_ =	strace s9  }
0x27: {  	s1 =	sld [smem:$0x3FAD]  }
0x28: {  	s2 =	sld [smem:$0x3FAE]  }
0x29: {  	s4 =	sld [smem:$0x3FB0]  }
0x2a: {  	p0 =	seq.s32 s5, $0x0;
	s5 =	sld [smem:$0x3FB1]  }
0x2b: {  	s6 =	sld [smem:$0x3FB2]  }
0x2c: {  	s7 =	sld [smem:$0x3FB3]  }
0x2d: {  	s3 =	simm.s32 $0x108;
	s8 =	sld [smem:$0x3FB4]  }
0x2e: {  	s3 =	simm.s32 @!p0 $0x1082;
	s9 =	sld [smem:$0x3FB5]  }
0x2f: {  	lr =	sadd.s32 s0, s3;
	s0 =	sld [smem:$0x3FAC]  }
0x30: {  	s3 =	sld [smem:$0x3FAF]  }
0x31: {  	[smem:$0x3FB8] =	sst s10  }
0x32: {  	s10 =	sld [smem:$0x3FB6];
	_ =	sdelay $0x3  }
0x33: {  	p0 =	seq.s32 s10, $0x1;
	s10 =	sld [smem:$0x3FB8];
	_ =	sdelay $0x3  }
0x34: {  	[smem:$0x3FB8] =	sst s10  }
0x35: {  	s10 =	sld [smem:$0x3FB7];
	_ =	sdelay $0x3  }
0x36: {  	p1 =	seq.s32 s10, $0x1;
	s10 =	sld [smem:$0x3FB8];
	_ =	sdelay $0x3  }
0x37: {  	[smem:$0x3FB8] =	sst s10  }
0x38: {  	s10 =	sld [smem:$0x3FB9]  }
0x39: {  	_ = 	snop;
	(pc) =	sbr.ind lr, $3  }
0x3a: {  	_ = 	snop  }
0x3b: {  	_ = 	snop  }
0x3c: {  	p2 =	seq.s32 s10, $0x1;
	s10 =	sld [smem:$0x3FB8]  }
0x3d: {  	_ =	shalt  }
0x3e: {  	_ =	shalt  }
0x3f: {  	_ =	shalt  }
0x40: {  	_ =	shalt  }
0x41: {  	_ =	shalt  }
0x42: {  	_ =	shalt  }
0x43: {  	_ =	shalt  }
0x44: {  	_ =	shalt  }
0x45: {  	_ =	shalt  }
0x46: {  	_ =	shalt  }
0x47: {  	_ =	shalt  }
0x48: {  	_ =	shalt  }
0x49: {  	_ =	shalt  }
0x4a: {  	_ =	shalt  }
0x4b: {  	_ =	shalt  }
0x4c: {  	_ =	shalt  }
0x4d: {  	_ =	shalt  }
0x4e: {  	_ =	shalt  }
0x4f: {  	_ =	shalt  }
0x50: {  	_ =	shalt  }
0x51: {  	_ =	shalt  }
0x52: {  	_ =	shalt  }
0x53: {  	_ =	shalt  }
0x54: {  	_ =	shalt  }
0x55: {  	_ =	shalt  }
0x56: {  	_ =	shalt  }
0x57: {  	_ =	shalt  }
0x58: {  	_ =	shalt  }
0x59: {  	_ =	shalt  }
0x5a: {  	_ =	shalt  }
0x5b: {  	_ =	shalt  }
0x5c: {  	_ =	shalt  }
0x5d: {  	_ =	shalt  }
0x5e: {  	_ =	shalt  }
0x5f: {  	_ =	shalt  }
0x60: {  	_ =	shalt  }
0x61: {  	_ =	shalt  }
0x62: {  	_ =	shalt  }
0x63: {  	_ =	shalt  }
0x64: {  	_ =	shalt  }
0x65: {  	_ =	shalt  }
0x66: {  	_ =	shalt  }
0x67: {  	_ =	shalt  }
0x68: {  	_ =	shalt  }
0x69: {  	_ =	shalt  }
0x6a: {  	_ =	shalt  }
0x6b: {  	_ =	shalt  }
0x6c: {  	_ =	shalt  }
0x6d: {  	_ =	shalt  }
0x6e: {  	_ =	shalt  }
0x6f: {  	_ =	shalt  }
0x70: {  	_ =	shalt  }
0x71: {  	_ =	shalt  }
0x72: {  	_ =	shalt  }
0x73: {  	_ =	shalt  }
0x74: {  	_ =	shalt  }
0x75: {  	_ =	shalt  }
0x76: {  	_ =	shalt  }
0x77: {  	_ =	shalt  }
0x78: {  	_ =	shalt  }
0x79: {  	_ =	shalt  }
0x7a: {  	_ =	shalt  }
0x7b: {  	_ =	shalt  }
0x7c: {  	_ =	shalt  }
0x7d: {  	_ =	shalt  }
0x7e: {  	_ =	shalt  }
0x7f: {  	_ =	shalt  }
0x80: {  	_ =	shalt  }
0x81: {  	_ =	shalt  }
0x82: {  	_ =	shalt  }
0x83: {  	_ =	shalt  }
0x84: {  	_ =	shalt  }
0x85: {  	_ =	shalt  }
0x86: {  	_ =	shalt  }
0x87: {  	_ =	shalt  }
.Lfunc_end0:
.L_simem_size_0:
called_computation.1_lowered:
.L_overlay_start_0:
0x88: {  	s2 =	sld [smem:$0x3FD9]  }
0x89: {  	s3 =	sld [smem:$0x3FFE];
	_ =	sdelay $0x1  }
0x8a: {  	s1 =	srdreg.scid  }
0x8b: {  	s0 =	sand.u32 $0x1, s1  }
0x8c: {  	s14 =	sshll.u32 s0, $0xA;
	s2 =	sadd.s32 s3, s2  }
0x8d: {  	s2 =	sadd.s32 s2, s14  }
0x8e: {  	[smem:$0x3FC4] =	sst s2  }
0x8f: {  	_ = 	snop  }
0x90: {  	s2 =	sld [smem:$0x3FD0];
	_ =	sdelay $0x2  }
0x91: {  	s15 =	simm.s32 $0xA;
	s4 =	simm.s32 $0x10  }
0x92: {  	[smem:s4], [sflag:s15] =	dma.local [hbm:s2], $0x1  }
0x93: {  	_ =	swait.eq [sflag:s15], $0x1  }
0x94: {  	[sflag:s15] =	ssyncset.done $0x0  }
0x95: {  	[sflag:s15] =	ssyncadd.s32 $0xFFFFFFFF  }
0x96: {  	s16 =	sld [smem:$0x10];
	(tm) =	ssettm $0x1  }
0x97: {  	s17 =	sld [smem:$0x3FFB];
	_ =	sdelay $0x3  }
0x98: {  	_ =	strace s17  }
0x99: {  	s3 =	sld [smem:$0x3FFC];
	_ =	sdelay $0x3  }
0x9a: {  	_ =	strace s3  }
0x9b: {  	s3 =	sld [smem:$0x3FFD];
	_ =	sdelay $0x3  }
0x9c: {  	_ =	strace s3  }
0x9d: {  	_ =	strace $0x8FFFFFFF  }
0x9e: {  	s18 =	sld [smem:$0x3FDB];
	_ =	sdelay $0x1  }
0x9f: {  	s19 =	simm.s32 $_scs_section_size  }
0xa0: {  	s5 =	simm.s32 $_size__tile_overlayer_lowered;
	s6 =	simm.s32 $_tile_overlayer_lowered  }
0xa1: {  	s22 =	simm.s32 $0x1BFF;
	s21 =	sshll.u32 s6, $0x1;
	s3 =	sadd.s32 s19, s18  }
0xa2: {  	s7 =	simm.s32 $0x0;
	s20 =	sshll.u32 s5, $0x1;
	s5 =	sadd.s32 s21, s3  }
0xa3: {  	[timem:s7], [sflag:s22] =	dma.local [hbm:s5], s20  }
0xa4: {  	_ =	swait.ge [sflag:s22], s20  }
0xa5: {  	s4 =	ssub.s32 $0x0, s20;
	[sflag:s22] =	ssyncset.done $0x0  }
0xa6: {  	[sflag:s22] =	ssyncadd.s32 s4;
	_ =	sdelay $0x1  }
0xa7: {  	s23 =	simm.s32 $0x1B8B  }
0xa8: {  	_ =	swait.ge [sflag:s23], $0x1  }
0xa9: {  	[sflag:s23] =	ssyncset.done $0x0  }
0xaa: {  	s25 =	simm.s32 $0x1B8E;
	s24 =	sld [smem:$0x3FFE];
	[sflag:s23] =	ssyncadd.s32 $0xFFFFFFFF  }
0xab: {  	s26 =	simm.s32 $execute0_lowered;
	[smem:$0x3FD2] =	sst s25  }
0xac: {  	s5 =	sshll.u32 s26, $0x1;
	_ =	strace $0x8000004C;
	[dreg:$0x1] =	wrdreg $0xFFFFFFFF  }
0xad: {  	s28 =	simm.s32 $_size_execute0_lowered;
	s3 =	sadd.s32 s3, s5;
	[dreg:$0x0] =	wrdreg $0x0  }
0xae: {  	s5 =	sshll.u32 s28, $0x1;
	[dreg:$0x2] =	wrdreg s3  }
0xaf: {  	[dreg:$0x3] =	wrdreg s5  }
0xb0: {  	[dreg:$0x4] =	wrdreg $0xC0  }
0xb1: {  	_ =	task [dreg:s7], $0x5FFFF  }
0xb2: {  	[dreg:$0x1] =	wrdreg $0xFFFFFFFF  }
0xb3: {  	[dreg:$0x0] =	wrdreg $0x60  }
0xb4: {  	[dreg:$0x2] =	wrdreg s24  }
0xb5: {  	[dreg:$0x3] =	wrdreg s16  }
0xb6: {  	[dreg:$0x4] =	wrdreg $0x13C500  }
0xb7: {  	[dreg:$0x5] =	wrdreg $0x9  }
0xb8: {  	_ =	task.clear_ibuf [dreg:s7], $0x6FFFF;
	_ =	strace $0x9000004C  }
0xb9: {  	s29 =	simm.s32 $0x9;
	_ =	strace $0x80000051  }
0xba: {  	_ =	swait.ge [sflag:s29], $0x1  }
0xbb: {  	[sflag:s29] =	ssyncadd.s32 $0xFFFFFFFF  }
0xbc: {  	_ =	strace $0x90000051  }
0xbd: {  	_ =	sfence  }
0xbe: {  	s30 =	sld [smem:$0x0];
	_ =	sdelay $0x2  }
0xbf: {  	s31 =	sshll.u32 s1, $0xD;
	s1 =	sshrl.u32 s1, $0x2  }
0xc0: {  	s3 =	sand.u32 $0x4000, s31;
	s1 =	sadd.s32 s1, s30  }
0xc1: {  	s0 =	sor.u32 s3, s0;
	s1 =	sshll.u32 s1, $0x11  }
0xc2: {  	s0 =	sor.u32 s1, s0  }
0xc3: {  	s0 =	sadd.s32 $0x8F2B, s0  }
0xc4: {  	[sflag:s0] =	ssyncadd.remote.s32 $0x1  }
0xc5: {  	_ =	sfence.sel $0xFFFF  }
0xc6: {  	[dreg:$0x0] =	wrdreg $0xFFFFFFFF;
	(pc) =	sbr.abs _section_cstart, $3  }
0xc7: {  	[dreg:$0x1] =	wrdreg $0xFFFFFFFF  }
0xc8: {  	_ =	task.clear_ibuf [dreg:s7], $0x2FFFF;
	_ =	strace $0x9FFFFFFF  }
0xc9: {  	(tm) =	ssettm $0x7FFFFFFF  }
tec
execute0_lowered:
.L_overlay_start_1:
0x0: {  	(tag) =	ssettag $0x1  }
0x1: {  	s4 =	rddreg [dreg:$0x0]  }
0x2: {  	s7 =	rddreg [dreg:$0x1]  }
0x3: {  	s1 =	rddreg [dreg:$0x2]  }
0x4: {  	s0 =	rddreg [dreg:$0x3];
	s2 =	simm.s32 $0x0;
	s3 =	srdreg.scid  }
0x5: {  	s13 =	simm.s32 $0x400;
	s14 =	simm.s32 $0x10000;
	s15 =	simm.s32 $0x11400  }
0x6: {  	s16 =	simm.s32 $0x1;
	s20 =	simm.s32 $0x0;
	[smem:$0x7FF] =	sst s2  }
0x7: {  	s5 =	sand.u32 $0x1, s3;
	s3 =	stileid.u32;
	s17 =	sadd.s32 $0x500, s1  }
0x8: {  	s18 =	sadd.s32 $0xA00, s1;
	s19 =	sadd.s32 $0xF00, s1;
	s6 =	smul.u32 $0x14000, s5  }
0x9: {  	_ =	strace $0x8000004D;
	s8 =	sshll.u32 s3, $0x6;
	s11 =	smul.u32 $0x1400, s5  }
0xa: {  	s9 =	sshll.u32 s3, $0xD;
	s28 =	ssub.s32 $0x2, s5;
	s29 =	smul.u32 $0x280, s5  }
0xb: {  	p0 =	seq.s32 s3, $0x0;
	s10 =	sshrl.u32 s28, $0x1;
	s9 =	sadd.s32 s9, s4  }
0xc: {  	s17 =	sshrl.u32 @p0 s17, $0x3;
	s18 =	sshrl.u32 @p0 s18, $0x3;
	s19 =	sshrl.u32 @p0 s19, $0x3  }
0xd: {  	s6 =	sor.u32 s8, s6;
	s12 =	ssub.s32 s28, s10;
	s30 =	sshrl.u32 s11, $0x3  }
0xe: {  	s6 =	sshrl.u32 s6, $0x3;
	s31 =	sadd.s32 s7, s30;
	s7 =	sadd.s32 s7, s29  }
0xf: {  	v0 =	vlaneseq.u32;
	s11 =	smax.u32 s12, $0x1;
	s12 =	simm.s32 $0x40;
	s6 =	sadd.s32 s6, s4  }
0x10: {  	v1 =	vor.u32 $0x10, v0;
	v2 =	vor.u32 $0x20, v0;
	s4 =	sadd.s32 $0xB200, s9;
	s8 =	sadd.s32 $0xA0, s31;
	s9 =	sadd.s32 $0x140, s31  }
0x11: {  	v3 =	vor.u32 $0x30, v0;
	v4 =	vor.u32 $0x40, v0;
	[tilespmem:$0x1FFF0] =	vst v1;
	s10 =	sadd.s32 $0x1E0, s31;
	s5 =	sadd.s32 $0x1200, s6;
	s6 =	sadd.s32 $0x6200, s6  }
.LBB2_1:
0x12: {  	_ =	strace $0x8000004E  }
0x13: {  	[tilespmem:s2], [sflag:$0x1] =	stream.linear.gather [hbm4b:s4+s2], $0x10000, $0x200038;
	[tilespmem:$0x13D90] =	vst v63  }
0x14: {  	_ = 	snop  }
0x15: {  	[tilespmem:s14], [sflag:$0x1] =	stream.strided.gather [hbm4b:s5+s12], $0x1400, s13, s12, $0x200038;
	[tilespmem:$0x13D90] =	vst v63  }
0x16: {  	_ = 	snop  }
0x17: {  	[tilespmem:s15], [sflag:$0x1] =	stream.strided.gather [hbm4b:s6+s12], $0x1400, s13, s12, $0x200038;
	[tilespmem:$0x13D90] =	vst v63  }
0x18: {  	_ =	swait.ge [sflag:s16], $0x10000  }
0x19: {  	[sflag:s16] =	ssyncset.done $0x0  }
0x1a: {  	[sflag:s16] =	ssyncadd.s32 $0xFFFF0000  }
0x1b: {  	_ =	swait.ge [sflag:s16], $0x1400  }
0x1c: {  	[sflag:s16] =	ssyncset.done $0x0  }
0x1d: {  	[sflag:s16] =	ssyncadd.s32 $0xFFFFEC00  }
0x1e: {  	_ =	swait.ge [sflag:s16], $0x1400  }
0x1f: {  	[sflag:s16] =	ssyncset.done $0x0  }
0x20: {  	[sflag:s16] =	ssyncadd.s32 $0xFFFFEC00  }
0x21: {  	v0 =	vlaneseq.u32;
	_ =	strace $0x9000004E  }
0x22: {  	[tilespmem:$0x13C00] =	vst v0;
	v0 =	vld [tilespmem:$0x1FFF0];
	_ =	sdelay $0x1  }
0x23: {  	[tilespmem:$0x13C20] =	vst v2  }
0x24: {  	[tilespmem:$0x13C30] =	vst v3  }
0x25: {  	[tilespmem:$0x13C40] =	vst v4  }
0x26: {  	s21 =	simm.s32 $0x12820;
	s22 =	simm.s32 $0x11420;
	[tilespmem:$0x13C10] =	vst v0  }
0x27: {  	s23 =	simm.s32 $0x10020;
	s24 =	simm.s32 $0x0;
	_ =	strace $0x8000004F  }
.LBB2_2:
0x28: {  	v5 =	vld [tilespmem:s22+$0xFFFFFFE0];
	_ =	sdelay $0x4  }
0x29: {  	v5 =	vshll.u32 v5, $0x8  }
0x2a: {  	v5 =	vshra.s32 v5, $0x2  }
0x2b: {  	(v2sf) =	vpush v5, $0x0;
	_ =	sdelay $0x3  }
0x2c: {  	(v2sf) =	vpush v5, $0x1;
	_ =	sdelay $0x1  }
0x2d: {  	(v2sf) =	vpush v5, $0x2;
	_ =	sdelay $0x3  }
0x2e: {  	(v2sf) =	vpush v5, $0x3;
	_ =	sdelay $0x4  }
0x2f: {  	v6 =	vld [tilespmem:s23+$0xFFFFFFE0];
	s25 =	spop (v2sf)  }
0x30: {  	v7 =	vld [tilespmem:s25+$0x0]  }
0x31: {  	v11 =	vld [tilespmem:s25+$0x10]  }
0x32: {  	(v2sf) =	vpush v5, $0x4;
	v12 =	vld [tilespmem:s25+$0x20]  }
0x33: {  	v13 =	vld [tilespmem:s25+$0x30];
	s29 =	spop (v2sf)  }
0x34: {  	v6 =	vsub.f32 $1.000000000e+00, v6;
	v15 =	vld [tilespmem:s29+$0x400]  }
0x35: {  	v20 =	vld [tilespmem:s29+$0x420];
	s30 =	spop (v2sf)  }
0x36: {  	v48 =	vbroadcast v6, $0x0;
	(v2sf) =	vpush v5, $0x5;
	v22 =	vld [tilespmem:s30+$0x800]  }
0x37: {  	v61 =	vbroadcast v6, $0x1;
	v23 =	vld [tilespmem:s30+$0x810]  }
0x38: {  	v0 =	vbroadcast v6, $0x2;
	v24 =	vld [tilespmem:s30+$0x820];
	v7 =	vmul.f32 v48, v7  }
0x39: {  	v28 =	vld [tilespmem:s30+$0x830];
	s31 =	spop (v2sf);
	v11 =	vmul.f32 v11, v48;
	v62 =	vmul.f32 v12, v48  }
0x3a: {  	(v2sf) =	vpush v5, $0x6;
	v30 =	vld [tilespmem:s31+$0xC00];
	v13 =	vmul.f32 v13, v48;
	v15 =	vmul.f32 v15, v61  }
0x3b: {  	v31 =	vld [tilespmem:s31+$0xC10];
	v1 =	vmul.f32 v20, v61;
	v48 =	vadd.f32 $0.0e+00, v7;
	v62 =	vadd.f32 $0.0e+00, v62  }
0x3c: {  	(v2sf) =	vpush v5, $0x7;
	v32 =	vld [tilespmem:s31+$0xC20];
	v22 =	vmul.f32 v22, v0  }
0x3d: {  	v8 =	vld [tilespmem:s22+$0xFFFFFFF0];
	v48 =	vadd.f32 v15, v48;
	v1 =	vadd.f32 v1, v62;
	v62 =	vbroadcast v6, $0x3  }
0x3e: {  	v16 =	vld [tilespmem:s29+$0x410];
	v23 =	vmul.f32 v23, v0;
	v24 =	vmul.f32 v24, v0  }
0x3f: {  	v21 =	vld [tilespmem:s29+$0x430];
	v0 =	vmul.f32 v28, v0;
	v48 =	vadd.f32 v22, v48;
	v28 =	vmul.f32 v30, v62  }
0x40: {  	v37 =	vld [tilespmem:s31+$0xC30]  }
0x41: {  	v30 =	vmul.f32 v31, v62;
	v31 =	vmul.f32 v32, v62;
	v32 =	vadd.f32 v28, v48;
	v48 =	vld [tilespmem:s23+$0xFFFFFFF0];
	s26 =	spop (v2sf)  }
0x42: {  	(v2sf) =	vpush v5, $0x8;
	v38 =	vld [tilespmem:s26+$0x1000]  }
0x43: {  	v39 =	vld [tilespmem:s26+$0x1010]  }
0x44: {  	v54 =	vld [tilespmem:s26+$0x1020]  }
0x45: {  	v55 =	vld [tilespmem:s26+$0x1030];
	s28 =	spop (v2sf)  }
0x46: {  	(v2sf) =	vpush v5, $0x9;
	v56 =	vld [tilespmem:s28+$0x1400]  }
0x47: {  	v57 =	vld [tilespmem:s28+$0x1410]  }
0x48: {  	v58 =	vld [tilespmem:s28+$0x1420]  }
0x49: {  	v59 =	vld [tilespmem:s28+$0x1430];
	s29 =	spop (v2sf)  }
0x4a: {  	(v2sf) =	vpush v5, $0xA;
	v60 =	vld [tilespmem:s29+$0x1800]  }
0x4b: {  	v44 =	vld [tilespmem:s29+$0x1810]  }
0x4c: {  	v42 =	vld [tilespmem:s29+$0x1820];
	s30 =	spop (v2sf);
	(v2sf) =	vpush v5, $0xB  }
0x4d: {  	v45 =	vld [tilespmem:s29+$0x1830]  }
0x4e: {  	v33 =	vld [tilespmem:s30+$0x1C00]  }
0x4f: {  	v34 =	vld [tilespmem:s30+$0x1C10]  }
0x50: {  	v43 =	vld [tilespmem:s30+$0x1C20]  }
0x51: {  	v53 =	vld [tilespmem:s30+$0x1C30];
	s31 =	spop (v2sf)  }
0x52: {  	(v2sf) =	vpush v5, $0xC;
	v46 =	vld [tilespmem:s31+$0x2000]  }
0x53: {  	v49 =	vld [tilespmem:s31+$0x2010]  }
0x54: {  	v41 =	vld [tilespmem:s31+$0x2020]  }
0x55: {  	v16 =	vmul.f32 v16, v61;
	v63 =	vadd.f32 $0.0e+00, v11;
	v47 =	vld [tilespmem:s31+$0x2030];
	s26 =	spop (v2sf)  }
0x56: {  	(v2sf) =	vpush v5, $0xD;
	v52 =	vld [tilespmem:s26+$0x2400]  }
0x57: {  	v61 =	vmul.f32 v21, v61;
	v13 =	vadd.f32 $0.0e+00, v13;
	v16 =	vadd.f32 v16, v63;
	v50 =	vld [tilespmem:s26+$0x2410]  }
0x58: {  	v51 =	vld [tilespmem:s26+$0x2420]  }
0x59: {  	v61 =	vadd.f32 v61, v13;
	v63 =	vadd.f32 v23, v16;
	v40 =	vld [tilespmem:s26+$0x2430];
	s28 =	spop (v2sf)  }
0x5a: {  	v1 =	vadd.f32 v24, v1;
	(v2sf) =	vpush v5, $0xE;
	v35 =	vld [tilespmem:s28+$0x2800]  }
0x5b: {  	v0 =	vadd.f32 v0, v61;
	v61 =	vbroadcast v6, $0x4;
	v36 =	vld [tilespmem:s28+$0x2810];
	s29 =	spop (v2sf);
	(v2sf) =	vpush v5, $0xF  }
0x5c: {  	v63 =	vadd.f32 v30, v63;
	v30 =	vmul.f32 v37, v62;
	v29 =	vld [tilespmem:s28+$0x2820]  }
0x5d: {  	v1 =	vadd.f32 v31, v1;
	v31 =	vmul.f32 v38, v61;
	v25 =	vld [tilespmem:s28+$0x2830]  }
0x5e: {  	v0 =	vadd.f32 v30, v0;
	v62 =	vmul.f32 v39, v61;
	v38 =	vmul.f32 v54, v61;
	v27 =	vld [tilespmem:s29+$0x2C00]  }
0x5f: {  	v39 =	vbroadcast v6, $0x5;
	v55 =	vmul.f32 v55, v61;
	v54 =	vadd.f32 v31, v32;
	v26 =	vld [tilespmem:s29+$0x2C10]  }
0x60: {  	v62 =	vadd.f32 v62, v63;
	v1 =	vadd.f32 v38, v1;
	v5 =	vshll.u32 v8, $0x8;
	v17 =	vld [tilespmem:s29+$0x2C20]  }
0x61: {  	v61 =	vmul.f32 v56, v39;
	v56 =	vmul.f32 v57, v39;
	v19 =	vld [tilespmem:s29+$0x2C30];
	v5 =	vshra.s32 v5, $0x2;
	s30 =	spop (v2sf)  }
0x62: {  	v63 =	vmul.f32 v58, v39;
	v58 =	vbroadcast v6, $0x6;
	(v2sf) =	vpush v5, $0x0;
	v18 =	vld [tilespmem:s30+$0x3000]  }
0x63: {  	v0 =	vadd.f32 v55, v0;
	v54 =	vadd.f32 v61, v54;
	v61 =	vmul.f32 v59, v39;
	v8 =	vld [tilespmem:s30+$0x3010]  }
0x64: {  	v56 =	vadd.f32 v56, v62;
	v57 =	vmul.f32 v60, v58;
	v55 =	vmul.f32 v44, v58;
	v9 =	vld [tilespmem:s30+$0x3020]  }
0x65: {  	v1 =	vadd.f32 v63, v1;
	v59 =	vbroadcast v6, $0x7;
	v60 =	vmul.f32 v42, v58;
	v10 =	vld [tilespmem:s30+$0x3030];
	s31 =	spop (v2sf)  }
0x66: {  	v58 =	vmul.f32 v45, v58;
	v0 =	vadd.f32 v61, v0;
	(v2sf) =	vpush v5, $0x1;
	v14 =	vld [tilespmem:s31+$0x3400]  }
0x67: {  	v54 =	vadd.f32 v57, v54;
	v55 =	vadd.f32 v55, v56;
	v62 =	vmul.f32 v33, v59;
	v12 =	vld [tilespmem:s31+$0x3410]  }
0x68: {  	v1 =	vadd.f32 v60, v1;
	v63 =	vmul.f32 v34, v59;
	v57 =	vbroadcast v6, $0x8;
	v7 =	vld [tilespmem:s31+$0x3420]  }
0x69: {  	v53 =	vmul.f32 v53, v59;
	v0 =	vadd.f32 v58, v0;
	v11 =	vld [tilespmem:s31+$0x3430];
	s26 =	spop (v2sf);
	(v2sf) =	vpush v5, $0x2  }
0x6a: {  	v60 =	vmul.f32 v43, v59;
	v56 =	vbroadcast v6, $0xC;
	v15 =	vld [tilespmem:s26+$0x3800];
	s28 =	spop (v2sf);
	(v2sf) =	vpush v5, $0x3  }
0x6b: {  	v54 =	vadd.f32 v62, v54;
	v0 =	vadd.f32 v53, v0;
	v53 =	vbroadcast v6, $0x9;
	v20 =	vld [tilespmem:s26+$0x3810]  }
0x6c: {  	v55 =	vadd.f32 v63, v55;
	v61 =	vmul.f32 v46, v57;
	v62 =	vmul.f32 v49, v57;
	v21 =	vld [tilespmem:s26+$0x3820]  }
0x6d: {  	v1 =	vadd.f32 v60, v1;
	v63 =	vmul.f32 v41, v57;
	v57 =	vmul.f32 v47, v57;
	v13 =	vld [tilespmem:s26+$0x3830]  }
0x6e: {  	v52 =	vmul.f32 v52, v53;
	v60 =	vmul.f32 v50, v53;
	v54 =	vadd.f32 v61, v54;
	v16 =	vld [tilespmem:s28+$0x3C00]  }
0x6f: {  	v55 =	vadd.f32 v62, v55;
	v1 =	vadd.f32 v63, v1;
	v61 =	vmul.f32 v51, v53;
	v22 =	vld [tilespmem:s28+$0x3C10]  }
0x70: {  	v0 =	vadd.f32 v57, v0;
	v62 =	vbroadcast v6, $0xA;
	v53 =	vmul.f32 v40, v53;
	v24 =	vld [tilespmem:s28+$0x3C20]  }
0x71: {  	v57 =	vbroadcast v6, $0xE;
	v52 =	vadd.f32 v52, v54;
	v55 =	vadd.f32 v60, v55;
	v23 =	vld [tilespmem:s28+$0x3C30];
	s29 =	spop (v2sf)  }
0x72: {  	v1 =	vadd.f32 v61, v1;
	v63 =	vmul.f32 v35, v62;
	v36 =	vmul.f32 v36, v62;
	v28 =	vld [tilespmem:s29+$0x4000]  }
0x73: {  	v60 =	vmul.f32 v29, v62;
	v61 =	vbroadcast v6, $0xB;
	(v2sf) =	vpush v5, $0x4;
	v30 =	vld [tilespmem:s29+$0x4010]  }
0x74: {  	v0 =	vadd.f32 v53, v0;
	v62 =	vmul.f32 v25, v62;
	v52 =	vadd.f32 v63, v52;
	v37 =	vld [tilespmem:s29+$0x4020]  }
0x75: {  	v55 =	vadd.f32 v36, v55;
	v1 =	vadd.f32 v60, v1;
	v27 =	vmul.f32 v27, v61;
	v31 =	vld [tilespmem:s29+$0x4030];
	s30 =	spop (v2sf)  }
0x76: {  	v63 =	vmul.f32 v26, v61;
	v0 =	vadd.f32 v62, v0;
	v59 =	vmul.f32 v17, v61;
	v32 =	vld [tilespmem:s30+$0x4400]  }
0x77: {  	v19 =	vmul.f32 v19, v61;
	v62 =	vbroadcast v6, $0xD;
	(v2sf) =	vpush v5, $0x5;
	v38 =	vld [tilespmem:s30+$0x4410]  }
0x78: {  	v27 =	vadd.f32 v27, v52;
	v61 =	vmul.f32 v18, v56;
	v39 =	vld [tilespmem:s30+$0x4420];
	s31 =	spop (v2sf);
	(v2sf) =	vpush v5, $0x6  }
0x79: {  	v60 =	vadd.f32 v63, v55;
	v63 =	vmul.f32 v8, v56;
	v44 =	vld [tilespmem:s30+$0x4430];
	s26 =	spop (v2sf);
	(v2sf) =	vpush v5, $0x7  }
0x7a: {  	v14 =	vmul.f32 v14, v62;
	v54 =	vadd.f32 v61, v27;
	v42 =	vld [tilespmem:s31+$0x4800]  }
0x7b: {  	v52 =	vadd.f32 v63, v60;
	v15 =	vmul.f32 v15, v57;
	v45 =	vld [tilespmem:s31+$0x4810]  }
0x7c: {  	v60 =	vbroadcast v6, $0xF;
	v6 =	vsub.f32 $1.000000000e+00, v48;
	v54 =	vadd.f32 v14, v54;
	v33 =	vld [tilespmem:s31+$0x4820]  }
0x7d: {  	v0 =	vadd.f32 v19, v0;
	v10 =	vmul.f32 v10, v56;
	v12 =	vmul.f32 v12, v62;
	v34 =	vld [tilespmem:s31+$0x4830]  }
0x7e: {  	v16 =	vmul.f32 v16, v60;
	v48 =	vbroadcast v6, $0x0;
	v15 =	vadd.f32 v15, v54;
	v43 =	vld [tilespmem:s26+$0x4C00]  }
0x7f: {  	v7 =	vmul.f32 v7, v62;
	v58 =	vmul.f32 v11, v62;
	v46 =	vld [tilespmem:s26+$0x4C10]  }
0x80: {  	v0 =	vadd.f32 v10, v0;
	v54 =	vadd.f32 v16, v15;
	v49 =	vld [tilespmem:s26+$0x4C20];
	v62 =	vmul.f32 v48, v28  }
0x81: {  	v41 =	vld [tilespmem:s26+$0x4C30]  }
0x82: {  	v0 =	vadd.f32 v58, v0;
	v58 =	vadd.f32 v62, v54;
	v62 =	vld [tilespmem:s22+$0x0];
	s28 =	spop (v2sf)  }
0x83: {  	(v2sf) =	vpush v5, $0x8;
	v47 =	vld [tilespmem:s28+$0x5000]  }
0x84: {  	v50 =	vld [tilespmem:s28+$0x5010]  }
0x85: {  	v51 =	vld [tilespmem:s28+$0x5020]  }
0x86: {  	v40 =	vld [tilespmem:s28+$0x5030];
	s29 =	spop (v2sf);
	(v2sf) =	vpush v5, $0x9  }
0x87: {  	v35 =	vld [tilespmem:s29+$0x5400];
	s30 =	spop (v2sf);
	(v2sf) =	vpush v5, $0xA  }
0x88: {  	v29 =	vld [tilespmem:s29+$0x5410];
	s31 =	spop (v2sf);
	(v2sf) =	vpush v5, $0xB  }
0x89: {  	v1 =	vadd.f32 v59, v1;
	v9 =	vmul.f32 v9, v56;
	v36 =	vld [tilespmem:s29+$0x5420]  }
0x8a: {  	v25 =	vld [tilespmem:s29+$0x5430]  }
0x8b: {  	v1 =	vadd.f32 v9, v1;
	v20 =	vmul.f32 v20, v57;
	v26 =	vld [tilespmem:s30+$0x5800]  }
0x8c: {  	v21 =	vmul.f32 v21, v57;
	v61 =	vmul.f32 v13, v57;
	v12 =	vadd.f32 v12, v52;
	v17 =	vld [tilespmem:s30+$0x5810]  }
0x8d: {  	v1 =	vadd.f32 v7, v1;
	v22 =	vmul.f32 v22, v60;
	v24 =	vmul.f32 v24, v60;
	v18 =	vld [tilespmem:s30+$0x5820]  }
0x8e: {  	v23 =	vmul.f32 v23, v60;
	v57 =	vbroadcast v6, $0x1;
	v59 =	vadd.f32 v20, v12;
	v19 =	vld [tilespmem:s30+$0x5830]  }
0x8f: {  	v55 =	vbroadcast v6, $0x3;
	v1 =	vadd.f32 v21, v1;
	v0 =	vadd.f32 v61, v0;
	v27 =	vld [tilespmem:s31+$0x5C00]  }
0x90: {  	v52 =	vadd.f32 v22, v59;
	v63 =	vmul.f32 v30, v48;
	v56 =	vmul.f32 v37, v48;
	v8 =	vld [tilespmem:s31+$0x5C10]  }
0x91: {  	v1 =	vadd.f32 v24, v1;
	v59 =	vmul.f32 v31, v48;
	v61 =	vmul.f32 v32, v57;
	v9 =	vld [tilespmem:s31+$0x5C20]  }
0x92: {  	v0 =	vadd.f32 v23, v0;
	v38 =	vmul.f32 v38, v57;
	v39 =	vmul.f32 v39, v57;
	v10 =	vld [tilespmem:s31+$0x5C30];
	s26 =	spop (v2sf)  }
0x93: {  	v37 =	vmul.f32 v44, v57;
	v60 =	vadd.f32 v63, v52;
	v1 =	vadd.f32 v56, v1;
	v11 =	vld [tilespmem:s26+$0x6000]  }
0x94: {  	v0 =	vadd.f32 v59, v0;
	v63 =	vbroadcast v6, $0x2;
	(v2sf) =	vpush v5, $0xC;
	v14 =	vld [tilespmem:s26+$0x6010]  }
0x95: {  	v43 =	vmul.f32 v43, v55;
	v56 =	vmul.f32 v46, v55;
	v7 =	vld [tilespmem:s26+$0x6020];
	s28 =	spop (v2sf);
	(v2sf) =	vpush v5, $0xD  }
0x96: {  	v57 =	vmul.f32 v49, v55;
	v41 =	vmul.f32 v41, v55;
	v12 =	vld [tilespmem:s26+$0x6030];
	s29 =	spop (v2sf);
	(v2sf) =	vpush v5, $0xE  }
0x97: {  	v53 =	vmul.f32 v42, v63;
	v20 =	vld [tilespmem:s28+$0x6400];
	s30 =	spop (v2sf);
	(v2sf) =	vpush v5, $0xF;
	v5 =	vadd.f32 v61, v58  }
0x98: {  	v55 =	vbroadcast v6, $0xA;
	v52 =	vadd.f32 v38, v60;
	v1 =	vadd.f32 v39, v1;
	v13 =	vld [tilespmem:s28+$0x6410]  }
0x99: {  	v0 =	vadd.f32 v37, v0;
	v21 =	vld [tilespmem:s28+$0x6420];
	v58 =	vbroadcast v6, $0x4;
	v38 =	vadd.f32 v53, v5  }
0x9a: {  	v54 =	vmul.f32 v45, v63;
	v33 =	vmul.f32 v33, v63;
	v15 =	vld [tilespmem:s28+$0x6430];
	v5 =	vshll.u32 v62, $0x8  }
0x9b: {  	v16 =	vld [tilespmem:s29+$0x6800];
	v59 =	vmul.f32 v47, v58;
	v62 =	vbroadcast v6, $0x5;
	v38 =	vadd.f32 v43, v38  }
0x9c: {  	v34 =	vmul.f32 v34, v63;
	v63 =	vbroadcast v6, $0x6;
	v39 =	vadd.f32 v54, v52;
	v22 =	vld [tilespmem:s29+$0x6810]  }
0x9d: {  	v1 =	vadd.f32 v33, v1;
	v23 =	vld [tilespmem:s29+$0x6820];
	v35 =	vmul.f32 v35, v62;
	v38 =	vadd.f32 v59, v38  }
0x9e: {  	v0 =	vadd.f32 v34, v0;
	v52 =	vbroadcast v6, $0x9;
	v39 =	vadd.f32 v56, v39;
	v24 =	vld [tilespmem:s29+$0x6830]  }
0x9f: {  	v26 =	vmul.f32 v26, v63;
	v28 =	vld [tilespmem:s30+$0x6C00];
	v47 =	vbroadcast v6, $0x7;
	v35 =	vadd.f32 v35, v38  }
0xa0: {  	v1 =	vadd.f32 v57, v1;
	v0 =	vadd.f32 v41, v0;
	v31 =	vld [tilespmem:s30+$0x6C10];
	v40 =	vmul.f32 v40, v58  }
0xa1: {  	v17 =	vmul.f32 v17, v63;
	v42 =	vld [tilespmem:s30+$0x6C20];
	v27 =	vmul.f32 v27, v47;
	v26 =	vadd.f32 v26, v35  }
0xa2: {  	v18 =	vmul.f32 v18, v63;
	v37 =	vld [tilespmem:s30+$0x6C30];
	v0 =	vadd.f32 v40, v0;
	v25 =	vmul.f32 v25, v62  }
0xa3: {  	v19 =	vmul.f32 v19, v63;
	v60 =	vmul.f32 v50, v58;
	s31 =	spop (v2sf);
	v50 =	vadd.f32 v27, v26;
	v27 =	vld [tilespmem:s23+$0x0]  }
0xa4: {  	v61 =	vmul.f32 v51, v58;
	v5 =	vshra.s32 v5, $0x2;
	v0 =	vadd.f32 v25, v0;
	v30 =	vld [tilespmem:s31+$0x7000]  }
0xa5: {  	v51 =	vbroadcast v6, $0x8;
	v39 =	vadd.f32 v60, v39;
	(v2sf) =	vpush v5, $0x0;
	v32 =	vld [tilespmem:s31+$0x7010]  }
0xa6: {  	v29 =	vmul.f32 v29, v62;
	v10 =	vmul.f32 v10, v47;
	v0 =	vadd.f32 v19, v0;
	v46 =	vld [tilespmem:s31+$0x7020]  }
0xa7: {  	v1 =	vadd.f32 v61, v1;
	v36 =	vmul.f32 v36, v62;
	v9 =	vmul.f32 v9, v47;
	v48 =	vld [tilespmem:s31+$0x7030];
	s26 =	spop (v2sf)  }
0xa8: {  	v11 =	vmul.f32 v11, v51;
	v12 =	vmul.f32 v12, v51;
	v0 =	vadd.f32 v10, v0;
	v34 =	vld [tilespmem:s26+$0x7400]  }
0xa9: {  	v14 =	vmul.f32 v14, v51;
	v1 =	vadd.f32 v36, v1;
	(v2sf) =	vpush v5, $0x1;
	v33 =	vld [tilespmem:s26+$0x7410]  }
0xaa: {  	v7 =	vmul.f32 v7, v51;
	v56 =	vmul.f32 v15, v52;
	v0 =	vadd.f32 v12, v0;
	v49 =	vld [tilespmem:s26+$0x7420]  }
0xab: {  	v53 =	vmul.f32 v20, v52;
	v60 =	vbroadcast v6, $0xB;
	v1 =	vadd.f32 v18, v1;
	v43 =	vld [tilespmem:s26+$0x7430];
	s28 =	spop (v2sf)  }
0xac: {  	v54 =	vmul.f32 v21, v52;
	v61 =	vmul.f32 v24, v55;
	v0 =	vadd.f32 v56, v0;
	v41 =	vld [tilespmem:s28+$0x7800]  }
0xad: {  	v37 =	vmul.f32 v37, v60;
	v1 =	vadd.f32 v9, v1;
	(v2sf) =	vpush v5, $0x2;
	v45 =	vld [tilespmem:s28+$0x7810]  }
0xae: {  	v35 =	vmul.f32 v42, v60;
	v42 =	vbroadcast v6, $0xC;
	v38 =	vld [tilespmem:s28+$0x7820];
	v0 =	vadd.f32 v61, v0  }
0xaf: {  	v29 =	vadd.f32 v29, v39;
	v1 =	vadd.f32 v7, v1;
	v7 =	vmul.f32 v13, v52;
	v36 =	vld [tilespmem:s28+$0x7830];
	s29 =	spop (v2sf)  }
0xb0: {  	v52 =	vbroadcast v6, $0xD;
	v39 =	vld [tilespmem:s29+$0x7C00];
	v0 =	vadd.f32 v37, v0;
	v51 =	vmul.f32 v48, v42  }
0xb1: {  	(v2sf) =	vpush v5, $0x3;
	v40 =	vld [tilespmem:s29+$0x7C10]  }
0xb2: {  	v17 =	vadd.f32 v17, v29;
	v29 =	vld [tilespmem:s29+$0x7C20];
	v56 =	vmul.f32 v43, v52;
	v0 =	vadd.f32 v51, v0  }
0xb3: {  	v18 =	vld [tilespmem:s29+$0x7C30]  }
0xb4: {  	v8 =	vmul.f32 v8, v47;
	v0 =	vadd.f32 v56, v0;
	v56 =	vld [tilespmem:s22+$0x10];
	s30 =	spop (v2sf)  }
0xb5: {  	(v2sf) =	vpush v5, $0x4;
	v25 =	vld [tilespmem:s30+$0x8000]  }
0xb6: {  	v8 =	vadd.f32 v8, v17;
	v17 =	vld [tilespmem:s30+$0x8010]  }
0xb7: {  	v10 =	vld [tilespmem:s30+$0x8020]  }
0xb8: {  	v8 =	vadd.f32 v14, v8;
	v14 =	vld [tilespmem:s30+$0x8030];
	s31 =	spop (v2sf)  }
0xb9: {  	(v2sf) =	vpush v5, $0x5;
	v20 =	vld [tilespmem:s31+$0x8400]  }
0xba: {  	v21 =	vld [tilespmem:s31+$0x8410]  }
0xbb: {  	v19 =	vld [tilespmem:s31+$0x8420]  }
0xbc: {  	v9 =	vld [tilespmem:s31+$0x8430];
	s26 =	spop (v2sf)  }
0xbd: {  	v57 =	vmul.f32 v16, v55;
	(v2sf) =	vpush v5, $0x6;
	v16 =	vld [tilespmem:s26+$0x8800]  }
0xbe: {  	v59 =	vmul.f32 v23, v55;
	v23 =	vld [tilespmem:s26+$0x8810]  }
0xbf: {  	v58 =	vmul.f32 v22, v55;
	v7 =	vadd.f32 v7, v8;
	v13 =	vld [tilespmem:s26+$0x8820]  }
0xc0: {  	v62 =	vmul.f32 v28, v60;
	v11 =	vadd.f32 v11, v50;
	v1 =	vadd.f32 v54, v1;
	v15 =	vld [tilespmem:s26+$0x8830];
	s28 =	spop (v2sf)  }
0xc1: {  	v63 =	vmul.f32 v31, v60;
	v7 =	vadd.f32 v58, v7;
	(v2sf) =	vpush v5, $0x7;
	v28 =	vld [tilespmem:s28+$0x8C00]  }
0xc2: {  	v54 =	vbroadcast v6, $0xE;
	v11 =	vadd.f32 v53, v11;
	v31 =	vld [tilespmem:s28+$0x8C10]  }
0xc3: {  	v1 =	vadd.f32 v59, v1;
	v7 =	vadd.f32 v63, v7;
	v47 =	vmul.f32 v32, v42;
	v12 =	vld [tilespmem:s28+$0x8C20]  }
0xc4: {  	v59 =	vbroadcast v6, $0xF;
	v6 =	vsub.f32 $1.000000000e+00, v27;
	v11 =	vadd.f32 v57, v11;
	v24 =	vld [tilespmem:s28+$0x8C30];
	s29 =	spop (v2sf)  }
0xc5: {  	v1 =	vadd.f32 v35, v1;
	v33 =	vmul.f32 v33, v52;
	v7 =	vadd.f32 v47, v7;
	v32 =	vld [tilespmem:s29+$0x9000]  }
0xc6: {  	v44 =	vmul.f32 v30, v42;
	v50 =	vmul.f32 v46, v42;
	(v2sf) =	vpush v5, $0x8;
	v35 =	vld [tilespmem:s29+$0x9010]  }
0xc7: {  	v53 =	vmul.f32 v34, v52;
	v58 =	vmul.f32 v45, v54;
	v7 =	vadd.f32 v33, v7;
	v26 =	vld [tilespmem:s29+$0x9020]  }
0xc8: {  	v55 =	vmul.f32 v49, v52;
	v37 =	vbroadcast v6, $0x1;
	v11 =	vadd.f32 v62, v11;
	v34 =	vld [tilespmem:s29+$0x9030];
	s30 =	spop (v2sf)  }
0xc9: {  	v62 =	vbroadcast v6, $0x0;
	v61 =	vmul.f32 v40, v59;
	v7 =	vadd.f32 v58, v7;
	v42 =	vld [tilespmem:s30+$0x9400]  }
0xca: {  	v1 =	vadd.f32 v50, v1;
	v57 =	vmul.f32 v41, v54;
	(v2sf) =	vpush v5, $0x9;
	v41 =	vld [tilespmem:s30+$0x9410]  }
0xcb: {  	v38 =	vmul.f32 v38, v54;
	v7 =	vadd.f32 v61, v7;
	v17 =	vmul.f32 v17, v62;
	v33 =	vld [tilespmem:s30+$0x9420]  }
0xcc: {  	v30 =	vmul.f32 v36, v54;
	v47 =	vbroadcast v6, $0x2;
	v8 =	vadd.f32 v44, v11;
	v11 =	vld [tilespmem:s30+$0x9430];
	s31 =	spop (v2sf)  }
0xcd: {  	v1 =	vadd.f32 v55, v1;
	v45 =	vmul.f32 v21, v37;
	v7 =	vadd.f32 v17, v7;
	v43 =	vld [tilespmem:s31+$0x9800]  }
0xce: {  	v51 =	vbroadcast v6, $0x3;
	v8 =	vadd.f32 v53, v8;
	(v2sf) =	vpush v5, $0xA;
	v27 =	vld [tilespmem:s31+$0x9810]  }
0xcf: {  	v60 =	vmul.f32 v39, v59;
	v49 =	vmul.f32 v23, v47;
	v7 =	vadd.f32 v45, v7;
	v39 =	vld [tilespmem:s31+$0x9820]  }
0xd0: {  	v63 =	vmul.f32 v29, v59;
	v1 =	vadd.f32 v38, v1;
	v8 =	vadd.f32 v57, v8;
	v38 =	vld [tilespmem:s31+$0x9830];
	s26 =	spop (v2sf)  }
0xd1: {  	v55 =	vbroadcast v6, $0x4;
	v53 =	vmul.f32 v31, v51;
	v7 =	vadd.f32 v49, v7;
	v29 =	vld [tilespmem:s26+$0x9C00]  }
0xd2: {  	v8 =	vadd.f32 v60, v8;
	v25 =	vmul.f32 v62, v25;
	(v2sf) =	vpush v5, $0xB;
	v36 =	vld [tilespmem:s26+$0x9C10]  }
0xd3: {  	v18 =	vmul.f32 v18, v59;
	v7 =	vadd.f32 v53, v7;
	v22 =	vld [tilespmem:s26+$0x9C20];
	v59 =	vmul.f32 v35, v55  }
0xd4: {  	v8 =	vadd.f32 v25, v8;
	v25 =	vld [tilespmem:s26+$0x9C30]  }
0xd5: {  	v7 =	vadd.f32 v59, v7;
	v59 =	vld [tilespmem:s23+$0x10];
	s28 =	spop (v2sf)  }
0xd6: {  	v40 =	vmul.f32 v14, v62;
	(v2sf) =	vpush v5, $0xC;
	v14 =	vld [tilespmem:s28+$0xA000]  }
0xd7: {  	v21 =	vld [tilespmem:s28+$0xA010]  }
0xd8: {  	v0 =	vadd.f32 v30, v0;
	v1 =	vadd.f32 v63, v1;
	v10 =	vmul.f32 v10, v62;
	v30 =	vld [tilespmem:s28+$0xA020]  }
0xd9: {  	v44 =	vmul.f32 v20, v37;
	v46 =	vmul.f32 v19, v37;
	v17 =	vld [tilespmem:s28+$0xA030];
	s29 =	spop (v2sf)  }
0xda: {  	v1 =	vadd.f32 v10, v1;
	v48 =	vmul.f32 v16, v47;
	(v2sf) =	vpush v5, $0xD;
	v16 =	vld [tilespmem:s29+$0xA400]  }
0xdb: {  	v8 =	vadd.f32 v44, v8;
	v20 =	vld [tilespmem:s29+$0xA410]  }
0xdc: {  	v58 =	vbroadcast v6, $0x5;
	v13 =	vmul.f32 v13, v47;
	v1 =	vadd.f32 v46, v1;
	v19 =	vld [tilespmem:s29+$0xA420]  }
0xdd: {  	v0 =	vadd.f32 v18, v0;
	v9 =	vmul.f32 v9, v37;
	v8 =	vadd.f32 v48, v8;
	v10 =	vld [tilespmem:s29+$0xA430];
	s30 =	spop (v2sf)  }
0xde: {  	v52 =	vmul.f32 v28, v51;
	v1 =	vadd.f32 v13, v1;
	(v2sf) =	vpush v5, $0xE;
	v13 =	vld [tilespmem:s30+$0xA800]  }
0xdf: {  	v0 =	vadd.f32 v40, v0;
	v50 =	vmul.f32 v15, v47;
	v12 =	vmul.f32 v12, v51;
	v23 =	vld [tilespmem:s30+$0xA810]  }
0xe0: {  	v54 =	vmul.f32 v24, v51;
	v8 =	vadd.f32 v52, v8;
	v57 =	vmul.f32 v32, v55;
	v24 =	vld [tilespmem:s30+$0xA820]  }
0xe1: {  	v0 =	vadd.f32 v9, v0;
	v1 =	vadd.f32 v12, v1;
	v26 =	vmul.f32 v26, v55;
	v28 =	vld [tilespmem:s30+$0xA830];
	s31 =	spop (v2sf)  }
0xe2: {  	v61 =	vmul.f32 v42, v58;
	(v2sf) =	vpush v5, $0xF;
	v5 =	vadd.f32 v57, v8;
	v32 =	vld [tilespmem:s31+$0xAC00]  }
0xe3: {  	v37 =	vbroadcast v6, $0x6;
	v0 =	vadd.f32 v50, v0;
	v48 =	vbroadcast v6, $0x8;
	v15 =	vld [tilespmem:s31+$0xAC10]  }
0xe4: {  	v1 =	vadd.f32 v26, v1;
	v26 =	vld [tilespmem:s31+$0xAC20];
	v62 =	vadd.f32 v61, v5;
	v5 =	vshll.u32 v56, $0x8  }
0xe5: {  	v50 =	vbroadcast v6, $0x9;
	v60 =	vmul.f32 v34, v55;
	v9 =	vld [tilespmem:s31+$0xAC30];
	v5 =	vshra.s32 v5, $0x2;
	s26 =	spop (v2sf)  }
0xe6: {  	v55 =	vbroadcast v6, $0xA;
	v63 =	vmul.f32 v41, v58;
	(v2sf) =	vpush v5, $0x0;
	v34 =	vld [tilespmem:s26+$0xB000]  }
0xe7: {  	v0 =	vadd.f32 v54, v0;
	v33 =	vmul.f32 v33, v58;
	v11 =	vmul.f32 v11, v58;
	v18 =	vld [tilespmem:s26+$0xB010]  }
0xe8: {  	v41 =	vbroadcast v6, $0x7;
	v58 =	vbroadcast v6, $0xB;
	v35 =	vld [tilespmem:s26+$0xB020]  }
0xe9: {  	v0 =	vadd.f32 v60, v0;
	v40 =	vmul.f32 v43, v37;
	v27 =	vmul.f32 v27, v37;
	v42 =	vld [tilespmem:s26+$0xB030];
	s28 =	spop (v2sf)  }
0xea: {  	v43 =	vmul.f32 v39, v37;
	v7 =	vadd.f32 v63, v7;
	(v2sf) =	vpush v5, $0x1;
	v44 =	vld [tilespmem:s28+$0xB400]  }
0xeb: {  	v31 =	vmul.f32 v38, v37;
	v1 =	vadd.f32 v33, v1;
	v0 =	vadd.f32 v11, v0;
	v45 =	vld [tilespmem:s28+$0xB410]  }
0xec: {  	v29 =	vmul.f32 v29, v41;
	v46 =	vmul.f32 v36, v41;
	v7 =	vadd.f32 v27, v7;
	v47 =	vld [tilespmem:s28+$0xB420]  }
0xed: {  	v22 =	vmul.f32 v22, v41;
	v1 =	vadd.f32 v43, v1;
	v0 =	vadd.f32 v31, v0;
	v31 =	vld [tilespmem:s28+$0xB430];
	s29 =	spop (v2sf)  }
0xee: {  	v11 =	vmul.f32 v25, v41;
	v7 =	vadd.f32 v46, v7;
	(v2sf) =	vpush v5, $0x2;
	v12 =	vld [tilespmem:s29+$0xB800]  }
0xef: {  	v63 =	vbroadcast v6, $0xC;
	v1 =	vadd.f32 v22, v1;
	v8 =	vadd.f32 v40, v62;
	v22 =	vld [tilespmem:s29+$0xB810]  }
0xf0: {  	v0 =	vadd.f32 v11, v0;
	v14 =	vmul.f32 v14, v48;
	v21 =	vmul.f32 v21, v48;
	v51 =	vld [tilespmem:s29+$0xB820]  }
0xf1: {  	v49 =	vmul.f32 v30, v48;
	v52 =	vmul.f32 v17, v48;
	v8 =	vadd.f32 v29, v8;
	v17 =	vld [tilespmem:s29+$0xB830];
	s30 =	spop (v2sf)  }
0xf2: {  	v53 =	vmul.f32 v16, v50;
	v54 =	vmul.f32 v20, v50;
	(v2sf) =	vpush v5, $0x3;
	v20 =	vld [tilespmem:s30+$0xBC00]  }
0xf3: {  	v19 =	vmul.f32 v19, v50;
	v10 =	vmul.f32 v10, v50;
	v8 =	vadd.f32 v14, v8;
	v56 =	vld [tilespmem:s30+$0xBC10]  }
0xf4: {  	v40 =	vbroadcast v6, $0xD;
	v7 =	vadd.f32 v21, v7;
	v1 =	vadd.f32 v49, v1;
	v11 =	vld [tilespmem:s30+$0xBC20]  }
0xf5: {  	v0 =	vadd.f32 v52, v0;
	v13 =	vmul.f32 v13, v55;
	v8 =	vadd.f32 v53, v8;
	v14 =	vld [tilespmem:s30+$0xBC30];
	s31 =	spop (v2sf)  }
0xf6: {  	v57 =	vmul.f32 v23, v55;
	v60 =	vmul.f32 v24, v55;
	(v2sf) =	vpush v5, $0x4;
	v61 =	vld [tilespmem:s31+$0xC000]  }
0xf7: {  	v21 =	vmul.f32 v28, v55;
	v7 =	vadd.f32 v54, v7;
	v8 =	vadd.f32 v13, v8;
	v13 =	vld [tilespmem:s31+$0xC010]  }
0xf8: {  	v52 =	vbroadcast v6, $0xF;
	v62 =	vmul.f32 v32, v58;
	v1 =	vadd.f32 v19, v1;
	v23 =	vld [tilespmem:s31+$0xC020]  }
0xf9: {  	v28 =	vmul.f32 v15, v58;
	v0 =	vadd.f32 v10, v0;
	v7 =	vadd.f32 v57, v7;
	v25 =	vld [tilespmem:s31+$0xC030];
	s26 =	spop (v2sf)  }
0xfa: {  	v32 =	vmul.f32 v26, v58;
	v1 =	vadd.f32 v60, v1;
	(v2sf) =	vpush v5, $0x5;
	v38 =	vld [tilespmem:s26+$0xC400]  }
0xfb: {  	v9 =	vmul.f32 v9, v58;
	v0 =	vadd.f32 v21, v0;
	v7 =	vadd.f32 v28, v7;
	v15 =	vld [tilespmem:s26+$0xC410]  }
0xfc: {  	v1 =	vadd.f32 v32, v1;
	v34 =	vmul.f32 v34, v63;
	v39 =	vmul.f32 v18, v63;
	v16 =	vld [tilespmem:s26+$0xC420]  }
0xfd: {  	v8 =	vadd.f32 v62, v8;
	v41 =	vmul.f32 v35, v63;
	v42 =	vmul.f32 v42, v63;
	v43 =	vld [tilespmem:s26+$0xC430];
	s28 =	spop (v2sf)  }
0xfe: {  	v27 =	vmul.f32 v44, v40;
	v44 =	vmul.f32 v45, v40;
	(v2sf) =	vpush v5, $0x6;
	v45 =	vld [tilespmem:s28+$0xC800]  }
0xff: {  	v0 =	vadd.f32 v9, v0;
	v46 =	vmul.f32 v47, v40;
	v47 =	vbroadcast v6, $0xE;
	v48 =	vld [tilespmem:s28+$0xC810]  }
0x100: {  	v9 =	vmul.f32 v31, v40;
	v6 =	vsub.f32 $1.000000000e+00, v59;
	v8 =	vadd.f32 v34, v8;
	v18 =	vld [tilespmem:s28+$0xC820]  }
0x101: {  	v7 =	vadd.f32 v39, v7;
	v49 =	vmul.f32 v12, v47;
	v50 =	vmul.f32 v22, v47;
	v12 =	vld [tilespmem:s28+$0xC830];
	s29 =	spop (v2sf)  }
0x102: {  	v51 =	vmul.f32 v51, v47;
	v53 =	vmul.f32 v17, v47;
	(v2sf) =	vpush v5, $0x7;
	v22 =	vld [tilespmem:s29+$0xCC00]  }
0x103: {  	v1 =	vadd.f32 v41, v1;
	v55 =	vmul.f32 v20, v52;
	v56 =	vmul.f32 v56, v52;
	v28 =	vld [tilespmem:s29+$0xCC10]  }
0x104: {  	v0 =	vadd.f32 v42, v0;
	v11 =	vmul.f32 v11, v52;
	v58 =	vbroadcast v6, $0x0;
	v54 =	vld [tilespmem:s29+$0xCC20]  }
0x105: {  	v59 =	vmul.f32 v14, v52;
	v8 =	vadd.f32 v27, v8;
	v7 =	vadd.f32 v44, v7;
	v57 =	vld [tilespmem:s29+$0xCC30];
	s30 =	spop (v2sf)  }
0x106: {  	v31 =	vbroadcast v6, $0x1;
	v1 =	vadd.f32 v46, v1;
	(v2sf) =	vpush v5, $0x8;
	v30 =	vld [tilespmem:s30+$0xD000]  }
0x107: {  	v41 =	vbroadcast v6, $0x2;
	v0 =	vadd.f32 v9, v0;
	v8 =	vadd.f32 v49, v8;
	v60 =	vld [tilespmem:s30+$0xD010]  }
0x108: {  	v47 =	vbroadcast v6, $0x3;
	v7 =	vadd.f32 v50, v7;
	v1 =	vadd.f32 v51, v1;
	v62 =	vld [tilespmem:s30+$0xD020]  }
0x109: {  	v34 =	vbroadcast v6, $0x6;
	v0 =	vadd.f32 v53, v0;
	v8 =	vadd.f32 v55, v8;
	v33 =	vld [tilespmem:s30+$0xD030];
	s31 =	spop (v2sf)  }
0x10a: {  	v55 =	vbroadcast v6, $0x4;
	v61 =	vmul.f32 v58, v61;
	(v2sf) =	vpush v5, $0x9;
	v36 =	vld [tilespmem:s31+$0xD400]  }
0x10b: {  	v7 =	vadd.f32 v56, v7;
	v63 =	vmul.f32 v13, v58;
	v37 =	vmul.f32 v38, v31;
	v38 =	vld [tilespmem:s31+$0xD410]  }
0x10c: {  	v1 =	vadd.f32 v11, v1;
	v23 =	vmul.f32 v23, v58;
	v35 =	vmul.f32 v25, v58;
	v39 =	vld [tilespmem:s31+$0xD420]  }
0x10d: {  	v0 =	vadd.f32 v59, v0;
	v40 =	vmul.f32 v15, v31;
	v16 =	vmul.f32 v16, v31;
	v42 =	vld [tilespmem:s31+$0xD430];
	s26 =	spop (v2sf)  }
0x10e: {  	v13 =	vmul.f32 v43, v31;
	v8 =	vadd.f32 v61, v8;
	(v2sf) =	vpush v5, $0xA;
	v43 =	vld [tilespmem:s26+$0xD800]  }
0x10f: {  	v7 =	vadd.f32 v63, v7;
	v1 =	vadd.f32 v23, v1;
	v44 =	vmul.f32 v45, v41;
	v46 =	vld [tilespmem:s26+$0xD810]  }
0x110: {  	v0 =	vadd.f32 v35, v0;
	v45 =	vmul.f32 v48, v41;
	v49 =	vmul.f32 v18, v41;
	v48 =	vld [tilespmem:s26+$0xD820]  }
0x111: {  	v12 =	vmul.f32 v12, v41;
	v41 =	vbroadcast v6, $0x7;
	v8 =	vadd.f32 v37, v8;
	v50 =	vld [tilespmem:s26+$0xD830];
	s28 =	spop (v2sf)  }
0x112: {  	v51 =	vmul.f32 v22, v47;
	v7 =	vadd.f32 v40, v7;
	(v2sf) =	vpush v5, $0xB;
	v52 =	vld [tilespmem:s28+$0xDC00]  }
0x113: {  	v17 =	vmul.f32 v54, v47;
	v1 =	vadd.f32 v16, v1;
	v0 =	vadd.f32 v13, v0;
	v54 =	vld [tilespmem:s28+$0xDC10]  }
0x114: {  	v53 =	vmul.f32 v28, v47;
	v8 =	vadd.f32 v44, v8;
	v7 =	vadd.f32 v45, v7;
	v56 =	vld [tilespmem:s28+$0xDC20]  }
0x115: {  	v57 =	vmul.f32 v57, v47;
	v1 =	vadd.f32 v49, v1;
	v0 =	vadd.f32 v12, v0;
	v58 =	vld [tilespmem:s28+$0xDC30];
	s29 =	spop (v2sf)  }
0x116: {  	v8 =	vadd.f32 v51, v8;
	v10 =	vmul.f32 v60, v55;
	(v2sf) =	vpush v5, $0xC;
	v60 =	vld [tilespmem:s29+$0xE000]  }
0x117: {  	v7 =	vadd.f32 v53, v7;
	v1 =	vadd.f32 v17, v1;
	v59 =	vmul.f32 v30, v55;
	v63 =	vld [tilespmem:s29+$0xE010]  }
0x118: {  	v0 =	vadd.f32 v57, v0;
	v61 =	vmul.f32 v62, v55;
	v62 =	vbroadcast v6, $0x5;
	v30 =	vld [tilespmem:s29+$0xE020]  }
0x119: {  	v53 =	vbroadcast v6, $0x9;
	v29 =	vmul.f32 v33, v55;
	v8 =	vadd.f32 v59, v8;
	v32 =	vld [tilespmem:s29+$0xE030];
	s30 =	spop (v2sf)  }
0x11a: {  	v31 =	vmul.f32 v36, v62;
	v11 =	vmul.f32 v38, v62;
	(v2sf) =	vpush v5, $0xD;
	v35 =	vld [tilespmem:s30+$0xE400]  }
0x11b: {  	v7 =	vadd.f32 v10, v7;
	v33 =	vmul.f32 v39, v62;
	v36 =	vmul.f32 v42, v62;
	v37 =	vld [tilespmem:s30+$0xE410]  }
0x11c: {  	v1 =	vadd.f32 v61, v1;
	v38 =	vmul.f32 v43, v34;
	v40 =	vmul.f32 v46, v34;
	v39 =	vld [tilespmem:s30+$0xE420]  }
0x11d: {  	v0 =	vadd.f32 v29, v0;
	v16 =	vmul.f32 v48, v34;
	v18 =	vmul.f32 v50, v34;
	v42 =	vld [tilespmem:s30+$0xE430];
	s31 =	spop (v2sf)  }
0x11e: {  	v48 =	vbroadcast v6, $0x8;
	v8 =	vadd.f32 v31, v8;
	(v2sf) =	vpush v5, $0xE;
	v43 =	vld [tilespmem:s31+$0xE800]  }
0x11f: {  	v29 =	vbroadcast v6, $0xB;
	v44 =	vmul.f32 v52, v41;
	v7 =	vadd.f32 v11, v7;
	v45 =	vld [tilespmem:s31+$0xE810]  }
0x120: {  	v47 =	vmul.f32 v54, v41;
	v1 =	vadd.f32 v33, v1;
	v8 =	vadd.f32 v38, v8;
	v46 =	vld [tilespmem:s31+$0xE820]  }
0x121: {  	v15 =	vmul.f32 v56, v41;
	v0 =	vadd.f32 v36, v0;
	v7 =	vadd.f32 v40, v7;
	v49 =	vld [tilespmem:s31+$0xE830];
	s26 =	spop (v2sf)  }
0x122: {  	v13 =	vmul.f32 v58, v41;
	v8 =	vadd.f32 v44, v8;
	(v2sf) =	vpush v5, $0xF;
	v50 =	vld [tilespmem:s26+$0xEC00]  }
0x123: {  	v44 =	vbroadcast v6, $0xD;
	v5 =	vadd.f32 v47, v7;
	v52 =	vld [tilespmem:s26+$0xEC10];
	v7 =	vmul.f32 v60, v48  }
0x124: {  	v1 =	vadd.f32 v16, v1;
	v54 =	vld [tilespmem:s26+$0xEC20];
	v51 =	vmul.f32 v63, v48;
	v12 =	vmul.f32 v30, v48  }
0x125: {  	v0 =	vadd.f32 v18, v0;
	v56 =	vld [tilespmem:s26+$0xEC30];
	v55 =	vmul.f32 v32, v48;
	v60 =	vbroadcast v6, $0xA;
	s28 =	spop (v2sf)  }
0x126: {  	v1 =	vadd.f32 v15, v1;
	v57 =	vmul.f32 v35, v53;
	v59 =	vmul.f32 v37, v53;
	v58 =	vld [tilespmem:s28+$0xF000]  }
0x127: {  	v0 =	vadd.f32 v13, v0;
	v62 =	vmul.f32 v39, v53;
	v63 =	vmul.f32 v42, v53;
	v61 =	vld [tilespmem:s28+$0xF010]  }
0x128: {  	v37 =	vbroadcast v6, $0xC;
	v7 =	vadd.f32 v7, v8;
	v5 =	vadd.f32 v51, v5;
	v25 =	vld [tilespmem:s28+$0xF020]  }
0x129: {  	v1 =	vadd.f32 v12, v1;
	v27 =	vmul.f32 v43, v60;
	v11 =	vmul.f32 v45, v60;
	v26 =	vld [tilespmem:s28+$0xF030];
	s29 =	spop (v2sf)  }
0x12a: {  	v0 =	vadd.f32 v55, v0;
	v28 =	vmul.f32 v46, v60;
	v31 =	vmul.f32 v49, v60;
	v30 =	vld [tilespmem:s29+$0xF400]  }
0x12b: {  	v51 =	vbroadcast v6, $0xE;
	v6 =	vbroadcast v6, $0xF;
	v7 =	vadd.f32 v57, v7;
	v32 =	vld [tilespmem:s29+$0xF410]  }
0x12c: {  	v33 =	vmul.f32 v50, v29;
	v5 =	vadd.f32 v59, v5;
	v1 =	vadd.f32 v62, v1;
	v34 =	vld [tilespmem:s29+$0xF420]  }
0x12d: {  	v36 =	vmul.f32 v52, v29;
	v0 =	vadd.f32 v63, v0;
	v7 =	vadd.f32 v27, v7;
	v35 =	vld [tilespmem:s29+$0xF430];
	s30 =	spop (v2sf)  }
0x12e: {  	v38 =	vmul.f32 v54, v29;
	v5 =	vadd.f32 v11, v5;
	v1 =	vadd.f32 v28, v1;
	v39 =	vld [tilespmem:s30+$0xF800]  }
0x12f: {  	v13 =	vmul.f32 v56, v29;
	v0 =	vadd.f32 v31, v0;
	v7 =	vadd.f32 v33, v7;
	v42 =	vld [tilespmem:s30+$0xF810]  }
0x130: {  	v5 =	vadd.f32 v36, v5;
	v45 =	vld [tilespmem:s30+$0xF820];
	v40 =	vmul.f32 v58, v37;
	v41 =	vmul.f32 v61, v37  }
0x131: {  	v1 =	vadd.f32 v38, v1;
	v47 =	vld [tilespmem:s30+$0xF830];
	s31 =	spop (v2sf);
	v43 =	vmul.f32 v25, v37;
	v46 =	vmul.f32 v26, v37  }
0x132: {  	v0 =	vadd.f32 v13, v0;
	v49 =	vld [tilespmem:s31+$0xFC00];
	v48 =	vmul.f32 v30, v44;
	v50 =	vmul.f32 v32, v44  }
0x133: {  	v52 =	vld [tilespmem:s31+$0xFC10];
	v53 =	vmul.f32 v34, v44;
	v7 =	vadd.f32 v40, v7;
	v5 =	vadd.f32 v41, v5  }
0x134: {  	v55 =	vld [tilespmem:s31+$0xFC20];
	v54 =	vmul.f32 v35, v44;
	v1 =	vadd.f32 v43, v1;
	v0 =	vadd.f32 v46, v0  }
0x135: {  	v57 =	vld [tilespmem:s31+$0xFC30];
	v56 =	vmul.f32 v39, v51;
	v58 =	vmul.f32 v42, v51;
	v7 =	vadd.f32 v48, v7  }
0x136: {  	v59 =	vmul.f32 v45, v51;
	v61 =	vmul.f32 v47, v51;
	v5 =	vadd.f32 v50, v5  }
0x137: {  	v60 =	vmul.f32 v49, v6;
	v1 =	vadd.f32 v53, v1;
	v7 =	vadd.f32 v56, v7  }
0x138: {  	v62 =	vmul.f32 v52, v6;
	v0 =	vadd.f32 v54, v0;
	v5 =	vadd.f32 v58, v5  }
0x139: {  	p1 =	sne.s32 s24, $0x4F;
	v63 =	vmul.f32 v55, v6;
	v1 =	vadd.f32 v59, v1;
	v7 =	vadd.f32 v60, v7  }
.Ltmp0:
0x13a: {  	v6 =	vmul.f32 v57, v6;
	v0 =	vadd.f32 v61, v0;
	v5 =	vadd.f32 v62, v5;
	(pc) =	sbr.rel @p1 .LBB2_2-.Ltmp0, $4  }
0x13b: {  	v1 =	vadd.f32 v63, v1;
	[tilespmem:s21+$0xFFFFFFE0] =	vst v7  }
0x13c: {  	v0 =	vadd.f32 v6, v0;
	[tilespmem:s21+$0xFFFFFFF0] =	vst v5  }
0x13d: {  	s24 =	sadd.s32 $0x1, s24;
	[tilespmem:s21+$0x0] =	vst v1  }
0x13e: {  	s22 =	sadd.s32 $0x40, s22;
	s23 =	sadd.s32 $0x40, s23;
	[tilespmem:s21+$0x10] =	vst v0;
	s21 =	sadd.s32 $0x40, s21  }
0x13f: {  	_ =	strace $0x9000004F  }
0x140: {  	_ =	strace $0x80000050  }
0x141: {  	s21 =	simm.s32 @p0 $0x12800;
	[bflag:$0x0] =	sbarrier.arrive $0xFFFF  }
0x142: {  	[spmem:s1] =	stream.linear.scatter @p0 [tilespmem:s21], [sflag:$0x2], $0x1400, $0x200038;
	[tilespmem:$0x13D90] =	vst v63  }
0x143: {  	s21 =	simm.s32 @p0 $0x2  }
0x144: {  	_ =	swait.ge @p0 [sflag:s21], $0x1400  }
0x145: {  	[sflag:s21] =	ssyncset.done @p0 $0x0  }
0x146: {  	[sflag:s21] =	ssyncadd.s32 @p0 $0xFFFFEC00  }
0x147: {  	[bflag:$0x0] =	sbarrier.arrive @p0 $0xFFFF  }
0x148: {  	s22 =	sshrl.u32 @p0 s1, $0x3;
	s23 =	simm.s32 @p0 $0x1C02;
	[bflag:$0x0] =	sbarrier.arrive @p0 $0xFFFF  }
0x149: {  	[hbm:s7], [sflag:s23] =	dma.local @p0 [spmem:s22], $0xA0  }
0x14a: {  	_ =	swait.ge @p0 [sflag:s21], $0xA0  }
0x14b: {  	[sflag:s21] =	ssyncset.done @p0 $0x0  }
0x14c: {  	[sflag:s21] =	ssyncadd.s32 @p0 $0xFFFFFF60  }
0x14d: {  	[hbm:s8], [sflag:s23] =	dma.local @p0 [spmem:s17], $0xA0  }
0x14e: {  	_ =	swait.ge @p0 [sflag:s21], $0xA0  }
0x14f: {  	[sflag:s21] =	ssyncset.done @p0 $0x0  }
0x150: {  	[sflag:s21] =	ssyncadd.s32 @p0 $0xFFFFFF60  }
0x151: {  	[hbm:s9], [sflag:s23] =	dma.local @p0 [spmem:s18], $0xA0  }
0x152: {  	_ =	swait.ge @p0 [sflag:s21], $0xA0  }
0x153: {  	[sflag:s21] =	ssyncset.done @p0 $0x0  }
0x154: {  	[sflag:s21] =	ssyncadd.s32 @p0 $0xFFFFFF60  }
0x155: {  	[hbm:s10], [sflag:s23] =	dma.local @p0 [spmem:s19], $0xA0  }
0x156: {  	_ =	swait.ge @p0 [sflag:s21], $0xA0  }
0x157: {  	[sflag:s21] =	ssyncset.done @p0 $0x0  }
0x158: {  	s20 =	sadd.s32 $0x1, s20;
	s22 =	simm.s32 @!p0 $0x13C00;
	[sflag:s21] =	ssyncadd.s32 @p0 $0xFFFFFF60  }
0x159: {  	s23 =	simm.s32 @!p0 $0x12800;
	s21 =	simm.s32 @!p0 $0x50;
	[bflag:$0x0] =	sbarrier.arrive @!p0 $0xFFFF  }
0x15a: {  	[spmem:s1] =	stream.indirect.scatter.add.f32 @!p0 [tilespmem:s23], [sflag:$0x2], $0x40, s22, s21, $0x2000b8;
	[tilespmem:$0x13D90] =	vst v63  }
0x15b: {  	p1 =	sne.s32 s20, s11;
	s21 =	simm.s32 @!p0 $0x2  }
.Ltmp1:
0x15c: {  	_ =	swait.ge @!p0 [sflag:s21], $0x1400;
	(pc) =	sbr.rel @p1 .LBB2_1-.Ltmp1, $4  }
0x15d: {  	[sflag:s21] =	ssyncset.done @!p0 $0x0  }
0x15e: {  	[sflag:s21] =	ssyncadd.s32 @!p0 $0xFFFFEC00  }
0x15f: {  	[bflag:$0x0] =	sbarrier.arrive @!p0 $0xFFFF  }
0x160: {  	_ =	strace $0x90000050  }
0x161: {  	_ =	sfence.sel $0x180000  }
0x162: {  	[bflag:$0x0] =	sbarrier.arrive $0xFFFF  }
0x163: {  	p0 =	sne.s32 s3, $0x0;
	_ =	strace $0x9000004D  }
0x164: {  	s0 =	sadd.s32 @!p0 $0x100000, s0;
	[bflag:$0x2] =	sbarrier.arrive $0xFFFF  }
0x165: {  	[sflag:s0] =	ssyncadd.tile.s32 @!p0 $0x1;
	_ =	shalt  }
.Lfunc_end2:
_tile_overlayer_lowered:
.L_overlay_start_2:
0x166: {  	(tag) =	ssettag $0x2  }
0x167: {  	s0 =	rddreg [dreg:$0x0];
	s2 =	stileid.u32  }
0x168: {  	s1 =	rddreg [dreg:$0x1];
	p0 =	sne.s32 s2, $0x0  }
0x169: {  	s3 =	rddreg [dreg:$0x2];
	[bflag:$0x3] =	sbarrier.arrive $0xFFFF;
	s2 =	simm.s32 @!p0 $0x1C02  }
0x16a: {  	[timem:s3], [sflag:s2] =	dma.local @!p0 [hbm:s0], s1  }
0x16b: {  	s0 =	simm.s32 @!p0 $0x2  }
0x16c: {  	_ =	swait.ge @!p0 [sflag:s0], s1  }
0x16d: {  	s1 =	ssub.s32 @!p0 $0x0, s1;
	[sflag:s0] =	ssyncset.done @!p0 $0x0  }
0x16e: {  	[sflag:s0] =	ssyncadd.s32 @!p0 s1  }
0x16f: {  	[bflag:$0x3] =	sbarrier.arrive $0xFFFF  }
0x170: {  	_ =	shalt  }

</sc_bundles>
